<compile_context>
chip_gen: v7x
topology: tpu7x:2x2x1
jax: 0.10.2.dev20260603
libtpu: 0.0.44.dev20260713+nightly
codegen_flags: <defaults>
</compile_context>

<pallas_src>
import functools

import jax
import jax.numpy as jnp
from jax import lax
from jax.experimental import pallas as pl
from jax.experimental.pallas import tpu as pltpu
from jax.experimental.pallas import tpu_sc as plsc

EMBED = 128
N_TOK = 1024 * 200
FANIN = 4
NW = 32
TOK_PER_W = N_TOK // NW
PAIR = 128
N_PAIR = TOK_PER_W // PAIR
CHUNK = 64
ROWS_PER_CHUNK = FANIN * CHUNK
N_VD = 1001 * 7
TABLE_ROWS = N_VD + 3 * 128
N_STAGE = 5
PAIR_PER_STAGE = N_PAIR // N_STAGE
IDX_STAGE = PAIR_PER_STAGE * FANIN

_mesh = plsc.VectorSubcoreMesh(core_axis_name="c", subcore_axis_name="s")


@functools.partial(
    pl.kernel,
    mesh=_mesh,
    out_type=jax.ShapeDtypeStruct((N_TOK, EMBED), jnp.float32),
    scratch_types=[
        pltpu.VMEM((IDX_STAGE, EMBED), jnp.int32),
        pltpu.VMEM((ROWS_PER_CHUNK, EMBED), jnp.float32),
        pltpu.VMEM((ROWS_PER_CHUNK, EMBED), jnp.float32),
        pltpu.VMEM_SHARED((TABLE_ROWS, EMBED), jnp.float32),
        pltpu.SemaphoreType.DMA,
        pltpu.SemaphoreType.DMA,
        pltpu.SemaphoreType.DMA,
        pltpu.SemaphoreType.DMA,
    ],
)
def _emb_kernel(table_hbm, idx_hbm, out_hbm, idx_v, buf_a, buf_b,
                table_sh, sem_a, sem_b, sem_oa, sem_ob):
    sid = lax.axis_index("s")
    wid = sid * 2 + lax.axis_index("c")
    tok_base = wid * TOK_PER_W

    @pl.when(sid == 0)
    def _():
        pltpu.sync_copy(table_hbm, table_sh)
    plsc.subcore_barrier()

    def issue_gathers(p_local, half, buf, sem):
        for j in range(FANIN):
            pltpu.async_copy(
                table_sh.at[idx_v.at[p_local * FANIN + j,
                                     pl.ds(half * CHUNK, CHUNK)]],
                buf.at[pl.ds(j * CHUNK, CHUNK)],
                sem,
            )

    def wait_gathers(p_local, half, buf, sem):
        for j in range(FANIN):
            pltpu.make_async_copy(
                table_sh.at[idx_v.at[p_local * FANIN + j,
                                     pl.ds(half * CHUNK, CHUNK)]],
                buf.at[pl.ds(j * CHUNK, CHUNK)],
                sem,
            ).wait()

    def compute(buf):
        def tok_body(t, carry):
            for v in range(EMBED // 16):
                sl = pl.ds(v * 16, 16)
                acc = (buf[t, sl] + buf[CHUNK + t, sl]) + (
                    buf[2 * CHUNK + t, sl] + buf[3 * CHUNK + t, sl])
                buf[t, sl] = acc
            return carry
        lax.fori_loop(0, CHUNK, tok_body, 0)

    def issue_out(chunk_idx, buf, sem):
        pltpu.async_copy(
            buf.at[pl.ds(0, CHUNK)],
            out_hbm.at[pl.ds(tok_base + chunk_idx * CHUNK, CHUNK)],
            sem,
        )

    def wait_out(chunk_idx, buf, sem):
        pltpu.make_async_copy(
            buf.at[pl.ds(0, CHUNK)],
            out_hbm.at[pl.ds(tok_base + chunk_idx * CHUNK, CHUNK)],
            sem,
        ).wait()

    for stage in range(N_STAGE):
        pair0 = stage * PAIR_PER_STAGE
        pltpu.sync_copy(idx_hbm.at[wid, stage], idx_v)
        issue_gathers(0, 0, buf_a, sem_a)

        def pair_body(pp, carry):
            p = pair0 + pp
            even = 2 * p
            if stage == 0:
                @pl.when(pp > 0)
                def _():
                    wait_out(even - 1, buf_b, sem_ob)
            else:
                wait_out(even - 1, buf_b, sem_ob)
            issue_gathers(pp, 1, buf_b, sem_b)

            wait_gathers(pp, 0, buf_a, sem_a)
            compute(buf_a)
            issue_out(even, buf_a, sem_oa)

            wait_gathers(pp, 1, buf_b, sem_b)
            compute(buf_b)
            issue_out(even + 1, buf_b, sem_ob)

            wait_out(even, buf_a, sem_oa)

            @pl.when(pp < PAIR_PER_STAGE - 1)
            def _():
                issue_gathers(pp + 1, 0, buf_a, sem_a)
            return carry

        lax.fori_loop(0, PAIR_PER_STAGE, pair_body, 0)

    wait_out(2 * N_PAIR - 1, buf_b, sem_ob)


def kernel(value, depth, position, W_value, W_depth, W_pos):
    nv = W_value.shape[0]
    nd = W_depth.shape[0]
    npos = W_pos.shape[1]
    w_vd = (W_value[:, None, :] + W_depth[None, :, :]).reshape(-1, EMBED)
    table = jnp.concatenate([w_vd, W_pos[0], W_pos[1], W_pos[2]], axis=0)
    off_p = nv * nd
    idx = jnp.stack(
        [
            value.reshape(-1) * nd + depth.reshape(-1),
            position[..., 0].reshape(-1) + off_p,
            position[..., 1].reshape(-1) + (off_p + npos),
            position[..., 2].reshape(-1) + (off_p + 2 * npos),
        ],
        axis=1,
    ).reshape(NW, N_PAIR, PAIR, FANIN).transpose(0, 1, 3, 2)
    idx = idx.reshape(NW, N_STAGE, IDX_STAGE, EMBED).astype(jnp.int32)
    out = _emb_kernel(table, idx)
    return out.reshape(value.shape[0], value.shape[1], EMBED)

# --- scband reference (transcript-rebuilt; emitter-appended) ---
"""Pipeline reference for scband-embedding-4483945857114 (READ-ONLY COPY).

The authoritative reference and input builder live on the scoring server;
editing this copy changes nothing except your own understanding.
"""

import jax, jax.numpy as jnp
import numpy as np

EMBED_DIM = 128
NUM_VOCAB = 1000
RESOLUTION = 64
SPATIAL_DIM = 3
TREE_DEPTH = 6  # int(log2(64))
N, S = 1024, 200


def setup_inputs(seed: int = 0) -> dict:
    key = jax.random.key(seed)
    ks = jax.random.split(key, 6)
    value = jax.random.randint(ks[0], (N, S), 0, NUM_VOCAB + 1, dtype=jnp.int32)
    depth = jax.random.randint(ks[1], (N, S), 0, TREE_DEPTH + 1, dtype=jnp.int32)
    position = jax.random.randint(ks[2], (N, S, SPATIAL_DIM), 0, 2 * RESOLUTION, dtype=jnp.int32)
    W_value = jax.random.normal(ks[3], (NUM_VOCAB + 1, EMBED_DIM), dtype=jnp.float32)
    W_value = W_value.at[0].set(0.0)  # padding_idx=0
    W_depth = jax.random.normal(ks[4], (TREE_DEPTH + 1, EMBED_DIM), dtype=jnp.float32)
    W_depth = W_depth.at[0].set(0.0)  # padding_idx=0
    W_pos = jax.random.normal(ks[5], (SPATIAL_DIM, 2 * RESOLUTION, EMBED_DIM), dtype=jnp.float32)
    W_pos = W_pos.at[:, 0, :].set(0.0)  # padding_idx=0 for each spatial embedding
    return {
        'value': value,
        'depth': depth,
        'position': position,
        'W_value': W_value,
        'W_depth': W_depth,
        'W_pos': W_pos,
    }


def reference(value, depth, position, W_value, W_depth, W_pos):
    # value embedding with padding_idx=0 (row 0 zeroed; mask makes padding explicit)
    x = jnp.take(W_value, value, axis=0) * (value != 0)[..., None].astype(jnp.float32)
    # depth embedding (depth is not None in this configuration)
    x = x + jnp.take(W_depth, depth, axis=0) * (depth != 0)[..., None].astype(jnp.float32)
    # spatial embeddings, one per axis
    for axis in range(SPATIAL_DIM):
        p = position[:, :, axis]
        x = x + jnp.take(W_pos[axis], p, axis=0) * (p != 0)[..., None].astype(jnp.float32)
    return x

if __name__ == "__main__":
    import jax
    _d = setup_inputs()
    print(jax.jit(kernel)(*tuple(_d.values())))

</pallas_src>

<mosaic_0001>
#map = affine_map<(d0, d1) -> (0, 0)>
#map1 = affine_map<(d0, d1) -> (0, 0, 0, 0)>
module attributes {stable_mosaic.version = 14 : i64} {
  func.func @_emb_kernel(%arg0: i32, %arg1: i32, %arg2: memref<7391x128xf32, #tpu.memory_space<hbm>>, %arg3: memref<32x5x40x128xi32, #tpu.memory_space<hbm>>, %arg4: memref<204800x128xf32, #tpu.memory_space<hbm>>, %arg5: memref<40x128xi32, #tpu.memory_space<vmem>>, %arg6: memref<256x128xf32, #tpu.memory_space<vmem>>, %arg7: memref<256x128xf32, #tpu.memory_space<vmem>>, %arg8: memref<7391x128xf32, #tpu.memory_space<vmem_shared>>, %arg9: memref<!tpu.dma_semaphore, #tpu.memory_space<semaphore_mem>>, %arg10: memref<!tpu.dma_semaphore, #tpu.memory_space<semaphore_mem>>, %arg11: memref<!tpu.dma_semaphore, #tpu.memory_space<semaphore_mem>>, %arg12: memref<!tpu.dma_semaphore, #tpu.memory_space<semaphore_mem>>) attributes {dimension_semantics = [#tpu.dimension_semantics<core_parallel>, #tpu.dimension_semantics<subcore_parallel>], iteration_bounds = array<i64: 2, 16>, scalar_prefetch = 0 : i64, scratch_operands = 8 : i64, tpu.core_type = #tpu.core_type<sc_vector_subcore>, window_params = [{transform_indices = #map}, {transform_indices = #map1}, {transform_indices = #map}]} {
    %mul3A = arith.constant 2 : i32
    %mul3A_0 = arith.muli %arg1, %mul3A : i32
    %add3A = arith.addi %mul3A_0, %arg0 : i32
    %mul3A_1 = arith.constant 6400 : i32
    %mul3A_2 = arith.muli %add3A, %mul3A_1 : i32
    %eq3A = arith.constant 0 : i32
    %eq3A_3 = arith.cmpi eq, %arg1, %eq3A : i32
    %convert_element_type3A = arith.extui %eq3A_3 : i1 to i32
    %cond3A = arith.constant 0 : i32
    %cond3A_4 = arith.cmpi ne, %convert_element_type3A, %cond3A : i32
    scf.if %cond3A_4 {
      "tpu.region"() ({
        %run_scoped3A_248 = tpu.sem_alloc : memref<!tpu.dma_semaphore, #tpu.memory_space<semaphore_mem>>
        tpu.enqueue_dma source(%arg2 : memref<7391x128xf32, #tpu.memory_space<hbm>>) target(%arg8 : memref<7391x128xf32, #tpu.memory_space<vmem_shared>>) target_semaphore(%run_scoped3A_248 : memref<!tpu.dma_semaphore, #tpu.memory_space<semaphore_mem>>)
        tpu.wait_dma2 semaphore(%run_scoped3A_248 : memref<!tpu.dma_semaphore, #tpu.memory_space<semaphore_mem>>) src(%arg2 : memref<7391x128xf32, #tpu.memory_space<hbm>>) dst(%arg8 : memref<7391x128xf32, #tpu.memory_space<vmem_shared>>)
        tpu.yield
      }) : () -> ()
    } else {
    }
    %barrier3A = arith.constant 0 : index
    tpu.barrier barrier_id(%barrier3A)
    %run_scoped3A = arith.constant 0 : i32
    "tpu.region"() ({
      %run_scoped3A_248 = tpu.sem_alloc : memref<!tpu.dma_semaphore, #tpu.memory_space<semaphore_mem>>
      %dma_start3A_249 = arith.constant 0 : i32
      %dma_start3A_250 = arith.constant 0 : i32
      %dma_start3A_251 = tpu.memref_slice %arg3[%add3A, %run_scoped3A, %dma_start3A_249, %dma_start3A_250] : memref<32x5x40x128xi32, #tpu.memory_space<hbm>> -> memref<1x1x40x128xi32, #tpu.memory_space<hbm>>
      %dma_start3A_252 = tpu.memref_squeeze %dma_start3A_251 : memref<1x1x40x128xi32, #tpu.memory_space<hbm>> -> memref<40x128xi32, #tpu.memory_space<hbm>>
      %dma_start3A_253 = arith.constant 0 : i32
      %dma_start3A_254 = arith.constant 0 : i32
      %dma_start3A_255 = tpu.memref_slice %arg3[%add3A, %run_scoped3A, %dma_start3A_253, %dma_start3A_254] : memref<32x5x40x128xi32, #tpu.memory_space<hbm>> -> memref<1x1x40x128xi32, #tpu.memory_space<hbm>>
      %dma_start3A_256 = tpu.memref_squeeze %dma_start3A_255 : memref<1x1x40x128xi32, #tpu.memory_space<hbm>> -> memref<40x128xi32, #tpu.memory_space<hbm>>
      tpu.enqueue_dma source(%dma_start3A_256 : memref<40x128xi32, #tpu.memory_space<hbm>>) target(%arg5 : memref<40x128xi32, #tpu.memory_space<vmem>>) target_semaphore(%run_scoped3A_248 : memref<!tpu.dma_semaphore, #tpu.memory_space<semaphore_mem>>)
      %dma_wait3A_257 = arith.constant 0 : i32
      %dma_wait3A_258 = arith.constant 0 : i32
      %dma_wait3A_259 = tpu.memref_slice %arg3[%add3A, %run_scoped3A, %dma_wait3A_257, %dma_wait3A_258] : memref<32x5x40x128xi32, #tpu.memory_space<hbm>> -> memref<1x1x40x128xi32, #tpu.memory_space<hbm>>
      %dma_wait3A_260 = tpu.memref_squeeze %dma_wait3A_259 : memref<1x1x40x128xi32, #tpu.memory_space<hbm>> -> memref<40x128xi32, #tpu.memory_space<hbm>>
      %dma_wait3A_261 = arith.constant 0 : i32
      %dma_wait3A_262 = arith.constant 0 : i32
      %dma_wait3A_263 = tpu.memref_slice %arg3[%add3A, %run_scoped3A, %dma_wait3A_261, %dma_wait3A_262] : memref<32x5x40x128xi32, #tpu.memory_space<hbm>> -> memref<1x1x40x128xi32, #tpu.memory_space<hbm>>
      %dma_wait3A_264 = tpu.memref_squeeze %dma_wait3A_263 : memref<1x1x40x128xi32, #tpu.memory_space<hbm>> -> memref<40x128xi32, #tpu.memory_space<hbm>>
      tpu.wait_dma2 semaphore(%run_scoped3A_248 : memref<!tpu.dma_semaphore, #tpu.memory_space<semaphore_mem>>) src(%dma_wait3A_264 : memref<40x128xi32, #tpu.memory_space<hbm>>) dst(%arg5 : memref<40x128xi32, #tpu.memory_space<vmem>>)
      tpu.yield
    }) : () -> ()
    %dma_start3A = arith.constant 0 : i32
    %dma_start3A_5 = arith.constant 0 : i32
    %dma_start3A_6 = arith.constant 0 : i32
    %dma_start3A_7 = tpu.memref_slice %arg6[%dma_start3A_5, %dma_start3A_6] : memref<256x128xf32, #tpu.memory_space<vmem>> -> memref<64x128xf32, #tpu.memory_space<vmem>>
    %dma_start3A_8 = arith.constant 0 : i32
    %dma_start3A_9 = tpu.memref_slice %arg5[%dma_start3A, %dma_start3A_8] : memref<40x128xi32, #tpu.memory_space<vmem>> -> memref<1x64xi32, #tpu.memory_space<vmem>>
    %dma_start3A_10 = tpu.memref_squeeze %dma_start3A_9 : memref<1x64xi32, #tpu.memory_space<vmem>> -> memref<64xi32, #tpu.memory_space<vmem>>
    %dma_start3A_11 = arith.constant 0 : i32
    %dma_start3A_12 = arith.constant 0 : i32
    %dma_start3A_13 = tpu.memref_slice %arg8[%dma_start3A_11, %dma_start3A_12] : memref<7391x128xf32, #tpu.memory_space<vmem_shared>> -> memref<7391x128xf32, #tpu.memory_space<vmem_shared>>
    tpu.enqueue_indirect_dma source(%dma_start3A_13 : memref<7391x128xf32, #tpu.memory_space<vmem_shared>>) target(%dma_start3A_7 : memref<64x128xf32, #tpu.memory_space<vmem>>) offsets(%dma_start3A_10 : memref<64xi32, #tpu.memory_space<vmem>>) semaphore(%arg9 : memref<!tpu.dma_semaphore, #tpu.memory_space<semaphore_mem>>)
    %dma_start3A_14 = arith.constant 1 : i32
    %dma_start3A_15 = arith.constant 64 : i32
    %dma_start3A_16 = arith.constant 0 : i32
    %dma_start3A_17 = tpu.memref_slice %arg6[%dma_start3A_15, %dma_start3A_16] : memref<256x128xf32, #tpu.memory_space<vmem>> -> memref<64x128xf32, #tpu.memory_space<vmem>>
    %dma_start3A_18 = arith.constant 0 : i32
    %dma_start3A_19 = tpu.memref_slice %arg5[%dma_start3A_14, %dma_start3A_18] : memref<40x128xi32, #tpu.memory_space<vmem>> -> memref<1x64xi32, #tpu.memory_space<vmem>>
    %dma_start3A_20 = tpu.memref_squeeze %dma_start3A_19 : memref<1x64xi32, #tpu.memory_space<vmem>> -> memref<64xi32, #tpu.memory_space<vmem>>
    %dma_start3A_21 = arith.constant 0 : i32
    %dma_start3A_22 = arith.constant 0 : i32
    %dma_start3A_23 = tpu.memref_slice %arg8[%dma_start3A_21, %dma_start3A_22] : memref<7391x128xf32, #tpu.memory_space<vmem_shared>> -> memref<7391x128xf32, #tpu.memory_space<vmem_shared>>
    tpu.enqueue_indirect_dma source(%dma_start3A_23 : memref<7391x128xf32, #tpu.memory_space<vmem_shared>>) target(%dma_start3A_17 : memref<64x128xf32, #tpu.memory_space<vmem>>) offsets(%dma_start3A_20 : memref<64xi32, #tpu.memory_space<vmem>>) semaphore(%arg9 : memref<!tpu.dma_semaphore, #tpu.memory_space<semaphore_mem>>)
    %dma_start3A_24 = arith.constant 2 : i32
    %dma_start3A_25 = arith.constant 128 : i32
    %dma_start3A_26 = arith.constant 0 : i32
    %dma_start3A_27 = tpu.memref_slice %arg6[%dma_start3A_25, %dma_start3A_26] : memref<256x128xf32, #tpu.memory_space<vmem>> -> memref<64x128xf32, #tpu.memory_space<vmem>>
    %dma_start3A_28 = arith.constant 0 : i32
    %dma_start3A_29 = tpu.memref_slice %arg5[%dma_start3A_24, %dma_start3A_28] : memref<40x128xi32, #tpu.memory_space<vmem>> -> memref<1x64xi32, #tpu.memory_space<vmem>>
    %dma_start3A_30 = tpu.memref_squeeze %dma_start3A_29 : memref<1x64xi32, #tpu.memory_space<vmem>> -> memref<64xi32, #tpu.memory_space<vmem>>
    %dma_start3A_31 = arith.constant 0 : i32
    %dma_start3A_32 = arith.constant 0 : i32
    %dma_start3A_33 = tpu.memref_slice %arg8[%dma_start3A_31, %dma_start3A_32] : memref<7391x128xf32, #tpu.memory_space<vmem_shared>> -> memref<7391x128xf32, #tpu.memory_space<vmem_shared>>
    tpu.enqueue_indirect_dma source(%dma_start3A_33 : memref<7391x128xf32, #tpu.memory_space<vmem_shared>>) target(%dma_start3A_27 : memref<64x128xf32, #tpu.memory_space<vmem>>) offsets(%dma_start3A_30 : memref<64xi32, #tpu.memory_space<vmem>>) semaphore(%arg9 : memref<!tpu.dma_semaphore, #tpu.memory_space<semaphore_mem>>)
    %dma_start3A_34 = arith.constant 3 : i32
    %dma_start3A_35 = arith.constant 192 : i32
    %dma_start3A_36 = arith.constant 0 : i32
    %dma_start3A_37 = tpu.memref_slice %arg6[%dma_start3A_35, %dma_start3A_36] : memref<256x128xf32, #tpu.memory_space<vmem>> -> memref<64x128xf32, #tpu.memory_space<vmem>>
    %dma_start3A_38 = arith.constant 0 : i32
    %dma_start3A_39 = tpu.memref_slice %arg5[%dma_start3A_34, %dma_start3A_38] : memref<40x128xi32, #tpu.memory_space<vmem>> -> memref<1x64xi32, #tpu.memory_space<vmem>>
    %dma_start3A_40 = tpu.memref_squeeze %dma_start3A_39 : memref<1x64xi32, #tpu.memory_space<vmem>> -> memref<64xi32, #tpu.memory_space<vmem>>
    %dma_start3A_41 = arith.constant 0 : i32
    %dma_start3A_42 = arith.constant 0 : i32
    %dma_start3A_43 = tpu.memref_slice %arg8[%dma_start3A_41, %dma_start3A_42] : memref<7391x128xf32, #tpu.memory_space<vmem_shared>> -> memref<7391x128xf32, #tpu.memory_space<vmem_shared>>
    tpu.enqueue_indirect_dma source(%dma_start3A_43 : memref<7391x128xf32, #tpu.memory_space<vmem_shared>>) target(%dma_start3A_37 : memref<64x128xf32, #tpu.memory_space<vmem>>) offsets(%dma_start3A_40 : memref<64xi32, #tpu.memory_space<vmem>>) semaphore(%arg9 : memref<!tpu.dma_semaphore, #tpu.memory_space<semaphore_mem>>)
    %scan3A = arith.constant 0 : i32
    %scan3A_44 = arith.constant 0 : i32
    %scan3A_45 = arith.constant 10 : i32
    %scan3A_46 = arith.addi %scan3A_44, %scan3A_45 : i32
    %scan3A_47 = arith.constant 1 : i32
    scf.for %scan3A_248 = %scan3A_44 to %scan3A_46 step %scan3A_47  : i32 {
      %add3A_249 = arith.constant 0 : i32
      %add3A_250 = arith.addi %add3A_249, %scan3A_248 : i32
      %mul3A_251 = arith.constant 2 : i32
      %mul3A_252 = arith.muli %mul3A_251, %add3A_250 : i32
      %gt3A = arith.constant 0 : i32
      %gt3A_253 = arith.cmpi sgt, %scan3A_248, %gt3A : i32
      %convert_element_type3A_254 = arith.extui %gt3A_253 : i1 to i32
      %cond3A_255 = arith.constant 0 : i32
      %cond3A_256 = arith.cmpi ne, %convert_element_type3A_254, %cond3A_255 : i32
      scf.if %cond3A_256 {
        %sub3A = arith.constant 1 : i32
        %sub3A_470 = arith.subi %mul3A_252, %sub3A : i32
        %mul3A_471 = arith.constant 64 : i32
        %mul3A_472 = arith.muli %sub3A_470, %mul3A_471 : i32
        %add3A_473 = arith.addi %mul3A_2, %mul3A_472 : i32
        %dma_wait3A_474 = arith.constant 0 : i32
        %dma_wait3A_475 = arith.constant 0 : i32
        %dma_wait3A_476 = tpu.memref_slice %arg7[%dma_wait3A_474, %dma_wait3A_475] : memref<256x128xf32, #tpu.memory_space<vmem>> -> memref<64x128xf32, #tpu.memory_space<vmem>>
        %dma_wait3A_477 = arith.constant 0 : i32
        %dma_wait3A_478 = tpu.memref_slice %arg4[%add3A_473, %dma_wait3A_477] : memref<204800x128xf32, #tpu.memory_space<hbm>> -> memref<64x128xf32, #tpu.memory_space<hbm>>
        %dma_wait3A_479 = arith.constant 0 : i32
        %dma_wait3A_480 = tpu.memref_slice %arg4[%add3A_473, %dma_wait3A_479] : memref<204800x128xf32, #tpu.memory_space<hbm>> -> memref<64x128xf32, #tpu.memory_space<hbm>>
        %dma_wait3A_481 = arith.constant 0 : i32
        %dma_wait3A_482 = arith.constant 0 : i32
        %dma_wait3A_483 = tpu.memref_slice %arg7[%dma_wait3A_481, %dma_wait3A_482] : memref<256x128xf32, #tpu.memory_space<vmem>> -> memref<64x128xf32, #tpu.memory_space<vmem>>
        tpu.wait_dma2 semaphore(%arg12 : memref<!tpu.dma_semaphore, #tpu.memory_space<semaphore_mem>>) src(%dma_wait3A_483 : memref<64x128xf32, #tpu.memory_space<vmem>>) dst(%dma_wait3A_480 : memref<64x128xf32, #tpu.memory_space<hbm>>)
      } else {
      }
      %mul3A_257 = arith.constant 4 : i32
      %mul3A_258 = arith.muli %scan3A_248, %mul3A_257 : i32
      %add3A_259 = arith.constant 0 : i32
      %add3A_260 = arith.addi %mul3A_258, %add3A_259 : i32
      %dma_start3A_261 = arith.constant 0 : i32
      %dma_start3A_262 = arith.constant 0 : i32
      %dma_start3A_263 = tpu.memref_slice %arg7[%dma_start3A_261, %dma_start3A_262] : memref<256x128xf32, #tpu.memory_space<vmem>> -> memref<64x128xf32, #tpu.memory_space<vmem>>
      %dma_start3A_264 = arith.constant 64 : i32
      %dma_start3A_265 = tpu.memref_slice %arg5[%add3A_260, %dma_start3A_264] : memref<40x128xi32, #tpu.memory_space<vmem>> -> memref<1x64xi32, #tpu.memory_space<vmem>>
      %dma_start3A_266 = tpu.memref_squeeze %dma_start3A_265 : memref<1x64xi32, #tpu.memory_space<vmem>> -> memref<64xi32, #tpu.memory_space<vmem>>
      %dma_start3A_267 = arith.constant 0 : i32
      %dma_start3A_268 = arith.constant 0 : i32
      %dma_start3A_269 = tpu.memref_slice %arg8[%dma_start3A_267, %dma_start3A_268] : memref<7391x128xf32, #tpu.memory_space<vmem_shared>> -> memref<7391x128xf32, #tpu.memory_space<vmem_shared>>
      tpu.enqueue_indirect_dma source(%dma_start3A_269 : memref<7391x128xf32, #tpu.memory_space<vmem_shared>>) target(%dma_start3A_263 : memref<64x128xf32, #tpu.memory_space<vmem>>) offsets(%dma_start3A_266 : memref<64xi32, #tpu.memory_space<vmem>>) semaphore(%arg10 : memref<!tpu.dma_semaphore, #tpu.memory_space<semaphore_mem>>)
      %mul3A_270 = arith.constant 4 : i32
      %mul3A_271 = arith.muli %scan3A_248, %mul3A_270 : i32
      %add3A_272 = arith.constant 1 : i32
      %add3A_273 = arith.addi %mul3A_271, %add3A_272 : i32
      %dma_start3A_274 = arith.constant 64 : i32
      %dma_start3A_275 = arith.constant 0 : i32
      %dma_start3A_276 = tpu.memref_slice %arg7[%dma_start3A_274, %dma_start3A_275] : memref<256x128xf32, #tpu.memory_space<vmem>> -> memref<64x128xf32, #tpu.memory_space<vmem>>
      %dma_start3A_277 = arith.constant 64 : i32
      %dma_start3A_278 = tpu.memref_slice %arg5[%add3A_273, %dma_start3A_277] : memref<40x128xi32, #tpu.memory_space<vmem>> -> memref<1x64xi32, #tpu.memory_space<vmem>>
      %dma_start3A_279 = tpu.memref_squeeze %dma_start3A_278 : memref<1x64xi32, #tpu.memory_space<vmem>> -> memref<64xi32, #tpu.memory_space<vmem>>
      %dma_start3A_280 = arith.constant 0 : i32
      %dma_start3A_281 = arith.constant 0 : i32
      %dma_start3A_282 = tpu.memref_slice %arg8[%dma_start3A_280, %dma_start3A_281] : memref<7391x128xf32, #tpu.memory_space<vmem_shared>> -> memref<7391x128xf32, #tpu.memory_space<vmem_shared>>
      tpu.enqueue_indirect_dma source(%dma_start3A_282 : memref<7391x128xf32, #tpu.memory_space<vmem_shared>>) target(%dma_start3A_276 : memref<64x128xf32, #tpu.memory_space<vmem>>) offsets(%dma_start3A_279 : memref<64xi32, #tpu.memory_space<vmem>>) semaphore(%arg10 : memref<!tpu.dma_semaphore, #tpu.memory_space<semaphore_mem>>)
      %mul3A_283 = arith.constant 4 : i32
      %mul3A_284 = arith.muli %scan3A_248, %mul3A_283 : i32
      %add3A_285 = arith.constant 2 : i32
      %add3A_286 = arith.addi %mul3A_284, %add3A_285 : i32
      %dma_start3A_287 = arith.constant 128 : i32
      %dma_start3A_288 = arith.constant 0 : i32
      %dma_start3A_289 = tpu.memref_slice %arg7[%dma_start3A_287, %dma_start3A_288] : memref<256x128xf32, #tpu.memory_space<vmem>> -> memref<64x128xf32, #tpu.memory_space<vmem>>
      %dma_start3A_290 = arith.constant 64 : i32
      %dma_start3A_291 = tpu.memref_slice %arg5[%add3A_286, %dma_start3A_290] : memref<40x128xi32, #tpu.memory_space<vmem>> -> memref<1x64xi32, #tpu.memory_space<vmem>>
      %dma_start3A_292 = tpu.memref_squeeze %dma_start3A_291 : memref<1x64xi32, #tpu.memory_space<vmem>> -> memref<64xi32, #tpu.memory_space<vmem>>
      %dma_start3A_293 = arith.constant 0 : i32
      %dma_start3A_294 = arith.constant 0 : i32
      %dma_start3A_295 = tpu.memref_slice %arg8[%dma_start3A_293, %dma_start3A_294] : memref<7391x128xf32, #tpu.memory_space<vmem_shared>> -> memref<7391x128xf32, #tpu.memory_space<vmem_shared>>
      tpu.enqueue_indirect_dma source(%dma_start3A_295 : memref<7391x128xf32, #tpu.memory_space<vmem_shared>>) target(%dma_start3A_289 : memref<64x128xf32, #tpu.memory_space<vmem>>) offsets(%dma_start3A_292 : memref<64xi32, #tpu.memory_space<vmem>>) semaphore(%arg10 : memref<!tpu.dma_semaphore, #tpu.memory_space<semaphore_mem>>)
      %mul3A_296 = arith.constant 4 : i32
      %mul3A_297 = arith.muli %scan3A_248, %mul3A_296 : i32
      %add3A_298 = arith.constant 3 : i32
      %add3A_299 = arith.addi %mul3A_297, %add3A_298 : i32
      %dma_start3A_300 = arith.constant 192 : i32
      %dma_start3A_301 = arith.constant 0 : i32
      %dma_start3A_302 = tpu.memref_slice %arg7[%dma_start3A_300, %dma_start3A_301] : memref<256x128xf32, #tpu.memory_space<vmem>> -> memref<64x128xf32, #tpu.memory_space<vmem>>
      %dma_start3A_303 = arith.constant 64 : i32
      %dma_start3A_304 = tpu.memref_slice %arg5[%add3A_299, %dma_start3A_303] : memref<40x128xi32, #tpu.memory_space<vmem>> -> memref<1x64xi32, #tpu.memory_space<vmem>>
      %dma_start3A_305 = tpu.memref_squeeze %dma_start3A_304 : memref<1x64xi32, #tpu.memory_space<vmem>> -> memref<64xi32, #tpu.memory_space<vmem>>
      %dma_start3A_306 = arith.constant 0 : i32
      %dma_start3A_307 = arith.constant 0 : i32
      %dma_start3A_308 = tpu.memref_slice %arg8[%dma_start3A_306, %dma_start3A_307] : memref<7391x128xf32, #tpu.memory_space<vmem_shared>> -> memref<7391x128xf32, #tpu.memory_space<vmem_shared>>
      tpu.enqueue_indirect_dma source(%dma_start3A_308 : memref<7391x128xf32, #tpu.memory_space<vmem_shared>>) target(%dma_start3A_302 : memref<64x128xf32, #tpu.memory_space<vmem>>) offsets(%dma_start3A_305 : memref<64xi32, #tpu.memory_space<vmem>>) semaphore(%arg10 : memref<!tpu.dma_semaphore, #tpu.memory_space<semaphore_mem>>)
      %mul3A_309 = arith.constant 4 : i32
      %mul3A_310 = arith.muli %scan3A_248, %mul3A_309 : i32
      %add3A_311 = arith.constant 0 : i32
      %add3A_312 = arith.addi %mul3A_310, %add3A_311 : i32
      %dma_wait3A_313 = arith.constant 0 : i32
      %dma_wait3A_314 = arith.constant 0 : i32
      %dma_wait3A_315 = tpu.memref_slice %arg6[%dma_wait3A_313, %dma_wait3A_314] : memref<256x128xf32, #tpu.memory_space<vmem>> -> memref<64x128xf32, #tpu.memory_space<vmem>>
      %dma_wait3A_316 = arith.constant 0 : i32
      %dma_wait3A_317 = tpu.memref_slice %arg5[%add3A_312, %dma_wait3A_316] : memref<40x128xi32, #tpu.memory_space<vmem>> -> memref<1x64xi32, #tpu.memory_space<vmem>>
      %dma_wait3A_318 = tpu.memref_squeeze %dma_wait3A_317 : memref<1x64xi32, #tpu.memory_space<vmem>> -> memref<64xi32, #tpu.memory_space<vmem>>
      %dma_wait3A_319 = arith.constant 0 : i32
      %dma_wait3A_320 = arith.constant 0 : i32
      %dma_wait3A_321 = tpu.memref_slice %arg8[%dma_wait3A_319, %dma_wait3A_320] : memref<7391x128xf32, #tpu.memory_space<vmem_shared>> -> memref<7391x128xf32, #tpu.memory_space<vmem_shared>>
      tpu.wait_indirect_dma semaphore(%arg9 : memref<!tpu.dma_semaphore, #tpu.memory_space<semaphore_mem>>) src(%dma_wait3A_321 : memref<7391x128xf32, #tpu.memory_space<vmem_shared>>) dst(%dma_wait3A_315 : memref<64x128xf32, #tpu.memory_space<vmem>>)
      %mul3A_322 = arith.constant 4 : i32
      %mul3A_323 = arith.muli %scan3A_248, %mul3A_322 : i32
      %add3A_324 = arith.constant 1 : i32
      %add3A_325 = arith.addi %mul3A_323, %add3A_324 : i32
      %dma_wait3A_326 = arith.constant 64 : i32
      %dma_wait3A_327 = arith.constant 0 : i32
      %dma_wait3A_328 = tpu.memref_slice %arg6[%dma_wait3A_326, %dma_wait3A_327] : memref<256x128xf32, #tpu.memory_space<vmem>> -> memref<64x128xf32, #tpu.memory_space<vmem>>
      %dma_wait3A_329 = arith.constant 0 : i32
      %dma_wait3A_330 = tpu.memref_slice %arg5[%add3A_325, %dma_wait3A_329] : memref<40x128xi32, #tpu.memory_space<vmem>> -> memref<1x64xi32, #tpu.memory_space<vmem>>
      %dma_wait3A_331 = tpu.memref_squeeze %dma_wait3A_330 : memref<1x64xi32, #tpu.memory_space<vmem>> -> memref<64xi32, #tpu.memory_space<vmem>>
      %dma_wait3A_332 = arith.constant 0 : i32
      %dma_wait3A_333 = arith.constant 0 : i32
      %dma_wait3A_334 = tpu.memref_slice %arg8[%dma_wait3A_332, %dma_wait3A_333] : memref<7391x128xf32, #tpu.memory_space<vmem_shared>> -> memref<7391x128xf32, #tpu.memory_space<vmem_shared>>
      tpu.wait_indirect_dma semaphore(%arg9 : memref<!tpu.dma_semaphore, #tpu.memory_space<semaphore_mem>>) src(%dma_wait3A_334 : memref<7391x128xf32, #tpu.memory_space<vmem_shared>>) dst(%dma_wait3A_328 : memref<64x128xf32, #tpu.memory_space<vmem>>)
      %mul3A_335 = arith.constant 4 : i32
      %mul3A_336 = arith.muli %scan3A_248, %mul3A_335 : i32
      %add3A_337 = arith.constant 2 : i32
      %add3A_338 = arith.addi %mul3A_336, %add3A_337 : i32
      %dma_wait3A_339 = arith.constant 128 : i32
      %dma_wait3A_340 = arith.constant 0 : i32
      %dma_wait3A_341 = tpu.memref_slice %arg6[%dma_wait3A_339, %dma_wait3A_340] : memref<256x128xf32, #tpu.memory_space<vmem>> -> memref<64x128xf32, #tpu.memory_space<vmem>>
      %dma_wait3A_342 = arith.constant 0 : i32
      %dma_wait3A_343 = tpu.memref_slice %arg5[%add3A_338, %dma_wait3A_342] : memref<40x128xi32, #tpu.memory_space<vmem>> -> memref<1x64xi32, #tpu.memory_space<vmem>>
      %dma_wait3A_344 = tpu.memref_squeeze %dma_wait3A_343 : memref<1x64xi32, #tpu.memory_space<vmem>> -> memref<64xi32, #tpu.memory_space<vmem>>
      %dma_wait3A_345 = arith.constant 0 : i32
      %dma_wait3A_346 = arith.constant 0 : i32
      %dma_wait3A_347 = tpu.memref_slice %arg8[%dma_wait3A_345, %dma_wait3A_346] : memref<7391x128xf32, #tpu.memory_space<vmem_shared>> -> memref<7391x128xf32, #tpu.memory_space<vmem_shared>>
      tpu.wait_indirect_dma semaphore(%arg9 : memref<!tpu.dma_semaphore, #tpu.memory_space<semaphore_mem>>) src(%dma_wait3A_347 : memref<7391x128xf32, #tpu.memory_space<vmem_shared>>) dst(%dma_wait3A_341 : memref<64x128xf32, #tpu.memory_space<vmem>>)
      %mul3A_348 = arith.constant 4 : i32
      %mul3A_349 = arith.muli %scan3A_248, %mul3A_348 : i32
      %add3A_350 = arith.constant 3 : i32
      %add3A_351 = arith.addi %mul3A_349, %add3A_350 : i32
      %dma_wait3A_352 = arith.constant 192 : i32
      %dma_wait3A_353 = arith.constant 0 : i32
      %dma_wait3A_354 = tpu.memref_slice %arg6[%dma_wait3A_352, %dma_wait3A_353] : memref<256x128xf32, #tpu.memory_space<vmem>> -> memref<64x128xf32, #tpu.memory_space<vmem>>
      %dma_wait3A_355 = arith.constant 0 : i32
      %dma_wait3A_356 = tpu.memref_slice %arg5[%add3A_351, %dma_wait3A_355] : memref<40x128xi32, #tpu.memory_space<vmem>> -> memref<1x64xi32, #tpu.memory_space<vmem>>
      %dma_wait3A_357 = tpu.memref_squeeze %dma_wait3A_356 : memref<1x64xi32, #tpu.memory_space<vmem>> -> memref<64xi32, #tpu.memory_space<vmem>>
      %dma_wait3A_358 = arith.constant 0 : i32
      %dma_wait3A_359 = arith.constant 0 : i32
      %dma_wait3A_360 = tpu.memref_slice %arg8[%dma_wait3A_358, %dma_wait3A_359] : memref<7391x128xf32, #tpu.memory_space<vmem_shared>> -> memref<7391x128xf32, #tpu.memory_space<vmem_shared>>
      tpu.wait_indirect_dma semaphore(%arg9 : memref<!tpu.dma_semaphore, #tpu.memory_space<semaphore_mem>>) src(%dma_wait3A_360 : memref<7391x128xf32, #tpu.memory_space<vmem_shared>>) dst(%dma_wait3A_354 : memref<64x128xf32, #tpu.memory_space<vmem>>)
      %scan3A_361 = arith.constant 0 : i32
      %scan3A_362 = arith.constant 0 : i32
      %scan3A_363 = arith.constant 64 : i32
      %scan3A_364 = arith.addi %scan3A_362, %scan3A_363 : i32
      %scan3A_365 = arith.constant 1 : i32
      scf.for %scan3A_470 = %scan3A_362 to %scan3A_364 step %scan3A_365  : i32 {
        %get3A = arith.index_cast %scan3A_470 : i32 to index
        %get3A_471 = arith.constant 0 : index
        %get3A_472 = tpu.vector_load %arg6[%get3A, %get3A_471] {strides = array<i32>} : memref<256x128xf32, #tpu.memory_space<vmem>>, vector<1x16xf32>,
        %get3A_473 = vector.shape_cast %get3A_472 : vector<1x16xf32> to vector<16xf32>
        %add3A_474 = arith.constant 64 : i32
        %add3A_475 = arith.addi %add3A_474, %scan3A_470 : i32
        %get3A_476 = arith.index_cast %add3A_475 : i32 to index
        %get3A_477 = arith.constant 0 : index
        %get3A_478 = tpu.vector_load %arg6[%get3A_476, %get3A_477] {strides = array<i32>} : memref<256x128xf32, #tpu.memory_space<vmem>>, vector<1x16xf32>,
        %get3A_479 = vector.shape_cast %get3A_478 : vector<1x16xf32> to vector<16xf32>
        %add3A_480 = arith.addf %get3A_473, %get3A_479 : vector<16xf32>
        %add3A_481 = arith.constant 128 : i32
        %add3A_482 = arith.addi %add3A_481, %scan3A_470 : i32
        %get3A_483 = arith.index_cast %add3A_482 : i32 to index
        %get3A_484 = arith.constant 0 : index
        %get3A_485 = tpu.vector_load %arg6[%get3A_483, %get3A_484] {strides = array<i32>} : memref<256x128xf32, #tpu.memory_space<vmem>>, vector<1x16xf32>,
        %get3A_486 = vector.shape_cast %get3A_485 : vector<1x16xf32> to vector<16xf32>
        %add3A_487 = arith.constant 192 : i32
        %add3A_488 = arith.addi %add3A_487, %scan3A_470 : i32
        %get3A_489 = arith.index_cast %add3A_488 : i32 to index
        %get3A_490 = arith.constant 0 : index
        %get3A_491 = tpu.vector_load %arg6[%get3A_489, %get3A_490] {strides = array<i32>} : memref<256x128xf32, #tpu.memory_space<vmem>>, vector<1x16xf32>,
        %get3A_492 = vector.shape_cast %get3A_491 : vector<1x16xf32> to vector<16xf32>
        %add3A_493 = arith.addf %get3A_486, %get3A_492 : vector<16xf32>
        %add3A_494 = arith.addf %add3A_480, %add3A_493 : vector<16xf32>
        %swap3A = arith.index_cast %scan3A_470 : i32 to index
        %swap3A_495 = arith.constant 0 : index
        %swap3A_496 = tpu.vector_load %arg6[%swap3A, %swap3A_495] {strides = array<i32>} : memref<256x128xf32, #tpu.memory_space<vmem>>, vector<1x16xf32>,
        %swap3A_497 = vector.shape_cast %swap3A_496 : vector<1x16xf32> to vector<16xf32>
        %swap3A_498 = vector.shape_cast %add3A_494 : vector<16xf32> to vector<1x16xf32>
        tpu.vector_store %arg6[%swap3A, %swap3A_495], %swap3A_498 {strides = array<i32>} : memref<256x128xf32, #tpu.memory_space<vmem>>, vector<1x16xf32>,
        %get3A_499 = arith.index_cast %scan3A_470 : i32 to index
        %get3A_500 = arith.constant 16 : index
        %get3A_501 = tpu.vector_load %arg6[%get3A_499, %get3A_500] {strides = array<i32>} : memref<256x128xf32, #tpu.memory_space<vmem>>, vector<1x16xf32>,
        %get3A_502 = vector.shape_cast %get3A_501 : vector<1x16xf32> to vector<16xf32>
        %add3A_503 = arith.constant 64 : i32
        %add3A_504 = arith.addi %add3A_503, %scan3A_470 : i32
        %get3A_505 = arith.index_cast %add3A_504 : i32 to index
        %get3A_506 = arith.constant 16 : index
        %get3A_507 = tpu.vector_load %arg6[%get3A_505, %get3A_506] {strides = array<i32>} : memref<256x128xf32, #tpu.memory_space<vmem>>, vector<1x16xf32>,
        %get3A_508 = vector.shape_cast %get3A_507 : vector<1x16xf32> to vector<16xf32>
        %add3A_509 = arith.addf %get3A_502, %get3A_508 : vector<16xf32>
        %add3A_510 = arith.constant 128 : i32
        %add3A_511 = arith.addi %add3A_510, %scan3A_470 : i32
        %get3A_512 = arith.index_cast %add3A_511 : i32 to index
        %get3A_513 = arith.constant 16 : index
        %get3A_514 = tpu.vector_load %arg6[%get3A_512, %get3A_513] {strides = array<i32>} : memref<256x128xf32, #tpu.memory_space<vmem>>, vector<1x16xf32>,
        %get3A_515 = vector.shape_cast %get3A_514 : vector<1x16xf32> to vector<16xf32>
        %add3A_516 = arith.constant 192 : i32
        %add3A_517 = arith.addi %add3A_516, %scan3A_470 : i32
        %get3A_518 = arith.index_cast %add3A_517 : i32 to index
        %get3A_519 = arith.constant 16 : index
        %get3A_520 = tpu.vector_load %arg6[%get3A_518, %get3A_519] {strides = array<i32>} : memref<256x128xf32, #tpu.memory_space<vmem>>, vector<1x16xf32>,
        %get3A_521 = vector.shape_cast %get3A_520 : vector<1x16xf32> to vector<16xf32>
        %add3A_522 = arith.addf %get3A_515, %get3A_521 : vector<16xf32>
        %add3A_523 = arith.addf %add3A_509, %add3A_522 : vector<16xf32>
        %swap3A_524 = arith.index_cast %scan3A_470 : i32 to index
        %swap3A_525 = arith.constant 16 : index
        %swap3A_526 = tpu.vector_load %arg6[%swap3A_524, %swap3A_525] {strides = array<i32>} : memref<256x128xf32, #tpu.memory_space<vmem>>, vector<1x16xf32>,
        %swap3A_527 = vector.shape_cast %swap3A_526 : vector<1x16xf32> to vector<16xf32>
        %swap3A_528 = vector.shape_cast %add3A_523 : vector<16xf32> to vector<1x16xf32>
        tpu.vector_store %arg6[%swap3A_524, %swap3A_525], %swap3A_528 {strides = array<i32>} : memref<256x128xf32, #tpu.memory_space<vmem>>, vector<1x16xf32>,
        %get3A_529 = arith.index_cast %scan3A_470 : i32 to index
        %get3A_530 = arith.constant 32 : index
        %get3A_531 = tpu.vector_load %arg6[%get3A_529, %get3A_530] {strides = array<i32>} : memref<256x128xf32, #tpu.memory_space<vmem>>, vector<1x16xf32>,
        %get3A_532 = vector.shape_cast %get3A_531 : vector<1x16xf32> to vector<16xf32>
        %add3A_533 = arith.constant 64 : i32
        %add3A_534 = arith.addi %add3A_533, %scan3A_470 : i32
        %get3A_535 = arith.index_cast %add3A_534 : i32 to index
        %get3A_536 = arith.constant 32 : index
        %get3A_537 = tpu.vector_load %arg6[%get3A_535, %get3A_536] {strides = array<i32>} : memref<256x128xf32, #tpu.memory_space<vmem>>, vector<1x16xf32>,
        %get3A_538 = vector.shape_cast %get3A_537 : vector<1x16xf32> to vector<16xf32>
        %add3A_539 = arith.addf %get3A_532, %get3A_538 : vector<16xf32>
        %add3A_540 = arith.constant 128 : i32
        %add3A_541 = arith.addi %add3A_540, %scan3A_470 : i32
        %get3A_542 = arith.index_cast %add3A_541 : i32 to index
        %get3A_543 = arith.constant 32 : index
        %get3A_544 = tpu.vector_load %arg6[%get3A_542, %get3A_543] {strides = array<i32>} : memref<256x128xf32, #tpu.memory_space<vmem>>, vector<1x16xf32>,
        %get3A_545 = vector.shape_cast %get3A_544 : vector<1x16xf32> to vector<16xf32>
        %add3A_546 = arith.constant 192 : i32
        %add3A_547 = arith.addi %add3A_546, %scan3A_470 : i32
        %get3A_548 = arith.index_cast %add3A_547 : i32 to index
        %get3A_549 = arith.constant 32 : index
        %get3A_550 = tpu.vector_load %arg6[%get3A_548, %get3A_549] {strides = array<i32>} : memref<256x128xf32, #tpu.memory_space<vmem>>, vector<1x16xf32>,
        %get3A_551 = vector.shape_cast %get3A_550 : vector<1x16xf32> to vector<16xf32>
        %add3A_552 = arith.addf %get3A_545, %get3A_551 : vector<16xf32>
        %add3A_553 = arith.addf %add3A_539, %add3A_552 : vector<16xf32>
        %swap3A_554 = arith.index_cast %scan3A_470 : i32 to index
        %swap3A_555 = arith.constant 32 : index
        %swap3A_556 = tpu.vector_load %arg6[%swap3A_554, %swap3A_555] {strides = array<i32>} : memref<256x128xf32, #tpu.memory_space<vmem>>, vector<1x16xf32>,
        %swap3A_557 = vector.shape_cast %swap3A_556 : vector<1x16xf32> to vector<16xf32>
        %swap3A_558 = vector.shape_cast %add3A_553 : vector<16xf32> to vector<1x16xf32>
        tpu.vector_store %arg6[%swap3A_554, %swap3A_555], %swap3A_558 {strides = array<i32>} : memref<256x128xf32, #tpu.memory_space<vmem>>, vector<1x16xf32>,
        %get3A_559 = arith.index_cast %scan3A_470 : i32 to index
        %get3A_560 = arith.constant 48 : index
        %get3A_561 = tpu.vector_load %arg6[%get3A_559, %get3A_560] {strides = array<i32>} : memref<256x128xf32, #tpu.memory_space<vmem>>, vector<1x16xf32>,
        %get3A_562 = vector.shape_cast %get3A_561 : vector<1x16xf32> to vector<16xf32>
        %add3A_563 = arith.constant 64 : i32
        %add3A_564 = arith.addi %add3A_563, %scan3A_470 : i32
        %get3A_565 = arith.index_cast %add3A_564 : i32 to index
        %get3A_566 = arith.constant 48 : index
        %get3A_567 = tpu.vector_load %arg6[%get3A_565, %get3A_566] {strides = array<i32>} : memref<256x128xf32, #tpu.memory_space<vmem>>, vector<1x16xf32>,
        %get3A_568 = vector.shape_cast %get3A_567 : vector<1x16xf32> to vector<16xf32>
        %add3A_569 = arith.addf %get3A_562, %get3A_568 : vector<16xf32>
        %add3A_570 = arith.constant 128 : i32
        %add3A_571 = arith.addi %add3A_570, %scan3A_470 : i32
        %get3A_572 = arith.index_cast %add3A_571 : i32 to index
        %get3A_573 = arith.constant 48 : index
        %get3A_574 = tpu.vector_load %arg6[%get3A_572, %get3A_573] {strides = array<i32>} : memref<256x128xf32, #tpu.memory_space<vmem>>, vector<1x16xf32>,
        %get3A_575 = vector.shape_cast %get3A_574 : vector<1x16xf32> to vector<16xf32>
        %add3A_576 = arith.constant 192 : i32
        %add3A_577 = arith.addi %add3A_576, %scan3A_470 : i32
        %get3A_578 = arith.index_cast %add3A_577 : i32 to index
        %get3A_579 = arith.constant 48 : index
        %get3A_580 = tpu.vector_load %arg6[%get3A_578, %get3A_579] {strides = array<i32>} : memref<256x128xf32, #tpu.memory_space<vmem>>, vector<1x16xf32>,
        %get3A_581 = vector.shape_cast %get3A_580 : vector<1x16xf32> to vector<16xf32>
        %add3A_582 = arith.addf %get3A_575, %get3A_581 : vector<16xf32>
        %add3A_583 = arith.addf %add3A_569, %add3A_582 : vector<16xf32>
        %swap3A_584 = arith.index_cast %scan3A_470 : i32 to index
        %swap3A_585 = arith.constant 48 : index
        %swap3A_586 = tpu.vector_load %arg6[%swap3A_584, %swap3A_585] {strides = array<i32>} : memref<256x128xf32, #tpu.memory_space<vmem>>, vector<1x16xf32>,
        %swap3A_587 = vector.shape_cast %swap3A_586 : vector<1x16xf32> to vector<16xf32>
        %swap3A_588 = vector.shape_cast %add3A_583 : vector<16xf32> to vector<1x16xf32>
        tpu.vector_store %arg6[%swap3A_584, %swap3A_585], %swap3A_588 {strides = array<i32>} : memref<256x128xf32, #tpu.memory_space<vmem>>, vector<1x16xf32>,
        %get3A_589 = arith.index_cast %scan3A_470 : i32 to index
        %get3A_590 = arith.constant 64 : index
        %get3A_591 = tpu.vector_load %arg6[%get3A_589, %get3A_590] {strides = array<i32>} : memref<256x128xf32, #tpu.memory_space<vmem>>, vector<1x16xf32>,
        %get3A_592 = vector.shape_cast %get3A_591 : vector<1x16xf32> to vector<16xf32>
        %add3A_593 = arith.constant 64 : i32
        %add3A_594 = arith.addi %add3A_593, %scan3A_470 : i32
        %get3A_595 = arith.index_cast %add3A_594 : i32 to index
        %get3A_596 = arith.constant 64 : index
        %get3A_597 = tpu.vector_load %arg6[%get3A_595, %get3A_596] {strides = array<i32>} : memref<256x128xf32, #tpu.memory_space<vmem>>, vector<1x16xf32>,
        %get3A_598 = vector.shape_cast %get3A_597 : vector<1x16xf32> to vector<16xf32>
        %add3A_599 = arith.addf %get3A_592, %get3A_598 : vector<16xf32>
        %add3A_600 = arith.constant 128 : i32
        %add3A_601 = arith.addi %add3A_600, %scan3A_470 : i32
        %get3A_602 = arith.index_cast %add3A_601 : i32 to index
        %get3A_603 = arith.constant 64 : index
        %get3A_604 = tpu.vector_load %arg6[%get3A_602, %get3A_603] {strides = array<i32>} : memref<256x128xf32, #tpu.memory_space<vmem>>, vector<1x16xf32>,
        %get3A_605 = vector.shape_cast %get3A_604 : vector<1x16xf32> to vector<16xf32>
        %add3A_606 = arith.constant 192 : i32
        %add3A_607 = arith.addi %add3A_606, %scan3A_470 : i32
        %get3A_608 = arith.index_cast %add3A_607 : i32 to index
        %get3A_609 = arith.constant 64 : index
        %get3A_610 = tpu.vector_load %arg6[%get3A_608, %get3A_609] {strides = array<i32>} : memref<256x128xf32, #tpu.memory_space<vmem>>, vector<1x16xf32>,
        %get3A_611 = vector.shape_cast %get3A_610 : vector<1x16xf32> to vector<16xf32>
        %add3A_612 = arith.addf %get3A_605, %get3A_611 : vector<16xf32>
        %add3A_613 = arith.addf %add3A_599, %add3A_612 : vector<16xf32>
        %swap3A_614 = arith.index_cast %scan3A_470 : i32 to index
        %swap3A_615 = arith.constant 64 : index
        %swap3A_616 = tpu.vector_load %arg6[%swap3A_614, %swap3A_615] {strides = array<i32>} : memref<256x128xf32, #tpu.memory_space<vmem>>, vector<1x16xf32>,
        %swap3A_617 = vector.shape_cast %swap3A_616 : vector<1x16xf32> to vector<16xf32>
        %swap3A_618 = vector.shape_cast %add3A_613 : vector<16xf32> to vector<1x16xf32>
        tpu.vector_store %arg6[%swap3A_614, %swap3A_615], %swap3A_618 {strides = array<i32>} : memref<256x128xf32, #tpu.memory_space<vmem>>, vector<1x16xf32>,
        %get3A_619 = arith.index_cast %scan3A_470 : i32 to index
        %get3A_620 = arith.constant 80 : index
        %get3A_621 = tpu.vector_load %arg6[%get3A_619, %get3A_620] {strides = array<i32>} : memref<256x128xf32, #tpu.memory_space<vmem>>, vector<1x16xf32>,
        %get3A_622 = vector.shape_cast %get3A_621 : vector<1x16xf32> to vector<16xf32>
        %add3A_623 = arith.constant 64 : i32
        %add3A_624 = arith.addi %add3A_623, %scan3A_470 : i32
        %get3A_625 = arith.index_cast %add3A_624 : i32 to index
        %get3A_626 = arith.constant 80 : index
        %get3A_627 = tpu.vector_load %arg6[%get3A_625, %get3A_626] {strides = array<i32>} : memref<256x128xf32, #tpu.memory_space<vmem>>, vector<1x16xf32>,
        %get3A_628 = vector.shape_cast %get3A_627 : vector<1x16xf32> to vector<16xf32>
        %add3A_629 = arith.addf %get3A_622, %get3A_628 : vector<16xf32>
        %add3A_630 = arith.constant 128 : i32
        %add3A_631 = arith.addi %add3A_630, %scan3A_470 : i32
        %get3A_632 = arith.index_cast %add3A_631 : i32 to index
        %get3A_633 = arith.constant 80 : index
        %get3A_634 = tpu.vector_load %arg6[%get3A_632, %get3A_633] {strides = array<i32>} : memref<256x128xf32, #tpu.memory_space<vmem>>, vector<1x16xf32>,
        %get3A_635 = vector.shape_cast %get3A_634 : vector<1x16xf32> to vector<16xf32>
        %add3A_636 = arith.constant 192 : i32
        %add3A_637 = arith.addi %add3A_636, %scan3A_470 : i32
        %get3A_638 = arith.index_cast %add3A_637 : i32 to index
        %get3A_639 = arith.constant 80 : index
        %get3A_640 = tpu.vector_load %arg6[%get3A_638, %get3A_639] {strides = array<i32>} : memref<256x128xf32, #tpu.memory_space<vmem>>, vector<1x16xf32>,
        %get3A_641 = vector.shape_cast %get3A_640 : vector<1x16xf32> to vector<16xf32>
        %add3A_642 = arith.addf %get3A_635, %get3A_641 : vector<16xf32>
        %add3A_643 = arith.addf %add3A_629, %add3A_642 : vector<16xf32>
        %swap3A_644 = arith.index_cast %scan3A_470 : i32 to index
        %swap3A_645 = arith.constant 80 : index
        %swap3A_646 = tpu.vector_load %arg6[%swap3A_644, %swap3A_645] {strides = array<i32>} : memref<256x128xf32, #tpu.memory_space<vmem>>, vector<1x16xf32>,
        %swap3A_647 = vector.shape_cast %swap3A_646 : vector<1x16xf32> to vector<16xf32>
        %swap3A_648 = vector.shape_cast %add3A_643 : vector<16xf32> to vector<1x16xf32>
        tpu.vector_store %arg6[%swap3A_644, %swap3A_645], %swap3A_648 {strides = array<i32>} : memref<256x128xf32, #tpu.memory_space<vmem>>, vector<1x16xf32>,
        %get3A_649 = arith.index_cast %scan3A_470 : i32 to index
        %get3A_650 = arith.constant 96 : index
        %get3A_651 = tpu.vector_load %arg6[%get3A_649, %get3A_650] {strides = array<i32>} : memref<256x128xf32, #tpu.memory_space<vmem>>, vector<1x16xf32>,
        %get3A_652 = vector.shape_cast %get3A_651 : vector<1x16xf32> to vector<16xf32>
        %add3A_653 = arith.constant 64 : i32
        %add3A_654 = arith.addi %add3A_653, %scan3A_470 : i32
        %get3A_655 = arith.index_cast %add3A_654 : i32 to index
        %get3A_656 = arith.constant 96 : index
        %get3A_657 = tpu.vector_load %arg6[%get3A_655, %get3A_656] {strides = array<i32>} : memref<256x128xf32, #tpu.memory_space<vmem>>, vector<1x16xf32>,
        %get3A_658 = vector.shape_cast %get3A_657 : vector<1x16xf32> to vector<16xf32>
        %add3A_659 = arith.addf %get3A_652, %get3A_658 : vector<16xf32>
        %add3A_660 = arith.constant 128 : i32
        %add3A_661 = arith.addi %add3A_660, %scan3A_470 : i32
        %get3A_662 = arith.index_cast %add3A_661 : i32 to index
        %get3A_663 = arith.constant 96 : index
        %get3A_664 = tpu.vector_load %arg6[%get3A_662, %get3A_663] {strides = array<i32>} : memref<256x128xf32, #tpu.memory_space<vmem>>, vector<1x16xf32>,
        %get3A_665 = vector.shape_cast %get3A_664 : vector<1x16xf32> to vector<16xf32>
        %add3A_666 = arith.constant 192 : i32
        %add3A_667 = arith.addi %add3A_666, %scan3A_470 : i32
        %get3A_668 = arith.index_cast %add3A_667 : i32 to index
        %get3A_669 = arith.constant 96 : index
        %get3A_670 = tpu.vector_load %arg6[%get3A_668, %get3A_669] {strides = array<i32>} : memref<256x128xf32, #tpu.memory_space<vmem>>, vector<1x16xf32>,
        %get3A_671 = vector.shape_cast %get3A_670 : vector<1x16xf32> to vector<16xf32>
        %add3A_672 = arith.addf %get3A_665, %get3A_671 : vector<16xf32>
        %add3A_673 = arith.addf %add3A_659, %add3A_672 : vector<16xf32>
        %swap3A_674 = arith.index_cast %scan3A_470 : i32 to index
        %swap3A_675 = arith.constant 96 : index
        %swap3A_676 = tpu.vector_load %arg6[%swap3A_674, %swap3A_675] {strides = array<i32>} : memref<256x128xf32, #tpu.memory_space<vmem>>, vector<1x16xf32>,
        %swap3A_677 = vector.shape_cast %swap3A_676 : vector<1x16xf32> to vector<16xf32>
        %swap3A_678 = vector.shape_cast %add3A_673 : vector<16xf32> to vector<1x16xf32>
        tpu.vector_store %arg6[%swap3A_674, %swap3A_675], %swap3A_678 {strides = array<i32>} : memref<256x128xf32, #tpu.memory_space<vmem>>, vector<1x16xf32>,
        %get3A_679 = arith.index_cast %scan3A_470 : i32 to index
        %get3A_680 = arith.constant 112 : index
        %get3A_681 = tpu.vector_load %arg6[%get3A_679, %get3A_680] {strides = array<i32>} : memref<256x128xf32, #tpu.memory_space<vmem>>, vector<1x16xf32>,
        %get3A_682 = vector.shape_cast %get3A_681 : vector<1x16xf32> to vector<16xf32>
        %add3A_683 = arith.constant 64 : i32
        %add3A_684 = arith.addi %add3A_683, %scan3A_470 : i32
        %get3A_685 = arith.index_cast %add3A_684 : i32 to index
        %get3A_686 = arith.constant 112 : index
        %get3A_687 = tpu.vector_load %arg6[%get3A_685, %get3A_686] {strides = array<i32>} : memref<256x128xf32, #tpu.memory_space<vmem>>, vector<1x16xf32>,
        %get3A_688 = vector.shape_cast %get3A_687 : vector<1x16xf32> to vector<16xf32>
        %add3A_689 = arith.addf %get3A_682, %get3A_688 : vector<16xf32>
        %add3A_690 = arith.constant 128 : i32
        %add3A_691 = arith.addi %add3A_690, %scan3A_470 : i32
        %get3A_692 = arith.index_cast %add3A_691 : i32 to index
        %get3A_693 = arith.constant 112 : index
        %get3A_694 = tpu.vector_load %arg6[%get3A_692, %get3A_693] {strides = array<i32>} : memref<256x128xf32, #tpu.memory_space<vmem>>, vector<1x16xf32>,
        %get3A_695 = vector.shape_cast %get3A_694 : vector<1x16xf32> to vector<16xf32>
        %add3A_696 = arith.constant 192 : i32
        %add3A_697 = arith.addi %add3A_696, %scan3A_470 : i32
        %get3A_698 = arith.index_cast %add3A_697 : i32 to index
        %get3A_699 = arith.constant 112 : index
        %get3A_700 = tpu.vector_load %arg6[%get3A_698, %get3A_699] {strides = array<i32>} : memref<256x128xf32, #tpu.memory_space<vmem>>, vector<1x16xf32>,
        %get3A_701 = vector.shape_cast %get3A_700 : vector<1x16xf32> to vector<16xf32>
        %add3A_702 = arith.addf %get3A_695, %get3A_701 : vector<16xf32>
        %add3A_703 = arith.addf %add3A_689, %add3A_702 : vector<16xf32>
        %swap3A_704 = arith.index_cast %scan3A_470 : i32 to index
        %swap3A_705 = arith.constant 112 : index
        %swap3A_706 = tpu.vector_load %arg6[%swap3A_704, %swap3A_705] {strides = array<i32>} : memref<256x128xf32, #tpu.memory_space<vmem>>, vector<1x16xf32>,
        %swap3A_707 = vector.shape_cast %swap3A_706 : vector<1x16xf32> to vector<16xf32>
        %swap3A_708 = vector.shape_cast %add3A_703 : vector<16xf32> to vector<1x16xf32>
        tpu.vector_store %arg6[%swap3A_704, %swap3A_705], %swap3A_708 {strides = array<i32>} : memref<256x128xf32, #tpu.memory_space<vmem>>, vector<1x16xf32>,
      }
      %scan3A_366 = arith.constant 64 : i32
      %mul3A_367 = arith.constant 64 : i32
      %mul3A_368 = arith.muli %mul3A_252, %mul3A_367 : i32
      %add3A_369 = arith.addi %mul3A_2, %mul3A_368 : i32
      %dma_start3A_370 = arith.constant 0 : i32
      %dma_start3A_371 = arith.constant 0 : i32
      %dma_start3A_372 = tpu.memref_slice %arg6[%dma_start3A_370, %dma_start3A_371] : memref<256x128xf32, #tpu.memory_space<vmem>> -> memref<64x128xf32, #tpu.memory_space<vmem>>
      %dma_start3A_373 = arith.constant 0 : i32
      %dma_start3A_374 = tpu.memref_slice %arg4[%add3A_369, %dma_start3A_373] : memref<204800x128xf32, #tpu.memory_space<hbm>> -> memref<64x128xf32, #tpu.memory_space<hbm>>
      %dma_start3A_375 = arith.constant 0 : i32
      %dma_start3A_376 = tpu.memref_slice %arg4[%add3A_369, %dma_start3A_375] : memref<204800x128xf32, #tpu.memory_space<hbm>> -> memref<64x128xf32, #tpu.memory_space<hbm>>
      %dma_start3A_377 = arith.constant 0 : i32
      %dma_start3A_378 = arith.constant 0 : i32
      %dma_start3A_379 = tpu.memref_slice %arg6[%dma_start3A_377, %dma_start3A_378] : memref<256x128xf32, #tpu.memory_space<vmem>> -> memref<64x128xf32, #tpu.memory_space<vmem>>
      tpu.enqueue_dma source(%dma_start3A_379 : memref<64x128xf32, #tpu.memory_space<vmem>>) target(%dma_start3A_376 : memref<64x128xf32, #tpu.memory_space<hbm>>) target_semaphore(%arg11 : memref<!tpu.dma_semaphore, #tpu.memory_space<semaphore_mem>>)
      %mul3A_380 = arith.constant 4 : i32
      %mul3A_381 = arith.muli %scan3A_248, %mul3A_380 : i32
      %add3A_382 = arith.constant 0 : i32
      %add3A_383 = arith.addi %mul3A_381, %add3A_382 : i32
      %dma_wait3A_384 = arith.constant 0 : i32
      %dma_wait3A_385 = arith.constant 0 : i32
      %dma_wait3A_386 = tpu.memref_slice %arg7[%dma_wait3A_384, %dma_wait3A_385] : memref<256x128xf32, #tpu.memory_space<vmem>> -> memref<64x128xf32, #tpu.memory_space<vmem>>
      %dma_wait3A_387 = arith.constant 64 : i32
      %dma_wait3A_388 = tpu.memref_slice %arg5[%add3A_383, %dma_wait3A_387] : memref<40x128xi32, #tpu.memory_space<vmem>> -> memref<1x64xi32, #tpu.memory_space<vmem>>
      %dma_wait3A_389 = tpu.memref_squeeze %dma_wait3A_388 : memref<1x64xi32, #tpu.memory_space<vmem>> -> memref<64xi32, #tpu.memory_space<vmem>>
      %dma_wait3A_390 = arith.constant 0 : i32
      %dma_wait3A_391 = arith.constant 0 : i32
      %dma_wait3A_392 = tpu.memref_slice %arg8[%dma_wait3A_390, %dma_wait3A_391] : memref<7391x128xf32, #tpu.memory_space<vmem_shared>> -> memref<7391x128xf32, #tpu.memory_space<vmem_shared>>
      tpu.wait_indirect_dma semaphore(%arg10 : memref<!tpu.dma_semaphore, #tpu.memory_space<semaphore_mem>>) src(%dma_wait3A_392 : memref<7391x128xf32, #tpu.memory_space<vmem_shared>>) dst(%dma_wait3A_386 : memref<64x128xf32, #tpu.memory_space<vmem>>)
      %mul3A_393 = arith.constant 4 : i32
      %mul3A_394 = arith.muli %scan3A_248, %mul3A_393 : i32
      %add3A_395 = arith.constant 1 : i32
      %add3A_396 = arith.addi %mul3A_394, %add3A_395 : i32
      %dma_wait3A_397 = arith.constant 64 : i32
      %dma_wait3A_398 = arith.constant 0 : i32
      %dma_wait3A_399 = tpu.memref_slice %arg7[%dma_wait3A_397, %dma_wait3A_398] : memref<256x128xf32, #tpu.memory_space<vmem>> -> memref<64x128xf32, #tpu.memory_space<vmem>>
      %dma_wait3A_400 = arith.constant 64 : i32
      %dma_wait3A_401 = tpu.memref_slice %arg5[%add3A_396, %dma_wait3A_400] : memref<40x128xi32, #tpu.memory_space<vmem>> -> memref<1x64xi32, #tpu.memory_space<vmem>>
      %dma_wait3A_402 = tpu.memref_squeeze %dma_wait3A_401 : memref<1x64xi32, #tpu.memory_space<vmem>> -> memref<64xi32, #tpu.memory_space<vmem>>
      %dma_wait3A_403 = arith.constant 0 : i32
      %dma_wait3A_404 = arith.constant 0 : i32
      %dma_wait3A_405 = tpu.memref_slice %arg8[%dma_wait3A_403, %dma_wait3A_404] : memref<7391x128xf32, #tpu.memory_space<vmem_shared>> -> memref<7391x128xf32, #tpu.memory_space<vmem_shared>>
      tpu.wait_indirect_dma semaphore(%arg10 : memref<!tpu.dma_semaphore, #tpu.memory_space<semaphore_mem>>) src(%dma_wait3A_405 : memref<7391x128xf32, #tpu.memory_space<vmem_shared>>) dst(%dma_wait3A_399 : memref<64x128xf32, #tpu.memory_space<vmem>>)
      %mul3A_406 = arith.constant 4 : i32
      %mul3A_407 = arith.muli %scan3A_248, %mul3A_406 : i32
      %add3A_408 = arith.constant 2 : i32
      %add3A_409 = arith.addi %mul3A_407, %add3A_408 : i32
      %dma_wait3A_410 = arith.constant 128 : i32
      %dma_wait3A_411 = arith.constant 0 : i32
      %dma_wait3A_412 = tpu.memref_slice %arg7[%dma_wait3A_410, %dma_wait3A_411] : memref<256x128xf32, #tpu.memory_space<vmem>> -> memref<64x128xf32, #tpu.memory_space<vmem>>
      %dma_wait3A_413 = arith.constant 64 : i32
      %dma_wait3A_414 = tpu.memref_slice %arg5[%add3A_409, %dma_wait3A_413] : memref<40x128xi32, #tpu.memory_space<vmem>> -> memref<1x64xi32, #tpu.memory_space<vmem>>
      %dma_wait3A_415 = tpu.memref_squeeze %dma_wait3A_414 : memref<1x64xi32, #tpu.memory_space<vmem>> -> memref<64xi32, #tpu.memory_space<vmem>>
      %dma_wait3A_416 = arith.constant 0 : i32
      %dma_wait3A_417 = arith.constant 0 : i32
      %dma_wait3A_418 = tpu.memref_slice %arg8[%dma_wait3A_416, %dma_wait3A_417] : memref<7391x128xf32, #tpu.memory_space<vmem_shared>> -> memref<7391x128xf32, #tpu.memory_space<vmem_shared>>
      tpu.wait_indirect_dma semaphore(%arg10 : memref<!tpu.dma_semaphore, #tpu.memory_space<semaphore_mem>>) src(%dma_wait3A_418 : memref<7391x128xf32, #tpu.memory_space<vmem_shared>>) dst(%dma_wait3A_412 : memref<64x128xf32, #tpu.memory_space<vmem>>)
      %mul3A_419 = arith.constant 4 : i32
      %mul3A_420 = arith.muli %scan3A_248, %mul3A_419 : i32
      %add3A_421 = arith.constant 3 : i32
      %add3A_422 = arith.addi %mul3A_420, %add3A_421 : i32
      %dma_wait3A_423 = arith.constant 192 : i32
      %dma_wait3A_424 = arith.constant 0 : i32
      %dma_wait3A_425 = tpu.memref_slice %arg7[%dma_wait3A_423, %dma_wait3A_424] : memref<256x128xf32, #tpu.memory_space<vmem>> -> memref<64x128xf32, #tpu.memory_space<vmem>>
      %dma_wait3A_426 = arith.constant 64 : i32
      %dma_wait3A_427 = tpu.memref_slice %arg5[%add3A_422, %dma_wait3A_426] : memref<40x128xi32, #tpu.memory_space<vmem>> -> memref<1x64xi32, #tpu.memory_space<vmem>>
      %dma_wait3A_428 = tpu.memref_squeeze %dma_wait3A_427 : memref<1x64xi32, #tpu.memory_space<vmem>> -> memref<64xi32, #tpu.memory_space<vmem>>
      %dma_wait3A_429 = arith.constant 0 : i32
      %dma_wait3A_430 = arith.constant 0 : i32
      %dma_wait3A_431 = tpu.memref_slice %arg8[%dma_wait3A_429, %dma_wait3A_430] : memref<7391x128xf32, #tpu.memory_space<vmem_shared>> -> memref<7391x128xf32, #tpu.memory_space<vmem_shared>>
      tpu.wait_indirect_dma semaphore(%arg10 : memref<!tpu.dma_semaphore, #tpu.memory_space<semaphore_mem>>) src(%dma_wait3A_431 : memref<7391x128xf32, #tpu.memory_space<vmem_shared>>) dst(%dma_wait3A_425 : memref<64x128xf32, #tpu.memory_space<vmem>>)
      %scan3A_432 = arith.constant 0 : i32
      %scan3A_433 = arith.constant 0 : i32
      %scan3A_434 = arith.constant 64 : i32
      %scan3A_435 = arith.addi %scan3A_433, %scan3A_434 : i32
      %scan3A_436 = arith.constant 1 : i32
      scf.for %scan3A_470 = %scan3A_433 to %scan3A_435 step %scan3A_436  : i32 {
        %get3A = arith.index_cast %scan3A_470 : i32 to index
        %get3A_471 = arith.constant 0 : index
        %get3A_472 = tpu.vector_load %arg7[%get3A, %get3A_471] {strides = array<i32>} : memref<256x128xf32, #tpu.memory_space<vmem>>, vector<1x16xf32>,
        %get3A_473 = vector.shape_cast %get3A_472 : vector<1x16xf32> to vector<16xf32>
        %add3A_474 = arith.constant 64 : i32
        %add3A_475 = arith.addi %add3A_474, %scan3A_470 : i32
        %get3A_476 = arith.index_cast %add3A_475 : i32 to index
        %get3A_477 = arith.constant 0 : index
        %get3A_478 = tpu.vector_load %arg7[%get3A_476, %get3A_477] {strides = array<i32>} : memref<256x128xf32, #tpu.memory_space<vmem>>, vector<1x16xf32>,
        %get3A_479 = vector.shape_cast %get3A_478 : vector<1x16xf32> to vector<16xf32>
        %add3A_480 = arith.addf %get3A_473, %get3A_479 : vector<16xf32>
        %add3A_481 = arith.constant 128 : i32
        %add3A_482 = arith.addi %add3A_481, %scan3A_470 : i32
        %get3A_483 = arith.index_cast %add3A_482 : i32 to index
        %get3A_484 = arith.constant 0 : index
        %get3A_485 = tpu.vector_load %arg7[%get3A_483, %get3A_484] {strides = array<i32>} : memref<256x128xf32, #tpu.memory_space<vmem>>, vector<1x16xf32>,
        %get3A_486 = vector.shape_cast %get3A_485 : vector<1x16xf32> to vector<16xf32>
        %add3A_487 = arith.constant 192 : i32
        %add3A_488 = arith.addi %add3A_487, %scan3A_470 : i32
        %get3A_489 = arith.index_cast %add3A_488 : i32 to index
        %get3A_490 = arith.constant 0 : index
        %get3A_491 = tpu.vector_load %arg7[%get3A_489, %get3A_490] {strides = array<i32>} : memref<256x128xf32, #tpu.memory_space<vmem>>, vector<1x16xf32>,
        %get3A_492 = vector.shape_cast %get3A_491 : vector<1x16xf32> to vector<16xf32>
        %add3A_493 = arith.addf %get3A_486, %get3A_492 : vector<16xf32>
        %add3A_494 = arith.addf %add3A_480, %add3A_493 : vector<16xf32>
        %swap3A = arith.index_cast %scan3A_470 : i32 to index
        %swap3A_495 = arith.constant 0 : index
        %swap3A_496 = tpu.vector_load %arg7[%swap3A, %swap3A_495] {strides = array<i32>} : memref<256x128xf32, #tpu.memory_space<vmem>>, vector<1x16xf32>,
        %swap3A_497 = vector.shape_cast %swap3A_496 : vector<1x16xf32> to vector<16xf32>
        %swap3A_498 = vector.shape_cast %add3A_494 : vector<16xf32> to vector<1x16xf32>
        tpu.vector_store %arg7[%swap3A, %swap3A_495], %swap3A_498 {strides = array<i32>} : memref<256x128xf32, #tpu.memory_space<vmem>>, vector<1x16xf32>,
        %get3A_499 = arith.index_cast %scan3A_470 : i32 to index
        %get3A_500 = arith.constant 16 : index
        %get3A_501 = tpu.vector_load %arg7[%get3A_499, %get3A_500] {strides = array<i32>} : memref<256x128xf32, #tpu.memory_space<vmem>>, vector<1x16xf32>,
        %get3A_502 = vector.shape_cast %get3A_501 : vector<1x16xf32> to vector<16xf32>
        %add3A_503 = arith.constant 64 : i32
        %add3A_504 = arith.addi %add3A_503, %scan3A_470 : i32
        %get3A_505 = arith.index_cast %add3A_504 : i32 to index
        %get3A_506 = arith.constant 16 : index
        %get3A_507 = tpu.vector_load %arg7[%get3A_505, %get3A_506] {strides = array<i32>} : memref<256x128xf32, #tpu.memory_space<vmem>>, vector<1x16xf32>,
        %get3A_508 = vector.shape_cast %get3A_507 : vector<1x16xf32> to vector<16xf32>
        %add3A_509 = arith.addf %get3A_502, %get3A_508 : vector<16xf32>
        %add3A_510 = arith.constant 128 : i32
        %add3A_511 = arith.addi %add3A_510, %scan3A_470 : i32
        %get3A_512 = arith.index_cast %add3A_511 : i32 to index
        %get3A_513 = arith.constant 16 : index
        %get3A_514 = tpu.vector_load %arg7[%get3A_512, %get3A_513] {strides = array<i32>} : memref<256x128xf32, #tpu.memory_space<vmem>>, vector<1x16xf32>,
        %get3A_515 = vector.shape_cast %get3A_514 : vector<1x16xf32> to vector<16xf32>
        %add3A_516 = arith.constant 192 : i32
        %add3A_517 = arith.addi %add3A_516, %scan3A_470 : i32
        %get3A_518 = arith.index_cast %add3A_517 : i32 to index
        %get3A_519 = arith.constant 16 : index
        %get3A_520 = tpu.vector_load %arg7[%get3A_518, %get3A_519] {strides = array<i32>} : memref<256x128xf32, #tpu.memory_space<vmem>>, vector<1x16xf32>,
        %get3A_521 = vector.shape_cast %get3A_520 : vector<1x16xf32> to vector<16xf32>
        %add3A_522 = arith.addf %get3A_515, %get3A_521 : vector<16xf32>
        %add3A_523 = arith.addf %add3A_509, %add3A_522 : vector<16xf32>
        %swap3A_524 = arith.index_cast %scan3A_470 : i32 to index
        %swap3A_525 = arith.constant 16 : index
        %swap3A_526 = tpu.vector_load %arg7[%swap3A_524, %swap3A_525] {strides = array<i32>} : memref<256x128xf32, #tpu.memory_space<vmem>>, vector<1x16xf32>,
        %swap3A_527 = vector.shape_cast %swap3A_526 : vector<1x16xf32> to vector<16xf32>
        %swap3A_528 = vector.shape_cast %add3A_523 : vector<16xf32> to vector<1x16xf32>
        tpu.vector_store %arg7[%swap3A_524, %swap3A_525], %swap3A_528 {strides = array<i32>} : memref<256x128xf32, #tpu.memory_space<vmem>>, vector<1x16xf32>,
        %get3A_529 = arith.index_cast %scan3A_470 : i32 to index
        %get3A_530 = arith.constant 32 : index
        %get3A_531 = tpu.vector_load %arg7[%get3A_529, %get3A_530] {strides = array<i32>} : memref<256x128xf32, #tpu.memory_space<vmem>>, vector<1x16xf32>,
        %get3A_532 = vector.shape_cast %get3A_531 : vector<1x16xf32> to vector<16xf32>
        %add3A_533 = arith.constant 64 : i32
        %add3A_534 = arith.addi %add3A_533, %scan3A_470 : i32
        %get3A_535 = arith.index_cast %add3A_534 : i32 to index
        %get3A_536 = arith.constant 32 : index
        %get3A_537 = tpu.vector_load %arg7[%get3A_535, %get3A_536] {strides = array<i32>} : memref<256x128xf32, #tpu.memory_space<vmem>>, vector<1x16xf32>,
        %get3A_538 = vector.shape_cast %get3A_537 : vector<1x16xf32> to vector<16xf32>
        %add3A_539 = arith.addf %get3A_532, %get3A_538 : vector<16xf32>
        %add3A_540 = arith.constant 128 : i32
        %add3A_541 = arith.addi %add3A_540, %scan3A_470 : i32
        %get3A_542 = arith.index_cast %add3A_541 : i32 to index
        %get3A_543 = arith.constant 32 : index
        %get3A_544 = tpu.vector_load %arg7[%get3A_542, %get3A_543] {strides = array<i32>} : memref<256x128xf32, #tpu.memory_space<vmem>>, vector<1x16xf32>,
        %get3A_545 = vector.shape_cast %get3A_544 : vector<1x16xf32> to vector<16xf32>
        %add3A_546 = arith.constant 192 : i32
        %add3A_547 = arith.addi %add3A_546, %scan3A_470 : i32
        %get3A_548 = arith.index_cast %add3A_547 : i32 to index
        %get3A_549 = arith.constant 32 : index
        %get3A_550 = tpu.vector_load %arg7[%get3A_548, %get3A_549] {strides = array<i32>} : memref<256x128xf32, #tpu.memory_space<vmem>>, vector<1x16xf32>,
        %get3A_551 = vector.shape_cast %get3A_550 : vector<1x16xf32> to vector<16xf32>
        %add3A_552 = arith.addf %get3A_545, %get3A_551 : vector<16xf32>
        %add3A_553 = arith.addf %add3A_539, %add3A_552 : vector<16xf32>
        %swap3A_554 = arith.index_cast %scan3A_470 : i32 to index
        %swap3A_555 = arith.constant 32 : index
        %swap3A_556 = tpu.vector_load %arg7[%swap3A_554, %swap3A_555] {strides = array<i32>} : memref<256x128xf32, #tpu.memory_space<vmem>>, vector<1x16xf32>,
        %swap3A_557 = vector.shape_cast %swap3A_556 : vector<1x16xf32> to vector<16xf32>
        %swap3A_558 = vector.shape_cast %add3A_553 : vector<16xf32> to vector<1x16xf32>
        tpu.vector_store %arg7[%swap3A_554, %swap3A_555], %swap3A_558 {strides = array<i32>} : memref<256x128xf32, #tpu.memory_space<vmem>>, vector<1x16xf32>,
        %get3A_559 = arith.index_cast %scan3A_470 : i32 to index
        %get3A_560 = arith.constant 48 : index
        %get3A_561 = tpu.vector_load %arg7[%get3A_559, %get3A_560] {strides = array<i32>} : memref<256x128xf32, #tpu.memory_space<vmem>>, vector<1x16xf32>,
        %get3A_562 = vector.shape_cast %get3A_561 : vector<1x16xf32> to vector<16xf32>
        %add3A_563 = arith.constant 64 : i32
        %add3A_564 = arith.addi %add3A_563, %scan3A_470 : i32
        %get3A_565 = arith.index_cast %add3A_564 : i32 to index
        %get3A_566 = arith.constant 48 : index
        %get3A_567 = tpu.vector_load %arg7[%get3A_565, %get3A_566] {strides = array<i32>} : memref<256x128xf32, #tpu.memory_space<vmem>>, vector<1x16xf32>,
        %get3A_568 = vector.shape_cast %get3A_567 : vector<1x16xf32> to vector<16xf32>
        %add3A_569 = arith.addf %get3A_562, %get3A_568 : vector<16xf32>
        %add3A_570 = arith.constant 128 : i32
        %add3A_571 = arith.addi %add3A_570, %scan3A_470 : i32
        %get3A_572 = arith.index_cast %add3A_571 : i32 to index
        %get3A_573 = arith.constant 48 : index
        %get3A_574 = tpu.vector_load %arg7[%get3A_572, %get3A_573] {strides = array<i32>} : memref<256x128xf32, #tpu.memory_space<vmem>>, vector<1x16xf32>,
        %get3A_575 = vector.shape_cast %get3A_574 : vector<1x16xf32> to vector<16xf32>
        %add3A_576 = arith.constant 192 : i32
        %add3A_577 = arith.addi %add3A_576, %scan3A_470 : i32
        %get3A_578 = arith.index_cast %add3A_577 : i32 to index
        %get3A_579 = arith.constant 48 : index
        %get3A_580 = tpu.vector_load %arg7[%get3A_578, %get3A_579] {strides = array<i32>} : memref<256x128xf32, #tpu.memory_space<vmem>>, vector<1x16xf32>,
        %get3A_581 = vector.shape_cast %get3A_580 : vector<1x16xf32> to vector<16xf32>
        %add3A_582 = arith.addf %get3A_575, %get3A_581 : vector<16xf32>
        %add3A_583 = arith.addf %add3A_569, %add3A_582 : vector<16xf32>
        %swap3A_584 = arith.index_cast %scan3A_470 : i32 to index
        %swap3A_585 = arith.constant 48 : index
        %swap3A_586 = tpu.vector_load %arg7[%swap3A_584, %swap3A_585] {strides = array<i32>} : memref<256x128xf32, #tpu.memory_space<vmem>>, vector<1x16xf32>,
        %swap3A_587 = vector.shape_cast %swap3A_586 : vector<1x16xf32> to vector<16xf32>
        %swap3A_588 = vector.shape_cast %add3A_583 : vector<16xf32> to vector<1x16xf32>
        tpu.vector_store %arg7[%swap3A_584, %swap3A_585], %swap3A_588 {strides = array<i32>} : memref<256x128xf32, #tpu.memory_space<vmem>>, vector<1x16xf32>,
        %get3A_589 = arith.index_cast %scan3A_470 : i32 to index
        %get3A_590 = arith.constant 64 : index
        %get3A_591 = tpu.vector_load %arg7[%get3A_589, %get3A_590] {strides = array<i32>} : memref<256x128xf32, #tpu.memory_space<vmem>>, vector<1x16xf32>,
        %get3A_592 = vector.shape_cast %get3A_591 : vector<1x16xf32> to vector<16xf32>
        %add3A_593 = arith.constant 64 : i32
        %add3A_594 = arith.addi %add3A_593, %scan3A_470 : i32
        %get3A_595 = arith.index_cast %add3A_594 : i32 to index
        %get3A_596 = arith.constant 64 : index
        %get3A_597 = tpu.vector_load %arg7[%get3A_595, %get3A_596] {strides = array<i32>} : memref<256x128xf32, #tpu.memory_space<vmem>>, vector<1x16xf32>,
        %get3A_598 = vector.shape_cast %get3A_597 : vector<1x16xf32> to vector<16xf32>
        %add3A_599 = arith.addf %get3A_592, %get3A_598 : vector<16xf32>
        %add3A_600 = arith.constant 128 : i32
        %add3A_601 = arith.addi %add3A_600, %scan3A_470 : i32
        %get3A_602 = arith.index_cast %add3A_601 : i32 to index
        %get3A_603 = arith.constant 64 : index
        %get3A_604 = tpu.vector_load %arg7[%get3A_602, %get3A_603] {strides = array<i32>} : memref<256x128xf32, #tpu.memory_space<vmem>>, vector<1x16xf32>,
        %get3A_605 = vector.shape_cast %get3A_604 : vector<1x16xf32> to vector<16xf32>
        %add3A_606 = arith.constant 192 : i32
        %add3A_607 = arith.addi %add3A_606, %scan3A_470 : i32
        %get3A_608 = arith.index_cast %add3A_607 : i32 to index
        %get3A_609 = arith.constant 64 : index
        %get3A_610 = tpu.vector_load %arg7[%get3A_608, %get3A_609] {strides = array<i32>} : memref<256x128xf32, #tpu.memory_space<vmem>>, vector<1x16xf32>,
        %get3A_611 = vector.shape_cast %get3A_610 : vector<1x16xf32> to vector<16xf32>
        %add3A_612 = arith.addf %get3A_605, %get3A_611 : vector<16xf32>
        %add3A_613 = arith.addf %add3A_599, %add3A_612 : vector<16xf32>
        %swap3A_614 = arith.index_cast %scan3A_470 : i32 to index
        %swap3A_615 = arith.constant 64 : index
        %swap3A_616 = tpu.vector_load %arg7[%swap3A_614, %swap3A_615] {strides = array<i32>} : memref<256x128xf32, #tpu.memory_space<vmem>>, vector<1x16xf32>,
        %swap3A_617 = vector.shape_cast %swap3A_616 : vector<1x16xf32> to vector<16xf32>
        %swap3A_618 = vector.shape_cast %add3A_613 : vector<16xf32> to vector<1x16xf32>
        tpu.vector_store %arg7[%swap3A_614, %swap3A_615], %swap3A_618 {strides = array<i32>} : memref<256x128xf32, #tpu.memory_space<vmem>>, vector<1x16xf32>,
        %get3A_619 = arith.index_cast %scan3A_470 : i32 to index
        %get3A_620 = arith.constant 80 : index
        %get3A_621 = tpu.vector_load %arg7[%get3A_619, %get3A_620] {strides = array<i32>} : memref<256x128xf32, #tpu.memory_space<vmem>>, vector<1x16xf32>,
        %get3A_622 = vector.shape_cast %get3A_621 : vector<1x16xf32> to vector<16xf32>
        %add3A_623 = arith.constant 64 : i32
        %add3A_624 = arith.addi %add3A_623, %scan3A_470 : i32
        %get3A_625 = arith.index_cast %add3A_624 : i32 to index
        %get3A_626 = arith.constant 80 : index
        %get3A_627 = tpu.vector_load %arg7[%get3A_625, %get3A_626] {strides = array<i32>} : memref<256x128xf32, #tpu.memory_space<vmem>>, vector<1x16xf32>,
        %get3A_628 = vector.shape_cast %get3A_627 : vector<1x16xf32> to vector<16xf32>
        %add3A_629 = arith.addf %get3A_622, %get3A_628 : vector<16xf32>
        %add3A_630 = arith.constant 128 : i32
        %add3A_631 = arith.addi %add3A_630, %scan3A_470 : i32
        %get3A_632 = arith.index_cast %add3A_631 : i32 to index
        %get3A_633 = arith.constant 80 : index
        %get3A_634 = tpu.vector_load %arg7[%get3A_632, %get3A_633] {strides = array<i32>} : memref<256x128xf32, #tpu.memory_space<vmem>>, vector<1x16xf32>,
        %get3A_635 = vector.shape_cast %get3A_634 : vector<1x16xf32> to vector<16xf32>
        %add3A_636 = arith.constant 192 : i32
        %add3A_637 = arith.addi %add3A_636, %scan3A_470 : i32
        %get3A_638 = arith.index_cast %add3A_637 : i32 to index
        %get3A_639 = arith.constant 80 : index
        %get3A_640 = tpu.vector_load %arg7[%get3A_638, %get3A_639] {strides = array<i32>} : memref<256x128xf32, #tpu.memory_space<vmem>>, vector<1x16xf32>,
        %get3A_641 = vector.shape_cast %get3A_640 : vector<1x16xf32> to vector<16xf32>
        %add3A_642 = arith.addf %get3A_635, %get3A_641 : vector<16xf32>
        %add3A_643 = arith.addf %add3A_629, %add3A_642 : vector<16xf32>
        %swap3A_644 = arith.index_cast %scan3A_470 : i32 to index
        %swap3A_645 = arith.constant 80 : index
        %swap3A_646 = tpu.vector_load %arg7[%swap3A_644, %swap3A_645] {strides = array<i32>} : memref<256x128xf32, #tpu.memory_space<vmem>>, vector<1x16xf32>,
        %swap3A_647 = vector.shape_cast %swap3A_646 : vector<1x16xf32> to vector<16xf32>
        %swap3A_648 = vector.shape_cast %add3A_643 : vector<16xf32> to vector<1x16xf32>
        tpu.vector_store %arg7[%swap3A_644, %swap3A_645], %swap3A_648 {strides = array<i32>} : memref<256x128xf32, #tpu.memory_space<vmem>>, vector<1x16xf32>,
        %get3A_649 = arith.index_cast %scan3A_470 : i32 to index
        %get3A_650 = arith.constant 96 : index
        %get3A_651 = tpu.vector_load %arg7[%get3A_649, %get3A_650] {strides = array<i32>} : memref<256x128xf32, #tpu.memory_space<vmem>>, vector<1x16xf32>,
        %get3A_652 = vector.shape_cast %get3A_651 : vector<1x16xf32> to vector<16xf32>
        %add3A_653 = arith.constant 64 : i32
        %add3A_654 = arith.addi %add3A_653, %scan3A_470 : i32
        %get3A_655 = arith.index_cast %add3A_654 : i32 to index
        %get3A_656 = arith.constant 96 : index
        %get3A_657 = tpu.vector_load %arg7[%get3A_655, %get3A_656] {strides = array<i32>} : memref<256x128xf32, #tpu.memory_space<vmem>>, vector<1x16xf32>,
        %get3A_658 = vector.shape_cast %get3A_657 : vector<1x16xf32> to vector<16xf32>
        %add3A_659 = arith.addf %get3A_652, %get3A_658 : vector<16xf32>
        %add3A_660 = arith.constant 128 : i32
        %add3A_661 = arith.addi %add3A_660, %scan3A_470 : i32
        %get3A_662 = arith.index_cast %add3A_661 : i32 to index
        %get3A_663 = arith.constant 96 : index
        %get3A_664 = tpu.vector_load %arg7[%get3A_662, %get3A_663] {strides = array<i32>} : memref<256x128xf32, #tpu.memory_space<vmem>>, vector<1x16xf32>,
        %get3A_665 = vector.shape_cast %get3A_664 : vector<1x16xf32> to vector<16xf32>
        %add3A_666 = arith.constant 192 : i32
        %add3A_667 = arith.addi %add3A_666, %scan3A_470 : i32
        %get3A_668 = arith.index_cast %add3A_667 : i32 to index
        %get3A_669 = arith.constant 96 : index
        %get3A_670 = tpu.vector_load %arg7[%get3A_668, %get3A_669] {strides = array<i32>} : memref<256x128xf32, #tpu.memory_space<vmem>>, vector<1x16xf32>,
        %get3A_671 = vector.shape_cast %get3A_670 : vector<1x16xf32> to vector<16xf32>
        %add3A_672 = arith.addf %get3A_665, %get3A_671 : vector<16xf32>
        %add3A_673 = arith.addf %add3A_659, %add3A_672 : vector<16xf32>
        %swap3A_674 = arith.index_cast %scan3A_470 : i32 to index
        %swap3A_675 = arith.constant 96 : index
        %swap3A_676 = tpu.vector_load %arg7[%swap3A_674, %swap3A_675] {strides = array<i32>} : memref<256x128xf32, #tpu.memory_space<vmem>>, vector<1x16xf32>,
        %swap3A_677 = vector.shape_cast %swap3A_676 : vector<1x16xf32> to vector<16xf32>
        %swap3A_678 = vector.shape_cast %add3A_673 : vector<16xf32> to vector<1x16xf32>
        tpu.vector_store %arg7[%swap3A_674, %swap3A_675], %swap3A_678 {strides = array<i32>} : memref<256x128xf32, #tpu.memory_space<vmem>>, vector<1x16xf32>,
        %get3A_679 = arith.index_cast %scan3A_470 : i32 to index
        %get3A_680 = arith.constant 112 : index
        %get3A_681 = tpu.vector_load %arg7[%get3A_679, %get3A_680] {strides = array<i32>} : memref<256x128xf32, #tpu.memory_space<vmem>>, vector<1x16xf32>,
        %get3A_682 = vector.shape_cast %get3A_681 : vector<1x16xf32> to vector<16xf32>
        %add3A_683 = arith.constant 64 : i32
        %add3A_684 = arith.addi %add3A_683, %scan3A_470 : i32
        %get3A_685 = arith.index_cast %add3A_684 : i32 to index
        %get3A_686 = arith.constant 112 : index
        %get3A_687 = tpu.vector_load %arg7[%get3A_685, %get3A_686] {strides = array<i32>} : memref<256x128xf32, #tpu.memory_space<vmem>>, vector<1x16xf32>,
        %get3A_688 = vector.shape_cast %get3A_687 : vector<1x16xf32> to vector<16xf32>
        %add3A_689 = arith.addf %get3A_682, %get3A_688 : vector<16xf32>
        %add3A_690 = arith.constant 128 : i32
        %add3A_691 = arith.addi %add3A_690, %scan3A_470 : i32
        %get3A_692 = arith.index_cast %add3A_691 : i32 to index
        %get3A_693 = arith.constant 112 : index
        %get3A_694 = tpu.vector_load %arg7[%get3A_692, %get3A_693] {strides = array<i32>} : memref<256x128xf32, #tpu.memory_space<vmem>>, vector<1x16xf32>,
        %get3A_695 = vector.shape_cast %get3A_694 : vector<1x16xf32> to vector<16xf32>
        %add3A_696 = arith.constant 192 : i32
        %add3A_697 = arith.addi %add3A_696, %scan3A_470 : i32
        %get3A_698 = arith.index_cast %add3A_697 : i32 to index
        %get3A_699 = arith.constant 112 : index
        %get3A_700 = tpu.vector_load %arg7[%get3A_698, %get3A_699] {strides = array<i32>} : memref<256x128xf32, #tpu.memory_space<vmem>>, vector<1x16xf32>,
        %get3A_701 = vector.shape_cast %get3A_700 : vector<1x16xf32> to vector<16xf32>
        %add3A_702 = arith.addf %get3A_695, %get3A_701 : vector<16xf32>
        %add3A_703 = arith.addf %add3A_689, %add3A_702 : vector<16xf32>
        %swap3A_704 = arith.index_cast %scan3A_470 : i32 to index
        %swap3A_705 = arith.constant 112 : index
        %swap3A_706 = tpu.vector_load %arg7[%swap3A_704, %swap3A_705] {strides = array<i32>} : memref<256x128xf32, #tpu.memory_space<vmem>>, vector<1x16xf32>,
        %swap3A_707 = vector.shape_cast %swap3A_706 : vector<1x16xf32> to vector<16xf32>
        %swap3A_708 = vector.shape_cast %add3A_703 : vector<16xf32> to vector<1x16xf32>
        tpu.vector_store %arg7[%swap3A_704, %swap3A_705], %swap3A_708 {strides = array<i32>} : memref<256x128xf32, #tpu.memory_space<vmem>>, vector<1x16xf32>,
      }
      %scan3A_437 = arith.constant 64 : i32
      %add3A_438 = arith.constant 1 : i32
      %add3A_439 = arith.addi %mul3A_252, %add3A_438 : i32
      %mul3A_440 = arith.constant 64 : i32
      %mul3A_441 = arith.muli %add3A_439, %mul3A_440 : i32
      %add3A_442 = arith.addi %mul3A_2, %mul3A_441 : i32
      %dma_start3A_443 = arith.constant 0 : i32
      %dma_start3A_444 = arith.constant 0 : i32
      %dma_start3A_445 = tpu.memref_slice %arg7[%dma_start3A_443, %dma_start3A_444] : memref<256x128xf32, #tpu.memory_space<vmem>> -> memref<64x128xf32, #tpu.memory_space<vmem>>
      %dma_start3A_446 = arith.constant 0 : i32
      %dma_start3A_447 = tpu.memref_slice %arg4[%add3A_442, %dma_start3A_446] : memref<204800x128xf32, #tpu.memory_space<hbm>> -> memref<64x128xf32, #tpu.memory_space<hbm>>
      %dma_start3A_448 = arith.constant 0 : i32
      %dma_start3A_449 = tpu.memref_slice %arg4[%add3A_442, %dma_start3A_448] : memref<204800x128xf32, #tpu.memory_space<hbm>> -> memref<64x128xf32, #tpu.memory_space<hbm>>
      %dma_start3A_450 = arith.constant 0 : i32
      %dma_start3A_451 = arith.constant 0 : i32
      %dma_start3A_452 = tpu.memref_slice %arg7[%dma_start3A_450, %dma_start3A_451] : memref<256x128xf32, #tpu.memory_space<vmem>> -> memref<64x128xf32, #tpu.memory_space<vmem>>
      tpu.enqueue_dma source(%dma_start3A_452 : memref<64x128xf32, #tpu.memory_space<vmem>>) target(%dma_start3A_449 : memref<64x128xf32, #tpu.memory_space<hbm>>) target_semaphore(%arg12 : memref<!tpu.dma_semaphore, #tpu.memory_space<semaphore_mem>>)
      %mul3A_453 = arith.constant 64 : i32
      %mul3A_454 = arith.muli %mul3A_252, %mul3A_453 : i32
      %add3A_455 = arith.addi %mul3A_2, %mul3A_454 : i32
      %dma_wait3A_456 = arith.constant 0 : i32
      %dma_wait3A_457 = arith.constant 0 : i32
      %dma_wait3A_458 = tpu.memref_slice %arg6[%dma_wait3A_456, %dma_wait3A_457] : memref<256x128xf32, #tpu.memory_space<vmem>> -> memref<64x128xf32, #tpu.memory_space<vmem>>
      %dma_wait3A_459 = arith.constant 0 : i32
      %dma_wait3A_460 = tpu.memref_slice %arg4[%add3A_455, %dma_wait3A_459] : memref<204800x128xf32, #tpu.memory_space<hbm>> -> memref<64x128xf32, #tpu.memory_space<hbm>>
      %dma_wait3A_461 = arith.constant 0 : i32
      %dma_wait3A_462 = tpu.memref_slice %arg4[%add3A_455, %dma_wait3A_461] : memref<204800x128xf32, #tpu.memory_space<hbm>> -> memref<64x128xf32, #tpu.memory_space<hbm>>
      %dma_wait3A_463 = arith.constant 0 : i32
      %dma_wait3A_464 = arith.constant 0 : i32
      %dma_wait3A_465 = tpu.memref_slice %arg6[%dma_wait3A_463, %dma_wait3A_464] : memref<256x128xf32, #tpu.memory_space<vmem>> -> memref<64x128xf32, #tpu.memory_space<vmem>>
      tpu.wait_dma2 semaphore(%arg11 : memref<!tpu.dma_semaphore, #tpu.memory_space<semaphore_mem>>) src(%dma_wait3A_465 : memref<64x128xf32, #tpu.memory_space<vmem>>) dst(%dma_wait3A_462 : memref<64x128xf32, #tpu.memory_space<hbm>>)
      %lt3A = arith.constant 9 : i32
      %lt3A_466 = arith.cmpi slt, %scan3A_248, %lt3A : i32
      %convert_element_type3A_467 = arith.extui %lt3A_466 : i1 to i32
      %cond3A_468 = arith.constant 0 : i32
      %cond3A_469 = arith.cmpi ne, %convert_element_type3A_467, %cond3A_468 : i32
      scf.if %cond3A_469 {
        %add3A_470 = arith.constant 1 : i32
        %add3A_471 = arith.addi %scan3A_248, %add3A_470 : i32
        %mul3A_472 = arith.constant 4 : i32
        %mul3A_473 = arith.muli %add3A_471, %mul3A_472 : i32
        %add3A_474 = arith.constant 0 : i32
        %add3A_475 = arith.addi %mul3A_473, %add3A_474 : i32
        %dma_start3A_476 = arith.constant 0 : i32
        %dma_start3A_477 = arith.constant 0 : i32
        %dma_start3A_478 = tpu.memref_slice %arg6[%dma_start3A_476, %dma_start3A_477] : memref<256x128xf32, #tpu.memory_space<vmem>> -> memref<64x128xf32, #tpu.memory_space<vmem>>
        %dma_start3A_479 = arith.constant 0 : i32
        %dma_start3A_480 = tpu.memref_slice %arg5[%add3A_475, %dma_start3A_479] : memref<40x128xi32, #tpu.memory_space<vmem>> -> memref<1x64xi32, #tpu.memory_space<vmem>>
        %dma_start3A_481 = tpu.memref_squeeze %dma_start3A_480 : memref<1x64xi32, #tpu.memory_space<vmem>> -> memref<64xi32, #tpu.memory_space<vmem>>
        %dma_start3A_482 = arith.constant 0 : i32
        %dma_start3A_483 = arith.constant 0 : i32
        %dma_start3A_484 = tpu.memref_slice %arg8[%dma_start3A_482, %dma_start3A_483] : memref<7391x128xf32, #tpu.memory_space<vmem_shared>> -> memref<7391x128xf32, #tpu.memory_space<vmem_shared>>
        tpu.enqueue_indirect_dma source(%dma_start3A_484 : memref<7391x128xf32, #tpu.memory_space<vmem_shared>>) target(%dma_start3A_478 : memref<64x128xf32, #tpu.memory_space<vmem>>) offsets(%dma_start3A_481 : memref<64xi32, #tpu.memory_space<vmem>>) semaphore(%arg9 : memref<!tpu.dma_semaphore, #tpu.memory_space<semaphore_mem>>)
        %mul3A_485 = arith.constant 4 : i32
        %mul3A_486 = arith.muli %add3A_471, %mul3A_485 : i32
        %add3A_487 = arith.constant 1 : i32
        %add3A_488 = arith.addi %mul3A_486, %add3A_487 : i32
        %dma_start3A_489 = arith.constant 64 : i32
        %dma_start3A_490 = arith.constant 0 : i32
        %dma_start3A_491 = tpu.memref_slice %arg6[%dma_start3A_489, %dma_start3A_490] : memref<256x128xf32, #tpu.memory_space<vmem>> -> memref<64x128xf32, #tpu.memory_space<vmem>>
        %dma_start3A_492 = arith.constant 0 : i32
        %dma_start3A_493 = tpu.memref_slice %arg5[%add3A_488, %dma_start3A_492] : memref<40x128xi32, #tpu.memory_space<vmem>> -> memref<1x64xi32, #tpu.memory_space<vmem>>
        %dma_start3A_494 = tpu.memref_squeeze %dma_start3A_493 : memref<1x64xi32, #tpu.memory_space<vmem>> -> memref<64xi32, #tpu.memory_space<vmem>>
        %dma_start3A_495 = arith.constant 0 : i32
        %dma_start3A_496 = arith.constant 0 : i32
        %dma_start3A_497 = tpu.memref_slice %arg8[%dma_start3A_495, %dma_start3A_496] : memref<7391x128xf32, #tpu.memory_space<vmem_shared>> -> memref<7391x128xf32, #tpu.memory_space<vmem_shared>>
        tpu.enqueue_indirect_dma source(%dma_start3A_497 : memref<7391x128xf32, #tpu.memory_space<vmem_shared>>) target(%dma_start3A_491 : memref<64x128xf32, #tpu.memory_space<vmem>>) offsets(%dma_start3A_494 : memref<64xi32, #tpu.memory_space<vmem>>) semaphore(%arg9 : memref<!tpu.dma_semaphore, #tpu.memory_space<semaphore_mem>>)
        %mul3A_498 = arith.constant 4 : i32
        %mul3A_499 = arith.muli %add3A_471, %mul3A_498 : i32
        %add3A_500 = arith.constant 2 : i32
        %add3A_501 = arith.addi %mul3A_499, %add3A_500 : i32
        %dma_start3A_502 = arith.constant 128 : i32
        %dma_start3A_503 = arith.constant 0 : i32
        %dma_start3A_504 = tpu.memref_slice %arg6[%dma_start3A_502, %dma_start3A_503] : memref<256x128xf32, #tpu.memory_space<vmem>> -> memref<64x128xf32, #tpu.memory_space<vmem>>
        %dma_start3A_505 = arith.constant 0 : i32
        %dma_start3A_506 = tpu.memref_slice %arg5[%add3A_501, %dma_start3A_505] : memref<40x128xi32, #tpu.memory_space<vmem>> -> memref<1x64xi32, #tpu.memory_space<vmem>>
        %dma_start3A_507 = tpu.memref_squeeze %dma_start3A_506 : memref<1x64xi32, #tpu.memory_space<vmem>> -> memref<64xi32, #tpu.memory_space<vmem>>
        %dma_start3A_508 = arith.constant 0 : i32
        %dma_start3A_509 = arith.constant 0 : i32
        %dma_start3A_510 = tpu.memref_slice %arg8[%dma_start3A_508, %dma_start3A_509] : memref<7391x128xf32, #tpu.memory_space<vmem_shared>> -> memref<7391x128xf32, #tpu.memory_space<vmem_shared>>
        tpu.enqueue_indirect_dma source(%dma_start3A_510 : memref<7391x128xf32, #tpu.memory_space<vmem_shared>>) target(%dma_start3A_504 : memref<64x128xf32, #tpu.memory_space<vmem>>) offsets(%dma_start3A_507 : memref<64xi32, #tpu.memory_space<vmem>>) semaphore(%arg9 : memref<!tpu.dma_semaphore, #tpu.memory_space<semaphore_mem>>)
        %mul3A_511 = arith.constant 4 : i32
        %mul3A_512 = arith.muli %add3A_471, %mul3A_511 : i32
        %add3A_513 = arith.constant 3 : i32
        %add3A_514 = arith.addi %mul3A_512, %add3A_513 : i32
        %dma_start3A_515 = arith.constant 192 : i32
        %dma_start3A_516 = arith.constant 0 : i32
        %dma_start3A_517 = tpu.memref_slice %arg6[%dma_start3A_515, %dma_start3A_516] : memref<256x128xf32, #tpu.memory_space<vmem>> -> memref<64x128xf32, #tpu.memory_space<vmem>>
        %dma_start3A_518 = arith.constant 0 : i32
        %dma_start3A_519 = tpu.memref_slice %arg5[%add3A_514, %dma_start3A_518] : memref<40x128xi32, #tpu.memory_space<vmem>> -> memref<1x64xi32, #tpu.memory_space<vmem>>
        %dma_start3A_520 = tpu.memref_squeeze %dma_start3A_519 : memref<1x64xi32, #tpu.memory_space<vmem>> -> memref<64xi32, #tpu.memory_space<vmem>>
        %dma_start3A_521 = arith.constant 0 : i32
        %dma_start3A_522 = arith.constant 0 : i32
        %dma_start3A_523 = tpu.memref_slice %arg8[%dma_start3A_521, %dma_start3A_522] : memref<7391x128xf32, #tpu.memory_space<vmem_shared>> -> memref<7391x128xf32, #tpu.memory_space<vmem_shared>>
        tpu.enqueue_indirect_dma source(%dma_start3A_523 : memref<7391x128xf32, #tpu.memory_space<vmem_shared>>) target(%dma_start3A_517 : memref<64x128xf32, #tpu.memory_space<vmem>>) offsets(%dma_start3A_520 : memref<64xi32, #tpu.memory_space<vmem>>) semaphore(%arg9 : memref<!tpu.dma_semaphore, #tpu.memory_space<semaphore_mem>>)
      } else {
      }
    }
    %scan3A_48 = arith.constant 10 : i32
    %run_scoped3A_49 = arith.constant 1 : i32
    "tpu.region"() ({
      %run_scoped3A_248 = tpu.sem_alloc : memref<!tpu.dma_semaphore, #tpu.memory_space<semaphore_mem>>
      %dma_start3A_249 = arith.constant 0 : i32
      %dma_start3A_250 = arith.constant 0 : i32
      %dma_start3A_251 = tpu.memref_slice %arg3[%add3A, %run_scoped3A_49, %dma_start3A_249, %dma_start3A_250] : memref<32x5x40x128xi32, #tpu.memory_space<hbm>> -> memref<1x1x40x128xi32, #tpu.memory_space<hbm>>
      %dma_start3A_252 = tpu.memref_squeeze %dma_start3A_251 : memref<1x1x40x128xi32, #tpu.memory_space<hbm>> -> memref<40x128xi32, #tpu.memory_space<hbm>>
      %dma_start3A_253 = arith.constant 0 : i32
      %dma_start3A_254 = arith.constant 0 : i32
      %dma_start3A_255 = tpu.memref_slice %arg3[%add3A, %run_scoped3A_49, %dma_start3A_253, %dma_start3A_254] : memref<32x5x40x128xi32, #tpu.memory_space<hbm>> -> memref<1x1x40x128xi32, #tpu.memory_space<hbm>>
      %dma_start3A_256 = tpu.memref_squeeze %dma_start3A_255 : memref<1x1x40x128xi32, #tpu.memory_space<hbm>> -> memref<40x128xi32, #tpu.memory_space<hbm>>
      tpu.enqueue_dma source(%dma_start3A_256 : memref<40x128xi32, #tpu.memory_space<hbm>>) target(%arg5 : memref<40x128xi32, #tpu.memory_space<vmem>>) target_semaphore(%run_scoped3A_248 : memref<!tpu.dma_semaphore, #tpu.memory_space<semaphore_mem>>)
      %dma_wait3A_257 = arith.constant 0 : i32
      %dma_wait3A_258 = arith.constant 0 : i32
      %dma_wait3A_259 = tpu.memref_slice %arg3[%add3A, %run_scoped3A_49, %dma_wait3A_257, %dma_wait3A_258] : memref<32x5x40x128xi32, #tpu.memory_space<hbm>> -> memref<1x1x40x128xi32, #tpu.memory_space<hbm>>
      %dma_wait3A_260 = tpu.memref_squeeze %dma_wait3A_259 : memref<1x1x40x128xi32, #tpu.memory_space<hbm>> -> memref<40x128xi32, #tpu.memory_space<hbm>>
      %dma_wait3A_261 = arith.constant 0 : i32
      %dma_wait3A_262 = arith.constant 0 : i32
      %dma_wait3A_263 = tpu.memref_slice %arg3[%add3A, %run_scoped3A_49, %dma_wait3A_261, %dma_wait3A_262] : memref<32x5x40x128xi32, #tpu.memory_space<hbm>> -> memref<1x1x40x128xi32, #tpu.memory_space<hbm>>
      %dma_wait3A_264 = tpu.memref_squeeze %dma_wait3A_263 : memref<1x1x40x128xi32, #tpu.memory_space<hbm>> -> memref<40x128xi32, #tpu.memory_space<hbm>>
      tpu.wait_dma2 semaphore(%run_scoped3A_248 : memref<!tpu.dma_semaphore, #tpu.memory_space<semaphore_mem>>) src(%dma_wait3A_264 : memref<40x128xi32, #tpu.memory_space<hbm>>) dst(%arg5 : memref<40x128xi32, #tpu.memory_space<vmem>>)
      tpu.yield
    }) : () -> ()
    %dma_start3A_50 = arith.constant 0 : i32
    %dma_start3A_51 = arith.constant 0 : i32
    %dma_start3A_52 = arith.constant 0 : i32
    %dma_start3A_53 = tpu.memref_slice %arg6[%dma_start3A_51, %dma_start3A_52] : memref<256x128xf32, #tpu.memory_space<vmem>> -> memref<64x128xf32, #tpu.memory_space<vmem>>
    %dma_start3A_54 = arith.constant 0 : i32
    %dma_start3A_55 = tpu.memref_slice %arg5[%dma_start3A_50, %dma_start3A_54] : memref<40x128xi32, #tpu.memory_space<vmem>> -> memref<1x64xi32, #tpu.memory_space<vmem>>
    %dma_start3A_56 = tpu.memref_squeeze %dma_start3A_55 : memref<1x64xi32, #tpu.memory_space<vmem>> -> memref<64xi32, #tpu.memory_space<vmem>>
    %dma_start3A_57 = arith.constant 0 : i32
    %dma_start3A_58 = arith.constant 0 : i32
    %dma_start3A_59 = tpu.memref_slice %arg8[%dma_start3A_57, %dma_start3A_58] : memref<7391x128xf32, #tpu.memory_space<vmem_shared>> -> memref<7391x128xf32, #tpu.memory_space<vmem_shared>>
    tpu.enqueue_indirect_dma source(%dma_start3A_59 : memref<7391x128xf32, #tpu.memory_space<vmem_shared>>) target(%dma_start3A_53 : memref<64x128xf32, #tpu.memory_space<vmem>>) offsets(%dma_start3A_56 : memref<64xi32, #tpu.memory_space<vmem>>) semaphore(%arg9 : memref<!tpu.dma_semaphore, #tpu.memory_space<semaphore_mem>>)
    %dma_start3A_60 = arith.constant 1 : i32
    %dma_start3A_61 = arith.constant 64 : i32
    %dma_start3A_62 = arith.constant 0 : i32
    %dma_start3A_63 = tpu.memref_slice %arg6[%dma_start3A_61, %dma_start3A_62] : memref<256x128xf32, #tpu.memory_space<vmem>> -> memref<64x128xf32, #tpu.memory_space<vmem>>
    %dma_start3A_64 = arith.constant 0 : i32
    %dma_start3A_65 = tpu.memref_slice %arg5[%dma_start3A_60, %dma_start3A_64] : memref<40x128xi32, #tpu.memory_space<vmem>> -> memref<1x64xi32, #tpu.memory_space<vmem>>
    %dma_start3A_66 = tpu.memref_squeeze %dma_start3A_65 : memref<1x64xi32, #tpu.memory_space<vmem>> -> memref<64xi32, #tpu.memory_space<vmem>>
    %dma_start3A_67 = arith.constant 0 : i32
    %dma_start3A_68 = arith.constant 0 : i32
    %dma_start3A_69 = tpu.memref_slice %arg8[%dma_start3A_67, %dma_start3A_68] : memref<7391x128xf32, #tpu.memory_space<vmem_shared>> -> memref<7391x128xf32, #tpu.memory_space<vmem_shared>>
    tpu.enqueue_indirect_dma source(%dma_start3A_69 : memref<7391x128xf32, #tpu.memory_space<vmem_shared>>) target(%dma_start3A_63 : memref<64x128xf32, #tpu.memory_space<vmem>>) offsets(%dma_start3A_66 : memref<64xi32, #tpu.memory_space<vmem>>) semaphore(%arg9 : memref<!tpu.dma_semaphore, #tpu.memory_space<semaphore_mem>>)
    %dma_start3A_70 = arith.constant 2 : i32
    %dma_start3A_71 = arith.constant 128 : i32
    %dma_start3A_72 = arith.constant 0 : i32
    %dma_start3A_73 = tpu.memref_slice %arg6[%dma_start3A_71, %dma_start3A_72] : memref<256x128xf32, #tpu.memory_space<vmem>> -> memref<64x128xf32, #tpu.memory_space<vmem>>
    %dma_start3A_74 = arith.constant 0 : i32
    %dma_start3A_75 = tpu.memref_slice %arg5[%dma_start3A_70, %dma_start3A_74] : memref<40x128xi32, #tpu.memory_space<vmem>> -> memref<1x64xi32, #tpu.memory_space<vmem>>
    %dma_start3A_76 = tpu.memref_squeeze %dma_start3A_75 : memref<1x64xi32, #tpu.memory_space<vmem>> -> memref<64xi32, #tpu.memory_space<vmem>>
    %dma_start3A_77 = arith.constant 0 : i32
    %dma_start3A_78 = arith.constant 0 : i32
    %dma_start3A_79 = tpu.memref_slice %arg8[%dma_start3A_77, %dma_start3A_78] : memref<7391x128xf32, #tpu.memory_space<vmem_shared>> -> memref<7391x128xf32, #tpu.memory_space<vmem_shared>>
    tpu.enqueue_indirect_dma source(%dma_start3A_79 : memref<7391x128xf32, #tpu.memory_space<vmem_shared>>) target(%dma_start3A_73 : memref<64x128xf32, #tpu.memory_space<vmem>>) offsets(%dma_start3A_76 : memref<64xi32, #tpu.memory_space<vmem>>) semaphore(%arg9 : memref<!tpu.dma_semaphore, #tpu.memory_space<semaphore_mem>>)
    %dma_start3A_80 = arith.constant 3 : i32
    %dma_start3A_81 = arith.constant 192 : i32
    %dma_start3A_82 = arith.constant 0 : i32
    %dma_start3A_83 = tpu.memref_slice %arg6[%dma_start3A_81, %dma_start3A_82] : memref<256x128xf32, #tpu.memory_space<vmem>> -> memref<64x128xf32, #tpu.memory_space<vmem>>
    %dma_start3A_84 = arith.constant 0 : i32
    %dma_start3A_85 = tpu.memref_slice %arg5[%dma_start3A_80, %dma_start3A_84] : memref<40x128xi32, #tpu.memory_space<vmem>> -> memref<1x64xi32, #tpu.memory_space<vmem>>
    %dma_start3A_86 = tpu.memref_squeeze %dma_start3A_85 : memref<1x64xi32, #tpu.memory_space<vmem>> -> memref<64xi32, #tpu.memory_space<vmem>>
    %dma_start3A_87 = arith.constant 0 : i32
    %dma_start3A_88 = arith.constant 0 : i32
    %dma_start3A_89 = tpu.memref_slice %arg8[%dma_start3A_87, %dma_start3A_88] : memref<7391x128xf32, #tpu.memory_space<vmem_shared>> -> memref<7391x128xf32, #tpu.memory_space<vmem_shared>>
    tpu.enqueue_indirect_dma source(%dma_start3A_89 : memref<7391x128xf32, #tpu.memory_space<vmem_shared>>) target(%dma_start3A_83 : memref<64x128xf32, #tpu.memory_space<vmem>>) offsets(%dma_start3A_86 : memref<64xi32, #tpu.memory_space<vmem>>) semaphore(%arg9 : memref<!tpu.dma_semaphore, #tpu.memory_space<semaphore_mem>>)
    %scan3A_90 = arith.constant 0 : i32
    %scan3A_91 = arith.constant 0 : i32
    %scan3A_92 = arith.constant 10 : i32
    %scan3A_93 = arith.addi %scan3A_91, %scan3A_92 : i32
    %scan3A_94 = arith.constant 1 : i32
    scf.for %scan3A_248 = %scan3A_91 to %scan3A_93 step %scan3A_94  : i32 {
      %add3A_249 = arith.constant 10 : i32
      %add3A_250 = arith.addi %add3A_249, %scan3A_248 : i32
      %mul3A_251 = arith.constant 2 : i32
      %mul3A_252 = arith.muli %mul3A_251, %add3A_250 : i32
      %sub3A = arith.constant 1 : i32
      %sub3A_253 = arith.subi %mul3A_252, %sub3A : i32
      %mul3A_254 = arith.constant 64 : i32
      %mul3A_255 = arith.muli %sub3A_253, %mul3A_254 : i32
      %add3A_256 = arith.addi %mul3A_2, %mul3A_255 : i32
      %dma_wait3A_257 = arith.constant 0 : i32
      %dma_wait3A_258 = arith.constant 0 : i32
      %dma_wait3A_259 = tpu.memref_slice %arg7[%dma_wait3A_257, %dma_wait3A_258] : memref<256x128xf32, #tpu.memory_space<vmem>> -> memref<64x128xf32, #tpu.memory_space<vmem>>
      %dma_wait3A_260 = arith.constant 0 : i32
      %dma_wait3A_261 = tpu.memref_slice %arg4[%add3A_256, %dma_wait3A_260] : memref<204800x128xf32, #tpu.memory_space<hbm>> -> memref<64x128xf32, #tpu.memory_space<hbm>>
      %dma_wait3A_262 = arith.constant 0 : i32
      %dma_wait3A_263 = tpu.memref_slice %arg4[%add3A_256, %dma_wait3A_262] : memref<204800x128xf32, #tpu.memory_space<hbm>> -> memref<64x128xf32, #tpu.memory_space<hbm>>
      %dma_wait3A_264 = arith.constant 0 : i32
      %dma_wait3A_265 = arith.constant 0 : i32
      %dma_wait3A_266 = tpu.memref_slice %arg7[%dma_wait3A_264, %dma_wait3A_265] : memref<256x128xf32, #tpu.memory_space<vmem>> -> memref<64x128xf32, #tpu.memory_space<vmem>>
      tpu.wait_dma2 semaphore(%arg12 : memref<!tpu.dma_semaphore, #tpu.memory_space<semaphore_mem>>) src(%dma_wait3A_266 : memref<64x128xf32, #tpu.memory_space<vmem>>) dst(%dma_wait3A_263 : memref<64x128xf32, #tpu.memory_space<hbm>>)
      %mul3A_267 = arith.constant 4 : i32
      %mul3A_268 = arith.muli %scan3A_248, %mul3A_267 : i32
      %add3A_269 = arith.constant 0 : i32
      %add3A_270 = arith.addi %mul3A_268, %add3A_269 : i32
      %dma_start3A_271 = arith.constant 0 : i32
      %dma_start3A_272 = arith.constant 0 : i32
      %dma_start3A_273 = tpu.memref_slice %arg7[%dma_start3A_271, %dma_start3A_272] : memref<256x128xf32, #tpu.memory_space<vmem>> -> memref<64x128xf32, #tpu.memory_space<vmem>>
      %dma_start3A_274 = arith.constant 64 : i32
      %dma_start3A_275 = tpu.memref_slice %arg5[%add3A_270, %dma_start3A_274] : memref<40x128xi32, #tpu.memory_space<vmem>> -> memref<1x64xi32, #tpu.memory_space<vmem>>
      %dma_start3A_276 = tpu.memref_squeeze %dma_start3A_275 : memref<1x64xi32, #tpu.memory_space<vmem>> -> memref<64xi32, #tpu.memory_space<vmem>>
      %dma_start3A_277 = arith.constant 0 : i32
      %dma_start3A_278 = arith.constant 0 : i32
      %dma_start3A_279 = tpu.memref_slice %arg8[%dma_start3A_277, %dma_start3A_278] : memref<7391x128xf32, #tpu.memory_space<vmem_shared>> -> memref<7391x128xf32, #tpu.memory_space<vmem_shared>>
      tpu.enqueue_indirect_dma source(%dma_start3A_279 : memref<7391x128xf32, #tpu.memory_space<vmem_shared>>) target(%dma_start3A_273 : memref<64x128xf32, #tpu.memory_space<vmem>>) offsets(%dma_start3A_276 : memref<64xi32, #tpu.memory_space<vmem>>) semaphore(%arg10 : memref<!tpu.dma_semaphore, #tpu.memory_space<semaphore_mem>>)
      %mul3A_280 = arith.constant 4 : i32
      %mul3A_281 = arith.muli %scan3A_248, %mul3A_280 : i32
      %add3A_282 = arith.constant 1 : i32
      %add3A_283 = arith.addi %mul3A_281, %add3A_282 : i32
      %dma_start3A_284 = arith.constant 64 : i32
      %dma_start3A_285 = arith.constant 0 : i32
      %dma_start3A_286 = tpu.memref_slice %arg7[%dma_start3A_284, %dma_start3A_285] : memref<256x128xf32, #tpu.memory_space<vmem>> -> memref<64x128xf32, #tpu.memory_space<vmem>>
      %dma_start3A_287 = arith.constant 64 : i32
      %dma_start3A_288 = tpu.memref_slice %arg5[%add3A_283, %dma_start3A_287] : memref<40x128xi32, #tpu.memory_space<vmem>> -> memref<1x64xi32, #tpu.memory_space<vmem>>
      %dma_start3A_289 = tpu.memref_squeeze %dma_start3A_288 : memref<1x64xi32, #tpu.memory_space<vmem>> -> memref<64xi32, #tpu.memory_space<vmem>>
      %dma_start3A_290 = arith.constant 0 : i32
      %dma_start3A_291 = arith.constant 0 : i32
      %dma_start3A_292 = tpu.memref_slice %arg8[%dma_start3A_290, %dma_start3A_291] : memref<7391x128xf32, #tpu.memory_space<vmem_shared>> -> memref<7391x128xf32, #tpu.memory_space<vmem_shared>>
      tpu.enqueue_indirect_dma source(%dma_start3A_292 : memref<7391x128xf32, #tpu.memory_space<vmem_shared>>) target(%dma_start3A_286 : memref<64x128xf32, #tpu.memory_space<vmem>>) offsets(%dma_start3A_289 : memref<64xi32, #tpu.memory_space<vmem>>) semaphore(%arg10 : memref<!tpu.dma_semaphore, #tpu.memory_space<semaphore_mem>>)
      %mul3A_293 = arith.constant 4 : i32
      %mul3A_294 = arith.muli %scan3A_248, %mul3A_293 : i32
      %add3A_295 = arith.constant 2 : i32
      %add3A_296 = arith.addi %mul3A_294, %add3A_295 : i32
      %dma_start3A_297 = arith.constant 128 : i32
      %dma_start3A_298 = arith.constant 0 : i32
      %dma_start3A_299 = tpu.memref_slice %arg7[%dma_start3A_297, %dma_start3A_298] : memref<256x128xf32, #tpu.memory_space<vmem>> -> memref<64x128xf32, #tpu.memory_space<vmem>>
      %dma_start3A_300 = arith.constant 64 : i32
      %dma_start3A_301 = tpu.memref_slice %arg5[%add3A_296, %dma_start3A_300] : memref<40x128xi32, #tpu.memory_space<vmem>> -> memref<1x64xi32, #tpu.memory_space<vmem>>
      %dma_start3A_302 = tpu.memref_squeeze %dma_start3A_301 : memref<1x64xi32, #tpu.memory_space<vmem>> -> memref<64xi32, #tpu.memory_space<vmem>>
      %dma_start3A_303 = arith.constant 0 : i32
      %dma_start3A_304 = arith.constant 0 : i32
      %dma_start3A_305 = tpu.memref_slice %arg8[%dma_start3A_303, %dma_start3A_304] : memref<7391x128xf32, #tpu.memory_space<vmem_shared>> -> memref<7391x128xf32, #tpu.memory_space<vmem_shared>>
      tpu.enqueue_indirect_dma source(%dma_start3A_305 : memref<7391x128xf32, #tpu.memory_space<vmem_shared>>) target(%dma_start3A_299 : memref<64x128xf32, #tpu.memory_space<vmem>>) offsets(%dma_start3A_302 : memref<64xi32, #tpu.memory_space<vmem>>) semaphore(%arg10 : memref<!tpu.dma_semaphore, #tpu.memory_space<semaphore_mem>>)
      %mul3A_306 = arith.constant 4 : i32
      %mul3A_307 = arith.muli %scan3A_248, %mul3A_306 : i32
      %add3A_308 = arith.constant 3 : i32
      %add3A_309 = arith.addi %mul3A_307, %add3A_308 : i32
      %dma_start3A_310 = arith.constant 192 : i32
      %dma_start3A_311 = arith.constant 0 : i32
      %dma_start3A_312 = tpu.memref_slice %arg7[%dma_start3A_310, %dma_start3A_311] : memref<256x128xf32, #tpu.memory_space<vmem>> -> memref<64x128xf32, #tpu.memory_space<vmem>>
      %dma_start3A_313 = arith.constant 64 : i32
      %dma_start3A_314 = tpu.memref_slice %arg5[%add3A_309, %dma_start3A_313] : memref<40x128xi32, #tpu.memory_space<vmem>> -> memref<1x64xi32, #tpu.memory_space<vmem>>
      %dma_start3A_315 = tpu.memref_squeeze %dma_start3A_314 : memref<1x64xi32, #tpu.memory_space<vmem>> -> memref<64xi32, #tpu.memory_space<vmem>>
      %dma_start3A_316 = arith.constant 0 : i32
      %dma_start3A_317 = arith.constant 0 : i32
      %dma_start3A_318 = tpu.memref_slice %arg8[%dma_start3A_316, %dma_start3A_317] : memref<7391x128xf32, #tpu.memory_space<vmem_shared>> -> memref<7391x128xf32, #tpu.memory_space<vmem_shared>>
      tpu.enqueue_indirect_dma source(%dma_start3A_318 : memref<7391x128xf32, #tpu.memory_space<vmem_shared>>) target(%dma_start3A_312 : memref<64x128xf32, #tpu.memory_space<vmem>>) offsets(%dma_start3A_315 : memref<64xi32, #tpu.memory_space<vmem>>) semaphore(%arg10 : memref<!tpu.dma_semaphore, #tpu.memory_space<semaphore_mem>>)
      %mul3A_319 = arith.constant 4 : i32
      %mul3A_320 = arith.muli %scan3A_248, %mul3A_319 : i32
      %add3A_321 = arith.constant 0 : i32
      %add3A_322 = arith.addi %mul3A_320, %add3A_321 : i32
      %dma_wait3A_323 = arith.constant 0 : i32
      %dma_wait3A_324 = arith.constant 0 : i32
      %dma_wait3A_325 = tpu.memref_slice %arg6[%dma_wait3A_323, %dma_wait3A_324] : memref<256x128xf32, #tpu.memory_space<vmem>> -> memref<64x128xf32, #tpu.memory_space<vmem>>
      %dma_wait3A_326 = arith.constant 0 : i32
      %dma_wait3A_327 = tpu.memref_slice %arg5[%add3A_322, %dma_wait3A_326] : memref<40x128xi32, #tpu.memory_space<vmem>> -> memref<1x64xi32, #tpu.memory_space<vmem>>
      %dma_wait3A_328 = tpu.memref_squeeze %dma_wait3A_327 : memref<1x64xi32, #tpu.memory_space<vmem>> -> memref<64xi32, #tpu.memory_space<vmem>>
      %dma_wait3A_329 = arith.constant 0 : i32
      %dma_wait3A_330 = arith.constant 0 : i32
      %dma_wait3A_331 = tpu.memref_slice %arg8[%dma_wait3A_329, %dma_wait3A_330] : memref<7391x128xf32, #tpu.memory_space<vmem_shared>> -> memref<7391x128xf32, #tpu.memory_space<vmem_shared>>
      tpu.wait_indirect_dma semaphore(%arg9 : memref<!tpu.dma_semaphore, #tpu.memory_space<semaphore_mem>>) src(%dma_wait3A_331 : memref<7391x128xf32, #tpu.memory_space<vmem_shared>>) dst(%dma_wait3A_325 : memref<64x128xf32, #tpu.memory_space<vmem>>)
      %mul3A_332 = arith.constant 4 : i32
      %mul3A_333 = arith.muli %scan3A_248, %mul3A_332 : i32
      %add3A_334 = arith.constant 1 : i32
      %add3A_335 = arith.addi %mul3A_333, %add3A_334 : i32
      %dma_wait3A_336 = arith.constant 64 : i32
      %dma_wait3A_337 = arith.constant 0 : i32
      %dma_wait3A_338 = tpu.memref_slice %arg6[%dma_wait3A_336, %dma_wait3A_337] : memref<256x128xf32, #tpu.memory_space<vmem>> -> memref<64x128xf32, #tpu.memory_space<vmem>>
      %dma_wait3A_339 = arith.constant 0 : i32
      %dma_wait3A_340 = tpu.memref_slice %arg5[%add3A_335, %dma_wait3A_339] : memref<40x128xi32, #tpu.memory_space<vmem>> -> memref<1x64xi32, #tpu.memory_space<vmem>>
      %dma_wait3A_341 = tpu.memref_squeeze %dma_wait3A_340 : memref<1x64xi32, #tpu.memory_space<vmem>> -> memref<64xi32, #tpu.memory_space<vmem>>
      %dma_wait3A_342 = arith.constant 0 : i32
      %dma_wait3A_343 = arith.constant 0 : i32
      %dma_wait3A_344 = tpu.memref_slice %arg8[%dma_wait3A_342, %dma_wait3A_343] : memref<7391x128xf32, #tpu.memory_space<vmem_shared>> -> memref<7391x128xf32, #tpu.memory_space<vmem_shared>>
      tpu.wait_indirect_dma semaphore(%arg9 : memref<!tpu.dma_semaphore, #tpu.memory_space<semaphore_mem>>) src(%dma_wait3A_344 : memref<7391x128xf32, #tpu.memory_space<vmem_shared>>) dst(%dma_wait3A_338 : memref<64x128xf32, #tpu.memory_space<vmem>>)
      %mul3A_345 = arith.constant 4 : i32
      %mul3A_346 = arith.muli %scan3A_248, %mul3A_345 : i32
      %add3A_347 = arith.constant 2 : i32
      %add3A_348 = arith.addi %mul3A_346, %add3A_347 : i32
      %dma_wait3A_349 = arith.constant 128 : i32
      %dma_wait3A_350 = arith.constant 0 : i32
      %dma_wait3A_351 = tpu.memref_slice %arg6[%dma_wait3A_349, %dma_wait3A_350] : memref<256x128xf32, #tpu.memory_space<vmem>> -> memref<64x128xf32, #tpu.memory_space<vmem>>
      %dma_wait3A_352 = arith.constant 0 : i32
      %dma_wait3A_353 = tpu.memref_slice %arg5[%add3A_348, %dma_wait3A_352] : memref<40x128xi32, #tpu.memory_space<vmem>> -> memref<1x64xi32, #tpu.memory_space<vmem>>
      %dma_wait3A_354 = tpu.memref_squeeze %dma_wait3A_353 : memref<1x64xi32, #tpu.memory_space<vmem>> -> memref<64xi32, #tpu.memory_space<vmem>>
      %dma_wait3A_355 = arith.constant 0 : i32
      %dma_wait3A_356 = arith.constant 0 : i32
      %dma_wait3A_357 = tpu.memref_slice %arg8[%dma_wait3A_355, %dma_wait3A_356] : memref<7391x128xf32, #tpu.memory_space<vmem_shared>> -> memref<7391x128xf32, #tpu.memory_space<vmem_shared>>
      tpu.wait_indirect_dma semaphore(%arg9 : memref<!tpu.dma_semaphore, #tpu.memory_space<semaphore_mem>>) src(%dma_wait3A_357 : memref<7391x128xf32, #tpu.memory_space<vmem_shared>>) dst(%dma_wait3A_351 : memref<64x128xf32, #tpu.memory_space<vmem>>)
      %mul3A_358 = arith.constant 4 : i32
      %mul3A_359 = arith.muli %scan3A_248, %mul3A_358 : i32
      %add3A_360 = arith.constant 3 : i32
      %add3A_361 = arith.addi %mul3A_359, %add3A_360 : i32
      %dma_wait3A_362 = arith.constant 192 : i32
      %dma_wait3A_363 = arith.constant 0 : i32
      %dma_wait3A_364 = tpu.memref_slice %arg6[%dma_wait3A_362, %dma_wait3A_363] : memref<256x128xf32, #tpu.memory_space<vmem>> -> memref<64x128xf32, #tpu.memory_space<vmem>>
      %dma_wait3A_365 = arith.constant 0 : i32
      %dma_wait3A_366 = tpu.memref_slice %arg5[%add3A_361, %dma_wait3A_365] : memref<40x128xi32, #tpu.memory_space<vmem>> -> memref<1x64xi32, #tpu.memory_space<vmem>>
      %dma_wait3A_367 = tpu.memref_squeeze %dma_wait3A_366 : memref<1x64xi32, #tpu.memory_space<vmem>> -> memref<64xi32, #tpu.memory_space<vmem>>
      %dma_wait3A_368 = arith.constant 0 : i32
      %dma_wait3A_369 = arith.constant 0 : i32
      %dma_wait3A_370 = tpu.memref_slice %arg8[%dma_wait3A_368, %dma_wait3A_369] : memref<7391x128xf32, #tpu.memory_space<vmem_shared>> -> memref<7391x128xf32, #tpu.memory_space<vmem_shared>>
      tpu.wait_indirect_dma semaphore(%arg9 : memref<!tpu.dma_semaphore, #tpu.memory_space<semaphore_mem>>) src(%dma_wait3A_370 : memref<7391x128xf32, #tpu.memory_space<vmem_shared>>) dst(%dma_wait3A_364 : memref<64x128xf32, #tpu.memory_space<vmem>>)
      %scan3A_371 = arith.constant 0 : i32
      %scan3A_372 = arith.constant 0 : i32
      %scan3A_373 = arith.constant 64 : i32
      %scan3A_374 = arith.addi %scan3A_372, %scan3A_373 : i32
      %scan3A_375 = arith.constant 1 : i32
      scf.for %scan3A_480 = %scan3A_372 to %scan3A_374 step %scan3A_375  : i32 {
        %get3A = arith.index_cast %scan3A_480 : i32 to index
        %get3A_481 = arith.constant 0 : index
        %get3A_482 = tpu.vector_load %arg6[%get3A, %get3A_481] {strides = array<i32>} : memref<256x128xf32, #tpu.memory_space<vmem>>, vector<1x16xf32>,
        %get3A_483 = vector.shape_cast %get3A_482 : vector<1x16xf32> to vector<16xf32>
        %add3A_484 = arith.constant 64 : i32
        %add3A_485 = arith.addi %add3A_484, %scan3A_480 : i32
        %get3A_486 = arith.index_cast %add3A_485 : i32 to index
        %get3A_487 = arith.constant 0 : index
        %get3A_488 = tpu.vector_load %arg6[%get3A_486, %get3A_487] {strides = array<i32>} : memref<256x128xf32, #tpu.memory_space<vmem>>, vector<1x16xf32>,
        %get3A_489 = vector.shape_cast %get3A_488 : vector<1x16xf32> to vector<16xf32>
        %add3A_490 = arith.addf %get3A_483, %get3A_489 : vector<16xf32>
        %add3A_491 = arith.constant 128 : i32
        %add3A_492 = arith.addi %add3A_491, %scan3A_480 : i32
        %get3A_493 = arith.index_cast %add3A_492 : i32 to index
        %get3A_494 = arith.constant 0 : index
        %get3A_495 = tpu.vector_load %arg6[%get3A_493, %get3A_494] {strides = array<i32>} : memref<256x128xf32, #tpu.memory_space<vmem>>, vector<1x16xf32>,
        %get3A_496 = vector.shape_cast %get3A_495 : vector<1x16xf32> to vector<16xf32>
        %add3A_497 = arith.constant 192 : i32
        %add3A_498 = arith.addi %add3A_497, %scan3A_480 : i32
        %get3A_499 = arith.index_cast %add3A_498 : i32 to index
        %get3A_500 = arith.constant 0 : index
        %get3A_501 = tpu.vector_load %arg6[%get3A_499, %get3A_500] {strides = array<i32>} : memref<256x128xf32, #tpu.memory_space<vmem>>, vector<1x16xf32>,
        %get3A_502 = vector.shape_cast %get3A_501 : vector<1x16xf32> to vector<16xf32>
        %add3A_503 = arith.addf %get3A_496, %get3A_502 : vector<16xf32>
        %add3A_504 = arith.addf %add3A_490, %add3A_503 : vector<16xf32>
        %swap3A = arith.index_cast %scan3A_480 : i32 to index
        %swap3A_505 = arith.constant 0 : index
        %swap3A_506 = tpu.vector_load %arg6[%swap3A, %swap3A_505] {strides = array<i32>} : memref<256x128xf32, #tpu.memory_space<vmem>>, vector<1x16xf32>,
        %swap3A_507 = vector.shape_cast %swap3A_506 : vector<1x16xf32> to vector<16xf32>
        %swap3A_508 = vector.shape_cast %add3A_504 : vector<16xf32> to vector<1x16xf32>
        tpu.vector_store %arg6[%swap3A, %swap3A_505], %swap3A_508 {strides = array<i32>} : memref<256x128xf32, #tpu.memory_space<vmem>>, vector<1x16xf32>,
        %get3A_509 = arith.index_cast %scan3A_480 : i32 to index
        %get3A_510 = arith.constant 16 : index
        %get3A_511 = tpu.vector_load %arg6[%get3A_509, %get3A_510] {strides = array<i32>} : memref<256x128xf32, #tpu.memory_space<vmem>>, vector<1x16xf32>,
        %get3A_512 = vector.shape_cast %get3A_511 : vector<1x16xf32> to vector<16xf32>
        %add3A_513 = arith.constant 64 : i32
        %add3A_514 = arith.addi %add3A_513, %scan3A_480 : i32
        %get3A_515 = arith.index_cast %add3A_514 : i32 to index
        %get3A_516 = arith.constant 16 : index
        %get3A_517 = tpu.vector_load %arg6[%get3A_515, %get3A_516] {strides = array<i32>} : memref<256x128xf32, #tpu.memory_space<vmem>>, vector<1x16xf32>,
        %get3A_518 = vector.shape_cast %get3A_517 : vector<1x16xf32> to vector<16xf32>
        %add3A_519 = arith.addf %get3A_512, %get3A_518 : vector<16xf32>
        %add3A_520 = arith.constant 128 : i32
        %add3A_521 = arith.addi %add3A_520, %scan3A_480 : i32
        %get3A_522 = arith.index_cast %add3A_521 : i32 to index
        %get3A_523 = arith.constant 16 : index
        %get3A_524 = tpu.vector_load %arg6[%get3A_522, %get3A_523] {strides = array<i32>} : memref<256x128xf32, #tpu.memory_space<vmem>>, vector<1x16xf32>,
        %get3A_525 = vector.shape_cast %get3A_524 : vector<1x16xf32> to vector<16xf32>
        %add3A_526 = arith.constant 192 : i32
        %add3A_527 = arith.addi %add3A_526, %scan3A_480 : i32
        %get3A_528 = arith.index_cast %add3A_527 : i32 to index
        %get3A_529 = arith.constant 16 : index
        %get3A_530 = tpu.vector_load %arg6[%get3A_528, %get3A_529] {strides = array<i32>} : memref<256x128xf32, #tpu.memory_space<vmem>>, vector<1x16xf32>,
        %get3A_531 = vector.shape_cast %get3A_530 : vector<1x16xf32> to vector<16xf32>
        %add3A_532 = arith.addf %get3A_525, %get3A_531 : vector<16xf32>
        %add3A_533 = arith.addf %add3A_519, %add3A_532 : vector<16xf32>
        %swap3A_534 = arith.index_cast %scan3A_480 : i32 to index
        %swap3A_535 = arith.constant 16 : index
        %swap3A_536 = tpu.vector_load %arg6[%swap3A_534, %swap3A_535] {strides = array<i32>} : memref<256x128xf32, #tpu.memory_space<vmem>>, vector<1x16xf32>,
        %swap3A_537 = vector.shape_cast %swap3A_536 : vector<1x16xf32> to vector<16xf32>
        %swap3A_538 = vector.shape_cast %add3A_533 : vector<16xf32> to vector<1x16xf32>
        tpu.vector_store %arg6[%swap3A_534, %swap3A_535], %swap3A_538 {strides = array<i32>} : memref<256x128xf32, #tpu.memory_space<vmem>>, vector<1x16xf32>,
        %get3A_539 = arith.index_cast %scan3A_480 : i32 to index
        %get3A_540 = arith.constant 32 : index
        %get3A_541 = tpu.vector_load %arg6[%get3A_539, %get3A_540] {strides = array<i32>} : memref<256x128xf32, #tpu.memory_space<vmem>>, vector<1x16xf32>,
        %get3A_542 = vector.shape_cast %get3A_541 : vector<1x16xf32> to vector<16xf32>
        %add3A_543 = arith.constant 64 : i32
        %add3A_544 = arith.addi %add3A_543, %scan3A_480 : i32
        %get3A_545 = arith.index_cast %add3A_544 : i32 to index
        %get3A_546 = arith.constant 32 : index
        %get3A_547 = tpu.vector_load %arg6[%get3A_545, %get3A_546] {strides = array<i32>} : memref<256x128xf32, #tpu.memory_space<vmem>>, vector<1x16xf32>,
        %get3A_548 = vector.shape_cast %get3A_547 : vector<1x16xf32> to vector<16xf32>
        %add3A_549 = arith.addf %get3A_542, %get3A_548 : vector<16xf32>
        %add3A_550 = arith.constant 128 : i32
        %add3A_551 = arith.addi %add3A_550, %scan3A_480 : i32
        %get3A_552 = arith.index_cast %add3A_551 : i32 to index
        %get3A_553 = arith.constant 32 : index
        %get3A_554 = tpu.vector_load %arg6[%get3A_552, %get3A_553] {strides = array<i32>} : memref<256x128xf32, #tpu.memory_space<vmem>>, vector<1x16xf32>,
        %get3A_555 = vector.shape_cast %get3A_554 : vector<1x16xf32> to vector<16xf32>
        %add3A_556 = arith.constant 192 : i32
        %add3A_557 = arith.addi %add3A_556, %scan3A_480 : i32
        %get3A_558 = arith.index_cast %add3A_557 : i32 to index
        %get3A_559 = arith.constant 32 : index
        %get3A_560 = tpu.vector_load %arg6[%get3A_558, %get3A_559] {strides = array<i32>} : memref<256x128xf32, #tpu.memory_space<vmem>>, vector<1x16xf32>,
        %get3A_561 = vector.shape_cast %get3A_560 : vector<1x16xf32> to vector<16xf32>
        %add3A_562 = arith.addf %get3A_555, %get3A_561 : vector<16xf32>
        %add3A_563 = arith.addf %add3A_549, %add3A_562 : vector<16xf32>
        %swap3A_564 = arith.index_cast %scan3A_480 : i32 to index
        %swap3A_565 = arith.constant 32 : index
        %swap3A_566 = tpu.vector_load %arg6[%swap3A_564, %swap3A_565] {strides = array<i32>} : memref<256x128xf32, #tpu.memory_space<vmem>>, vector<1x16xf32>,
        %swap3A_567 = vector.shape_cast %swap3A_566 : vector<1x16xf32> to vector<16xf32>
        %swap3A_568 = vector.shape_cast %add3A_563 : vector<16xf32> to vector<1x16xf32>
        tpu.vector_store %arg6[%swap3A_564, %swap3A_565], %swap3A_568 {strides = array<i32>} : memref<256x128xf32, #tpu.memory_space<vmem>>, vector<1x16xf32>,
        %get3A_569 = arith.index_cast %scan3A_480 : i32 to index
        %get3A_570 = arith.constant 48 : index
        %get3A_571 = tpu.vector_load %arg6[%get3A_569, %get3A_570] {strides = array<i32>} : memref<256x128xf32, #tpu.memory_space<vmem>>, vector<1x16xf32>,
        %get3A_572 = vector.shape_cast %get3A_571 : vector<1x16xf32> to vector<16xf32>
        %add3A_573 = arith.constant 64 : i32
        %add3A_574 = arith.addi %add3A_573, %scan3A_480 : i32
        %get3A_575 = arith.index_cast %add3A_574 : i32 to index
        %get3A_576 = arith.constant 48 : index
        %get3A_577 = tpu.vector_load %arg6[%get3A_575, %get3A_576] {strides = array<i32>} : memref<256x128xf32, #tpu.memory_space<vmem>>, vector<1x16xf32>,
        %get3A_578 = vector.shape_cast %get3A_577 : vector<1x16xf32> to vector<16xf32>
        %add3A_579 = arith.addf %get3A_572, %get3A_578 : vector<16xf32>
        %add3A_580 = arith.constant 128 : i32
        %add3A_581 = arith.addi %add3A_580, %scan3A_480 : i32
        %get3A_582 = arith.index_cast %add3A_581 : i32 to index
        %get3A_583 = arith.constant 48 : index
        %get3A_584 = tpu.vector_load %arg6[%get3A_582, %get3A_583] {strides = array<i32>} : memref<256x128xf32, #tpu.memory_space<vmem>>, vector<1x16xf32>,
        %get3A_585 = vector.shape_cast %get3A_584 : vector<1x16xf32> to vector<16xf32>
        %add3A_586 = arith.constant 192 : i32
        %add3A_587 = arith.addi %add3A_586, %scan3A_480 : i32
        %get3A_588 = arith.index_cast %add3A_587 : i32 to index
        %get3A_589 = arith.constant 48 : index
        %get3A_590 = tpu.vector_load %arg6[%get3A_588, %get3A_589] {strides = array<i32>} : memref<256x128xf32, #tpu.memory_space<vmem>>, vector<1x16xf32>,
        %get3A_591 = vector.shape_cast %get3A_590 : vector<1x16xf32> to vector<16xf32>
        %add3A_592 = arith.addf %get3A_585, %get3A_591 : vector<16xf32>
        %add3A_593 = arith.addf %add3A_579, %add3A_592 : vector<16xf32>
        %swap3A_594 = arith.index_cast %scan3A_480 : i32 to index
        %swap3A_595 = arith.constant 48 : index
        %swap3A_596 = tpu.vector_load %arg6[%swap3A_594, %swap3A_595] {strides = array<i32>} : memref<256x128xf32, #tpu.memory_space<vmem>>, vector<1x16xf32>,
        %swap3A_597 = vector.shape_cast %swap3A_596 : vector<1x16xf32> to vector<16xf32>
        %swap3A_598 = vector.shape_cast %add3A_593 : vector<16xf32> to vector<1x16xf32>
        tpu.vector_store %arg6[%swap3A_594, %swap3A_595], %swap3A_598 {strides = array<i32>} : memref<256x128xf32, #tpu.memory_space<vmem>>, vector<1x16xf32>,
        %get3A_599 = arith.index_cast %scan3A_480 : i32 to index
        %get3A_600 = arith.constant 64 : index
        %get3A_601 = tpu.vector_load %arg6[%get3A_599, %get3A_600] {strides = array<i32>} : memref<256x128xf32, #tpu.memory_space<vmem>>, vector<1x16xf32>,
        %get3A_602 = vector.shape_cast %get3A_601 : vector<1x16xf32> to vector<16xf32>
        %add3A_603 = arith.constant 64 : i32
        %add3A_604 = arith.addi %add3A_603, %scan3A_480 : i32
        %get3A_605 = arith.index_cast %add3A_604 : i32 to index
        %get3A_606 = arith.constant 64 : index
        %get3A_607 = tpu.vector_load %arg6[%get3A_605, %get3A_606] {strides = array<i32>} : memref<256x128xf32, #tpu.memory_space<vmem>>, vector<1x16xf32>,
        %get3A_608 = vector.shape_cast %get3A_607 : vector<1x16xf32> to vector<16xf32>
        %add3A_609 = arith.addf %get3A_602, %get3A_608 : vector<16xf32>
        %add3A_610 = arith.constant 128 : i32
        %add3A_611 = arith.addi %add3A_610, %scan3A_480 : i32
        %get3A_612 = arith.index_cast %add3A_611 : i32 to index
        %get3A_613 = arith.constant 64 : index
        %get3A_614 = tpu.vector_load %arg6[%get3A_612, %get3A_613] {strides = array<i32>} : memref<256x128xf32, #tpu.memory_space<vmem>>, vector<1x16xf32>,
        %get3A_615 = vector.shape_cast %get3A_614 : vector<1x16xf32> to vector<16xf32>
        %add3A_616 = arith.constant 192 : i32
        %add3A_617 = arith.addi %add3A_616, %scan3A_480 : i32
        %get3A_618 = arith.index_cast %add3A_617 : i32 to index
        %get3A_619 = arith.constant 64 : index
        %get3A_620 = tpu.vector_load %arg6[%get3A_618, %get3A_619] {strides = array<i32>} : memref<256x128xf32, #tpu.memory_space<vmem>>, vector<1x16xf32>,
        %get3A_621 = vector.shape_cast %get3A_620 : vector<1x16xf32> to vector<16xf32>
        %add3A_622 = arith.addf %get3A_615, %get3A_621 : vector<16xf32>
        %add3A_623 = arith.addf %add3A_609, %add3A_622 : vector<16xf32>
        %swap3A_624 = arith.index_cast %scan3A_480 : i32 to index
        %swap3A_625 = arith.constant 64 : index
        %swap3A_626 = tpu.vector_load %arg6[%swap3A_624, %swap3A_625] {strides = array<i32>} : memref<256x128xf32, #tpu.memory_space<vmem>>, vector<1x16xf32>,
        %swap3A_627 = vector.shape_cast %swap3A_626 : vector<1x16xf32> to vector<16xf32>
        %swap3A_628 = vector.shape_cast %add3A_623 : vector<16xf32> to vector<1x16xf32>
        tpu.vector_store %arg6[%swap3A_624, %swap3A_625], %swap3A_628 {strides = array<i32>} : memref<256x128xf32, #tpu.memory_space<vmem>>, vector<1x16xf32>,
        %get3A_629 = arith.index_cast %scan3A_480 : i32 to index
        %get3A_630 = arith.constant 80 : index
        %get3A_631 = tpu.vector_load %arg6[%get3A_629, %get3A_630] {strides = array<i32>} : memref<256x128xf32, #tpu.memory_space<vmem>>, vector<1x16xf32>,
        %get3A_632 = vector.shape_cast %get3A_631 : vector<1x16xf32> to vector<16xf32>
        %add3A_633 = arith.constant 64 : i32
        %add3A_634 = arith.addi %add3A_633, %scan3A_480 : i32
        %get3A_635 = arith.index_cast %add3A_634 : i32 to index
        %get3A_636 = arith.constant 80 : index
        %get3A_637 = tpu.vector_load %arg6[%get3A_635, %get3A_636] {strides = array<i32>} : memref<256x128xf32, #tpu.memory_space<vmem>>, vector<1x16xf32>,
        %get3A_638 = vector.shape_cast %get3A_637 : vector<1x16xf32> to vector<16xf32>
        %add3A_639 = arith.addf %get3A_632, %get3A_638 : vector<16xf32>
        %add3A_640 = arith.constant 128 : i32
        %add3A_641 = arith.addi %add3A_640, %scan3A_480 : i32
        %get3A_642 = arith.index_cast %add3A_641 : i32 to index
        %get3A_643 = arith.constant 80 : index
        %get3A_644 = tpu.vector_load %arg6[%get3A_642, %get3A_643] {strides = array<i32>} : memref<256x128xf32, #tpu.memory_space<vmem>>, vector<1x16xf32>,
        %get3A_645 = vector.shape_cast %get3A_644 : vector<1x16xf32> to vector<16xf32>
        %add3A_646 = arith.constant 192 : i32
        %add3A_647 = arith.addi %add3A_646, %scan3A_480 : i32
        %get3A_648 = arith.index_cast %add3A_647 : i32 to index
        %get3A_649 = arith.constant 80 : index
        %get3A_650 = tpu.vector_load %arg6[%get3A_648, %get3A_649] {strides = array<i32>} : memref<256x128xf32, #tpu.memory_space<vmem>>, vector<1x16xf32>,
        %get3A_651 = vector.shape_cast %get3A_650 : vector<1x16xf32> to vector<16xf32>
        %add3A_652 = arith.addf %get3A_645, %get3A_651 : vector<16xf32>
        %add3A_653 = arith.addf %add3A_639, %add3A_652 : vector<16xf32>
        %swap3A_654 = arith.index_cast %scan3A_480 : i32 to index
        %swap3A_655 = arith.constant 80 : index
        %swap3A_656 = tpu.vector_load %arg6[%swap3A_654, %swap3A_655] {strides = array<i32>} : memref<256x128xf32, #tpu.memory_space<vmem>>, vector<1x16xf32>,
        %swap3A_657 = vector.shape_cast %swap3A_656 : vector<1x16xf32> to vector<16xf32>
        %swap3A_658 = vector.shape_cast %add3A_653 : vector<16xf32> to vector<1x16xf32>
        tpu.vector_store %arg6[%swap3A_654, %swap3A_655], %swap3A_658 {strides = array<i32>} : memref<256x128xf32, #tpu.memory_space<vmem>>, vector<1x16xf32>,
        %get3A_659 = arith.index_cast %scan3A_480 : i32 to index
        %get3A_660 = arith.constant 96 : index
        %get3A_661 = tpu.vector_load %arg6[%get3A_659, %get3A_660] {strides = array<i32>} : memref<256x128xf32, #tpu.memory_space<vmem>>, vector<1x16xf32>,
        %get3A_662 = vector.shape_cast %get3A_661 : vector<1x16xf32> to vector<16xf32>
        %add3A_663 = arith.constant 64 : i32
        %add3A_664 = arith.addi %add3A_663, %scan3A_480 : i32
        %get3A_665 = arith.index_cast %add3A_664 : i32 to index
        %get3A_666 = arith.constant 96 : index
        %get3A_667 = tpu.vector_load %arg6[%get3A_665, %get3A_666] {strides = array<i32>} : memref<256x128xf32, #tpu.memory_space<vmem>>, vector<1x16xf32>,
        %get3A_668 = vector.shape_cast %get3A_667 : vector<1x16xf32> to vector<16xf32>
        %add3A_669 = arith.addf %get3A_662, %get3A_668 : vector<16xf32>
        %add3A_670 = arith.constant 128 : i32
        %add3A_671 = arith.addi %add3A_670, %scan3A_480 : i32
        %get3A_672 = arith.index_cast %add3A_671 : i32 to index
        %get3A_673 = arith.constant 96 : index
        %get3A_674 = tpu.vector_load %arg6[%get3A_672, %get3A_673] {strides = array<i32>} : memref<256x128xf32, #tpu.memory_space<vmem>>, vector<1x16xf32>,
        %get3A_675 = vector.shape_cast %get3A_674 : vector<1x16xf32> to vector<16xf32>
        %add3A_676 = arith.constant 192 : i32
        %add3A_677 = arith.addi %add3A_676, %scan3A_480 : i32
        %get3A_678 = arith.index_cast %add3A_677 : i32 to index
        %get3A_679 = arith.constant 96 : index
        %get3A_680 = tpu.vector_load %arg6[%get3A_678, %get3A_679] {strides = array<i32>} : memref<256x128xf32, #tpu.memory_space<vmem>>, vector<1x16xf32>,
        %get3A_681 = vector.shape_cast %get3A_680 : vector<1x16xf32> to vector<16xf32>
        %add3A_682 = arith.addf %get3A_675, %get3A_681 : vector<16xf32>
        %add3A_683 = arith.addf %add3A_669, %add3A_682 : vector<16xf32>
        %swap3A_684 = arith.index_cast %scan3A_480 : i32 to index
        %swap3A_685 = arith.constant 96 : index
        %swap3A_686 = tpu.vector_load %arg6[%swap3A_684, %swap3A_685] {strides = array<i32>} : memref<256x128xf32, #tpu.memory_space<vmem>>, vector<1x16xf32>,
        %swap3A_687 = vector.shape_cast %swap3A_686 : vector<1x16xf32> to vector<16xf32>
        %swap3A_688 = vector.shape_cast %add3A_683 : vector<16xf32> to vector<1x16xf32>
        tpu.vector_store %arg6[%swap3A_684, %swap3A_685], %swap3A_688 {strides = array<i32>} : memref<256x128xf32, #tpu.memory_space<vmem>>, vector<1x16xf32>,
        %get3A_689 = arith.index_cast %scan3A_480 : i32 to index
        %get3A_690 = arith.constant 112 : index
        %get3A_691 = tpu.vector_load %arg6[%get3A_689, %get3A_690] {strides = array<i32>} : memref<256x128xf32, #tpu.memory_space<vmem>>, vector<1x16xf32>,
        %get3A_692 = vector.shape_cast %get3A_691 : vector<1x16xf32> to vector<16xf32>
        %add3A_693 = arith.constant 64 : i32
        %add3A_694 = arith.addi %add3A_693, %scan3A_480 : i32
        %get3A_695 = arith.index_cast %add3A_694 : i32 to index
        %get3A_696 = arith.constant 112 : index
        %get3A_697 = tpu.vector_load %arg6[%get3A_695, %get3A_696] {strides = array<i32>} : memref<256x128xf32, #tpu.memory_space<vmem>>, vector<1x16xf32>,
        %get3A_698 = vector.shape_cast %get3A_697 : vector<1x16xf32> to vector<16xf32>
        %add3A_699 = arith.addf %get3A_692, %get3A_698 : vector<16xf32>
        %add3A_700 = arith.constant 128 : i32
        %add3A_701 = arith.addi %add3A_700, %scan3A_480 : i32
        %get3A_702 = arith.index_cast %add3A_701 : i32 to index
        %get3A_703 = arith.constant 112 : index
        %get3A_704 = tpu.vector_load %arg6[%get3A_702, %get3A_703] {strides = array<i32>} : memref<256x128xf32, #tpu.memory_space<vmem>>, vector<1x16xf32>,
        %get3A_705 = vector.shape_cast %get3A_704 : vector<1x16xf32> to vector<16xf32>
        %add3A_706 = arith.constant 192 : i32
        %add3A_707 = arith.addi %add3A_706, %scan3A_480 : i32
        %get3A_708 = arith.index_cast %add3A_707 : i32 to index
        %get3A_709 = arith.constant 112 : index
        %get3A_710 = tpu.vector_load %arg6[%get3A_708, %get3A_709] {strides = array<i32>} : memref<256x128xf32, #tpu.memory_space<vmem>>, vector<1x16xf32>,
        %get3A_711 = vector.shape_cast %get3A_710 : vector<1x16xf32> to vector<16xf32>
        %add3A_712 = arith.addf %get3A_705, %get3A_711 : vector<16xf32>
        %add3A_713 = arith.addf %add3A_699, %add3A_712 : vector<16xf32>
        %swap3A_714 = arith.index_cast %scan3A_480 : i32 to index
        %swap3A_715 = arith.constant 112 : index
        %swap3A_716 = tpu.vector_load %arg6[%swap3A_714, %swap3A_715] {strides = array<i32>} : memref<256x128xf32, #tpu.memory_space<vmem>>, vector<1x16xf32>,
        %swap3A_717 = vector.shape_cast %swap3A_716 : vector<1x16xf32> to vector<16xf32>
        %swap3A_718 = vector.shape_cast %add3A_713 : vector<16xf32> to vector<1x16xf32>
        tpu.vector_store %arg6[%swap3A_714, %swap3A_715], %swap3A_718 {strides = array<i32>} : memref<256x128xf32, #tpu.memory_space<vmem>>, vector<1x16xf32>,
      }
      %scan3A_376 = arith.constant 64 : i32
      %mul3A_377 = arith.constant 64 : i32
      %mul3A_378 = arith.muli %mul3A_252, %mul3A_377 : i32
      %add3A_379 = arith.addi %mul3A_2, %mul3A_378 : i32
      %dma_start3A_380 = arith.constant 0 : i32
      %dma_start3A_381 = arith.constant 0 : i32
      %dma_start3A_382 = tpu.memref_slice %arg6[%dma_start3A_380, %dma_start3A_381] : memref<256x128xf32, #tpu.memory_space<vmem>> -> memref<64x128xf32, #tpu.memory_space<vmem>>
      %dma_start3A_383 = arith.constant 0 : i32
      %dma_start3A_384 = tpu.memref_slice %arg4[%add3A_379, %dma_start3A_383] : memref<204800x128xf32, #tpu.memory_space<hbm>> -> memref<64x128xf32, #tpu.memory_space<hbm>>
      %dma_start3A_385 = arith.constant 0 : i32
      %dma_start3A_386 = tpu.memref_slice %arg4[%add3A_379, %dma_start3A_385] : memref<204800x128xf32, #tpu.memory_space<hbm>> -> memref<64x128xf32, #tpu.memory_space<hbm>>
      %dma_start3A_387 = arith.constant 0 : i32
      %dma_start3A_388 = arith.constant 0 : i32
      %dma_start3A_389 = tpu.memref_slice %arg6[%dma_start3A_387, %dma_start3A_388] : memref<256x128xf32, #tpu.memory_space<vmem>> -> memref<64x128xf32, #tpu.memory_space<vmem>>
      tpu.enqueue_dma source(%dma_start3A_389 : memref<64x128xf32, #tpu.memory_space<vmem>>) target(%dma_start3A_386 : memref<64x128xf32, #tpu.memory_space<hbm>>) target_semaphore(%arg11 : memref<!tpu.dma_semaphore, #tpu.memory_space<semaphore_mem>>)
      %mul3A_390 = arith.constant 4 : i32
      %mul3A_391 = arith.muli %scan3A_248, %mul3A_390 : i32
      %add3A_392 = arith.constant 0 : i32
      %add3A_393 = arith.addi %mul3A_391, %add3A_392 : i32
      %dma_wait3A_394 = arith.constant 0 : i32
      %dma_wait3A_395 = arith.constant 0 : i32
      %dma_wait3A_396 = tpu.memref_slice %arg7[%dma_wait3A_394, %dma_wait3A_395] : memref<256x128xf32, #tpu.memory_space<vmem>> -> memref<64x128xf32, #tpu.memory_space<vmem>>
      %dma_wait3A_397 = arith.constant 64 : i32
      %dma_wait3A_398 = tpu.memref_slice %arg5[%add3A_393, %dma_wait3A_397] : memref<40x128xi32, #tpu.memory_space<vmem>> -> memref<1x64xi32, #tpu.memory_space<vmem>>
      %dma_wait3A_399 = tpu.memref_squeeze %dma_wait3A_398 : memref<1x64xi32, #tpu.memory_space<vmem>> -> memref<64xi32, #tpu.memory_space<vmem>>
      %dma_wait3A_400 = arith.constant 0 : i32
      %dma_wait3A_401 = arith.constant 0 : i32
      %dma_wait3A_402 = tpu.memref_slice %arg8[%dma_wait3A_400, %dma_wait3A_401] : memref<7391x128xf32, #tpu.memory_space<vmem_shared>> -> memref<7391x128xf32, #tpu.memory_space<vmem_shared>>
      tpu.wait_indirect_dma semaphore(%arg10 : memref<!tpu.dma_semaphore, #tpu.memory_space<semaphore_mem>>) src(%dma_wait3A_402 : memref<7391x128xf32, #tpu.memory_space<vmem_shared>>) dst(%dma_wait3A_396 : memref<64x128xf32, #tpu.memory_space<vmem>>)
      %mul3A_403 = arith.constant 4 : i32
      %mul3A_404 = arith.muli %scan3A_248, %mul3A_403 : i32
      %add3A_405 = arith.constant 1 : i32
      %add3A_406 = arith.addi %mul3A_404, %add3A_405 : i32
      %dma_wait3A_407 = arith.constant 64 : i32
      %dma_wait3A_408 = arith.constant 0 : i32
      %dma_wait3A_409 = tpu.memref_slice %arg7[%dma_wait3A_407, %dma_wait3A_408] : memref<256x128xf32, #tpu.memory_space<vmem>> -> memref<64x128xf32, #tpu.memory_space<vmem>>
      %dma_wait3A_410 = arith.constant 64 : i32
      %dma_wait3A_411 = tpu.memref_slice %arg5[%add3A_406, %dma_wait3A_410] : memref<40x128xi32, #tpu.memory_space<vmem>> -> memref<1x64xi32, #tpu.memory_space<vmem>>
      %dma_wait3A_412 = tpu.memref_squeeze %dma_wait3A_411 : memref<1x64xi32, #tpu.memory_space<vmem>> -> memref<64xi32, #tpu.memory_space<vmem>>
      %dma_wait3A_413 = arith.constant 0 : i32
      %dma_wait3A_414 = arith.constant 0 : i32
      %dma_wait3A_415 = tpu.memref_slice %arg8[%dma_wait3A_413, %dma_wait3A_414] : memref<7391x128xf32, #tpu.memory_space<vmem_shared>> -> memref<7391x128xf32, #tpu.memory_space<vmem_shared>>
      tpu.wait_indirect_dma semaphore(%arg10 : memref<!tpu.dma_semaphore, #tpu.memory_space<semaphore_mem>>) src(%dma_wait3A_415 : memref<7391x128xf32, #tpu.memory_space<vmem_shared>>) dst(%dma_wait3A_409 : memref<64x128xf32, #tpu.memory_space<vmem>>)
      %mul3A_416 = arith.constant 4 : i32
      %mul3A_417 = arith.muli %scan3A_248, %mul3A_416 : i32
      %add3A_418 = arith.constant 2 : i32
      %add3A_419 = arith.addi %mul3A_417, %add3A_418 : i32
      %dma_wait3A_420 = arith.constant 128 : i32
      %dma_wait3A_421 = arith.constant 0 : i32
      %dma_wait3A_422 = tpu.memref_slice %arg7[%dma_wait3A_420, %dma_wait3A_421] : memref<256x128xf32, #tpu.memory_space<vmem>> -> memref<64x128xf32, #tpu.memory_space<vmem>>
      %dma_wait3A_423 = arith.constant 64 : i32
      %dma_wait3A_424 = tpu.memref_slice %arg5[%add3A_419, %dma_wait3A_423] : memref<40x128xi32, #tpu.memory_space<vmem>> -> memref<1x64xi32, #tpu.memory_space<vmem>>
      %dma_wait3A_425 = tpu.memref_squeeze %dma_wait3A_424 : memref<1x64xi32, #tpu.memory_space<vmem>> -> memref<64xi32, #tpu.memory_space<vmem>>
      %dma_wait3A_426 = arith.constant 0 : i32
      %dma_wait3A_427 = arith.constant 0 : i32
      %dma_wait3A_428 = tpu.memref_slice %arg8[%dma_wait3A_426, %dma_wait3A_427] : memref<7391x128xf32, #tpu.memory_space<vmem_shared>> -> memref<7391x128xf32, #tpu.memory_space<vmem_shared>>
      tpu.wait_indirect_dma semaphore(%arg10 : memref<!tpu.dma_semaphore, #tpu.memory_space<semaphore_mem>>) src(%dma_wait3A_428 : memref<7391x128xf32, #tpu.memory_space<vmem_shared>>) dst(%dma_wait3A_422 : memref<64x128xf32, #tpu.memory_space<vmem>>)
      %mul3A_429 = arith.constant 4 : i32
      %mul3A_430 = arith.muli %scan3A_248, %mul3A_429 : i32
      %add3A_431 = arith.constant 3 : i32
      %add3A_432 = arith.addi %mul3A_430, %add3A_431 : i32
      %dma_wait3A_433 = arith.constant 192 : i32
      %dma_wait3A_434 = arith.constant 0 : i32
      %dma_wait3A_435 = tpu.memref_slice %arg7[%dma_wait3A_433, %dma_wait3A_434] : memref<256x128xf32, #tpu.memory_space<vmem>> -> memref<64x128xf32, #tpu.memory_space<vmem>>
      %dma_wait3A_436 = arith.constant 64 : i32
      %dma_wait3A_437 = tpu.memref_slice %arg5[%add3A_432, %dma_wait3A_436] : memref<40x128xi32, #tpu.memory_space<vmem>> -> memref<1x64xi32, #tpu.memory_space<vmem>>
      %dma_wait3A_438 = tpu.memref_squeeze %dma_wait3A_437 : memref<1x64xi32, #tpu.memory_space<vmem>> -> memref<64xi32, #tpu.memory_space<vmem>>
      %dma_wait3A_439 = arith.constant 0 : i32
      %dma_wait3A_440 = arith.constant 0 : i32
      %dma_wait3A_441 = tpu.memref_slice %arg8[%dma_wait3A_439, %dma_wait3A_440] : memref<7391x128xf32, #tpu.memory_space<vmem_shared>> -> memref<7391x128xf32, #tpu.memory_space<vmem_shared>>
      tpu.wait_indirect_dma semaphore(%arg10 : memref<!tpu.dma_semaphore, #tpu.memory_space<semaphore_mem>>) src(%dma_wait3A_441 : memref<7391x128xf32, #tpu.memory_space<vmem_shared>>) dst(%dma_wait3A_435 : memref<64x128xf32, #tpu.memory_space<vmem>>)
      %scan3A_442 = arith.constant 0 : i32
      %scan3A_443 = arith.constant 0 : i32
      %scan3A_444 = arith.constant 64 : i32
      %scan3A_445 = arith.addi %scan3A_443, %scan3A_444 : i32
      %scan3A_446 = arith.constant 1 : i32
      scf.for %scan3A_480 = %scan3A_443 to %scan3A_445 step %scan3A_446  : i32 {
        %get3A = arith.index_cast %scan3A_480 : i32 to index
        %get3A_481 = arith.constant 0 : index
        %get3A_482 = tpu.vector_load %arg7[%get3A, %get3A_481] {strides = array<i32>} : memref<256x128xf32, #tpu.memory_space<vmem>>, vector<1x16xf32>,
        %get3A_483 = vector.shape_cast %get3A_482 : vector<1x16xf32> to vector<16xf32>
        %add3A_484 = arith.constant 64 : i32
        %add3A_485 = arith.addi %add3A_484, %scan3A_480 : i32
        %get3A_486 = arith.index_cast %add3A_485 : i32 to index
        %get3A_487 = arith.constant 0 : index
        %get3A_488 = tpu.vector_load %arg7[%get3A_486, %get3A_487] {strides = array<i32>} : memref<256x128xf32, #tpu.memory_space<vmem>>, vector<1x16xf32>,
        %get3A_489 = vector.shape_cast %get3A_488 : vector<1x16xf32> to vector<16xf32>
        %add3A_490 = arith.addf %get3A_483, %get3A_489 : vector<16xf32>
        %add3A_491 = arith.constant 128 : i32
        %add3A_492 = arith.addi %add3A_491, %scan3A_480 : i32
        %get3A_493 = arith.index_cast %add3A_492 : i32 to index
        %get3A_494 = arith.constant 0 : index
        %get3A_495 = tpu.vector_load %arg7[%get3A_493, %get3A_494] {strides = array<i32>} : memref<256x128xf32, #tpu.memory_space<vmem>>, vector<1x16xf32>,
        %get3A_496 = vector.shape_cast %get3A_495 : vector<1x16xf32> to vector<16xf32>
        %add3A_497 = arith.constant 192 : i32
        %add3A_498 = arith.addi %add3A_497, %scan3A_480 : i32
        %get3A_499 = arith.index_cast %add3A_498 : i32 to index
        %get3A_500 = arith.constant 0 : index
        %get3A_501 = tpu.vector_load %arg7[%get3A_499, %get3A_500] {strides = array<i32>} : memref<256x128xf32, #tpu.memory_space<vmem>>, vector<1x16xf32>,
        %get3A_502 = vector.shape_cast %get3A_501 : vector<1x16xf32> to vector<16xf32>
        %add3A_503 = arith.addf %get3A_496, %get3A_502 : vector<16xf32>
        %add3A_504 = arith.addf %add3A_490, %add3A_503 : vector<16xf32>
        %swap3A = arith.index_cast %scan3A_480 : i32 to index
        %swap3A_505 = arith.constant 0 : index
        %swap3A_506 = tpu.vector_load %arg7[%swap3A, %swap3A_505] {strides = array<i32>} : memref<256x128xf32, #tpu.memory_space<vmem>>, vector<1x16xf32>,
        %swap3A_507 = vector.shape_cast %swap3A_506 : vector<1x16xf32> to vector<16xf32>
        %swap3A_508 = vector.shape_cast %add3A_504 : vector<16xf32> to vector<1x16xf32>
        tpu.vector_store %arg7[%swap3A, %swap3A_505], %swap3A_508 {strides = array<i32>} : memref<256x128xf32, #tpu.memory_space<vmem>>, vector<1x16xf32>,
        %get3A_509 = arith.index_cast %scan3A_480 : i32 to index
        %get3A_510 = arith.constant 16 : index
        %get3A_511 = tpu.vector_load %arg7[%get3A_509, %get3A_510] {strides = array<i32>} : memref<256x128xf32, #tpu.memory_space<vmem>>, vector<1x16xf32>,
        %get3A_512 = vector.shape_cast %get3A_511 : vector<1x16xf32> to vector<16xf32>
        %add3A_513 = arith.constant 64 : i32
        %add3A_514 = arith.addi %add3A_513, %scan3A_480 : i32
        %get3A_515 = arith.index_cast %add3A_514 : i32 to index
        %get3A_516 = arith.constant 16 : index
        %get3A_517 = tpu.vector_load %arg7[%get3A_515, %get3A_516] {strides = array<i32>} : memref<256x128xf32, #tpu.memory_space<vmem>>, vector<1x16xf32>,
        %get3A_518 = vector.shape_cast %get3A_517 : vector<1x16xf32> to vector<16xf32>
        %add3A_519 = arith.addf %get3A_512, %get3A_518 : vector<16xf32>
        %add3A_520 = arith.constant 128 : i32
        %add3A_521 = arith.addi %add3A_520, %scan3A_480 : i32
        %get3A_522 = arith.index_cast %add3A_521 : i32 to index
        %get3A_523 = arith.constant 16 : index
        %get3A_524 = tpu.vector_load %arg7[%get3A_522, %get3A_523] {strides = array<i32>} : memref<256x128xf32, #tpu.memory_space<vmem>>, vector<1x16xf32>,
        %get3A_525 = vector.shape_cast %get3A_524 : vector<1x16xf32> to vector<16xf32>
        %add3A_526 = arith.constant 192 : i32
        %add3A_527 = arith.addi %add3A_526, %scan3A_480 : i32
        %get3A_528 = arith.index_cast %add3A_527 : i32 to index
        %get3A_529 = arith.constant 16 : index
        %get3A_530 = tpu.vector_load %arg7[%get3A_528, %get3A_529] {strides = array<i32>} : memref<256x128xf32, #tpu.memory_space<vmem>>, vector<1x16xf32>,
        %get3A_531 = vector.shape_cast %get3A_530 : vector<1x16xf32> to vector<16xf32>
        %add3A_532 = arith.addf %get3A_525, %get3A_531 : vector<16xf32>
        %add3A_533 = arith.addf %add3A_519, %add3A_532 : vector<16xf32>
        %swap3A_534 = arith.index_cast %scan3A_480 : i32 to index
        %swap3A_535 = arith.constant 16 : index
        %swap3A_536 = tpu.vector_load %arg7[%swap3A_534, %swap3A_535] {strides = array<i32>} : memref<256x128xf32, #tpu.memory_space<vmem>>, vector<1x16xf32>,
        %swap3A_537 = vector.shape_cast %swap3A_536 : vector<1x16xf32> to vector<16xf32>
        %swap3A_538 = vector.shape_cast %add3A_533 : vector<16xf32> to vector<1x16xf32>
        tpu.vector_store %arg7[%swap3A_534, %swap3A_535], %swap3A_538 {strides = array<i32>} : memref<256x128xf32, #tpu.memory_space<vmem>>, vector<1x16xf32>,
        %get3A_539 = arith.index_cast %scan3A_480 : i32 to index
        %get3A_540 = arith.constant 32 : index
        %get3A_541 = tpu.vector_load %arg7[%get3A_539, %get3A_540] {strides = array<i32>} : memref<256x128xf32, #tpu.memory_space<vmem>>, vector<1x16xf32>,
        %get3A_542 = vector.shape_cast %get3A_541 : vector<1x16xf32> to vector<16xf32>
        %add3A_543 = arith.constant 64 : i32
        %add3A_544 = arith.addi %add3A_543, %scan3A_480 : i32
        %get3A_545 = arith.index_cast %add3A_544 : i32 to index
        %get3A_546 = arith.constant 32 : index
        %get3A_547 = tpu.vector_load %arg7[%get3A_545, %get3A_546] {strides = array<i32>} : memref<256x128xf32, #tpu.memory_space<vmem>>, vector<1x16xf32>,
        %get3A_548 = vector.shape_cast %get3A_547 : vector<1x16xf32> to vector<16xf32>
        %add3A_549 = arith.addf %get3A_542, %get3A_548 : vector<16xf32>
        %add3A_550 = arith.constant 128 : i32
        %add3A_551 = arith.addi %add3A_550, %scan3A_480 : i32
        %get3A_552 = arith.index_cast %add3A_551 : i32 to index
        %get3A_553 = arith.constant 32 : index
        %get3A_554 = tpu.vector_load %arg7[%get3A_552, %get3A_553] {strides = array<i32>} : memref<256x128xf32, #tpu.memory_space<vmem>>, vector<1x16xf32>,
        %get3A_555 = vector.shape_cast %get3A_554 : vector<1x16xf32> to vector<16xf32>
        %add3A_556 = arith.constant 192 : i32
        %add3A_557 = arith.addi %add3A_556, %scan3A_480 : i32
        %get3A_558 = arith.index_cast %add3A_557 : i32 to index
        %get3A_559 = arith.constant 32 : index
        %get3A_560 = tpu.vector_load %arg7[%get3A_558, %get3A_559] {strides = array<i32>} : memref<256x128xf32, #tpu.memory_space<vmem>>, vector<1x16xf32>,
        %get3A_561 = vector.shape_cast %get3A_560 : vector<1x16xf32> to vector<16xf32>
        %add3A_562 = arith.addf %get3A_555, %get3A_561 : vector<16xf32>
        %add3A_563 = arith.addf %add3A_549, %add3A_562 : vector<16xf32>
        %swap3A_564 = arith.index_cast %scan3A_480 : i32 to index
        %swap3A_565 = arith.constant 32 : index
        %swap3A_566 = tpu.vector_load %arg7[%swap3A_564, %swap3A_565] {strides = array<i32>} : memref<256x128xf32, #tpu.memory_space<vmem>>, vector<1x16xf32>,
        %swap3A_567 = vector.shape_cast %swap3A_566 : vector<1x16xf32> to vector<16xf32>
        %swap3A_568 = vector.shape_cast %add3A_563 : vector<16xf32> to vector<1x16xf32>
        tpu.vector_store %arg7[%swap3A_564, %swap3A_565], %swap3A_568 {strides = array<i32>} : memref<256x128xf32, #tpu.memory_space<vmem>>, vector<1x16xf32>,
        %get3A_569 = arith.index_cast %scan3A_480 : i32 to index
        %get3A_570 = arith.constant 48 : index
        %get3A_571 = tpu.vector_load %arg7[%get3A_569, %get3A_570] {strides = array<i32>} : memref<256x128xf32, #tpu.memory_space<vmem>>, vector<1x16xf32>,
        %get3A_572 = vector.shape_cast %get3A_571 : vector<1x16xf32> to vector<16xf32>
        %add3A_573 = arith.constant 64 : i32
        %add3A_574 = arith.addi %add3A_573, %scan3A_480 : i32
        %get3A_575 = arith.index_cast %add3A_574 : i32 to index
        %get3A_576 = arith.constant 48 : index
        %get3A_577 = tpu.vector_load %arg7[%get3A_575, %get3A_576] {strides = array<i32>} : memref<256x128xf32, #tpu.memory_space<vmem>>, vector<1x16xf32>,
        %get3A_578 = vector.shape_cast %get3A_577 : vector<1x16xf32> to vector<16xf32>
        %add3A_579 = arith.addf %get3A_572, %get3A_578 : vector<16xf32>
        %add3A_580 = arith.constant 128 : i32
        %add3A_581 = arith.addi %add3A_580, %scan3A_480 : i32
        %get3A_582 = arith.index_cast %add3A_581 : i32 to index
        %get3A_583 = arith.constant 48 : index
        %get3A_584 = tpu.vector_load %arg7[%get3A_582, %get3A_583] {strides = array<i32>} : memref<256x128xf32, #tpu.memory_space<vmem>>, vector<1x16xf32>,
        %get3A_585 = vector.shape_cast %get3A_584 : vector<1x16xf32> to vector<16xf32>
        %add3A_586 = arith.constant 192 : i32
        %add3A_587 = arith.addi %add3A_586, %scan3A_480 : i32
        %get3A_588 = arith.index_cast %add3A_587 : i32 to index
        %get3A_589 = arith.constant 48 : index
        %get3A_590 = tpu.vector_load %arg7[%get3A_588, %get3A_589] {strides = array<i32>} : memref<256x128xf32, #tpu.memory_space<vmem>>, vector<1x16xf32>,
        %get3A_591 = vector.shape_cast %get3A_590 : vector<1x16xf32> to vector<16xf32>
        %add3A_592 = arith.addf %get3A_585, %get3A_591 : vector<16xf32>
        %add3A_593 = arith.addf %add3A_579, %add3A_592 : vector<16xf32>
        %swap3A_594 = arith.index_cast %scan3A_480 : i32 to index
        %swap3A_595 = arith.constant 48 : index
        %swap3A_596 = tpu.vector_load %arg7[%swap3A_594, %swap3A_595] {strides = array<i32>} : memref<256x128xf32, #tpu.memory_space<vmem>>, vector<1x16xf32>,
        %swap3A_597 = vector.shape_cast %swap3A_596 : vector<1x16xf32> to vector<16xf32>
        %swap3A_598 = vector.shape_cast %add3A_593 : vector<16xf32> to vector<1x16xf32>
        tpu.vector_store %arg7[%swap3A_594, %swap3A_595], %swap3A_598 {strides = array<i32>} : memref<256x128xf32, #tpu.memory_space<vmem>>, vector<1x16xf32>,
        %get3A_599 = arith.index_cast %scan3A_480 : i32 to index
        %get3A_600 = arith.constant 64 : index
        %get3A_601 = tpu.vector_load %arg7[%get3A_599, %get3A_600] {strides = array<i32>} : memref<256x128xf32, #tpu.memory_space<vmem>>, vector<1x16xf32>,
        %get3A_602 = vector.shape_cast %get3A_601 : vector<1x16xf32> to vector<16xf32>
        %add3A_603 = arith.constant 64 : i32
        %add3A_604 = arith.addi %add3A_603, %scan3A_480 : i32
        %get3A_605 = arith.index_cast %add3A_604 : i32 to index
        %get3A_606 = arith.constant 64 : index
        %get3A_607 = tpu.vector_load %arg7[%get3A_605, %get3A_606] {strides = array<i32>} : memref<256x128xf32, #tpu.memory_space<vmem>>, vector<1x16xf32>,
        %get3A_608 = vector.shape_cast %get3A_607 : vector<1x16xf32> to vector<16xf32>
        %add3A_609 = arith.addf %get3A_602, %get3A_608 : vector<16xf32>
        %add3A_610 = arith.constant 128 : i32
        %add3A_611 = arith.addi %add3A_610, %scan3A_480 : i32
        %get3A_612 = arith.index_cast %add3A_611 : i32 to index
        %get3A_613 = arith.constant 64 : index
        %get3A_614 = tpu.vector_load %arg7[%get3A_612, %get3A_613] {strides = array<i32>} : memref<256x128xf32, #tpu.memory_space<vmem>>, vector<1x16xf32>,
        %get3A_615 = vector.shape_cast %get3A_614 : vector<1x16xf32> to vector<16xf32>
        %add3A_616 = arith.constant 192 : i32
        %add3A_617 = arith.addi %add3A_616, %scan3A_480 : i32
        %get3A_618 = arith.index_cast %add3A_617 : i32 to index
        %get3A_619 = arith.constant 64 : index
        %get3A_620 = tpu.vector_load %arg7[%get3A_618, %get3A_619] {strides = array<i32>} : memref<256x128xf32, #tpu.memory_space<vmem>>, vector<1x16xf32>,
        %get3A_621 = vector.shape_cast %get3A_620 : vector<1x16xf32> to vector<16xf32>
        %add3A_622 = arith.addf %get3A_615, %get3A_621 : vector<16xf32>
        %add3A_623 = arith.addf %add3A_609, %add3A_622 : vector<16xf32>
        %swap3A_624 = arith.index_cast %scan3A_480 : i32 to index
        %swap3A_625 = arith.constant 64 : index
        %swap3A_626 = tpu.vector_load %arg7[%swap3A_624, %swap3A_625] {strides = array<i32>} : memref<256x128xf32, #tpu.memory_space<vmem>>, vector<1x16xf32>,
        %swap3A_627 = vector.shape_cast %swap3A_626 : vector<1x16xf32> to vector<16xf32>
        %swap3A_628 = vector.shape_cast %add3A_623 : vector<16xf32> to vector<1x16xf32>
        tpu.vector_store %arg7[%swap3A_624, %swap3A_625], %swap3A_628 {strides = array<i32>} : memref<256x128xf32, #tpu.memory_space<vmem>>, vector<1x16xf32>,
        %get3A_629 = arith.index_cast %scan3A_480 : i32 to index
        %get3A_630 = arith.constant 80 : index
        %get3A_631 = tpu.vector_load %arg7[%get3A_629, %get3A_630] {strides = array<i32>} : memref<256x128xf32, #tpu.memory_space<vmem>>, vector<1x16xf32>,
        %get3A_632 = vector.shape_cast %get3A_631 : vector<1x16xf32> to vector<16xf32>
        %add3A_633 = arith.constant 64 : i32
        %add3A_634 = arith.addi %add3A_633, %scan3A_480 : i32
        %get3A_635 = arith.index_cast %add3A_634 : i32 to index
        %get3A_636 = arith.constant 80 : index
        %get3A_637 = tpu.vector_load %arg7[%get3A_635, %get3A_636] {strides = array<i32>} : memref<256x128xf32, #tpu.memory_space<vmem>>, vector<1x16xf32>,
        %get3A_638 = vector.shape_cast %get3A_637 : vector<1x16xf32> to vector<16xf32>
        %add3A_639 = arith.addf %get3A_632, %get3A_638 : vector<16xf32>
        %add3A_640 = arith.constant 128 : i32
        %add3A_641 = arith.addi %add3A_640, %scan3A_480 : i32
        %get3A_642 = arith.index_cast %add3A_641 : i32 to index
        %get3A_643 = arith.constant 80 : index
        %get3A_644 = tpu.vector_load %arg7[%get3A_642, %get3A_643] {strides = array<i32>} : memref<256x128xf32, #tpu.memory_space<vmem>>, vector<1x16xf32>,
        %get3A_645 = vector.shape_cast %get3A_644 : vector<1x16xf32> to vector<16xf32>
        %add3A_646 = arith.constant 192 : i32
        %add3A_647 = arith.addi %add3A_646, %scan3A_480 : i32
        %get3A_648 = arith.index_cast %add3A_647 : i32 to index
        %get3A_649 = arith.constant 80 : index
        %get3A_650 = tpu.vector_load %arg7[%get3A_648, %get3A_649] {strides = array<i32>} : memref<256x128xf32, #tpu.memory_space<vmem>>, vector<1x16xf32>,
        %get3A_651 = vector.shape_cast %get3A_650 : vector<1x16xf32> to vector<16xf32>
        %add3A_652 = arith.addf %get3A_645, %get3A_651 : vector<16xf32>
        %add3A_653 = arith.addf %add3A_639, %add3A_652 : vector<16xf32>
        %swap3A_654 = arith.index_cast %scan3A_480 : i32 to index
        %swap3A_655 = arith.constant 80 : index
        %swap3A_656 = tpu.vector_load %arg7[%swap3A_654, %swap3A_655] {strides = array<i32>} : memref<256x128xf32, #tpu.memory_space<vmem>>, vector<1x16xf32>,
        %swap3A_657 = vector.shape_cast %swap3A_656 : vector<1x16xf32> to vector<16xf32>
        %swap3A_658 = vector.shape_cast %add3A_653 : vector<16xf32> to vector<1x16xf32>
        tpu.vector_store %arg7[%swap3A_654, %swap3A_655], %swap3A_658 {strides = array<i32>} : memref<256x128xf32, #tpu.memory_space<vmem>>, vector<1x16xf32>,
        %get3A_659 = arith.index_cast %scan3A_480 : i32 to index
        %get3A_660 = arith.constant 96 : index
        %get3A_661 = tpu.vector_load %arg7[%get3A_659, %get3A_660] {strides = array<i32>} : memref<256x128xf32, #tpu.memory_space<vmem>>, vector<1x16xf32>,
        %get3A_662 = vector.shape_cast %get3A_661 : vector<1x16xf32> to vector<16xf32>
        %add3A_663 = arith.constant 64 : i32
        %add3A_664 = arith.addi %add3A_663, %scan3A_480 : i32
        %get3A_665 = arith.index_cast %add3A_664 : i32 to index
        %get3A_666 = arith.constant 96 : index
        %get3A_667 = tpu.vector_load %arg7[%get3A_665, %get3A_666] {strides = array<i32>} : memref<256x128xf32, #tpu.memory_space<vmem>>, vector<1x16xf32>,
        %get3A_668 = vector.shape_cast %get3A_667 : vector<1x16xf32> to vector<16xf32>
        %add3A_669 = arith.addf %get3A_662, %get3A_668 : vector<16xf32>
        %add3A_670 = arith.constant 128 : i32
        %add3A_671 = arith.addi %add3A_670, %scan3A_480 : i32
        %get3A_672 = arith.index_cast %add3A_671 : i32 to index
        %get3A_673 = arith.constant 96 : index
        %get3A_674 = tpu.vector_load %arg7[%get3A_672, %get3A_673] {strides = array<i32>} : memref<256x128xf32, #tpu.memory_space<vmem>>, vector<1x16xf32>,
        %get3A_675 = vector.shape_cast %get3A_674 : vector<1x16xf32> to vector<16xf32>
        %add3A_676 = arith.constant 192 : i32
        %add3A_677 = arith.addi %add3A_676, %scan3A_480 : i32
        %get3A_678 = arith.index_cast %add3A_677 : i32 to index
        %get3A_679 = arith.constant 96 : index
        %get3A_680 = tpu.vector_load %arg7[%get3A_678, %get3A_679] {strides = array<i32>} : memref<256x128xf32, #tpu.memory_space<vmem>>, vector<1x16xf32>,
        %get3A_681 = vector.shape_cast %get3A_680 : vector<1x16xf32> to vector<16xf32>
        %add3A_682 = arith.addf %get3A_675, %get3A_681 : vector<16xf32>
        %add3A_683 = arith.addf %add3A_669, %add3A_682 : vector<16xf32>
        %swap3A_684 = arith.index_cast %scan3A_480 : i32 to index
        %swap3A_685 = arith.constant 96 : index
        %swap3A_686 = tpu.vector_load %arg7[%swap3A_684, %swap3A_685] {strides = array<i32>} : memref<256x128xf32, #tpu.memory_space<vmem>>, vector<1x16xf32>,
        %swap3A_687 = vector.shape_cast %swap3A_686 : vector<1x16xf32> to vector<16xf32>
        %swap3A_688 = vector.shape_cast %add3A_683 : vector<16xf32> to vector<1x16xf32>
        tpu.vector_store %arg7[%swap3A_684, %swap3A_685], %swap3A_688 {strides = array<i32>} : memref<256x128xf32, #tpu.memory_space<vmem>>, vector<1x16xf32>,
        %get3A_689 = arith.index_cast %scan3A_480 : i32 to index
        %get3A_690 = arith.constant 112 : index
        %get3A_691 = tpu.vector_load %arg7[%get3A_689, %get3A_690] {strides = array<i32>} : memref<256x128xf32, #tpu.memory_space<vmem>>, vector<1x16xf32>,
        %get3A_692 = vector.shape_cast %get3A_691 : vector<1x16xf32> to vector<16xf32>
        %add3A_693 = arith.constant 64 : i32
        %add3A_694 = arith.addi %add3A_693, %scan3A_480 : i32
        %get3A_695 = arith.index_cast %add3A_694 : i32 to index
        %get3A_696 = arith.constant 112 : index
        %get3A_697 = tpu.vector_load %arg7[%get3A_695, %get3A_696] {strides = array<i32>} : memref<256x128xf32, #tpu.memory_space<vmem>>, vector<1x16xf32>,
        %get3A_698 = vector.shape_cast %get3A_697 : vector<1x16xf32> to vector<16xf32>
        %add3A_699 = arith.addf %get3A_692, %get3A_698 : vector<16xf32>
        %add3A_700 = arith.constant 128 : i32
        %add3A_701 = arith.addi %add3A_700, %scan3A_480 : i32
        %get3A_702 = arith.index_cast %add3A_701 : i32 to index
        %get3A_703 = arith.constant 112 : index
        %get3A_704 = tpu.vector_load %arg7[%get3A_702, %get3A_703] {strides = array<i32>} : memref<256x128xf32, #tpu.memory_space<vmem>>, vector<1x16xf32>,
        %get3A_705 = vector.shape_cast %get3A_704 : vector<1x16xf32> to vector<16xf32>
        %add3A_706 = arith.constant 192 : i32
        %add3A_707 = arith.addi %add3A_706, %scan3A_480 : i32
        %get3A_708 = arith.index_cast %add3A_707 : i32 to index
        %get3A_709 = arith.constant 112 : index
        %get3A_710 = tpu.vector_load %arg7[%get3A_708, %get3A_709] {strides = array<i32>} : memref<256x128xf32, #tpu.memory_space<vmem>>, vector<1x16xf32>,
        %get3A_711 = vector.shape_cast %get3A_710 : vector<1x16xf32> to vector<16xf32>
        %add3A_712 = arith.addf %get3A_705, %get3A_711 : vector<16xf32>
        %add3A_713 = arith.addf %add3A_699, %add3A_712 : vector<16xf32>
        %swap3A_714 = arith.index_cast %scan3A_480 : i32 to index
        %swap3A_715 = arith.constant 112 : index
        %swap3A_716 = tpu.vector_load %arg7[%swap3A_714, %swap3A_715] {strides = array<i32>} : memref<256x128xf32, #tpu.memory_space<vmem>>, vector<1x16xf32>,
        %swap3A_717 = vector.shape_cast %swap3A_716 : vector<1x16xf32> to vector<16xf32>
        %swap3A_718 = vector.shape_cast %add3A_713 : vector<16xf32> to vector<1x16xf32>
        tpu.vector_store %arg7[%swap3A_714, %swap3A_715], %swap3A_718 {strides = array<i32>} : memref<256x128xf32, #tpu.memory_space<vmem>>, vector<1x16xf32>,
      }
      %scan3A_447 = arith.constant 64 : i32
      %add3A_448 = arith.constant 1 : i32
      %add3A_449 = arith.addi %mul3A_252, %add3A_448 : i32
      %mul3A_450 = arith.constant 64 : i32
      %mul3A_451 = arith.muli %add3A_449, %mul3A_450 : i32
      %add3A_452 = arith.addi %mul3A_2, %mul3A_451 : i32
      %dma_start3A_453 = arith.constant 0 : i32
      %dma_start3A_454 = arith.constant 0 : i32
      %dma_start3A_455 = tpu.memref_slice %arg7[%dma_start3A_453, %dma_start3A_454] : memref<256x128xf32, #tpu.memory_space<vmem>> -> memref<64x128xf32, #tpu.memory_space<vmem>>
      %dma_start3A_456 = arith.constant 0 : i32
      %dma_start3A_457 = tpu.memref_slice %arg4[%add3A_452, %dma_start3A_456] : memref<204800x128xf32, #tpu.memory_space<hbm>> -> memref<64x128xf32, #tpu.memory_space<hbm>>
      %dma_start3A_458 = arith.constant 0 : i32
      %dma_start3A_459 = tpu.memref_slice %arg4[%add3A_452, %dma_start3A_458] : memref<204800x128xf32, #tpu.memory_space<hbm>> -> memref<64x128xf32, #tpu.memory_space<hbm>>
      %dma_start3A_460 = arith.constant 0 : i32
      %dma_start3A_461 = arith.constant 0 : i32
      %dma_start3A_462 = tpu.memref_slice %arg7[%dma_start3A_460, %dma_start3A_461] : memref<256x128xf32, #tpu.memory_space<vmem>> -> memref<64x128xf32, #tpu.memory_space<vmem>>
      tpu.enqueue_dma source(%dma_start3A_462 : memref<64x128xf32, #tpu.memory_space<vmem>>) target(%dma_start3A_459 : memref<64x128xf32, #tpu.memory_space<hbm>>) target_semaphore(%arg12 : memref<!tpu.dma_semaphore, #tpu.memory_space<semaphore_mem>>)
      %mul3A_463 = arith.constant 64 : i32
      %mul3A_464 = arith.muli %mul3A_252, %mul3A_463 : i32
      %add3A_465 = arith.addi %mul3A_2, %mul3A_464 : i32
      %dma_wait3A_466 = arith.constant 0 : i32
      %dma_wait3A_467 = arith.constant 0 : i32
      %dma_wait3A_468 = tpu.memref_slice %arg6[%dma_wait3A_466, %dma_wait3A_467] : memref<256x128xf32, #tpu.memory_space<vmem>> -> memref<64x128xf32, #tpu.memory_space<vmem>>
      %dma_wait3A_469 = arith.constant 0 : i32
      %dma_wait3A_470 = tpu.memref_slice %arg4[%add3A_465, %dma_wait3A_469] : memref<204800x128xf32, #tpu.memory_space<hbm>> -> memref<64x128xf32, #tpu.memory_space<hbm>>
      %dma_wait3A_471 = arith.constant 0 : i32
      %dma_wait3A_472 = tpu.memref_slice %arg4[%add3A_465, %dma_wait3A_471] : memref<204800x128xf32, #tpu.memory_space<hbm>> -> memref<64x128xf32, #tpu.memory_space<hbm>>
      %dma_wait3A_473 = arith.constant 0 : i32
      %dma_wait3A_474 = arith.constant 0 : i32
      %dma_wait3A_475 = tpu.memref_slice %arg6[%dma_wait3A_473, %dma_wait3A_474] : memref<256x128xf32, #tpu.memory_space<vmem>> -> memref<64x128xf32, #tpu.memory_space<vmem>>
      tpu.wait_dma2 semaphore(%arg11 : memref<!tpu.dma_semaphore, #tpu.memory_space<semaphore_mem>>) src(%dma_wait3A_475 : memref<64x128xf32, #tpu.memory_space<vmem>>) dst(%dma_wait3A_472 : memref<64x128xf32, #tpu.memory_space<hbm>>)
      %lt3A = arith.constant 9 : i32
      %lt3A_476 = arith.cmpi slt, %scan3A_248, %lt3A : i32
      %convert_element_type3A_477 = arith.extui %lt3A_476 : i1 to i32
      %cond3A_478 = arith.constant 0 : i32
      %cond3A_479 = arith.cmpi ne, %convert_element_type3A_477, %cond3A_478 : i32
      scf.if %cond3A_479 {
        %add3A_480 = arith.constant 1 : i32
        %add3A_481 = arith.addi %scan3A_248, %add3A_480 : i32
        %mul3A_482 = arith.constant 4 : i32
        %mul3A_483 = arith.muli %add3A_481, %mul3A_482 : i32
        %add3A_484 = arith.constant 0 : i32
        %add3A_485 = arith.addi %mul3A_483, %add3A_484 : i32
        %dma_start3A_486 = arith.constant 0 : i32
        %dma_start3A_487 = arith.constant 0 : i32
        %dma_start3A_488 = tpu.memref_slice %arg6[%dma_start3A_486, %dma_start3A_487] : memref<256x128xf32, #tpu.memory_space<vmem>> -> memref<64x128xf32, #tpu.memory_space<vmem>>
        %dma_start3A_489 = arith.constant 0 : i32
        %dma_start3A_490 = tpu.memref_slice %arg5[%add3A_485, %dma_start3A_489] : memref<40x128xi32, #tpu.memory_space<vmem>> -> memref<1x64xi32, #tpu.memory_space<vmem>>
        %dma_start3A_491 = tpu.memref_squeeze %dma_start3A_490 : memref<1x64xi32, #tpu.memory_space<vmem>> -> memref<64xi32, #tpu.memory_space<vmem>>
        %dma_start3A_492 = arith.constant 0 : i32
        %dma_start3A_493 = arith.constant 0 : i32
        %dma_start3A_494 = tpu.memref_slice %arg8[%dma_start3A_492, %dma_start3A_493] : memref<7391x128xf32, #tpu.memory_space<vmem_shared>> -> memref<7391x128xf32, #tpu.memory_space<vmem_shared>>
        tpu.enqueue_indirect_dma source(%dma_start3A_494 : memref<7391x128xf32, #tpu.memory_space<vmem_shared>>) target(%dma_start3A_488 : memref<64x128xf32, #tpu.memory_space<vmem>>) offsets(%dma_start3A_491 : memref<64xi32, #tpu.memory_space<vmem>>) semaphore(%arg9 : memref<!tpu.dma_semaphore, #tpu.memory_space<semaphore_mem>>)
        %mul3A_495 = arith.constant 4 : i32
        %mul3A_496 = arith.muli %add3A_481, %mul3A_495 : i32
        %add3A_497 = arith.constant 1 : i32
        %add3A_498 = arith.addi %mul3A_496, %add3A_497 : i32
        %dma_start3A_499 = arith.constant 64 : i32
        %dma_start3A_500 = arith.constant 0 : i32
        %dma_start3A_501 = tpu.memref_slice %arg6[%dma_start3A_499, %dma_start3A_500] : memref<256x128xf32, #tpu.memory_space<vmem>> -> memref<64x128xf32, #tpu.memory_space<vmem>>
        %dma_start3A_502 = arith.constant 0 : i32
        %dma_start3A_503 = tpu.memref_slice %arg5[%add3A_498, %dma_start3A_502] : memref<40x128xi32, #tpu.memory_space<vmem>> -> memref<1x64xi32, #tpu.memory_space<vmem>>
        %dma_start3A_504 = tpu.memref_squeeze %dma_start3A_503 : memref<1x64xi32, #tpu.memory_space<vmem>> -> memref<64xi32, #tpu.memory_space<vmem>>
        %dma_start3A_505 = arith.constant 0 : i32
        %dma_start3A_506 = arith.constant 0 : i32
        %dma_start3A_507 = tpu.memref_slice %arg8[%dma_start3A_505, %dma_start3A_506] : memref<7391x128xf32, #tpu.memory_space<vmem_shared>> -> memref<7391x128xf32, #tpu.memory_space<vmem_shared>>
        tpu.enqueue_indirect_dma source(%dma_start3A_507 : memref<7391x128xf32, #tpu.memory_space<vmem_shared>>) target(%dma_start3A_501 : memref<64x128xf32, #tpu.memory_space<vmem>>) offsets(%dma_start3A_504 : memref<64xi32, #tpu.memory_space<vmem>>) semaphore(%arg9 : memref<!tpu.dma_semaphore, #tpu.memory_space<semaphore_mem>>)
        %mul3A_508 = arith.constant 4 : i32
        %mul3A_509 = arith.muli %add3A_481, %mul3A_508 : i32
        %add3A_510 = arith.constant 2 : i32
        %add3A_511 = arith.addi %mul3A_509, %add3A_510 : i32
        %dma_start3A_512 = arith.constant 128 : i32
        %dma_start3A_513 = arith.constant 0 : i32
        %dma_start3A_514 = tpu.memref_slice %arg6[%dma_start3A_512, %dma_start3A_513] : memref<256x128xf32, #tpu.memory_space<vmem>> -> memref<64x128xf32, #tpu.memory_space<vmem>>
        %dma_start3A_515 = arith.constant 0 : i32
        %dma_start3A_516 = tpu.memref_slice %arg5[%add3A_511, %dma_start3A_515] : memref<40x128xi32, #tpu.memory_space<vmem>> -> memref<1x64xi32, #tpu.memory_space<vmem>>
        %dma_start3A_517 = tpu.memref_squeeze %dma_start3A_516 : memref<1x64xi32, #tpu.memory_space<vmem>> -> memref<64xi32, #tpu.memory_space<vmem>>
        %dma_start3A_518 = arith.constant 0 : i32
        %dma_start3A_519 = arith.constant 0 : i32
        %dma_start3A_520 = tpu.memref_slice %arg8[%dma_start3A_518, %dma_start3A_519] : memref<7391x128xf32, #tpu.memory_space<vmem_shared>> -> memref<7391x128xf32, #tpu.memory_space<vmem_shared>>
        tpu.enqueue_indirect_dma source(%dma_start3A_520 : memref<7391x128xf32, #tpu.memory_space<vmem_shared>>) target(%dma_start3A_514 : memref<64x128xf32, #tpu.memory_space<vmem>>) offsets(%dma_start3A_517 : memref<64xi32, #tpu.memory_space<vmem>>) semaphore(%arg9 : memref<!tpu.dma_semaphore, #tpu.memory_space<semaphore_mem>>)
        %mul3A_521 = arith.constant 4 : i32
        %mul3A_522 = arith.muli %add3A_481, %mul3A_521 : i32
        %add3A_523 = arith.constant 3 : i32
        %add3A_524 = arith.addi %mul3A_522, %add3A_523 : i32
        %dma_start3A_525 = arith.constant 192 : i32
        %dma_start3A_526 = arith.constant 0 : i32
        %dma_start3A_527 = tpu.memref_slice %arg6[%dma_start3A_525, %dma_start3A_526] : memref<256x128xf32, #tpu.memory_space<vmem>> -> memref<64x128xf32, #tpu.memory_space<vmem>>
        %dma_start3A_528 = arith.constant 0 : i32
        %dma_start3A_529 = tpu.memref_slice %arg5[%add3A_524, %dma_start3A_528] : memref<40x128xi32, #tpu.memory_space<vmem>> -> memref<1x64xi32, #tpu.memory_space<vmem>>
        %dma_start3A_530 = tpu.memref_squeeze %dma_start3A_529 : memref<1x64xi32, #tpu.memory_space<vmem>> -> memref<64xi32, #tpu.memory_space<vmem>>
        %dma_start3A_531 = arith.constant 0 : i32
        %dma_start3A_532 = arith.constant 0 : i32
        %dma_start3A_533 = tpu.memref_slice %arg8[%dma_start3A_531, %dma_start3A_532] : memref<7391x128xf32, #tpu.memory_space<vmem_shared>> -> memref<7391x128xf32, #tpu.memory_space<vmem_shared>>
        tpu.enqueue_indirect_dma source(%dma_start3A_533 : memref<7391x128xf32, #tpu.memory_space<vmem_shared>>) target(%dma_start3A_527 : memref<64x128xf32, #tpu.memory_space<vmem>>) offsets(%dma_start3A_530 : memref<64xi32, #tpu.memory_space<vmem>>) semaphore(%arg9 : memref<!tpu.dma_semaphore, #tpu.memory_space<semaphore_mem>>)
      } else {
      }
    }
    %scan3A_95 = arith.constant 10 : i32
    %run_scoped3A_96 = arith.constant 2 : i32
    "tpu.region"() ({
      %run_scoped3A_248 = tpu.sem_alloc : memref<!tpu.dma_semaphore, #tpu.memory_space<semaphore_mem>>
      %dma_start3A_249 = arith.constant 0 : i32
      %dma_start3A_250 = arith.constant 0 : i32
      %dma_start3A_251 = tpu.memref_slice %arg3[%add3A, %run_scoped3A_96, %dma_start3A_249, %dma_start3A_250] : memref<32x5x40x128xi32, #tpu.memory_space<hbm>> -> memref<1x1x40x128xi32, #tpu.memory_space<hbm>>
      %dma_start3A_252 = tpu.memref_squeeze %dma_start3A_251 : memref<1x1x40x128xi32, #tpu.memory_space<hbm>> -> memref<40x128xi32, #tpu.memory_space<hbm>>
      %dma_start3A_253 = arith.constant 0 : i32
      %dma_start3A_254 = arith.constant 0 : i32
      %dma_start3A_255 = tpu.memref_slice %arg3[%add3A, %run_scoped3A_96, %dma_start3A_253, %dma_start3A_254] : memref<32x5x40x128xi32, #tpu.memory_space<hbm>> -> memref<1x1x40x128xi32, #tpu.memory_space<hbm>>
      %dma_start3A_256 = tpu.memref_squeeze %dma_start3A_255 : memref<1x1x40x128xi32, #tpu.memory_space<hbm>> -> memref<40x128xi32, #tpu.memory_space<hbm>>
      tpu.enqueue_dma source(%dma_start3A_256 : memref<40x128xi32, #tpu.memory_space<hbm>>) target(%arg5 : memref<40x128xi32, #tpu.memory_space<vmem>>) target_semaphore(%run_scoped3A_248 : memref<!tpu.dma_semaphore, #tpu.memory_space<semaphore_mem>>)
      %dma_wait3A_257 = arith.constant 0 : i32
      %dma_wait3A_258 = arith.constant 0 : i32
      %dma_wait3A_259 = tpu.memref_slice %arg3[%add3A, %run_scoped3A_96, %dma_wait3A_257, %dma_wait3A_258] : memref<32x5x40x128xi32, #tpu.memory_space<hbm>> -> memref<1x1x40x128xi32, #tpu.memory_space<hbm>>
      %dma_wait3A_260 = tpu.memref_squeeze %dma_wait3A_259 : memref<1x1x40x128xi32, #tpu.memory_space<hbm>> -> memref<40x128xi32, #tpu.memory_space<hbm>>
      %dma_wait3A_261 = arith.constant 0 : i32
      %dma_wait3A_262 = arith.constant 0 : i32
      %dma_wait3A_263 = tpu.memref_slice %arg3[%add3A, %run_scoped3A_96, %dma_wait3A_261, %dma_wait3A_262] : memref<32x5x40x128xi32, #tpu.memory_space<hbm>> -> memref<1x1x40x128xi32, #tpu.memory_space<hbm>>
      %dma_wait3A_264 = tpu.memref_squeeze %dma_wait3A_263 : memref<1x1x40x128xi32, #tpu.memory_space<hbm>> -> memref<40x128xi32, #tpu.memory_space<hbm>>
      tpu.wait_dma2 semaphore(%run_scoped3A_248 : memref<!tpu.dma_semaphore, #tpu.memory_space<semaphore_mem>>) src(%dma_wait3A_264 : memref<40x128xi32, #tpu.memory_space<hbm>>) dst(%arg5 : memref<40x128xi32, #tpu.memory_space<vmem>>)
      tpu.yield
    }) : () -> ()
    %dma_start3A_97 = arith.constant 0 : i32
    %dma_start3A_98 = arith.constant 0 : i32
    %dma_start3A_99 = arith.constant 0 : i32
    %dma_start3A_100 = tpu.memref_slice %arg6[%dma_start3A_98, %dma_start3A_99] : memref<256x128xf32, #tpu.memory_space<vmem>> -> memref<64x128xf32, #tpu.memory_space<vmem>>
    %dma_start3A_101 = arith.constant 0 : i32
    %dma_start3A_102 = tpu.memref_slice %arg5[%dma_start3A_97, %dma_start3A_101] : memref<40x128xi32, #tpu.memory_space<vmem>> -> memref<1x64xi32, #tpu.memory_space<vmem>>
    %dma_start3A_103 = tpu.memref_squeeze %dma_start3A_102 : memref<1x64xi32, #tpu.memory_space<vmem>> -> memref<64xi32, #tpu.memory_space<vmem>>
    %dma_start3A_104 = arith.constant 0 : i32
    %dma_start3A_105 = arith.constant 0 : i32
    %dma_start3A_106 = tpu.memref_slice %arg8[%dma_start3A_104, %dma_start3A_105] : memref<7391x128xf32, #tpu.memory_space<vmem_shared>> -> memref<7391x128xf32, #tpu.memory_space<vmem_shared>>
    tpu.enqueue_indirect_dma source(%dma_start3A_106 : memref<7391x128xf32, #tpu.memory_space<vmem_shared>>) target(%dma_start3A_100 : memref<64x128xf32, #tpu.memory_space<vmem>>) offsets(%dma_start3A_103 : memref<64xi32, #tpu.memory_space<vmem>>) semaphore(%arg9 : memref<!tpu.dma_semaphore, #tpu.memory_space<semaphore_mem>>)
    %dma_start3A_107 = arith.constant 1 : i32
    %dma_start3A_108 = arith.constant 64 : i32
    %dma_start3A_109 = arith.constant 0 : i32
    %dma_start3A_110 = tpu.memref_slice %arg6[%dma_start3A_108, %dma_start3A_109] : memref<256x128xf32, #tpu.memory_space<vmem>> -> memref<64x128xf32, #tpu.memory_space<vmem>>
    %dma_start3A_111 = arith.constant 0 : i32
    %dma_start3A_112 = tpu.memref_slice %arg5[%dma_start3A_107, %dma_start3A_111] : memref<40x128xi32, #tpu.memory_space<vmem>> -> memref<1x64xi32, #tpu.memory_space<vmem>>
    %dma_start3A_113 = tpu.memref_squeeze %dma_start3A_112 : memref<1x64xi32, #tpu.memory_space<vmem>> -> memref<64xi32, #tpu.memory_space<vmem>>
    %dma_start3A_114 = arith.constant 0 : i32
    %dma_start3A_115 = arith.constant 0 : i32
    %dma_start3A_116 = tpu.memref_slice %arg8[%dma_start3A_114, %dma_start3A_115] : memref<7391x128xf32, #tpu.memory_space<vmem_shared>> -> memref<7391x128xf32, #tpu.memory_space<vmem_shared>>
    tpu.enqueue_indirect_dma source(%dma_start3A_116 : memref<7391x128xf32, #tpu.memory_space<vmem_shared>>) target(%dma_start3A_110 : memref<64x128xf32, #tpu.memory_space<vmem>>) offsets(%dma_start3A_113 : memref<64xi32, #tpu.memory_space<vmem>>) semaphore(%arg9 : memref<!tpu.dma_semaphore, #tpu.memory_space<semaphore_mem>>)
    %dma_start3A_117 = arith.constant 2 : i32
    %dma_start3A_118 = arith.constant 128 : i32
    %dma_start3A_119 = arith.constant 0 : i32
    %dma_start3A_120 = tpu.memref_slice %arg6[%dma_start3A_118, %dma_start3A_119] : memref<256x128xf32, #tpu.memory_space<vmem>> -> memref<64x128xf32, #tpu.memory_space<vmem>>
    %dma_start3A_121 = arith.constant 0 : i32
    %dma_start3A_122 = tpu.memref_slice %arg5[%dma_start3A_117, %dma_start3A_121] : memref<40x128xi32, #tpu.memory_space<vmem>> -> memref<1x64xi32, #tpu.memory_space<vmem>>
    %dma_start3A_123 = tpu.memref_squeeze %dma_start3A_122 : memref<1x64xi32, #tpu.memory_space<vmem>> -> memref<64xi32, #tpu.memory_space<vmem>>
    %dma_start3A_124 = arith.constant 0 : i32
    %dma_start3A_125 = arith.constant 0 : i32
    %dma_start3A_126 = tpu.memref_slice %arg8[%dma_start3A_124, %dma_start3A_125] : memref<7391x128xf32, #tpu.memory_space<vmem_shared>> -> memref<7391x128xf32, #tpu.memory_space<vmem_shared>>
    tpu.enqueue_indirect_dma source(%dma_start3A_126 : memref<7391x128xf32, #tpu.memory_space<vmem_shared>>) target(%dma_start3A_120 : memref<64x128xf32, #tpu.memory_space<vmem>>) offsets(%dma_start3A_123 : memref<64xi32, #tpu.memory_space<vmem>>) semaphore(%arg9 : memref<!tpu.dma_semaphore, #tpu.memory_space<semaphore_mem>>)
    %dma_start3A_127 = arith.constant 3 : i32
    %dma_start3A_128 = arith.constant 192 : i32
    %dma_start3A_129 = arith.constant 0 : i32
    %dma_start3A_130 = tpu.memref_slice %arg6[%dma_start3A_128, %dma_start3A_129] : memref<256x128xf32, #tpu.memory_space<vmem>> -> memref<64x128xf32, #tpu.memory_space<vmem>>
    %dma_start3A_131 = arith.constant 0 : i32
    %dma_start3A_132 = tpu.memref_slice %arg5[%dma_start3A_127, %dma_start3A_131] : memref<40x128xi32, #tpu.memory_space<vmem>> -> memref<1x64xi32, #tpu.memory_space<vmem>>
    %dma_start3A_133 = tpu.memref_squeeze %dma_start3A_132 : memref<1x64xi32, #tpu.memory_space<vmem>> -> memref<64xi32, #tpu.memory_space<vmem>>
    %dma_start3A_134 = arith.constant 0 : i32
    %dma_start3A_135 = arith.constant 0 : i32
    %dma_start3A_136 = tpu.memref_slice %arg8[%dma_start3A_134, %dma_start3A_135] : memref<7391x128xf32, #tpu.memory_space<vmem_shared>> -> memref<7391x128xf32, #tpu.memory_space<vmem_shared>>
    tpu.enqueue_indirect_dma source(%dma_start3A_136 : memref<7391x128xf32, #tpu.memory_space<vmem_shared>>) target(%dma_start3A_130 : memref<64x128xf32, #tpu.memory_space<vmem>>) offsets(%dma_start3A_133 : memref<64xi32, #tpu.memory_space<vmem>>) semaphore(%arg9 : memref<!tpu.dma_semaphore, #tpu.memory_space<semaphore_mem>>)
    %scan3A_137 = arith.constant 0 : i32
    %scan3A_138 = arith.constant 0 : i32
    %scan3A_139 = arith.constant 10 : i32
    %scan3A_140 = arith.addi %scan3A_138, %scan3A_139 : i32
    %scan3A_141 = arith.constant 1 : i32
    scf.for %scan3A_248 = %scan3A_138 to %scan3A_140 step %scan3A_141  : i32 {
      %add3A_249 = arith.constant 20 : i32
      %add3A_250 = arith.addi %add3A_249, %scan3A_248 : i32
      %mul3A_251 = arith.constant 2 : i32
      %mul3A_252 = arith.muli %mul3A_251, %add3A_250 : i32
      %sub3A = arith.constant 1 : i32
      %sub3A_253 = arith.subi %mul3A_252, %sub3A : i32
      %mul3A_254 = arith.constant 64 : i32
      %mul3A_255 = arith.muli %sub3A_253, %mul3A_254 : i32
      %add3A_256 = arith.addi %mul3A_2, %mul3A_255 : i32
      %dma_wait3A_257 = arith.constant 0 : i32
      %dma_wait3A_258 = arith.constant 0 : i32
      %dma_wait3A_259 = tpu.memref_slice %arg7[%dma_wait3A_257, %dma_wait3A_258] : memref<256x128xf32, #tpu.memory_space<vmem>> -> memref<64x128xf32, #tpu.memory_space<vmem>>
      %dma_wait3A_260 = arith.constant 0 : i32
      %dma_wait3A_261 = tpu.memref_slice %arg4[%add3A_256, %dma_wait3A_260] : memref<204800x128xf32, #tpu.memory_space<hbm>> -> memref<64x128xf32, #tpu.memory_space<hbm>>
      %dma_wait3A_262 = arith.constant 0 : i32
      %dma_wait3A_263 = tpu.memref_slice %arg4[%add3A_256, %dma_wait3A_262] : memref<204800x128xf32, #tpu.memory_space<hbm>> -> memref<64x128xf32, #tpu.memory_space<hbm>>
      %dma_wait3A_264 = arith.constant 0 : i32
      %dma_wait3A_265 = arith.constant 0 : i32
      %dma_wait3A_266 = tpu.memref_slice %arg7[%dma_wait3A_264, %dma_wait3A_265] : memref<256x128xf32, #tpu.memory_space<vmem>> -> memref<64x128xf32, #tpu.memory_space<vmem>>
      tpu.wait_dma2 semaphore(%arg12 : memref<!tpu.dma_semaphore, #tpu.memory_space<semaphore_mem>>) src(%dma_wait3A_266 : memref<64x128xf32, #tpu.memory_space<vmem>>) dst(%dma_wait3A_263 : memref<64x128xf32, #tpu.memory_space<hbm>>)
      %mul3A_267 = arith.constant 4 : i32
      %mul3A_268 = arith.muli %scan3A_248, %mul3A_267 : i32
      %add3A_269 = arith.constant 0 : i32
      %add3A_270 = arith.addi %mul3A_268, %add3A_269 : i32
      %dma_start3A_271 = arith.constant 0 : i32
      %dma_start3A_272 = arith.constant 0 : i32
      %dma_start3A_273 = tpu.memref_slice %arg7[%dma_start3A_271, %dma_start3A_272] : memref<256x128xf32, #tpu.memory_space<vmem>> -> memref<64x128xf32, #tpu.memory_space<vmem>>
      %dma_start3A_274 = arith.constant 64 : i32
      %dma_start3A_275 = tpu.memref_slice %arg5[%add3A_270, %dma_start3A_274] : memref<40x128xi32, #tpu.memory_space<vmem>> -> memref<1x64xi32, #tpu.memory_space<vmem>>
      %dma_start3A_276 = tpu.memref_squeeze %dma_start3A_275 : memref<1x64xi32, #tpu.memory_space<vmem>> -> memref<64xi32, #tpu.memory_space<vmem>>
      %dma_start3A_277 = arith.constant 0 : i32
      %dma_start3A_278 = arith.constant 0 : i32
      %dma_start3A_279 = tpu.memref_slice %arg8[%dma_start3A_277, %dma_start3A_278] : memref<7391x128xf32, #tpu.memory_space<vmem_shared>> -> memref<7391x128xf32, #tpu.memory_space<vmem_shared>>
      tpu.enqueue_indirect_dma source(%dma_start3A_279 : memref<7391x128xf32, #tpu.memory_space<vmem_shared>>) target(%dma_start3A_273 : memref<64x128xf32, #tpu.memory_space<vmem>>) offsets(%dma_start3A_276 : memref<64xi32, #tpu.memory_space<vmem>>) semaphore(%arg10 : memref<!tpu.dma_semaphore, #tpu.memory_space<semaphore_mem>>)
      %mul3A_280 = arith.constant 4 : i32
      %mul3A_281 = arith.muli %scan3A_248, %mul3A_280 : i32
      %add3A_282 = arith.constant 1 : i32
      %add3A_283 = arith.addi %mul3A_281, %add3A_282 : i32
      %dma_start3A_284 = arith.constant 64 : i32
      %dma_start3A_285 = arith.constant 0 : i32
      %dma_start3A_286 = tpu.memref_slice %arg7[%dma_start3A_284, %dma_start3A_285] : memref<256x128xf32, #tpu.memory_space<vmem>> -> memref<64x128xf32, #tpu.memory_space<vmem>>
      %dma_start3A_287 = arith.constant 64 : i32
      %dma_start3A_288 = tpu.memref_slice %arg5[%add3A_283, %dma_start3A_287] : memref<40x128xi32, #tpu.memory_space<vmem>> -> memref<1x64xi32, #tpu.memory_space<vmem>>
      %dma_start3A_289 = tpu.memref_squeeze %dma_start3A_288 : memref<1x64xi32, #tpu.memory_space<vmem>> -> memref<64xi32, #tpu.memory_space<vmem>>
      %dma_start3A_290 = arith.constant 0 : i32
      %dma_start3A_291 = arith.constant 0 : i32
      %dma_start3A_292 = tpu.memref_slice %arg8[%dma_start3A_290, %dma_start3A_291] : memref<7391x128xf32, #tpu.memory_space<vmem_shared>> -> memref<7391x128xf32, #tpu.memory_space<vmem_shared>>
      tpu.enqueue_indirect_dma source(%dma_start3A_292 : memref<7391x128xf32, #tpu.memory_space<vmem_shared>>) target(%dma_start3A_286 : memref<64x128xf32, #tpu.memory_space<vmem>>) offsets(%dma_start3A_289 : memref<64xi32, #tpu.memory_space<vmem>>) semaphore(%arg10 : memref<!tpu.dma_semaphore, #tpu.memory_space<semaphore_mem>>)
      %mul3A_293 = arith.constant 4 : i32
      %mul3A_294 = arith.muli %scan3A_248, %mul3A_293 : i32
      %add3A_295 = arith.constant 2 : i32
      %add3A_296 = arith.addi %mul3A_294, %add3A_295 : i32
      %dma_start3A_297 = arith.constant 128 : i32
      %dma_start3A_298 = arith.constant 0 : i32
      %dma_start3A_299 = tpu.memref_slice %arg7[%dma_start3A_297, %dma_start3A_298] : memref<256x128xf32, #tpu.memory_space<vmem>> -> memref<64x128xf32, #tpu.memory_space<vmem>>
      %dma_start3A_300 = arith.constant 64 : i32
      %dma_start3A_301 = tpu.memref_slice %arg5[%add3A_296, %dma_start3A_300] : memref<40x128xi32, #tpu.memory_space<vmem>> -> memref<1x64xi32, #tpu.memory_space<vmem>>
      %dma_start3A_302 = tpu.memref_squeeze %dma_start3A_301 : memref<1x64xi32, #tpu.memory_space<vmem>> -> memref<64xi32, #tpu.memory_space<vmem>>
      %dma_start3A_303 = arith.constant 0 : i32
      %dma_start3A_304 = arith.constant 0 : i32
      %dma_start3A_305 = tpu.memref_slice %arg8[%dma_start3A_303, %dma_start3A_304] : memref<7391x128xf32, #tpu.memory_space<vmem_shared>> -> memref<7391x128xf32, #tpu.memory_space<vmem_shared>>
      tpu.enqueue_indirect_dma source(%dma_start3A_305 : memref<7391x128xf32, #tpu.memory_space<vmem_shared>>) target(%dma_start3A_299 : memref<64x128xf32, #tpu.memory_space<vmem>>) offsets(%dma_start3A_302 : memref<64xi32, #tpu.memory_space<vmem>>) semaphore(%arg10 : memref<!tpu.dma_semaphore, #tpu.memory_space<semaphore_mem>>)
      %mul3A_306 = arith.constant 4 : i32
      %mul3A_307 = arith.muli %scan3A_248, %mul3A_306 : i32
      %add3A_308 = arith.constant 3 : i32
      %add3A_309 = arith.addi %mul3A_307, %add3A_308 : i32
      %dma_start3A_310 = arith.constant 192 : i32
      %dma_start3A_311 = arith.constant 0 : i32
      %dma_start3A_312 = tpu.memref_slice %arg7[%dma_start3A_310, %dma_start3A_311] : memref<256x128xf32, #tpu.memory_space<vmem>> -> memref<64x128xf32, #tpu.memory_space<vmem>>
      %dma_start3A_313 = arith.constant 64 : i32
      %dma_start3A_314 = tpu.memref_slice %arg5[%add3A_309, %dma_start3A_313] : memref<40x128xi32, #tpu.memory_space<vmem>> -> memref<1x64xi32, #tpu.memory_space<vmem>>
      %dma_start3A_315 = tpu.memref_squeeze %dma_start3A_314 : memref<1x64xi32, #tpu.memory_space<vmem>> -> memref<64xi32, #tpu.memory_space<vmem>>
      %dma_start3A_316 = arith.constant 0 : i32
      %dma_start3A_317 = arith.constant 0 : i32
      %dma_start3A_318 = tpu.memref_slice %arg8[%dma_start3A_316, %dma_start3A_317] : memref<7391x128xf32, #tpu.memory_space<vmem_shared>> -> memref<7391x128xf32, #tpu.memory_space<vmem_shared>>
      tpu.enqueue_indirect_dma source(%dma_start3A_318 : memref<7391x128xf32, #tpu.memory_space<vmem_shared>>) target(%dma_start3A_312 : memref<64x128xf32, #tpu.memory_space<vmem>>) offsets(%dma_start3A_315 : memref<64xi32, #tpu.memory_space<vmem>>) semaphore(%arg10 : memref<!tpu.dma_semaphore, #tpu.memory_space<semaphore_mem>>)
      %mul3A_319 = arith.constant 4 : i32
      %mul3A_320 = arith.muli %scan3A_248, %mul3A_319 : i32
      %add3A_321 = arith.constant 0 : i32
      %add3A_322 = arith.addi %mul3A_320, %add3A_321 : i32
      %dma_wait3A_323 = arith.constant 0 : i32
      %dma_wait3A_324 = arith.constant 0 : i32
      %dma_wait3A_325 = tpu.memref_slice %arg6[%dma_wait3A_323, %dma_wait3A_324] : memref<256x128xf32, #tpu.memory_space<vmem>> -> memref<64x128xf32, #tpu.memory_space<vmem>>
      %dma_wait3A_326 = arith.constant 0 : i32
      %dma_wait3A_327 = tpu.memref_slice %arg5[%add3A_322, %dma_wait3A_326] : memref<40x128xi32, #tpu.memory_space<vmem>> -> memref<1x64xi32, #tpu.memory_space<vmem>>
      %dma_wait3A_328 = tpu.memref_squeeze %dma_wait3A_327 : memref<1x64xi32, #tpu.memory_space<vmem>> -> memref<64xi32, #tpu.memory_space<vmem>>
      %dma_wait3A_329 = arith.constant 0 : i32
      %dma_wait3A_330 = arith.constant 0 : i32
      %dma_wait3A_331 = tpu.memref_slice %arg8[%dma_wait3A_329, %dma_wait3A_330] : memref<7391x128xf32, #tpu.memory_space<vmem_shared>> -> memref<7391x128xf32, #tpu.memory_space<vmem_shared>>
      tpu.wait_indirect_dma semaphore(%arg9 : memref<!tpu.dma_semaphore, #tpu.memory_space<semaphore_mem>>) src(%dma_wait3A_331 : memref<7391x128xf32, #tpu.memory_space<vmem_shared>>) dst(%dma_wait3A_325 : memref<64x128xf32, #tpu.memory_space<vmem>>)
      %mul3A_332 = arith.constant 4 : i32
      %mul3A_333 = arith.muli %scan3A_248, %mul3A_332 : i32
      %add3A_334 = arith.constant 1 : i32
      %add3A_335 = arith.addi %mul3A_333, %add3A_334 : i32
      %dma_wait3A_336 = arith.constant 64 : i32
      %dma_wait3A_337 = arith.constant 0 : i32
      %dma_wait3A_338 = tpu.memref_slice %arg6[%dma_wait3A_336, %dma_wait3A_337] : memref<256x128xf32, #tpu.memory_space<vmem>> -> memref<64x128xf32, #tpu.memory_space<vmem>>
      %dma_wait3A_339 = arith.constant 0 : i32
      %dma_wait3A_340 = tpu.memref_slice %arg5[%add3A_335, %dma_wait3A_339] : memref<40x128xi32, #tpu.memory_space<vmem>> -> memref<1x64xi32, #tpu.memory_space<vmem>>
      %dma_wait3A_341 = tpu.memref_squeeze %dma_wait3A_340 : memref<1x64xi32, #tpu.memory_space<vmem>> -> memref<64xi32, #tpu.memory_space<vmem>>
      %dma_wait3A_342 = arith.constant 0 : i32
      %dma_wait3A_343 = arith.constant 0 : i32
      %dma_wait3A_344 = tpu.memref_slice %arg8[%dma_wait3A_342, %dma_wait3A_343] : memref<7391x128xf32, #tpu.memory_space<vmem_shared>> -> memref<7391x128xf32, #tpu.memory_space<vmem_shared>>
      tpu.wait_indirect_dma semaphore(%arg9 : memref<!tpu.dma_semaphore, #tpu.memory_space<semaphore_mem>>) src(%dma_wait3A_344 : memref<7391x128xf32, #tpu.memory_space<vmem_shared>>) dst(%dma_wait3A_338 : memref<64x128xf32, #tpu.memory_space<vmem>>)
      %mul3A_345 = arith.constant 4 : i32
      %mul3A_346 = arith.muli %scan3A_248, %mul3A_345 : i32
      %add3A_347 = arith.constant 2 : i32
      %add3A_348 = arith.addi %mul3A_346, %add3A_347 : i32
      %dma_wait3A_349 = arith.constant 128 : i32
      %dma_wait3A_350 = arith.constant 0 : i32
      %dma_wait3A_351 = tpu.memref_slice %arg6[%dma_wait3A_349, %dma_wait3A_350] : memref<256x128xf32, #tpu.memory_space<vmem>> -> memref<64x128xf32, #tpu.memory_space<vmem>>
      %dma_wait3A_352 = arith.constant 0 : i32
      %dma_wait3A_353 = tpu.memref_slice %arg5[%add3A_348, %dma_wait3A_352] : memref<40x128xi32, #tpu.memory_space<vmem>> -> memref<1x64xi32, #tpu.memory_space<vmem>>
      %dma_wait3A_354 = tpu.memref_squeeze %dma_wait3A_353 : memref<1x64xi32, #tpu.memory_space<vmem>> -> memref<64xi32, #tpu.memory_space<vmem>>
      %dma_wait3A_355 = arith.constant 0 : i32
      %dma_wait3A_356 = arith.constant 0 : i32
      %dma_wait3A_357 = tpu.memref_slice %arg8[%dma_wait3A_355, %dma_wait3A_356] : memref<7391x128xf32, #tpu.memory_space<vmem_shared>> -> memref<7391x128xf32, #tpu.memory_space<vmem_shared>>
      tpu.wait_indirect_dma semaphore(%arg9 : memref<!tpu.dma_semaphore, #tpu.memory_space<semaphore_mem>>) src(%dma_wait3A_357 : memref<7391x128xf32, #tpu.memory_space<vmem_shared>>) dst(%dma_wait3A_351 : memref<64x128xf32, #tpu.memory_space<vmem>>)
      %mul3A_358 = arith.constant 4 : i32
      %mul3A_359 = arith.muli %scan3A_248, %mul3A_358 : i32
      %add3A_360 = arith.constant 3 : i32
      %add3A_361 = arith.addi %mul3A_359, %add3A_360 : i32
      %dma_wait3A_362 = arith.constant 192 : i32
      %dma_wait3A_363 = arith.constant 0 : i32
      %dma_wait3A_364 = tpu.memref_slice %arg6[%dma_wait3A_362, %dma_wait3A_363] : memref<256x128xf32, #tpu.memory_space<vmem>> -> memref<64x128xf32, #tpu.memory_space<vmem>>
      %dma_wait3A_365 = arith.constant 0 : i32
      %dma_wait3A_366 = tpu.memref_slice %arg5[%add3A_361, %dma_wait3A_365] : memref<40x128xi32, #tpu.memory_space<vmem>> -> memref<1x64xi32, #tpu.memory_space<vmem>>
      %dma_wait3A_367 = tpu.memref_squeeze %dma_wait3A_366 : memref<1x64xi32, #tpu.memory_space<vmem>> -> memref<64xi32, #tpu.memory_space<vmem>>
      %dma_wait3A_368 = arith.constant 0 : i32
      %dma_wait3A_369 = arith.constant 0 : i32
      %dma_wait3A_370 = tpu.memref_slice %arg8[%dma_wait3A_368, %dma_wait3A_369] : memref<7391x128xf32, #tpu.memory_space<vmem_shared>> -> memref<7391x128xf32, #tpu.memory_space<vmem_shared>>
      tpu.wait_indirect_dma semaphore(%arg9 : memref<!tpu.dma_semaphore, #tpu.memory_space<semaphore_mem>>) src(%dma_wait3A_370 : memref<7391x128xf32, #tpu.memory_space<vmem_shared>>) dst(%dma_wait3A_364 : memref<64x128xf32, #tpu.memory_space<vmem>>)
      %scan3A_371 = arith.constant 0 : i32
      %scan3A_372 = arith.constant 0 : i32
      %scan3A_373 = arith.constant 64 : i32
      %scan3A_374 = arith.addi %scan3A_372, %scan3A_373 : i32
      %scan3A_375 = arith.constant 1 : i32
      scf.for %scan3A_480 = %scan3A_372 to %scan3A_374 step %scan3A_375  : i32 {
        %get3A = arith.index_cast %scan3A_480 : i32 to index
        %get3A_481 = arith.constant 0 : index
        %get3A_482 = tpu.vector_load %arg6[%get3A, %get3A_481] {strides = array<i32>} : memref<256x128xf32, #tpu.memory_space<vmem>>, vector<1x16xf32>,
        %get3A_483 = vector.shape_cast %get3A_482 : vector<1x16xf32> to vector<16xf32>
        %add3A_484 = arith.constant 64 : i32
        %add3A_485 = arith.addi %add3A_484, %scan3A_480 : i32
        %get3A_486 = arith.index_cast %add3A_485 : i32 to index
        %get3A_487 = arith.constant 0 : index
        %get3A_488 = tpu.vector_load %arg6[%get3A_486, %get3A_487] {strides = array<i32>} : memref<256x128xf32, #tpu.memory_space<vmem>>, vector<1x16xf32>,
        %get3A_489 = vector.shape_cast %get3A_488 : vector<1x16xf32> to vector<16xf32>
        %add3A_490 = arith.addf %get3A_483, %get3A_489 : vector<16xf32>
        %add3A_491 = arith.constant 128 : i32
        %add3A_492 = arith.addi %add3A_491, %scan3A_480 : i32
        %get3A_493 = arith.index_cast %add3A_492 : i32 to index
        %get3A_494 = arith.constant 0 : index
        %get3A_495 = tpu.vector_load %arg6[%get3A_493, %get3A_494] {strides = array<i32>} : memref<256x128xf32, #tpu.memory_space<vmem>>, vector<1x16xf32>,
        %get3A_496 = vector.shape_cast %get3A_495 : vector<1x16xf32> to vector<16xf32>
        %add3A_497 = arith.constant 192 : i32
        %add3A_498 = arith.addi %add3A_497, %scan3A_480 : i32
        %get3A_499 = arith.index_cast %add3A_498 : i32 to index
        %get3A_500 = arith.constant 0 : index
        %get3A_501 = tpu.vector_load %arg6[%get3A_499, %get3A_500] {strides = array<i32>} : memref<256x128xf32, #tpu.memory_space<vmem>>, vector<1x16xf32>,
        %get3A_502 = vector.shape_cast %get3A_501 : vector<1x16xf32> to vector<16xf32>
        %add3A_503 = arith.addf %get3A_496, %get3A_502 : vector<16xf32>
        %add3A_504 = arith.addf %add3A_490, %add3A_503 : vector<16xf32>
        %swap3A = arith.index_cast %scan3A_480 : i32 to index
        %swap3A_505 = arith.constant 0 : index
        %swap3A_506 = tpu.vector_load %arg6[%swap3A, %swap3A_505] {strides = array<i32>} : memref<256x128xf32, #tpu.memory_space<vmem>>, vector<1x16xf32>,
        %swap3A_507 = vector.shape_cast %swap3A_506 : vector<1x16xf32> to vector<16xf32>
        %swap3A_508 = vector.shape_cast %add3A_504 : vector<16xf32> to vector<1x16xf32>
        tpu.vector_store %arg6[%swap3A, %swap3A_505], %swap3A_508 {strides = array<i32>} : memref<256x128xf32, #tpu.memory_space<vmem>>, vector<1x16xf32>,
        %get3A_509 = arith.index_cast %scan3A_480 : i32 to index
        %get3A_510 = arith.constant 16 : index
        %get3A_511 = tpu.vector_load %arg6[%get3A_509, %get3A_510] {strides = array<i32>} : memref<256x128xf32, #tpu.memory_space<vmem>>, vector<1x16xf32>,
        %get3A_512 = vector.shape_cast %get3A_511 : vector<1x16xf32> to vector<16xf32>
        %add3A_513 = arith.constant 64 : i32
        %add3A_514 = arith.addi %add3A_513, %scan3A_480 : i32
        %get3A_515 = arith.index_cast %add3A_514 : i32 to index
        %get3A_516 = arith.constant 16 : index
        %get3A_517 = tpu.vector_load %arg6[%get3A_515, %get3A_516] {strides = array<i32>} : memref<256x128xf32, #tpu.memory_space<vmem>>, vector<1x16xf32>,
        %get3A_518 = vector.shape_cast %get3A_517 : vector<1x16xf32> to vector<16xf32>
        %add3A_519 = arith.addf %get3A_512, %get3A_518 : vector<16xf32>
        %add3A_520 = arith.constant 128 : i32
        %add3A_521 = arith.addi %add3A_520, %scan3A_480 : i32
        %get3A_522 = arith.index_cast %add3A_521 : i32 to index
        %get3A_523 = arith.constant 16 : index
        %get3A_524 = tpu.vector_load %arg6[%get3A_522, %get3A_523] {strides = array<i32>} : memref<256x128xf32, #tpu.memory_space<vmem>>, vector<1x16xf32>,
        %get3A_525 = vector.shape_cast %get3A_524 : vector<1x16xf32> to vector<16xf32>
        %add3A_526 = arith.constant 192 : i32
        %add3A_527 = arith.addi %add3A_526, %scan3A_480 : i32
        %get3A_528 = arith.index_cast %add3A_527 : i32 to index
        %get3A_529 = arith.constant 16 : index
        %get3A_530 = tpu.vector_load %arg6[%get3A_528, %get3A_529] {strides = array<i32>} : memref<256x128xf32, #tpu.memory_space<vmem>>, vector<1x16xf32>,
        %get3A_531 = vector.shape_cast %get3A_530 : vector<1x16xf32> to vector<16xf32>
        %add3A_532 = arith.addf %get3A_525, %get3A_531 : vector<16xf32>
        %add3A_533 = arith.addf %add3A_519, %add3A_532 : vector<16xf32>
        %swap3A_534 = arith.index_cast %scan3A_480 : i32 to index
        %swap3A_535 = arith.constant 16 : index
        %swap3A_536 = tpu.vector_load %arg6[%swap3A_534, %swap3A_535] {strides = array<i32>} : memref<256x128xf32, #tpu.memory_space<vmem>>, vector<1x16xf32>,
        %swap3A_537 = vector.shape_cast %swap3A_536 : vector<1x16xf32> to vector<16xf32>
        %swap3A_538 = vector.shape_cast %add3A_533 : vector<16xf32> to vector<1x16xf32>
        tpu.vector_store %arg6[%swap3A_534, %swap3A_535], %swap3A_538 {strides = array<i32>} : memref<256x128xf32, #tpu.memory_space<vmem>>, vector<1x16xf32>,
        %get3A_539 = arith.index_cast %scan3A_480 : i32 to index
        %get3A_540 = arith.constant 32 : index
        %get3A_541 = tpu.vector_load %arg6[%get3A_539, %get3A_540] {strides = array<i32>} : memref<256x128xf32, #tpu.memory_space<vmem>>, vector<1x16xf32>,
        %get3A_542 = vector.shape_cast %get3A_541 : vector<1x16xf32> to vector<16xf32>
        %add3A_543 = arith.constant 64 : i32
        %add3A_544 = arith.addi %add3A_543, %scan3A_480 : i32
        %get3A_545 = arith.index_cast %add3A_544 : i32 to index
        %get3A_546 = arith.constant 32 : index
        %get3A_547 = tpu.vector_load %arg6[%get3A_545, %get3A_546] {strides = array<i32>} : memref<256x128xf32, #tpu.memory_space<vmem>>, vector<1x16xf32>,
        %get3A_548 = vector.shape_cast %get3A_547 : vector<1x16xf32> to vector<16xf32>
        %add3A_549 = arith.addf %get3A_542, %get3A_548 : vector<16xf32>
        %add3A_550 = arith.constant 128 : i32
        %add3A_551 = arith.addi %add3A_550, %scan3A_480 : i32
        %get3A_552 = arith.index_cast %add3A_551 : i32 to index
        %get3A_553 = arith.constant 32 : index
        %get3A_554 = tpu.vector_load %arg6[%get3A_552, %get3A_553] {strides = array<i32>} : memref<256x128xf32, #tpu.memory_space<vmem>>, vector<1x16xf32>,
        %get3A_555 = vector.shape_cast %get3A_554 : vector<1x16xf32> to vector<16xf32>
        %add3A_556 = arith.constant 192 : i32
        %add3A_557 = arith.addi %add3A_556, %scan3A_480 : i32
        %get3A_558 = arith.index_cast %add3A_557 : i32 to index
        %get3A_559 = arith.constant 32 : index
        %get3A_560 = tpu.vector_load %arg6[%get3A_558, %get3A_559] {strides = array<i32>} : memref<256x128xf32, #tpu.memory_space<vmem>>, vector<1x16xf32>,
        %get3A_561 = vector.shape_cast %get3A_560 : vector<1x16xf32> to vector<16xf32>
        %add3A_562 = arith.addf %get3A_555, %get3A_561 : vector<16xf32>
        %add3A_563 = arith.addf %add3A_549, %add3A_562 : vector<16xf32>
        %swap3A_564 = arith.index_cast %scan3A_480 : i32 to index
        %swap3A_565 = arith.constant 32 : index
        %swap3A_566 = tpu.vector_load %arg6[%swap3A_564, %swap3A_565] {strides = array<i32>} : memref<256x128xf32, #tpu.memory_space<vmem>>, vector<1x16xf32>,
        %swap3A_567 = vector.shape_cast %swap3A_566 : vector<1x16xf32> to vector<16xf32>
        %swap3A_568 = vector.shape_cast %add3A_563 : vector<16xf32> to vector<1x16xf32>
        tpu.vector_store %arg6[%swap3A_564, %swap3A_565], %swap3A_568 {strides = array<i32>} : memref<256x128xf32, #tpu.memory_space<vmem>>, vector<1x16xf32>,
        %get3A_569 = arith.index_cast %scan3A_480 : i32 to index
        %get3A_570 = arith.constant 48 : index
        %get3A_571 = tpu.vector_load %arg6[%get3A_569, %get3A_570] {strides = array<i32>} : memref<256x128xf32, #tpu.memory_space<vmem>>, vector<1x16xf32>,
        %get3A_572 = vector.shape_cast %get3A_571 : vector<1x16xf32> to vector<16xf32>
        %add3A_573 = arith.constant 64 : i32
        %add3A_574 = arith.addi %add3A_573, %scan3A_480 : i32
        %get3A_575 = arith.index_cast %add3A_574 : i32 to index
        %get3A_576 = arith.constant 48 : index
        %get3A_577 = tpu.vector_load %arg6[%get3A_575, %get3A_576] {strides = array<i32>} : memref<256x128xf32, #tpu.memory_space<vmem>>, vector<1x16xf32>,
        %get3A_578 = vector.shape_cast %get3A_577 : vector<1x16xf32> to vector<16xf32>
        %add3A_579 = arith.addf %get3A_572, %get3A_578 : vector<16xf32>
        %add3A_580 = arith.constant 128 : i32
        %add3A_581 = arith.addi %add3A_580, %scan3A_480 : i32
        %get3A_582 = arith.index_cast %add3A_581 : i32 to index
        %get3A_583 = arith.constant 48 : index
        %get3A_584 = tpu.vector_load %arg6[%get3A_582, %get3A_583] {strides = array<i32>} : memref<256x128xf32, #tpu.memory_space<vmem>>, vector<1x16xf32>,
        %get3A_585 = vector.shape_cast %get3A_584 : vector<1x16xf32> to vector<16xf32>
        %add3A_586 = arith.constant 192 : i32
        %add3A_587 = arith.addi %add3A_586, %scan3A_480 : i32
        %get3A_588 = arith.index_cast %add3A_587 : i32 to index
        %get3A_589 = arith.constant 48 : index
        %get3A_590 = tpu.vector_load %arg6[%get3A_588, %get3A_589] {strides = array<i32>} : memref<256x128xf32, #tpu.memory_space<vmem>>, vector<1x16xf32>,
        %get3A_591 = vector.shape_cast %get3A_590 : vector<1x16xf32> to vector<16xf32>
        %add3A_592 = arith.addf %get3A_585, %get3A_591 : vector<16xf32>
        %add3A_593 = arith.addf %add3A_579, %add3A_592 : vector<16xf32>
        %swap3A_594 = arith.index_cast %scan3A_480 : i32 to index
        %swap3A_595 = arith.constant 48 : index
        %swap3A_596 = tpu.vector_load %arg6[%swap3A_594, %swap3A_595] {strides = array<i32>} : memref<256x128xf32, #tpu.memory_space<vmem>>, vector<1x16xf32>,
        %swap3A_597 = vector.shape_cast %swap3A_596 : vector<1x16xf32> to vector<16xf32>
        %swap3A_598 = vector.shape_cast %add3A_593 : vector<16xf32> to vector<1x16xf32>
        tpu.vector_store %arg6[%swap3A_594, %swap3A_595], %swap3A_598 {strides = array<i32>} : memref<256x128xf32, #tpu.memory_space<vmem>>, vector<1x16xf32>,
        %get3A_599 = arith.index_cast %scan3A_480 : i32 to index
        %get3A_600 = arith.constant 64 : index
        %get3A_601 = tpu.vector_load %arg6[%get3A_599, %get3A_600] {strides = array<i32>} : memref<256x128xf32, #tpu.memory_space<vmem>>, vector<1x16xf32>,
        %get3A_602 = vector.shape_cast %get3A_601 : vector<1x16xf32> to vector<16xf32>
        %add3A_603 = arith.constant 64 : i32
        %add3A_604 = arith.addi %add3A_603, %scan3A_480 : i32
        %get3A_605 = arith.index_cast %add3A_604 : i32 to index
        %get3A_606 = arith.constant 64 : index
        %get3A_607 = tpu.vector_load %arg6[%get3A_605, %get3A_606] {strides = array<i32>} : memref<256x128xf32, #tpu.memory_space<vmem>>, vector<1x16xf32>,
        %get3A_608 = vector.shape_cast %get3A_607 : vector<1x16xf32> to vector<16xf32>
        %add3A_609 = arith.addf %get3A_602, %get3A_608 : vector<16xf32>
        %add3A_610 = arith.constant 128 : i32
        %add3A_611 = arith.addi %add3A_610, %scan3A_480 : i32
        %get3A_612 = arith.index_cast %add3A_611 : i32 to index
        %get3A_613 = arith.constant 64 : index
        %get3A_614 = tpu.vector_load %arg6[%get3A_612, %get3A_613] {strides = array<i32>} : memref<256x128xf32, #tpu.memory_space<vmem>>, vector<1x16xf32>,
        %get3A_615 = vector.shape_cast %get3A_614 : vector<1x16xf32> to vector<16xf32>
        %add3A_616 = arith.constant 192 : i32
        %add3A_617 = arith.addi %add3A_616, %scan3A_480 : i32
        %get3A_618 = arith.index_cast %add3A_617 : i32 to index
        %get3A_619 = arith.constant 64 : index
        %get3A_620 = tpu.vector_load %arg6[%get3A_618, %get3A_619] {strides = array<i32>} : memref<256x128xf32, #tpu.memory_space<vmem>>, vector<1x16xf32>,
        %get3A_621 = vector.shape_cast %get3A_620 : vector<1x16xf32> to vector<16xf32>
        %add3A_622 = arith.addf %get3A_615, %get3A_621 : vector<16xf32>
        %add3A_623 = arith.addf %add3A_609, %add3A_622 : vector<16xf32>
        %swap3A_624 = arith.index_cast %scan3A_480 : i32 to index
        %swap3A_625 = arith.constant 64 : index
        %swap3A_626 = tpu.vector_load %arg6[%swap3A_624, %swap3A_625] {strides = array<i32>} : memref<256x128xf32, #tpu.memory_space<vmem>>, vector<1x16xf32>,
        %swap3A_627 = vector.shape_cast %swap3A_626 : vector<1x16xf32> to vector<16xf32>
        %swap3A_628 = vector.shape_cast %add3A_623 : vector<16xf32> to vector<1x16xf32>
        tpu.vector_store %arg6[%swap3A_624, %swap3A_625], %swap3A_628 {strides = array<i32>} : memref<256x128xf32, #tpu.memory_space<vmem>>, vector<1x16xf32>,
        %get3A_629 = arith.index_cast %scan3A_480 : i32 to index
        %get3A_630 = arith.constant 80 : index
        %get3A_631 = tpu.vector_load %arg6[%get3A_629, %get3A_630] {strides = array<i32>} : memref<256x128xf32, #tpu.memory_space<vmem>>, vector<1x16xf32>,
        %get3A_632 = vector.shape_cast %get3A_631 : vector<1x16xf32> to vector<16xf32>
        %add3A_633 = arith.constant 64 : i32
        %add3A_634 = arith.addi %add3A_633, %scan3A_480 : i32
        %get3A_635 = arith.index_cast %add3A_634 : i32 to index
        %get3A_636 = arith.constant 80 : index
        %get3A_637 = tpu.vector_load %arg6[%get3A_635, %get3A_636] {strides = array<i32>} : memref<256x128xf32, #tpu.memory_space<vmem>>, vector<1x16xf32>,
        %get3A_638 = vector.shape_cast %get3A_637 : vector<1x16xf32> to vector<16xf32>
        %add3A_639 = arith.addf %get3A_632, %get3A_638 : vector<16xf32>
        %add3A_640 = arith.constant 128 : i32
        %add3A_641 = arith.addi %add3A_640, %scan3A_480 : i32
        %get3A_642 = arith.index_cast %add3A_641 : i32 to index
        %get3A_643 = arith.constant 80 : index
        %get3A_644 = tpu.vector_load %arg6[%get3A_642, %get3A_643] {strides = array<i32>} : memref<256x128xf32, #tpu.memory_space<vmem>>, vector<1x16xf32>,
        %get3A_645 = vector.shape_cast %get3A_644 : vector<1x16xf32> to vector<16xf32>
        %add3A_646 = arith.constant 192 : i32
        %add3A_647 = arith.addi %add3A_646, %scan3A_480 : i32
        %get3A_648 = arith.index_cast %add3A_647 : i32 to index
        %get3A_649 = arith.constant 80 : index
        %get3A_650 = tpu.vector_load %arg6[%get3A_648, %get3A_649] {strides = array<i32>} : memref<256x128xf32, #tpu.memory_space<vmem>>, vector<1x16xf32>,
        %get3A_651 = vector.shape_cast %get3A_650 : vector<1x16xf32> to vector<16xf32>
        %add3A_652 = arith.addf %get3A_645, %get3A_651 : vector<16xf32>
        %add3A_653 = arith.addf %add3A_639, %add3A_652 : vector<16xf32>
        %swap3A_654 = arith.index_cast %scan3A_480 : i32 to index
        %swap3A_655 = arith.constant 80 : index
        %swap3A_656 = tpu.vector_load %arg6[%swap3A_654, %swap3A_655] {strides = array<i32>} : memref<256x128xf32, #tpu.memory_space<vmem>>, vector<1x16xf32>,
        %swap3A_657 = vector.shape_cast %swap3A_656 : vector<1x16xf32> to vector<16xf32>
        %swap3A_658 = vector.shape_cast %add3A_653 : vector<16xf32> to vector<1x16xf32>
        tpu.vector_store %arg6[%swap3A_654, %swap3A_655], %swap3A_658 {strides = array<i32>} : memref<256x128xf32, #tpu.memory_space<vmem>>, vector<1x16xf32>,
        %get3A_659 = arith.index_cast %scan3A_480 : i32 to index
        %get3A_660 = arith.constant 96 : index
        %get3A_661 = tpu.vector_load %arg6[%get3A_659, %get3A_660] {strides = array<i32>} : memref<256x128xf32, #tpu.memory_space<vmem>>, vector<1x16xf32>,
        %get3A_662 = vector.shape_cast %get3A_661 : vector<1x16xf32> to vector<16xf32>
        %add3A_663 = arith.constant 64 : i32
        %add3A_664 = arith.addi %add3A_663, %scan3A_480 : i32
        %get3A_665 = arith.index_cast %add3A_664 : i32 to index
        %get3A_666 = arith.constant 96 : index
        %get3A_667 = tpu.vector_load %arg6[%get3A_665, %get3A_666] {strides = array<i32>} : memref<256x128xf32, #tpu.memory_space<vmem>>, vector<1x16xf32>,
        %get3A_668 = vector.shape_cast %get3A_667 : vector<1x16xf32> to vector<16xf32>
        %add3A_669 = arith.addf %get3A_662, %get3A_668 : vector<16xf32>
        %add3A_670 = arith.constant 128 : i32
        %add3A_671 = arith.addi %add3A_670, %scan3A_480 : i32
        %get3A_672 = arith.index_cast %add3A_671 : i32 to index
        %get3A_673 = arith.constant 96 : index
        %get3A_674 = tpu.vector_load %arg6[%get3A_672, %get3A_673] {strides = array<i32>} : memref<256x128xf32, #tpu.memory_space<vmem>>, vector<1x16xf32>,
        %get3A_675 = vector.shape_cast %get3A_674 : vector<1x16xf32> to vector<16xf32>
        %add3A_676 = arith.constant 192 : i32
        %add3A_677 = arith.addi %add3A_676, %scan3A_480 : i32
        %get3A_678 = arith.index_cast %add3A_677 : i32 to index
        %get3A_679 = arith.constant 96 : index
        %get3A_680 = tpu.vector_load %arg6[%get3A_678, %get3A_679] {strides = array<i32>} : memref<256x128xf32, #tpu.memory_space<vmem>>, vector<1x16xf32>,
        %get3A_681 = vector.shape_cast %get3A_680 : vector<1x16xf32> to vector<16xf32>
        %add3A_682 = arith.addf %get3A_675, %get3A_681 : vector<16xf32>
        %add3A_683 = arith.addf %add3A_669, %add3A_682 : vector<16xf32>
        %swap3A_684 = arith.index_cast %scan3A_480 : i32 to index
        %swap3A_685 = arith.constant 96 : index
        %swap3A_686 = tpu.vector_load %arg6[%swap3A_684, %swap3A_685] {strides = array<i32>} : memref<256x128xf32, #tpu.memory_space<vmem>>, vector<1x16xf32>,
        %swap3A_687 = vector.shape_cast %swap3A_686 : vector<1x16xf32> to vector<16xf32>
        %swap3A_688 = vector.shape_cast %add3A_683 : vector<16xf32> to vector<1x16xf32>
        tpu.vector_store %arg6[%swap3A_684, %swap3A_685], %swap3A_688 {strides = array<i32>} : memref<256x128xf32, #tpu.memory_space<vmem>>, vector<1x16xf32>,
        %get3A_689 = arith.index_cast %scan3A_480 : i32 to index
        %get3A_690 = arith.constant 112 : index
        %get3A_691 = tpu.vector_load %arg6[%get3A_689, %get3A_690] {strides = array<i32>} : memref<256x128xf32, #tpu.memory_space<vmem>>, vector<1x16xf32>,
        %get3A_692 = vector.shape_cast %get3A_691 : vector<1x16xf32> to vector<16xf32>
        %add3A_693 = arith.constant 64 : i32
        %add3A_694 = arith.addi %add3A_693, %scan3A_480 : i32
        %get3A_695 = arith.index_cast %add3A_694 : i32 to index
        %get3A_696 = arith.constant 112 : index
        %get3A_697 = tpu.vector_load %arg6[%get3A_695, %get3A_696] {strides = array<i32>} : memref<256x128xf32, #tpu.memory_space<vmem>>, vector<1x16xf32>,
        %get3A_698 = vector.shape_cast %get3A_697 : vector<1x16xf32> to vector<16xf32>
        %add3A_699 = arith.addf %get3A_692, %get3A_698 : vector<16xf32>
        %add3A_700 = arith.constant 128 : i32
        %add3A_701 = arith.addi %add3A_700, %scan3A_480 : i32
        %get3A_702 = arith.index_cast %add3A_701 : i32 to index
        %get3A_703 = arith.constant 112 : index
        %get3A_704 = tpu.vector_load %arg6[%get3A_702, %get3A_703] {strides = array<i32>} : memref<256x128xf32, #tpu.memory_space<vmem>>, vector<1x16xf32>,
        %get3A_705 = vector.shape_cast %get3A_704 : vector<1x16xf32> to vector<16xf32>
        %add3A_706 = arith.constant 192 : i32
        %add3A_707 = arith.addi %add3A_706, %scan3A_480 : i32
        %get3A_708 = arith.index_cast %add3A_707 : i32 to index
        %get3A_709 = arith.constant 112 : index
        %get3A_710 = tpu.vector_load %arg6[%get3A_708, %get3A_709] {strides = array<i32>} : memref<256x128xf32, #tpu.memory_space<vmem>>, vector<1x16xf32>,
        %get3A_711 = vector.shape_cast %get3A_710 : vector<1x16xf32> to vector<16xf32>
        %add3A_712 = arith.addf %get3A_705, %get3A_711 : vector<16xf32>
        %add3A_713 = arith.addf %add3A_699, %add3A_712 : vector<16xf32>
        %swap3A_714 = arith.index_cast %scan3A_480 : i32 to index
        %swap3A_715 = arith.constant 112 : index
        %swap3A_716 = tpu.vector_load %arg6[%swap3A_714, %swap3A_715] {strides = array<i32>} : memref<256x128xf32, #tpu.memory_space<vmem>>, vector<1x16xf32>,
        %swap3A_717 = vector.shape_cast %swap3A_716 : vector<1x16xf32> to vector<16xf32>
        %swap3A_718 = vector.shape_cast %add3A_713 : vector<16xf32> to vector<1x16xf32>
        tpu.vector_store %arg6[%swap3A_714, %swap3A_715], %swap3A_718 {strides = array<i32>} : memref<256x128xf32, #tpu.memory_space<vmem>>, vector<1x16xf32>,
      }
      %scan3A_376 = arith.constant 64 : i32
      %mul3A_377 = arith.constant 64 : i32
      %mul3A_378 = arith.muli %mul3A_252, %mul3A_377 : i32
      %add3A_379 = arith.addi %mul3A_2, %mul3A_378 : i32
      %dma_start3A_380 = arith.constant 0 : i32
      %dma_start3A_381 = arith.constant 0 : i32
      %dma_start3A_382 = tpu.memref_slice %arg6[%dma_start3A_380, %dma_start3A_381] : memref<256x128xf32, #tpu.memory_space<vmem>> -> memref<64x128xf32, #tpu.memory_space<vmem>>
      %dma_start3A_383 = arith.constant 0 : i32
      %dma_start3A_384 = tpu.memref_slice %arg4[%add3A_379, %dma_start3A_383] : memref<204800x128xf32, #tpu.memory_space<hbm>> -> memref<64x128xf32, #tpu.memory_space<hbm>>
      %dma_start3A_385 = arith.constant 0 : i32
      %dma_start3A_386 = tpu.memref_slice %arg4[%add3A_379, %dma_start3A_385] : memref<204800x128xf32, #tpu.memory_space<hbm>> -> memref<64x128xf32, #tpu.memory_space<hbm>>
      %dma_start3A_387 = arith.constant 0 : i32
      %dma_start3A_388 = arith.constant 0 : i32
      %dma_start3A_389 = tpu.memref_slice %arg6[%dma_start3A_387, %dma_start3A_388] : memref<256x128xf32, #tpu.memory_space<vmem>> -> memref<64x128xf32, #tpu.memory_space<vmem>>
      tpu.enqueue_dma source(%dma_start3A_389 : memref<64x128xf32, #tpu.memory_space<vmem>>) target(%dma_start3A_386 : memref<64x128xf32, #tpu.memory_space<hbm>>) target_semaphore(%arg11 : memref<!tpu.dma_semaphore, #tpu.memory_space<semaphore_mem>>)
      %mul3A_390 = arith.constant 4 : i32
      %mul3A_391 = arith.muli %scan3A_248, %mul3A_390 : i32
      %add3A_392 = arith.constant 0 : i32
      %add3A_393 = arith.addi %mul3A_391, %add3A_392 : i32
      %dma_wait3A_394 = arith.constant 0 : i32
      %dma_wait3A_395 = arith.constant 0 : i32
      %dma_wait3A_396 = tpu.memref_slice %arg7[%dma_wait3A_394, %dma_wait3A_395] : memref<256x128xf32, #tpu.memory_space<vmem>> -> memref<64x128xf32, #tpu.memory_space<vmem>>
      %dma_wait3A_397 = arith.constant 64 : i32
      %dma_wait3A_398 = tpu.memref_slice %arg5[%add3A_393, %dma_wait3A_397] : memref<40x128xi32, #tpu.memory_space<vmem>> -> memref<1x64xi32, #tpu.memory_space<vmem>>
      %dma_wait3A_399 = tpu.memref_squeeze %dma_wait3A_398 : memref<1x64xi32, #tpu.memory_space<vmem>> -> memref<64xi32, #tpu.memory_space<vmem>>
      %dma_wait3A_400 = arith.constant 0 : i32
      %dma_wait3A_401 = arith.constant 0 : i32
      %dma_wait3A_402 = tpu.memref_slice %arg8[%dma_wait3A_400, %dma_wait3A_401] : memref<7391x128xf32, #tpu.memory_space<vmem_shared>> -> memref<7391x128xf32, #tpu.memory_space<vmem_shared>>
      tpu.wait_indirect_dma semaphore(%arg10 : memref<!tpu.dma_semaphore, #tpu.memory_space<semaphore_mem>>) src(%dma_wait3A_402 : memref<7391x128xf32, #tpu.memory_space<vmem_shared>>) dst(%dma_wait3A_396 : memref<64x128xf32, #tpu.memory_space<vmem>>)
      %mul3A_403 = arith.constant 4 : i32
      %mul3A_404 = arith.muli %scan3A_248, %mul3A_403 : i32
      %add3A_405 = arith.constant 1 : i32
      %add3A_406 = arith.addi %mul3A_404, %add3A_405 : i32
      %dma_wait3A_407 = arith.constant 64 : i32
      %dma_wait3A_408 = arith.constant 0 : i32
      %dma_wait3A_409 = tpu.memref_slice %arg7[%dma_wait3A_407, %dma_wait3A_408] : memref<256x128xf32, #tpu.memory_space<vmem>> -> memref<64x128xf32, #tpu.memory_space<vmem>>
      %dma_wait3A_410 = arith.constant 64 : i32
      %dma_wait3A_411 = tpu.memref_slice %arg5[%add3A_406, %dma_wait3A_410] : memref<40x128xi32, #tpu.memory_space<vmem>> -> memref<1x64xi32, #tpu.memory_space<vmem>>
      %dma_wait3A_412 = tpu.memref_squeeze %dma_wait3A_411 : memref<1x64xi32, #tpu.memory_space<vmem>> -> memref<64xi32, #tpu.memory_space<vmem>>
      %dma_wait3A_413 = arith.constant 0 : i32
      %dma_wait3A_414 = arith.constant 0 : i32
      %dma_wait3A_415 = tpu.memref_slice %arg8[%dma_wait3A_413, %dma_wait3A_414] : memref<7391x128xf32, #tpu.memory_space<vmem_shared>> -> memref<7391x128xf32, #tpu.memory_space<vmem_shared>>
      tpu.wait_indirect_dma semaphore(%arg10 : memref<!tpu.dma_semaphore, #tpu.memory_space<semaphore_mem>>) src(%dma_wait3A_415 : memref<7391x128xf32, #tpu.memory_space<vmem_shared>>) dst(%dma_wait3A_409 : memref<64x128xf32, #tpu.memory_space<vmem>>)
      %mul3A_416 = arith.constant 4 : i32
      %mul3A_417 = arith.muli %scan3A_248, %mul3A_416 : i32
      %add3A_418 = arith.constant 2 : i32
      %add3A_419 = arith.addi %mul3A_417, %add3A_418 : i32
      %dma_wait3A_420 = arith.constant 128 : i32
      %dma_wait3A_421 = arith.constant 0 : i32
      %dma_wait3A_422 = tpu.memref_slice %arg7[%dma_wait3A_420, %dma_wait3A_421] : memref<256x128xf32, #tpu.memory_space<vmem>> -> memref<64x128xf32, #tpu.memory_space<vmem>>
      %dma_wait3A_423 = arith.constant 64 : i32
      %dma_wait3A_424 = tpu.memref_slice %arg5[%add3A_419, %dma_wait3A_423] : memref<40x128xi32, #tpu.memory_space<vmem>> -> memref<1x64xi32, #tpu.memory_space<vmem>>
      %dma_wait3A_425 = tpu.memref_squeeze %dma_wait3A_424 : memref<1x64xi32, #tpu.memory_space<vmem>> -> memref<64xi32, #tpu.memory_space<vmem>>
      %dma_wait3A_426 = arith.constant 0 : i32
      %dma_wait3A_427 = arith.constant 0 : i32
      %dma_wait3A_428 = tpu.memref_slice %arg8[%dma_wait3A_426, %dma_wait3A_427] : memref<7391x128xf32, #tpu.memory_space<vmem_shared>> -> memref<7391x128xf32, #tpu.memory_space<vmem_shared>>
      tpu.wait_indirect_dma semaphore(%arg10 : memref<!tpu.dma_semaphore, #tpu.memory_space<semaphore_mem>>) src(%dma_wait3A_428 : memref<7391x128xf32, #tpu.memory_space<vmem_shared>>) dst(%dma_wait3A_422 : memref<64x128xf32, #tpu.memory_space<vmem>>)
      %mul3A_429 = arith.constant 4 : i32
      %mul3A_430 = arith.muli %scan3A_248, %mul3A_429 : i32
      %add3A_431 = arith.constant 3 : i32
      %add3A_432 = arith.addi %mul3A_430, %add3A_431 : i32
      %dma_wait3A_433 = arith.constant 192 : i32
      %dma_wait3A_434 = arith.constant 0 : i32
      %dma_wait3A_435 = tpu.memref_slice %arg7[%dma_wait3A_433, %dma_wait3A_434] : memref<256x128xf32, #tpu.memory_space<vmem>> -> memref<64x128xf32, #tpu.memory_space<vmem>>
      %dma_wait3A_436 = arith.constant 64 : i32
      %dma_wait3A_437 = tpu.memref_slice %arg5[%add3A_432, %dma_wait3A_436] : memref<40x128xi32, #tpu.memory_space<vmem>> -> memref<1x64xi32, #tpu.memory_space<vmem>>
      %dma_wait3A_438 = tpu.memref_squeeze %dma_wait3A_437 : memref<1x64xi32, #tpu.memory_space<vmem>> -> memref<64xi32, #tpu.memory_space<vmem>>
      %dma_wait3A_439 = arith.constant 0 : i32
      %dma_wait3A_440 = arith.constant 0 : i32
      %dma_wait3A_441 = tpu.memref_slice %arg8[%dma_wait3A_439, %dma_wait3A_440] : memref<7391x128xf32, #tpu.memory_space<vmem_shared>> -> memref<7391x128xf32, #tpu.memory_space<vmem_shared>>
      tpu.wait_indirect_dma semaphore(%arg10 : memref<!tpu.dma_semaphore, #tpu.memory_space<semaphore_mem>>) src(%dma_wait3A_441 : memref<7391x128xf32, #tpu.memory_space<vmem_shared>>) dst(%dma_wait3A_435 : memref<64x128xf32, #tpu.memory_space<vmem>>)
      %scan3A_442 = arith.constant 0 : i32
      %scan3A_443 = arith.constant 0 : i32
      %scan3A_444 = arith.constant 64 : i32
      %scan3A_445 = arith.addi %scan3A_443, %scan3A_444 : i32
      %scan3A_446 = arith.constant 1 : i32
      scf.for %scan3A_480 = %scan3A_443 to %scan3A_445 step %scan3A_446  : i32 {
        %get3A = arith.index_cast %scan3A_480 : i32 to index
        %get3A_481 = arith.constant 0 : index
        %get3A_482 = tpu.vector_load %arg7[%get3A, %get3A_481] {strides = array<i32>} : memref<256x128xf32, #tpu.memory_space<vmem>>, vector<1x16xf32>,
        %get3A_483 = vector.shape_cast %get3A_482 : vector<1x16xf32> to vector<16xf32>
        %add3A_484 = arith.constant 64 : i32
        %add3A_485 = arith.addi %add3A_484, %scan3A_480 : i32
        %get3A_486 = arith.index_cast %add3A_485 : i32 to index
        %get3A_487 = arith.constant 0 : index
        %get3A_488 = tpu.vector_load %arg7[%get3A_486, %get3A_487] {strides = array<i32>} : memref<256x128xf32, #tpu.memory_space<vmem>>, vector<1x16xf32>,
        %get3A_489 = vector.shape_cast %get3A_488 : vector<1x16xf32> to vector<16xf32>
        %add3A_490 = arith.addf %get3A_483, %get3A_489 : vector<16xf32>
        %add3A_491 = arith.constant 128 : i32
        %add3A_492 = arith.addi %add3A_491, %scan3A_480 : i32
        %get3A_493 = arith.index_cast %add3A_492 : i32 to index
        %get3A_494 = arith.constant 0 : index
        %get3A_495 = tpu.vector_load %arg7[%get3A_493, %get3A_494] {strides = array<i32>} : memref<256x128xf32, #tpu.memory_space<vmem>>, vector<1x16xf32>,
        %get3A_496 = vector.shape_cast %get3A_495 : vector<1x16xf32> to vector<16xf32>
        %add3A_497 = arith.constant 192 : i32
        %add3A_498 = arith.addi %add3A_497, %scan3A_480 : i32
        %get3A_499 = arith.index_cast %add3A_498 : i32 to index
        %get3A_500 = arith.constant 0 : index
        %get3A_501 = tpu.vector_load %arg7[%get3A_499, %get3A_500] {strides = array<i32>} : memref<256x128xf32, #tpu.memory_space<vmem>>, vector<1x16xf32>,
        %get3A_502 = vector.shape_cast %get3A_501 : vector<1x16xf32> to vector<16xf32>
        %add3A_503 = arith.addf %get3A_496, %get3A_502 : vector<16xf32>
        %add3A_504 = arith.addf %add3A_490, %add3A_503 : vector<16xf32>
        %swap3A = arith.index_cast %scan3A_480 : i32 to index
        %swap3A_505 = arith.constant 0 : index
        %swap3A_506 = tpu.vector_load %arg7[%swap3A, %swap3A_505] {strides = array<i32>} : memref<256x128xf32, #tpu.memory_space<vmem>>, vector<1x16xf32>,
        %swap3A_507 = vector.shape_cast %swap3A_506 : vector<1x16xf32> to vector<16xf32>
        %swap3A_508 = vector.shape_cast %add3A_504 : vector<16xf32> to vector<1x16xf32>
        tpu.vector_store %arg7[%swap3A, %swap3A_505], %swap3A_508 {strides = array<i32>} : memref<256x128xf32, #tpu.memory_space<vmem>>, vector<1x16xf32>,
        %get3A_509 = arith.index_cast %scan3A_480 : i32 to index
        %get3A_510 = arith.constant 16 : index
        %get3A_511 = tpu.vector_load %arg7[%get3A_509, %get3A_510] {strides = array<i32>} : memref<256x128xf32, #tpu.memory_space<vmem>>, vector<1x16xf32>,
        %get3A_512 = vector.shape_cast %get3A_511 : vector<1x16xf32> to vector<16xf32>
        %add3A_513 = arith.constant 64 : i32
        %add3A_514 = arith.addi %add3A_513, %scan3A_480 : i32
        %get3A_515 = arith.index_cast %add3A_514 : i32 to index
        %get3A_516 = arith.constant 16 : index
        %get3A_517 = tpu.vector_load %arg7[%get3A_515, %get3A_516] {strides = array<i32>} : memref<256x128xf32, #tpu.memory_space<vmem>>, vector<1x16xf32>,
        %get3A_518 = vector.shape_cast %get3A_517 : vector<1x16xf32> to vector<16xf32>
        %add3A_519 = arith.addf %get3A_512, %get3A_518 : vector<16xf32>
        %add3A_520 = arith.constant 128 : i32
        %add3A_521 = arith.addi %add3A_520, %scan3A_480 : i32
        %get3A_522 = arith.index_cast %add3A_521 : i32 to index
        %get3A_523 = arith.constant 16 : index
        %get3A_524 = tpu.vector_load %arg7[%get3A_522, %get3A_523] {strides = array<i32>} : memref<256x128xf32, #tpu.memory_space<vmem>>, vector<1x16xf32>,
        %get3A_525 = vector.shape_cast %get3A_524 : vector<1x16xf32> to vector<16xf32>
        %add3A_526 = arith.constant 192 : i32
        %add3A_527 = arith.addi %add3A_526, %scan3A_480 : i32
        %get3A_528 = arith.index_cast %add3A_527 : i32 to index
        %get3A_529 = arith.constant 16 : index
        %get3A_530 = tpu.vector_load %arg7[%get3A_528, %get3A_529] {strides = array<i32>} : memref<256x128xf32, #tpu.memory_space<vmem>>, vector<1x16xf32>,
        %get3A_531 = vector.shape_cast %get3A_530 : vector<1x16xf32> to vector<16xf32>
        %add3A_532 = arith.addf %get3A_525, %get3A_531 : vector<16xf32>
        %add3A_533 = arith.addf %add3A_519, %add3A_532 : vector<16xf32>
        %swap3A_534 = arith.index_cast %scan3A_480 : i32 to index
        %swap3A_535 = arith.constant 16 : index
        %swap3A_536 = tpu.vector_load %arg7[%swap3A_534, %swap3A_535] {strides = array<i32>} : memref<256x128xf32, #tpu.memory_space<vmem>>, vector<1x16xf32>,
        %swap3A_537 = vector.shape_cast %swap3A_536 : vector<1x16xf32> to vector<16xf32>
        %swap3A_538 = vector.shape_cast %add3A_533 : vector<16xf32> to vector<1x16xf32>
        tpu.vector_store %arg7[%swap3A_534, %swap3A_535], %swap3A_538 {strides = array<i32>} : memref<256x128xf32, #tpu.memory_space<vmem>>, vector<1x16xf32>,
        %get3A_539 = arith.index_cast %scan3A_480 : i32 to index
        %get3A_540 = arith.constant 32 : index
        %get3A_541 = tpu.vector_load %arg7[%get3A_539, %get3A_540] {strides = array<i32>} : memref<256x128xf32, #tpu.memory_space<vmem>>, vector<1x16xf32>,
        %get3A_542 = vector.shape_cast %get3A_541 : vector<1x16xf32> to vector<16xf32>
        %add3A_543 = arith.constant 64 : i32
        %add3A_544 = arith.addi %add3A_543, %scan3A_480 : i32
        %get3A_545 = arith.index_cast %add3A_544 : i32 to index
        %get3A_546 = arith.constant 32 : index
        %get3A_547 = tpu.vector_load %arg7[%get3A_545, %get3A_546] {strides = array<i32>} : memref<256x128xf32, #tpu.memory_space<vmem>>, vector<1x16xf32>,
        %get3A_548 = vector.shape_cast %get3A_547 : vector<1x16xf32> to vector<16xf32>
        %add3A_549 = arith.addf %get3A_542, %get3A_548 : vector<16xf32>
        %add3A_550 = arith.constant 128 : i32
        %add3A_551 = arith.addi %add3A_550, %scan3A_480 : i32
        %get3A_552 = arith.index_cast %add3A_551 : i32 to index
        %get3A_553 = arith.constant 32 : index
        %get3A_554 = tpu.vector_load %arg7[%get3A_552, %get3A_553] {strides = array<i32>} : memref<256x128xf32, #tpu.memory_space<vmem>>, vector<1x16xf32>,
        %get3A_555 = vector.shape_cast %get3A_554 : vector<1x16xf32> to vector<16xf32>
        %add3A_556 = arith.constant 192 : i32
        %add3A_557 = arith.addi %add3A_556, %scan3A_480 : i32
        %get3A_558 = arith.index_cast %add3A_557 : i32 to index
        %get3A_559 = arith.constant 32 : index
        %get3A_560 = tpu.vector_load %arg7[%get3A_558, %get3A_559] {strides = array<i32>} : memref<256x128xf32, #tpu.memory_space<vmem>>, vector<1x16xf32>,
        %get3A_561 = vector.shape_cast %get3A_560 : vector<1x16xf32> to vector<16xf32>
        %add3A_562 = arith.addf %get3A_555, %get3A_561 : vector<16xf32>
        %add3A_563 = arith.addf %add3A_549, %add3A_562 : vector<16xf32>
        %swap3A_564 = arith.index_cast %scan3A_480 : i32 to index
        %swap3A_565 = arith.constant 32 : index
        %swap3A_566 = tpu.vector_load %arg7[%swap3A_564, %swap3A_565] {strides = array<i32>} : memref<256x128xf32, #tpu.memory_space<vmem>>, vector<1x16xf32>,
        %swap3A_567 = vector.shape_cast %swap3A_566 : vector<1x16xf32> to vector<16xf32>
        %swap3A_568 = vector.shape_cast %add3A_563 : vector<16xf32> to vector<1x16xf32>
        tpu.vector_store %arg7[%swap3A_564, %swap3A_565], %swap3A_568 {strides = array<i32>} : memref<256x128xf32, #tpu.memory_space<vmem>>, vector<1x16xf32>,
        %get3A_569 = arith.index_cast %scan3A_480 : i32 to index
        %get3A_570 = arith.constant 48 : index
        %get3A_571 = tpu.vector_load %arg7[%get3A_569, %get3A_570] {strides = array<i32>} : memref<256x128xf32, #tpu.memory_space<vmem>>, vector<1x16xf32>,
        %get3A_572 = vector.shape_cast %get3A_571 : vector<1x16xf32> to vector<16xf32>
        %add3A_573 = arith.constant 64 : i32
        %add3A_574 = arith.addi %add3A_573, %scan3A_480 : i32
        %get3A_575 = arith.index_cast %add3A_574 : i32 to index
        %get3A_576 = arith.constant 48 : index
        %get3A_577 = tpu.vector_load %arg7[%get3A_575, %get3A_576] {strides = array<i32>} : memref<256x128xf32, #tpu.memory_space<vmem>>, vector<1x16xf32>,
        %get3A_578 = vector.shape_cast %get3A_577 : vector<1x16xf32> to vector<16xf32>
        %add3A_579 = arith.addf %get3A_572, %get3A_578 : vector<16xf32>
        %add3A_580 = arith.constant 128 : i32
        %add3A_581 = arith.addi %add3A_580, %scan3A_480 : i32
        %get3A_582 = arith.index_cast %add3A_581 : i32 to index
        %get3A_583 = arith.constant 48 : index
        %get3A_584 = tpu.vector_load %arg7[%get3A_582, %get3A_583] {strides = array<i32>} : memref<256x128xf32, #tpu.memory_space<vmem>>, vector<1x16xf32>,
        %get3A_585 = vector.shape_cast %get3A_584 : vector<1x16xf32> to vector<16xf32>
        %add3A_586 = arith.constant 192 : i32
        %add3A_587 = arith.addi %add3A_586, %scan3A_480 : i32
        %get3A_588 = arith.index_cast %add3A_587 : i32 to index
        %get3A_589 = arith.constant 48 : index
        %get3A_590 = tpu.vector_load %arg7[%get3A_588, %get3A_589] {strides = array<i32>} : memref<256x128xf32, #tpu.memory_space<vmem>>, vector<1x16xf32>,
        %get3A_591 = vector.shape_cast %get3A_590 : vector<1x16xf32> to vector<16xf32>
        %add3A_592 = arith.addf %get3A_585, %get3A_591 : vector<16xf32>
        %add3A_593 = arith.addf %add3A_579, %add3A_592 : vector<16xf32>
        %swap3A_594 = arith.index_cast %scan3A_480 : i32 to index
        %swap3A_595 = arith.constant 48 : index
        %swap3A_596 = tpu.vector_load %arg7[%swap3A_594, %swap3A_595] {strides = array<i32>} : memref<256x128xf32, #tpu.memory_space<vmem>>, vector<1x16xf32>,
        %swap3A_597 = vector.shape_cast %swap3A_596 : vector<1x16xf32> to vector<16xf32>
        %swap3A_598 = vector.shape_cast %add3A_593 : vector<16xf32> to vector<1x16xf32>
        tpu.vector_store %arg7[%swap3A_594, %swap3A_595], %swap3A_598 {strides = array<i32>} : memref<256x128xf32, #tpu.memory_space<vmem>>, vector<1x16xf32>,
        %get3A_599 = arith.index_cast %scan3A_480 : i32 to index
        %get3A_600 = arith.constant 64 : index
        %get3A_601 = tpu.vector_load %arg7[%get3A_599, %get3A_600] {strides = array<i32>} : memref<256x128xf32, #tpu.memory_space<vmem>>, vector<1x16xf32>,
        %get3A_602 = vector.shape_cast %get3A_601 : vector<1x16xf32> to vector<16xf32>
        %add3A_603 = arith.constant 64 : i32
        %add3A_604 = arith.addi %add3A_603, %scan3A_480 : i32
        %get3A_605 = arith.index_cast %add3A_604 : i32 to index
        %get3A_606 = arith.constant 64 : index
        %get3A_607 = tpu.vector_load %arg7[%get3A_605, %get3A_606] {strides = array<i32>} : memref<256x128xf32, #tpu.memory_space<vmem>>, vector<1x16xf32>,
        %get3A_608 = vector.shape_cast %get3A_607 : vector<1x16xf32> to vector<16xf32>
        %add3A_609 = arith.addf %get3A_602, %get3A_608 : vector<16xf32>
        %add3A_610 = arith.constant 128 : i32
        %add3A_611 = arith.addi %add3A_610, %scan3A_480 : i32
        %get3A_612 = arith.index_cast %add3A_611 : i32 to index
        %get3A_613 = arith.constant 64 : index
        %get3A_614 = tpu.vector_load %arg7[%get3A_612, %get3A_613] {strides = array<i32>} : memref<256x128xf32, #tpu.memory_space<vmem>>, vector<1x16xf32>,
        %get3A_615 = vector.shape_cast %get3A_614 : vector<1x16xf32> to vector<16xf32>
        %add3A_616 = arith.constant 192 : i32
        %add3A_617 = arith.addi %add3A_616, %scan3A_480 : i32
        %get3A_618 = arith.index_cast %add3A_617 : i32 to index
        %get3A_619 = arith.constant 64 : index
        %get3A_620 = tpu.vector_load %arg7[%get3A_618, %get3A_619] {strides = array<i32>} : memref<256x128xf32, #tpu.memory_space<vmem>>, vector<1x16xf32>,
        %get3A_621 = vector.shape_cast %get3A_620 : vector<1x16xf32> to vector<16xf32>
        %add3A_622 = arith.addf %get3A_615, %get3A_621 : vector<16xf32>
        %add3A_623 = arith.addf %add3A_609, %add3A_622 : vector<16xf32>
        %swap3A_624 = arith.index_cast %scan3A_480 : i32 to index
        %swap3A_625 = arith.constant 64 : index
        %swap3A_626 = tpu.vector_load %arg7[%swap3A_624, %swap3A_625] {strides = array<i32>} : memref<256x128xf32, #tpu.memory_space<vmem>>, vector<1x16xf32>,
        %swap3A_627 = vector.shape_cast %swap3A_626 : vector<1x16xf32> to vector<16xf32>
        %swap3A_628 = vector.shape_cast %add3A_623 : vector<16xf32> to vector<1x16xf32>
        tpu.vector_store %arg7[%swap3A_624, %swap3A_625], %swap3A_628 {strides = array<i32>} : memref<256x128xf32, #tpu.memory_space<vmem>>, vector<1x16xf32>,
        %get3A_629 = arith.index_cast %scan3A_480 : i32 to index
        %get3A_630 = arith.constant 80 : index
        %get3A_631 = tpu.vector_load %arg7[%get3A_629, %get3A_630] {strides = array<i32>} : memref<256x128xf32, #tpu.memory_space<vmem>>, vector<1x16xf32>,
        %get3A_632 = vector.shape_cast %get3A_631 : vector<1x16xf32> to vector<16xf32>
        %add3A_633 = arith.constant 64 : i32
        %add3A_634 = arith.addi %add3A_633, %scan3A_480 : i32
        %get3A_635 = arith.index_cast %add3A_634 : i32 to index
        %get3A_636 = arith.constant 80 : index
        %get3A_637 = tpu.vector_load %arg7[%get3A_635, %get3A_636] {strides = array<i32>} : memref<256x128xf32, #tpu.memory_space<vmem>>, vector<1x16xf32>,
        %get3A_638 = vector.shape_cast %get3A_637 : vector<1x16xf32> to vector<16xf32>
        %add3A_639 = arith.addf %get3A_632, %get3A_638 : vector<16xf32>
        %add3A_640 = arith.constant 128 : i32
        %add3A_641 = arith.addi %add3A_640, %scan3A_480 : i32
        %get3A_642 = arith.index_cast %add3A_641 : i32 to index
        %get3A_643 = arith.constant 80 : index
        %get3A_644 = tpu.vector_load %arg7[%get3A_642, %get3A_643] {strides = array<i32>} : memref<256x128xf32, #tpu.memory_space<vmem>>, vector<1x16xf32>,
        %get3A_645 = vector.shape_cast %get3A_644 : vector<1x16xf32> to vector<16xf32>
        %add3A_646 = arith.constant 192 : i32
        %add3A_647 = arith.addi %add3A_646, %scan3A_480 : i32
        %get3A_648 = arith.index_cast %add3A_647 : i32 to index
        %get3A_649 = arith.constant 80 : index
        %get3A_650 = tpu.vector_load %arg7[%get3A_648, %get3A_649] {strides = array<i32>} : memref<256x128xf32, #tpu.memory_space<vmem>>, vector<1x16xf32>,
        %get3A_651 = vector.shape_cast %get3A_650 : vector<1x16xf32> to vector<16xf32>
        %add3A_652 = arith.addf %get3A_645, %get3A_651 : vector<16xf32>
        %add3A_653 = arith.addf %add3A_639, %add3A_652 : vector<16xf32>
        %swap3A_654 = arith.index_cast %scan3A_480 : i32 to index
        %swap3A_655 = arith.constant 80 : index
        %swap3A_656 = tpu.vector_load %arg7[%swap3A_654, %swap3A_655] {strides = array<i32>} : memref<256x128xf32, #tpu.memory_space<vmem>>, vector<1x16xf32>,
        %swap3A_657 = vector.shape_cast %swap3A_656 : vector<1x16xf32> to vector<16xf32>
        %swap3A_658 = vector.shape_cast %add3A_653 : vector<16xf32> to vector<1x16xf32>
        tpu.vector_store %arg7[%swap3A_654, %swap3A_655], %swap3A_658 {strides = array<i32>} : memref<256x128xf32, #tpu.memory_space<vmem>>, vector<1x16xf32>,
        %get3A_659 = arith.index_cast %scan3A_480 : i32 to index
        %get3A_660 = arith.constant 96 : index
        %get3A_661 = tpu.vector_load %arg7[%get3A_659, %get3A_660] {strides = array<i32>} : memref<256x128xf32, #tpu.memory_space<vmem>>, vector<1x16xf32>,
        %get3A_662 = vector.shape_cast %get3A_661 : vector<1x16xf32> to vector<16xf32>
        %add3A_663 = arith.constant 64 : i32
        %add3A_664 = arith.addi %add3A_663, %scan3A_480 : i32
        %get3A_665 = arith.index_cast %add3A_664 : i32 to index
        %get3A_666 = arith.constant 96 : index
        %get3A_667 = tpu.vector_load %arg7[%get3A_665, %get3A_666] {strides = array<i32>} : memref<256x128xf32, #tpu.memory_space<vmem>>, vector<1x16xf32>,
        %get3A_668 = vector.shape_cast %get3A_667 : vector<1x16xf32> to vector<16xf32>
        %add3A_669 = arith.addf %get3A_662, %get3A_668 : vector<16xf32>
        %add3A_670 = arith.constant 128 : i32
        %add3A_671 = arith.addi %add3A_670, %scan3A_480 : i32
        %get3A_672 = arith.index_cast %add3A_671 : i32 to index
        %get3A_673 = arith.constant 96 : index
        %get3A_674 = tpu.vector_load %arg7[%get3A_672, %get3A_673] {strides = array<i32>} : memref<256x128xf32, #tpu.memory_space<vmem>>, vector<1x16xf32>,
        %get3A_675 = vector.shape_cast %get3A_674 : vector<1x16xf32> to vector<16xf32>
        %add3A_676 = arith.constant 192 : i32
        %add3A_677 = arith.addi %add3A_676, %scan3A_480 : i32
        %get3A_678 = arith.index_cast %add3A_677 : i32 to index
        %get3A_679 = arith.constant 96 : index
        %get3A_680 = tpu.vector_load %arg7[%get3A_678, %get3A_679] {strides = array<i32>} : memref<256x128xf32, #tpu.memory_space<vmem>>, vector<1x16xf32>,
        %get3A_681 = vector.shape_cast %get3A_680 : vector<1x16xf32> to vector<16xf32>
        %add3A_682 = arith.addf %get3A_675, %get3A_681 : vector<16xf32>
        %add3A_683 = arith.addf %add3A_669, %add3A_682 : vector<16xf32>
        %swap3A_684 = arith.index_cast %scan3A_480 : i32 to index
        %swap3A_685 = arith.constant 96 : index
        %swap3A_686 = tpu.vector_load %arg7[%swap3A_684, %swap3A_685] {strides = array<i32>} : memref<256x128xf32, #tpu.memory_space<vmem>>, vector<1x16xf32>,
        %swap3A_687 = vector.shape_cast %swap3A_686 : vector<1x16xf32> to vector<16xf32>
        %swap3A_688 = vector.shape_cast %add3A_683 : vector<16xf32> to vector<1x16xf32>
        tpu.vector_store %arg7[%swap3A_684, %swap3A_685], %swap3A_688 {strides = array<i32>} : memref<256x128xf32, #tpu.memory_space<vmem>>, vector<1x16xf32>,
        %get3A_689 = arith.index_cast %scan3A_480 : i32 to index
        %get3A_690 = arith.constant 112 : index
        %get3A_691 = tpu.vector_load %arg7[%get3A_689, %get3A_690] {strides = array<i32>} : memref<256x128xf32, #tpu.memory_space<vmem>>, vector<1x16xf32>,
        %get3A_692 = vector.shape_cast %get3A_691 : vector<1x16xf32> to vector<16xf32>
        %add3A_693 = arith.constant 64 : i32
        %add3A_694 = arith.addi %add3A_693, %scan3A_480 : i32
        %get3A_695 = arith.index_cast %add3A_694 : i32 to index
        %get3A_696 = arith.constant 112 : index
        %get3A_697 = tpu.vector_load %arg7[%get3A_695, %get3A_696] {strides = array<i32>} : memref<256x128xf32, #tpu.memory_space<vmem>>, vector<1x16xf32>,
        %get3A_698 = vector.shape_cast %get3A_697 : vector<1x16xf32> to vector<16xf32>
        %add3A_699 = arith.addf %get3A_692, %get3A_698 : vector<16xf32>
        %add3A_700 = arith.constant 128 : i32
        %add3A_701 = arith.addi %add3A_700, %scan3A_480 : i32
        %get3A_702 = arith.index_cast %add3A_701 : i32 to index
        %get3A_703 = arith.constant 112 : index
        %get3A_704 = tpu.vector_load %arg7[%get3A_702, %get3A_703] {strides = array<i32>} : memref<256x128xf32, #tpu.memory_space<vmem>>, vector<1x16xf32>,
        %get3A_705 = vector.shape_cast %get3A_704 : vector<1x16xf32> to vector<16xf32>
        %add3A_706 = arith.constant 192 : i32
        %add3A_707 = arith.addi %add3A_706, %scan3A_480 : i32
        %get3A_708 = arith.index_cast %add3A_707 : i32 to index
        %get3A_709 = arith.constant 112 : index
        %get3A_710 = tpu.vector_load %arg7[%get3A_708, %get3A_709] {strides = array<i32>} : memref<256x128xf32, #tpu.memory_space<vmem>>, vector<1x16xf32>,
        %get3A_711 = vector.shape_cast %get3A_710 : vector<1x16xf32> to vector<16xf32>
        %add3A_712 = arith.addf %get3A_705, %get3A_711 : vector<16xf32>
        %add3A_713 = arith.addf %add3A_699, %add3A_712 : vector<16xf32>
        %swap3A_714 = arith.index_cast %scan3A_480 : i32 to index
        %swap3A_715 = arith.constant 112 : index
        %swap3A_716 = tpu.vector_load %arg7[%swap3A_714, %swap3A_715] {strides = array<i32>} : memref<256x128xf32, #tpu.memory_space<vmem>>, vector<1x16xf32>,
        %swap3A_717 = vector.shape_cast %swap3A_716 : vector<1x16xf32> to vector<16xf32>
        %swap3A_718 = vector.shape_cast %add3A_713 : vector<16xf32> to vector<1x16xf32>
        tpu.vector_store %arg7[%swap3A_714, %swap3A_715], %swap3A_718 {strides = array<i32>} : memref<256x128xf32, #tpu.memory_space<vmem>>, vector<1x16xf32>,
      }
      %scan3A_447 = arith.constant 64 : i32
      %add3A_448 = arith.constant 1 : i32
      %add3A_449 = arith.addi %mul3A_252, %add3A_448 : i32
      %mul3A_450 = arith.constant 64 : i32
      %mul3A_451 = arith.muli %add3A_449, %mul3A_450 : i32
      %add3A_452 = arith.addi %mul3A_2, %mul3A_451 : i32
      %dma_start3A_453 = arith.constant 0 : i32
      %dma_start3A_454 = arith.constant 0 : i32
      %dma_start3A_455 = tpu.memref_slice %arg7[%dma_start3A_453, %dma_start3A_454] : memref<256x128xf32, #tpu.memory_space<vmem>> -> memref<64x128xf32, #tpu.memory_space<vmem>>
      %dma_start3A_456 = arith.constant 0 : i32
      %dma_start3A_457 = tpu.memref_slice %arg4[%add3A_452, %dma_start3A_456] : memref<204800x128xf32, #tpu.memory_space<hbm>> -> memref<64x128xf32, #tpu.memory_space<hbm>>
      %dma_start3A_458 = arith.constant 0 : i32
      %dma_start3A_459 = tpu.memref_slice %arg4[%add3A_452, %dma_start3A_458] : memref<204800x128xf32, #tpu.memory_space<hbm>> -> memref<64x128xf32, #tpu.memory_space<hbm>>
      %dma_start3A_460 = arith.constant 0 : i32
      %dma_start3A_461 = arith.constant 0 : i32
      %dma_start3A_462 = tpu.memref_slice %arg7[%dma_start3A_460, %dma_start3A_461] : memref<256x128xf32, #tpu.memory_space<vmem>> -> memref<64x128xf32, #tpu.memory_space<vmem>>
      tpu.enqueue_dma source(%dma_start3A_462 : memref<64x128xf32, #tpu.memory_space<vmem>>) target(%dma_start3A_459 : memref<64x128xf32, #tpu.memory_space<hbm>>) target_semaphore(%arg12 : memref<!tpu.dma_semaphore, #tpu.memory_space<semaphore_mem>>)
      %mul3A_463 = arith.constant 64 : i32
      %mul3A_464 = arith.muli %mul3A_252, %mul3A_463 : i32
      %add3A_465 = arith.addi %mul3A_2, %mul3A_464 : i32
      %dma_wait3A_466 = arith.constant 0 : i32
      %dma_wait3A_467 = arith.constant 0 : i32
      %dma_wait3A_468 = tpu.memref_slice %arg6[%dma_wait3A_466, %dma_wait3A_467] : memref<256x128xf32, #tpu.memory_space<vmem>> -> memref<64x128xf32, #tpu.memory_space<vmem>>
      %dma_wait3A_469 = arith.constant 0 : i32
      %dma_wait3A_470 = tpu.memref_slice %arg4[%add3A_465, %dma_wait3A_469] : memref<204800x128xf32, #tpu.memory_space<hbm>> -> memref<64x128xf32, #tpu.memory_space<hbm>>
      %dma_wait3A_471 = arith.constant 0 : i32
      %dma_wait3A_472 = tpu.memref_slice %arg4[%add3A_465, %dma_wait3A_471] : memref<204800x128xf32, #tpu.memory_space<hbm>> -> memref<64x128xf32, #tpu.memory_space<hbm>>
      %dma_wait3A_473 = arith.constant 0 : i32
      %dma_wait3A_474 = arith.constant 0 : i32
      %dma_wait3A_475 = tpu.memref_slice %arg6[%dma_wait3A_473, %dma_wait3A_474] : memref<256x128xf32, #tpu.memory_space<vmem>> -> memref<64x128xf32, #tpu.memory_space<vmem>>
      tpu.wait_dma2 semaphore(%arg11 : memref<!tpu.dma_semaphore, #tpu.memory_space<semaphore_mem>>) src(%dma_wait3A_475 : memref<64x128xf32, #tpu.memory_space<vmem>>) dst(%dma_wait3A_472 : memref<64x128xf32, #tpu.memory_space<hbm>>)
      %lt3A = arith.constant 9 : i32
      %lt3A_476 = arith.cmpi slt, %scan3A_248, %lt3A : i32
      %convert_element_type3A_477 = arith.extui %lt3A_476 : i1 to i32
      %cond3A_478 = arith.constant 0 : i32
      %cond3A_479 = arith.cmpi ne, %convert_element_type3A_477, %cond3A_478 : i32
      scf.if %cond3A_479 {
        %add3A_480 = arith.constant 1 : i32
        %add3A_481 = arith.addi %scan3A_248, %add3A_480 : i32
        %mul3A_482 = arith.constant 4 : i32
        %mul3A_483 = arith.muli %add3A_481, %mul3A_482 : i32
        %add3A_484 = arith.constant 0 : i32
        %add3A_485 = arith.addi %mul3A_483, %add3A_484 : i32
        %dma_start3A_486 = arith.constant 0 : i32
        %dma_start3A_487 = arith.constant 0 : i32
        %dma_start3A_488 = tpu.memref_slice %arg6[%dma_start3A_486, %dma_start3A_487] : memref<256x128xf32, #tpu.memory_space<vmem>> -> memref<64x128xf32, #tpu.memory_space<vmem>>
        %dma_start3A_489 = arith.constant 0 : i32
        %dma_start3A_490 = tpu.memref_slice %arg5[%add3A_485, %dma_start3A_489] : memref<40x128xi32, #tpu.memory_space<vmem>> -> memref<1x64xi32, #tpu.memory_space<vmem>>
        %dma_start3A_491 = tpu.memref_squeeze %dma_start3A_490 : memref<1x64xi32, #tpu.memory_space<vmem>> -> memref<64xi32, #tpu.memory_space<vmem>>
        %dma_start3A_492 = arith.constant 0 : i32
        %dma_start3A_493 = arith.constant 0 : i32
        %dma_start3A_494 = tpu.memref_slice %arg8[%dma_start3A_492, %dma_start3A_493] : memref<7391x128xf32, #tpu.memory_space<vmem_shared>> -> memref<7391x128xf32, #tpu.memory_space<vmem_shared>>
        tpu.enqueue_indirect_dma source(%dma_start3A_494 : memref<7391x128xf32, #tpu.memory_space<vmem_shared>>) target(%dma_start3A_488 : memref<64x128xf32, #tpu.memory_space<vmem>>) offsets(%dma_start3A_491 : memref<64xi32, #tpu.memory_space<vmem>>) semaphore(%arg9 : memref<!tpu.dma_semaphore, #tpu.memory_space<semaphore_mem>>)
        %mul3A_495 = arith.constant 4 : i32
        %mul3A_496 = arith.muli %add3A_481, %mul3A_495 : i32
        %add3A_497 = arith.constant 1 : i32
        %add3A_498 = arith.addi %mul3A_496, %add3A_497 : i32
        %dma_start3A_499 = arith.constant 64 : i32
        %dma_start3A_500 = arith.constant 0 : i32
        %dma_start3A_501 = tpu.memref_slice %arg6[%dma_start3A_499, %dma_start3A_500] : memref<256x128xf32, #tpu.memory_space<vmem>> -> memref<64x128xf32, #tpu.memory_space<vmem>>
        %dma_start3A_502 = arith.constant 0 : i32
        %dma_start3A_503 = tpu.memref_slice %arg5[%add3A_498, %dma_start3A_502] : memref<40x128xi32, #tpu.memory_space<vmem>> -> memref<1x64xi32, #tpu.memory_space<vmem>>
        %dma_start3A_504 = tpu.memref_squeeze %dma_start3A_503 : memref<1x64xi32, #tpu.memory_space<vmem>> -> memref<64xi32, #tpu.memory_space<vmem>>
        %dma_start3A_505 = arith.constant 0 : i32
        %dma_start3A_506 = arith.constant 0 : i32
        %dma_start3A_507 = tpu.memref_slice %arg8[%dma_start3A_505, %dma_start3A_506] : memref<7391x128xf32, #tpu.memory_space<vmem_shared>> -> memref<7391x128xf32, #tpu.memory_space<vmem_shared>>
        tpu.enqueue_indirect_dma source(%dma_start3A_507 : memref<7391x128xf32, #tpu.memory_space<vmem_shared>>) target(%dma_start3A_501 : memref<64x128xf32, #tpu.memory_space<vmem>>) offsets(%dma_start3A_504 : memref<64xi32, #tpu.memory_space<vmem>>) semaphore(%arg9 : memref<!tpu.dma_semaphore, #tpu.memory_space<semaphore_mem>>)
        %mul3A_508 = arith.constant 4 : i32
        %mul3A_509 = arith.muli %add3A_481, %mul3A_508 : i32
        %add3A_510 = arith.constant 2 : i32
        %add3A_511 = arith.addi %mul3A_509, %add3A_510 : i32
        %dma_start3A_512 = arith.constant 128 : i32
        %dma_start3A_513 = arith.constant 0 : i32
        %dma_start3A_514 = tpu.memref_slice %arg6[%dma_start3A_512, %dma_start3A_513] : memref<256x128xf32, #tpu.memory_space<vmem>> -> memref<64x128xf32, #tpu.memory_space<vmem>>
        %dma_start3A_515 = arith.constant 0 : i32
        %dma_start3A_516 = tpu.memref_slice %arg5[%add3A_511, %dma_start3A_515] : memref<40x128xi32, #tpu.memory_space<vmem>> -> memref<1x64xi32, #tpu.memory_space<vmem>>
        %dma_start3A_517 = tpu.memref_squeeze %dma_start3A_516 : memref<1x64xi32, #tpu.memory_space<vmem>> -> memref<64xi32, #tpu.memory_space<vmem>>
        %dma_start3A_518 = arith.constant 0 : i32
        %dma_start3A_519 = arith.constant 0 : i32
        %dma_start3A_520 = tpu.memref_slice %arg8[%dma_start3A_518, %dma_start3A_519] : memref<7391x128xf32, #tpu.memory_space<vmem_shared>> -> memref<7391x128xf32, #tpu.memory_space<vmem_shared>>
        tpu.enqueue_indirect_dma source(%dma_start3A_520 : memref<7391x128xf32, #tpu.memory_space<vmem_shared>>) target(%dma_start3A_514 : memref<64x128xf32, #tpu.memory_space<vmem>>) offsets(%dma_start3A_517 : memref<64xi32, #tpu.memory_space<vmem>>) semaphore(%arg9 : memref<!tpu.dma_semaphore, #tpu.memory_space<semaphore_mem>>)
        %mul3A_521 = arith.constant 4 : i32
        %mul3A_522 = arith.muli %add3A_481, %mul3A_521 : i32
        %add3A_523 = arith.constant 3 : i32
        %add3A_524 = arith.addi %mul3A_522, %add3A_523 : i32
        %dma_start3A_525 = arith.constant 192 : i32
        %dma_start3A_526 = arith.constant 0 : i32
        %dma_start3A_527 = tpu.memref_slice %arg6[%dma_start3A_525, %dma_start3A_526] : memref<256x128xf32, #tpu.memory_space<vmem>> -> memref<64x128xf32, #tpu.memory_space<vmem>>
        %dma_start3A_528 = arith.constant 0 : i32
        %dma_start3A_529 = tpu.memref_slice %arg5[%add3A_524, %dma_start3A_528] : memref<40x128xi32, #tpu.memory_space<vmem>> -> memref<1x64xi32, #tpu.memory_space<vmem>>
        %dma_start3A_530 = tpu.memref_squeeze %dma_start3A_529 : memref<1x64xi32, #tpu.memory_space<vmem>> -> memref<64xi32, #tpu.memory_space<vmem>>
        %dma_start3A_531 = arith.constant 0 : i32
        %dma_start3A_532 = arith.constant 0 : i32
        %dma_start3A_533 = tpu.memref_slice %arg8[%dma_start3A_531, %dma_start3A_532] : memref<7391x128xf32, #tpu.memory_space<vmem_shared>> -> memref<7391x128xf32, #tpu.memory_space<vmem_shared>>
        tpu.enqueue_indirect_dma source(%dma_start3A_533 : memref<7391x128xf32, #tpu.memory_space<vmem_shared>>) target(%dma_start3A_527 : memref<64x128xf32, #tpu.memory_space<vmem>>) offsets(%dma_start3A_530 : memref<64xi32, #tpu.memory_space<vmem>>) semaphore(%arg9 : memref<!tpu.dma_semaphore, #tpu.memory_space<semaphore_mem>>)
      } else {
      }
    }
    %scan3A_142 = arith.constant 10 : i32
    %run_scoped3A_143 = arith.constant 3 : i32
    "tpu.region"() ({
      %run_scoped3A_248 = tpu.sem_alloc : memref<!tpu.dma_semaphore, #tpu.memory_space<semaphore_mem>>
      %dma_start3A_249 = arith.constant 0 : i32
      %dma_start3A_250 = arith.constant 0 : i32
      %dma_start3A_251 = tpu.memref_slice %arg3[%add3A, %run_scoped3A_143, %dma_start3A_249, %dma_start3A_250] : memref<32x5x40x128xi32, #tpu.memory_space<hbm>> -> memref<1x1x40x128xi32, #tpu.memory_space<hbm>>
      %dma_start3A_252 = tpu.memref_squeeze %dma_start3A_251 : memref<1x1x40x128xi32, #tpu.memory_space<hbm>> -> memref<40x128xi32, #tpu.memory_space<hbm>>
      %dma_start3A_253 = arith.constant 0 : i32
      %dma_start3A_254 = arith.constant 0 : i32
      %dma_start3A_255 = tpu.memref_slice %arg3[%add3A, %run_scoped3A_143, %dma_start3A_253, %dma_start3A_254] : memref<32x5x40x128xi32, #tpu.memory_space<hbm>> -> memref<1x1x40x128xi32, #tpu.memory_space<hbm>>
      %dma_start3A_256 = tpu.memref_squeeze %dma_start3A_255 : memref<1x1x40x128xi32, #tpu.memory_space<hbm>> -> memref<40x128xi32, #tpu.memory_space<hbm>>
      tpu.enqueue_dma source(%dma_start3A_256 : memref<40x128xi32, #tpu.memory_space<hbm>>) target(%arg5 : memref<40x128xi32, #tpu.memory_space<vmem>>) target_semaphore(%run_scoped3A_248 : memref<!tpu.dma_semaphore, #tpu.memory_space<semaphore_mem>>)
      %dma_wait3A_257 = arith.constant 0 : i32
      %dma_wait3A_258 = arith.constant 0 : i32
      %dma_wait3A_259 = tpu.memref_slice %arg3[%add3A, %run_scoped3A_143, %dma_wait3A_257, %dma_wait3A_258] : memref<32x5x40x128xi32, #tpu.memory_space<hbm>> -> memref<1x1x40x128xi32, #tpu.memory_space<hbm>>
      %dma_wait3A_260 = tpu.memref_squeeze %dma_wait3A_259 : memref<1x1x40x128xi32, #tpu.memory_space<hbm>> -> memref<40x128xi32, #tpu.memory_space<hbm>>
      %dma_wait3A_261 = arith.constant 0 : i32
      %dma_wait3A_262 = arith.constant 0 : i32
      %dma_wait3A_263 = tpu.memref_slice %arg3[%add3A, %run_scoped3A_143, %dma_wait3A_261, %dma_wait3A_262] : memref<32x5x40x128xi32, #tpu.memory_space<hbm>> -> memref<1x1x40x128xi32, #tpu.memory_space<hbm>>
      %dma_wait3A_264 = tpu.memref_squeeze %dma_wait3A_263 : memref<1x1x40x128xi32, #tpu.memory_space<hbm>> -> memref<40x128xi32, #tpu.memory_space<hbm>>
      tpu.wait_dma2 semaphore(%run_scoped3A_248 : memref<!tpu.dma_semaphore, #tpu.memory_space<semaphore_mem>>) src(%dma_wait3A_264 : memref<40x128xi32, #tpu.memory_space<hbm>>) dst(%arg5 : memref<40x128xi32, #tpu.memory_space<vmem>>)
      tpu.yield
    }) : () -> ()
    %dma_start3A_144 = arith.constant 0 : i32
    %dma_start3A_145 = arith.constant 0 : i32
    %dma_start3A_146 = arith.constant 0 : i32
    %dma_start3A_147 = tpu.memref_slice %arg6[%dma_start3A_145, %dma_start3A_146] : memref<256x128xf32, #tpu.memory_space<vmem>> -> memref<64x128xf32, #tpu.memory_space<vmem>>
    %dma_start3A_148 = arith.constant 0 : i32
    %dma_start3A_149 = tpu.memref_slice %arg5[%dma_start3A_144, %dma_start3A_148] : memref<40x128xi32, #tpu.memory_space<vmem>> -> memref<1x64xi32, #tpu.memory_space<vmem>>
    %dma_start3A_150 = tpu.memref_squeeze %dma_start3A_149 : memref<1x64xi32, #tpu.memory_space<vmem>> -> memref<64xi32, #tpu.memory_space<vmem>>
    %dma_start3A_151 = arith.constant 0 : i32
    %dma_start3A_152 = arith.constant 0 : i32
    %dma_start3A_153 = tpu.memref_slice %arg8[%dma_start3A_151, %dma_start3A_152] : memref<7391x128xf32, #tpu.memory_space<vmem_shared>> -> memref<7391x128xf32, #tpu.memory_space<vmem_shared>>
    tpu.enqueue_indirect_dma source(%dma_start3A_153 : memref<7391x128xf32, #tpu.memory_space<vmem_shared>>) target(%dma_start3A_147 : memref<64x128xf32, #tpu.memory_space<vmem>>) offsets(%dma_start3A_150 : memref<64xi32, #tpu.memory_space<vmem>>) semaphore(%arg9 : memref<!tpu.dma_semaphore, #tpu.memory_space<semaphore_mem>>)
    %dma_start3A_154 = arith.constant 1 : i32
    %dma_start3A_155 = arith.constant 64 : i32
    %dma_start3A_156 = arith.constant 0 : i32
    %dma_start3A_157 = tpu.memref_slice %arg6[%dma_start3A_155, %dma_start3A_156] : memref<256x128xf32, #tpu.memory_space<vmem>> -> memref<64x128xf32, #tpu.memory_space<vmem>>
    %dma_start3A_158 = arith.constant 0 : i32
    %dma_start3A_159 = tpu.memref_slice %arg5[%dma_start3A_154, %dma_start3A_158] : memref<40x128xi32, #tpu.memory_space<vmem>> -> memref<1x64xi32, #tpu.memory_space<vmem>>
    %dma_start3A_160 = tpu.memref_squeeze %dma_start3A_159 : memref<1x64xi32, #tpu.memory_space<vmem>> -> memref<64xi32, #tpu.memory_space<vmem>>
    %dma_start3A_161 = arith.constant 0 : i32
    %dma_start3A_162 = arith.constant 0 : i32
    %dma_start3A_163 = tpu.memref_slice %arg8[%dma_start3A_161, %dma_start3A_162] : memref<7391x128xf32, #tpu.memory_space<vmem_shared>> -> memref<7391x128xf32, #tpu.memory_space<vmem_shared>>
    tpu.enqueue_indirect_dma source(%dma_start3A_163 : memref<7391x128xf32, #tpu.memory_space<vmem_shared>>) target(%dma_start3A_157 : memref<64x128xf32, #tpu.memory_space<vmem>>) offsets(%dma_start3A_160 : memref<64xi32, #tpu.memory_space<vmem>>) semaphore(%arg9 : memref<!tpu.dma_semaphore, #tpu.memory_space<semaphore_mem>>)
    %dma_start3A_164 = arith.constant 2 : i32
    %dma_start3A_165 = arith.constant 128 : i32
    %dma_start3A_166 = arith.constant 0 : i32
    %dma_start3A_167 = tpu.memref_slice %arg6[%dma_start3A_165, %dma_start3A_166] : memref<256x128xf32, #tpu.memory_space<vmem>> -> memref<64x128xf32, #tpu.memory_space<vmem>>
    %dma_start3A_168 = arith.constant 0 : i32
    %dma_start3A_169 = tpu.memref_slice %arg5[%dma_start3A_164, %dma_start3A_168] : memref<40x128xi32, #tpu.memory_space<vmem>> -> memref<1x64xi32, #tpu.memory_space<vmem>>
    %dma_start3A_170 = tpu.memref_squeeze %dma_start3A_169 : memref<1x64xi32, #tpu.memory_space<vmem>> -> memref<64xi32, #tpu.memory_space<vmem>>
    %dma_start3A_171 = arith.constant 0 : i32
    %dma_start3A_172 = arith.constant 0 : i32
    %dma_start3A_173 = tpu.memref_slice %arg8[%dma_start3A_171, %dma_start3A_172] : memref<7391x128xf32, #tpu.memory_space<vmem_shared>> -> memref<7391x128xf32, #tpu.memory_space<vmem_shared>>
    tpu.enqueue_indirect_dma source(%dma_start3A_173 : memref<7391x128xf32, #tpu.memory_space<vmem_shared>>) target(%dma_start3A_167 : memref<64x128xf32, #tpu.memory_space<vmem>>) offsets(%dma_start3A_170 : memref<64xi32, #tpu.memory_space<vmem>>) semaphore(%arg9 : memref<!tpu.dma_semaphore, #tpu.memory_space<semaphore_mem>>)
    %dma_start3A_174 = arith.constant 3 : i32
    %dma_start3A_175 = arith.constant 192 : i32
    %dma_start3A_176 = arith.constant 0 : i32
    %dma_start3A_177 = tpu.memref_slice %arg6[%dma_start3A_175, %dma_start3A_176] : memref<256x128xf32, #tpu.memory_space<vmem>> -> memref<64x128xf32, #tpu.memory_space<vmem>>
    %dma_start3A_178 = arith.constant 0 : i32
    %dma_start3A_179 = tpu.memref_slice %arg5[%dma_start3A_174, %dma_start3A_178] : memref<40x128xi32, #tpu.memory_space<vmem>> -> memref<1x64xi32, #tpu.memory_space<vmem>>
    %dma_start3A_180 = tpu.memref_squeeze %dma_start3A_179 : memref<1x64xi32, #tpu.memory_space<vmem>> -> memref<64xi32, #tpu.memory_space<vmem>>
    %dma_start3A_181 = arith.constant 0 : i32
    %dma_start3A_182 = arith.constant 0 : i32
    %dma_start3A_183 = tpu.memref_slice %arg8[%dma_start3A_181, %dma_start3A_182] : memref<7391x128xf32, #tpu.memory_space<vmem_shared>> -> memref<7391x128xf32, #tpu.memory_space<vmem_shared>>
    tpu.enqueue_indirect_dma source(%dma_start3A_183 : memref<7391x128xf32, #tpu.memory_space<vmem_shared>>) target(%dma_start3A_177 : memref<64x128xf32, #tpu.memory_space<vmem>>) offsets(%dma_start3A_180 : memref<64xi32, #tpu.memory_space<vmem>>) semaphore(%arg9 : memref<!tpu.dma_semaphore, #tpu.memory_space<semaphore_mem>>)
    %scan3A_184 = arith.constant 0 : i32
    %scan3A_185 = arith.constant 0 : i32
    %scan3A_186 = arith.constant 10 : i32
    %scan3A_187 = arith.addi %scan3A_185, %scan3A_186 : i32
    %scan3A_188 = arith.constant 1 : i32
    scf.for %scan3A_248 = %scan3A_185 to %scan3A_187 step %scan3A_188  : i32 {
      %add3A_249 = arith.constant 30 : i32
      %add3A_250 = arith.addi %add3A_249, %scan3A_248 : i32
      %mul3A_251 = arith.constant 2 : i32
      %mul3A_252 = arith.muli %mul3A_251, %add3A_250 : i32
      %sub3A = arith.constant 1 : i32
      %sub3A_253 = arith.subi %mul3A_252, %sub3A : i32
      %mul3A_254 = arith.constant 64 : i32
      %mul3A_255 = arith.muli %sub3A_253, %mul3A_254 : i32
      %add3A_256 = arith.addi %mul3A_2, %mul3A_255 : i32
      %dma_wait3A_257 = arith.constant 0 : i32
      %dma_wait3A_258 = arith.constant 0 : i32
      %dma_wait3A_259 = tpu.memref_slice %arg7[%dma_wait3A_257, %dma_wait3A_258] : memref<256x128xf32, #tpu.memory_space<vmem>> -> memref<64x128xf32, #tpu.memory_space<vmem>>
      %dma_wait3A_260 = arith.constant 0 : i32
      %dma_wait3A_261 = tpu.memref_slice %arg4[%add3A_256, %dma_wait3A_260] : memref<204800x128xf32, #tpu.memory_space<hbm>> -> memref<64x128xf32, #tpu.memory_space<hbm>>
      %dma_wait3A_262 = arith.constant 0 : i32
      %dma_wait3A_263 = tpu.memref_slice %arg4[%add3A_256, %dma_wait3A_262] : memref<204800x128xf32, #tpu.memory_space<hbm>> -> memref<64x128xf32, #tpu.memory_space<hbm>>
      %dma_wait3A_264 = arith.constant 0 : i32
      %dma_wait3A_265 = arith.constant 0 : i32
      %dma_wait3A_266 = tpu.memref_slice %arg7[%dma_wait3A_264, %dma_wait3A_265] : memref<256x128xf32, #tpu.memory_space<vmem>> -> memref<64x128xf32, #tpu.memory_space<vmem>>
      tpu.wait_dma2 semaphore(%arg12 : memref<!tpu.dma_semaphore, #tpu.memory_space<semaphore_mem>>) src(%dma_wait3A_266 : memref<64x128xf32, #tpu.memory_space<vmem>>) dst(%dma_wait3A_263 : memref<64x128xf32, #tpu.memory_space<hbm>>)
      %mul3A_267 = arith.constant 4 : i32
      %mul3A_268 = arith.muli %scan3A_248, %mul3A_267 : i32
      %add3A_269 = arith.constant 0 : i32
      %add3A_270 = arith.addi %mul3A_268, %add3A_269 : i32
      %dma_start3A_271 = arith.constant 0 : i32
      %dma_start3A_272 = arith.constant 0 : i32
      %dma_start3A_273 = tpu.memref_slice %arg7[%dma_start3A_271, %dma_start3A_272] : memref<256x128xf32, #tpu.memory_space<vmem>> -> memref<64x128xf32, #tpu.memory_space<vmem>>
      %dma_start3A_274 = arith.constant 64 : i32
      %dma_start3A_275 = tpu.memref_slice %arg5[%add3A_270, %dma_start3A_274] : memref<40x128xi32, #tpu.memory_space<vmem>> -> memref<1x64xi32, #tpu.memory_space<vmem>>
      %dma_start3A_276 = tpu.memref_squeeze %dma_start3A_275 : memref<1x64xi32, #tpu.memory_space<vmem>> -> memref<64xi32, #tpu.memory_space<vmem>>
      %dma_start3A_277 = arith.constant 0 : i32
      %dma_start3A_278 = arith.constant 0 : i32
      %dma_start3A_279 = tpu.memref_slice %arg8[%dma_start3A_277, %dma_start3A_278] : memref<7391x128xf32, #tpu.memory_space<vmem_shared>> -> memref<7391x128xf32, #tpu.memory_space<vmem_shared>>
      tpu.enqueue_indirect_dma source(%dma_start3A_279 : memref<7391x128xf32, #tpu.memory_space<vmem_shared>>) target(%dma_start3A_273 : memref<64x128xf32, #tpu.memory_space<vmem>>) offsets(%dma_start3A_276 : memref<64xi32, #tpu.memory_space<vmem>>) semaphore(%arg10 : memref<!tpu.dma_semaphore, #tpu.memory_space<semaphore_mem>>)
      %mul3A_280 = arith.constant 4 : i32
      %mul3A_281 = arith.muli %scan3A_248, %mul3A_280 : i32
      %add3A_282 = arith.constant 1 : i32
      %add3A_283 = arith.addi %mul3A_281, %add3A_282 : i32
      %dma_start3A_284 = arith.constant 64 : i32
      %dma_start3A_285 = arith.constant 0 : i32
      %dma_start3A_286 = tpu.memref_slice %arg7[%dma_start3A_284, %dma_start3A_285] : memref<256x128xf32, #tpu.memory_space<vmem>> -> memref<64x128xf32, #tpu.memory_space<vmem>>
      %dma_start3A_287 = arith.constant 64 : i32
      %dma_start3A_288 = tpu.memref_slice %arg5[%add3A_283, %dma_start3A_287] : memref<40x128xi32, #tpu.memory_space<vmem>> -> memref<1x64xi32, #tpu.memory_space<vmem>>
      %dma_start3A_289 = tpu.memref_squeeze %dma_start3A_288 : memref<1x64xi32, #tpu.memory_space<vmem>> -> memref<64xi32, #tpu.memory_space<vmem>>
      %dma_start3A_290 = arith.constant 0 : i32
      %dma_start3A_291 = arith.constant 0 : i32
      %dma_start3A_292 = tpu.memref_slice %arg8[%dma_start3A_290, %dma_start3A_291] : memref<7391x128xf32, #tpu.memory_space<vmem_shared>> -> memref<7391x128xf32, #tpu.memory_space<vmem_shared>>
      tpu.enqueue_indirect_dma source(%dma_start3A_292 : memref<7391x128xf32, #tpu.memory_space<vmem_shared>>) target(%dma_start3A_286 : memref<64x128xf32, #tpu.memory_space<vmem>>) offsets(%dma_start3A_289 : memref<64xi32, #tpu.memory_space<vmem>>) semaphore(%arg10 : memref<!tpu.dma_semaphore, #tpu.memory_space<semaphore_mem>>)
      %mul3A_293 = arith.constant 4 : i32
      %mul3A_294 = arith.muli %scan3A_248, %mul3A_293 : i32
      %add3A_295 = arith.constant 2 : i32
      %add3A_296 = arith.addi %mul3A_294, %add3A_295 : i32
      %dma_start3A_297 = arith.constant 128 : i32
      %dma_start3A_298 = arith.constant 0 : i32
      %dma_start3A_299 = tpu.memref_slice %arg7[%dma_start3A_297, %dma_start3A_298] : memref<256x128xf32, #tpu.memory_space<vmem>> -> memref<64x128xf32, #tpu.memory_space<vmem>>
      %dma_start3A_300 = arith.constant 64 : i32
      %dma_start3A_301 = tpu.memref_slice %arg5[%add3A_296, %dma_start3A_300] : memref<40x128xi32, #tpu.memory_space<vmem>> -> memref<1x64xi32, #tpu.memory_space<vmem>>
      %dma_start3A_302 = tpu.memref_squeeze %dma_start3A_301 : memref<1x64xi32, #tpu.memory_space<vmem>> -> memref<64xi32, #tpu.memory_space<vmem>>
      %dma_start3A_303 = arith.constant 0 : i32
      %dma_start3A_304 = arith.constant 0 : i32
      %dma_start3A_305 = tpu.memref_slice %arg8[%dma_start3A_303, %dma_start3A_304] : memref<7391x128xf32, #tpu.memory_space<vmem_shared>> -> memref<7391x128xf32, #tpu.memory_space<vmem_shared>>
      tpu.enqueue_indirect_dma source(%dma_start3A_305 : memref<7391x128xf32, #tpu.memory_space<vmem_shared>>) target(%dma_start3A_299 : memref<64x128xf32, #tpu.memory_space<vmem>>) offsets(%dma_start3A_302 : memref<64xi32, #tpu.memory_space<vmem>>) semaphore(%arg10 : memref<!tpu.dma_semaphore, #tpu.memory_space<semaphore_mem>>)
      %mul3A_306 = arith.constant 4 : i32
      %mul3A_307 = arith.muli %scan3A_248, %mul3A_306 : i32
      %add3A_308 = arith.constant 3 : i32
      %add3A_309 = arith.addi %mul3A_307, %add3A_308 : i32
      %dma_start3A_310 = arith.constant 192 : i32
      %dma_start3A_311 = arith.constant 0 : i32
      %dma_start3A_312 = tpu.memref_slice %arg7[%dma_start3A_310, %dma_start3A_311] : memref<256x128xf32, #tpu.memory_space<vmem>> -> memref<64x128xf32, #tpu.memory_space<vmem>>
      %dma_start3A_313 = arith.constant 64 : i32
      %dma_start3A_314 = tpu.memref_slice %arg5[%add3A_309, %dma_start3A_313] : memref<40x128xi32, #tpu.memory_space<vmem>> -> memref<1x64xi32, #tpu.memory_space<vmem>>
      %dma_start3A_315 = tpu.memref_squeeze %dma_start3A_314 : memref<1x64xi32, #tpu.memory_space<vmem>> -> memref<64xi32, #tpu.memory_space<vmem>>
      %dma_start3A_316 = arith.constant 0 : i32
      %dma_start3A_317 = arith.constant 0 : i32
      %dma_start3A_318 = tpu.memref_slice %arg8[%dma_start3A_316, %dma_start3A_317] : memref<7391x128xf32, #tpu.memory_space<vmem_shared>> -> memref<7391x128xf32, #tpu.memory_space<vmem_shared>>
      tpu.enqueue_indirect_dma source(%dma_start3A_318 : memref<7391x128xf32, #tpu.memory_space<vmem_shared>>) target(%dma_start3A_312 : memref<64x128xf32, #tpu.memory_space<vmem>>) offsets(%dma_start3A_315 : memref<64xi32, #tpu.memory_space<vmem>>) semaphore(%arg10 : memref<!tpu.dma_semaphore, #tpu.memory_space<semaphore_mem>>)
      %mul3A_319 = arith.constant 4 : i32
      %mul3A_320 = arith.muli %scan3A_248, %mul3A_319 : i32
      %add3A_321 = arith.constant 0 : i32
      %add3A_322 = arith.addi %mul3A_320, %add3A_321 : i32
      %dma_wait3A_323 = arith.constant 0 : i32
      %dma_wait3A_324 = arith.constant 0 : i32
      %dma_wait3A_325 = tpu.memref_slice %arg6[%dma_wait3A_323, %dma_wait3A_324] : memref<256x128xf32, #tpu.memory_space<vmem>> -> memref<64x128xf32, #tpu.memory_space<vmem>>
      %dma_wait3A_326 = arith.constant 0 : i32
      %dma_wait3A_327 = tpu.memref_slice %arg5[%add3A_322, %dma_wait3A_326] : memref<40x128xi32, #tpu.memory_space<vmem>> -> memref<1x64xi32, #tpu.memory_space<vmem>>
      %dma_wait3A_328 = tpu.memref_squeeze %dma_wait3A_327 : memref<1x64xi32, #tpu.memory_space<vmem>> -> memref<64xi32, #tpu.memory_space<vmem>>
      %dma_wait3A_329 = arith.constant 0 : i32
      %dma_wait3A_330 = arith.constant 0 : i32
      %dma_wait3A_331 = tpu.memref_slice %arg8[%dma_wait3A_329, %dma_wait3A_330] : memref<7391x128xf32, #tpu.memory_space<vmem_shared>> -> memref<7391x128xf32, #tpu.memory_space<vmem_shared>>
      tpu.wait_indirect_dma semaphore(%arg9 : memref<!tpu.dma_semaphore, #tpu.memory_space<semaphore_mem>>) src(%dma_wait3A_331 : memref<7391x128xf32, #tpu.memory_space<vmem_shared>>) dst(%dma_wait3A_325 : memref<64x128xf32, #tpu.memory_space<vmem>>)
      %mul3A_332 = arith.constant 4 : i32
      %mul3A_333 = arith.muli %scan3A_248, %mul3A_332 : i32
      %add3A_334 = arith.constant 1 : i32
      %add3A_335 = arith.addi %mul3A_333, %add3A_334 : i32
      %dma_wait3A_336 = arith.constant 64 : i32
      %dma_wait3A_337 = arith.constant 0 : i32
      %dma_wait3A_338 = tpu.memref_slice %arg6[%dma_wait3A_336, %dma_wait3A_337] : memref<256x128xf32, #tpu.memory_space<vmem>> -> memref<64x128xf32, #tpu.memory_space<vmem>>
      %dma_wait3A_339 = arith.constant 0 : i32
      %dma_wait3A_340 = tpu.memref_slice %arg5[%add3A_335, %dma_wait3A_339] : memref<40x128xi32, #tpu.memory_space<vmem>> -> memref<1x64xi32, #tpu.memory_space<vmem>>
      %dma_wait3A_341 = tpu.memref_squeeze %dma_wait3A_340 : memref<1x64xi32, #tpu.memory_space<vmem>> -> memref<64xi32, #tpu.memory_space<vmem>>
      %dma_wait3A_342 = arith.constant 0 : i32
      %dma_wait3A_343 = arith.constant 0 : i32
      %dma_wait3A_344 = tpu.memref_slice %arg8[%dma_wait3A_342, %dma_wait3A_343] : memref<7391x128xf32, #tpu.memory_space<vmem_shared>> -> memref<7391x128xf32, #tpu.memory_space<vmem_shared>>
      tpu.wait_indirect_dma semaphore(%arg9 : memref<!tpu.dma_semaphore, #tpu.memory_space<semaphore_mem>>) src(%dma_wait3A_344 : memref<7391x128xf32, #tpu.memory_space<vmem_shared>>) dst(%dma_wait3A_338 : memref<64x128xf32, #tpu.memory_space<vmem>>)
      %mul3A_345 = arith.constant 4 : i32
      %mul3A_346 = arith.muli %scan3A_248, %mul3A_345 : i32
      %add3A_347 = arith.constant 2 : i32
      %add3A_348 = arith.addi %mul3A_346, %add3A_347 : i32
      %dma_wait3A_349 = arith.constant 128 : i32
      %dma_wait3A_350 = arith.constant 0 : i32
      %dma_wait3A_351 = tpu.memref_slice %arg6[%dma_wait3A_349, %dma_wait3A_350] : memref<256x128xf32, #tpu.memory_space<vmem>> -> memref<64x128xf32, #tpu.memory_space<vmem>>
      %dma_wait3A_352 = arith.constant 0 : i32
      %dma_wait3A_353 = tpu.memref_slice %arg5[%add3A_348, %dma_wait3A_352] : memref<40x128xi32, #tpu.memory_space<vmem>> -> memref<1x64xi32, #tpu.memory_space<vmem>>
      %dma_wait3A_354 = tpu.memref_squeeze %dma_wait3A_353 : memref<1x64xi32, #tpu.memory_space<vmem>> -> memref<64xi32, #tpu.memory_space<vmem>>
      %dma_wait3A_355 = arith.constant 0 : i32
      %dma_wait3A_356 = arith.constant 0 : i32
      %dma_wait3A_357 = tpu.memref_slice %arg8[%dma_wait3A_355, %dma_wait3A_356] : memref<7391x128xf32, #tpu.memory_space<vmem_shared>> -> memref<7391x128xf32, #tpu.memory_space<vmem_shared>>
      tpu.wait_indirect_dma semaphore(%arg9 : memref<!tpu.dma_semaphore, #tpu.memory_space<semaphore_mem>>) src(%dma_wait3A_357 : memref<7391x128xf32, #tpu.memory_space<vmem_shared>>) dst(%dma_wait3A_351 : memref<64x128xf32, #tpu.memory_space<vmem>>)
      %mul3A_358 = arith.constant 4 : i32
      %mul3A_359 = arith.muli %scan3A_248, %mul3A_358 : i32
      %add3A_360 = arith.constant 3 : i32
      %add3A_361 = arith.addi %mul3A_359, %add3A_360 : i32
      %dma_wait3A_362 = arith.constant 192 : i32
      %dma_wait3A_363 = arith.constant 0 : i32
      %dma_wait3A_364 = tpu.memref_slice %arg6[%dma_wait3A_362, %dma_wait3A_363] : memref<256x128xf32, #tpu.memory_space<vmem>> -> memref<64x128xf32, #tpu.memory_space<vmem>>
      %dma_wait3A_365 = arith.constant 0 : i32
      %dma_wait3A_366 = tpu.memref_slice %arg5[%add3A_361, %dma_wait3A_365] : memref<40x128xi32, #tpu.memory_space<vmem>> -> memref<1x64xi32, #tpu.memory_space<vmem>>
      %dma_wait3A_367 = tpu.memref_squeeze %dma_wait3A_366 : memref<1x64xi32, #tpu.memory_space<vmem>> -> memref<64xi32, #tpu.memory_space<vmem>>
      %dma_wait3A_368 = arith.constant 0 : i32
      %dma_wait3A_369 = arith.constant 0 : i32
      %dma_wait3A_370 = tpu.memref_slice %arg8[%dma_wait3A_368, %dma_wait3A_369] : memref<7391x128xf32, #tpu.memory_space<vmem_shared>> -> memref<7391x128xf32, #tpu.memory_space<vmem_shared>>
      tpu.wait_indirect_dma semaphore(%arg9 : memref<!tpu.dma_semaphore, #tpu.memory_space<semaphore_mem>>) src(%dma_wait3A_370 : memref<7391x128xf32, #tpu.memory_space<vmem_shared>>) dst(%dma_wait3A_364 : memref<64x128xf32, #tpu.memory_space<vmem>>)
      %scan3A_371 = arith.constant 0 : i32
      %scan3A_372 = arith.constant 0 : i32
      %scan3A_373 = arith.constant 64 : i32
      %scan3A_374 = arith.addi %scan3A_372, %scan3A_373 : i32
      %scan3A_375 = arith.constant 1 : i32
      scf.for %scan3A_480 = %scan3A_372 to %scan3A_374 step %scan3A_375  : i32 {
        %get3A = arith.index_cast %scan3A_480 : i32 to index
        %get3A_481 = arith.constant 0 : index
        %get3A_482 = tpu.vector_load %arg6[%get3A, %get3A_481] {strides = array<i32>} : memref<256x128xf32, #tpu.memory_space<vmem>>, vector<1x16xf32>,
        %get3A_483 = vector.shape_cast %get3A_482 : vector<1x16xf32> to vector<16xf32>
        %add3A_484 = arith.constant 64 : i32
        %add3A_485 = arith.addi %add3A_484, %scan3A_480 : i32
        %get3A_486 = arith.index_cast %add3A_485 : i32 to index
        %get3A_487 = arith.constant 0 : index
        %get3A_488 = tpu.vector_load %arg6[%get3A_486, %get3A_487] {strides = array<i32>} : memref<256x128xf32, #tpu.memory_space<vmem>>, vector<1x16xf32>,
        %get3A_489 = vector.shape_cast %get3A_488 : vector<1x16xf32> to vector<16xf32>
        %add3A_490 = arith.addf %get3A_483, %get3A_489 : vector<16xf32>
        %add3A_491 = arith.constant 128 : i32
        %add3A_492 = arith.addi %add3A_491, %scan3A_480 : i32
        %get3A_493 = arith.index_cast %add3A_492 : i32 to index
        %get3A_494 = arith.constant 0 : index
        %get3A_495 = tpu.vector_load %arg6[%get3A_493, %get3A_494] {strides = array<i32>} : memref<256x128xf32, #tpu.memory_space<vmem>>, vector<1x16xf32>,
        %get3A_496 = vector.shape_cast %get3A_495 : vector<1x16xf32> to vector<16xf32>
        %add3A_497 = arith.constant 192 : i32
        %add3A_498 = arith.addi %add3A_497, %scan3A_480 : i32
        %get3A_499 = arith.index_cast %add3A_498 : i32 to index
        %get3A_500 = arith.constant 0 : index
        %get3A_501 = tpu.vector_load %arg6[%get3A_499, %get3A_500] {strides = array<i32>} : memref<256x128xf32, #tpu.memory_space<vmem>>, vector<1x16xf32>,
        %get3A_502 = vector.shape_cast %get3A_501 : vector<1x16xf32> to vector<16xf32>
        %add3A_503 = arith.addf %get3A_496, %get3A_502 : vector<16xf32>
        %add3A_504 = arith.addf %add3A_490, %add3A_503 : vector<16xf32>
        %swap3A = arith.index_cast %scan3A_480 : i32 to index
        %swap3A_505 = arith.constant 0 : index
        %swap3A_506 = tpu.vector_load %arg6[%swap3A, %swap3A_505] {strides = array<i32>} : memref<256x128xf32, #tpu.memory_space<vmem>>, vector<1x16xf32>,
        %swap3A_507 = vector.shape_cast %swap3A_506 : vector<1x16xf32> to vector<16xf32>
        %swap3A_508 = vector.shape_cast %add3A_504 : vector<16xf32> to vector<1x16xf32>
        tpu.vector_store %arg6[%swap3A, %swap3A_505], %swap3A_508 {strides = array<i32>} : memref<256x128xf32, #tpu.memory_space<vmem>>, vector<1x16xf32>,
        %get3A_509 = arith.index_cast %scan3A_480 : i32 to index
        %get3A_510 = arith.constant 16 : index
        %get3A_511 = tpu.vector_load %arg6[%get3A_509, %get3A_510] {strides = array<i32>} : memref<256x128xf32, #tpu.memory_space<vmem>>, vector<1x16xf32>,
        %get3A_512 = vector.shape_cast %get3A_511 : vector<1x16xf32> to vector<16xf32>
        %add3A_513 = arith.constant 64 : i32
        %add3A_514 = arith.addi %add3A_513, %scan3A_480 : i32
        %get3A_515 = arith.index_cast %add3A_514 : i32 to index
        %get3A_516 = arith.constant 16 : index
        %get3A_517 = tpu.vector_load %arg6[%get3A_515, %get3A_516] {strides = array<i32>} : memref<256x128xf32, #tpu.memory_space<vmem>>, vector<1x16xf32>,
        %get3A_518 = vector.shape_cast %get3A_517 : vector<1x16xf32> to vector<16xf32>
        %add3A_519 = arith.addf %get3A_512, %get3A_518 : vector<16xf32>
        %add3A_520 = arith.constant 128 : i32
        %add3A_521 = arith.addi %add3A_520, %scan3A_480 : i32
        %get3A_522 = arith.index_cast %add3A_521 : i32 to index
        %get3A_523 = arith.constant 16 : index
        %get3A_524 = tpu.vector_load %arg6[%get3A_522, %get3A_523] {strides = array<i32>} : memref<256x128xf32, #tpu.memory_space<vmem>>, vector<1x16xf32>,
        %get3A_525 = vector.shape_cast %get3A_524 : vector<1x16xf32> to vector<16xf32>
        %add3A_526 = arith.constant 192 : i32
        %add3A_527 = arith.addi %add3A_526, %scan3A_480 : i32
        %get3A_528 = arith.index_cast %add3A_527 : i32 to index
        %get3A_529 = arith.constant 16 : index
        %get3A_530 = tpu.vector_load %arg6[%get3A_528, %get3A_529] {strides = array<i32>} : memref<256x128xf32, #tpu.memory_space<vmem>>, vector<1x16xf32>,
        %get3A_531 = vector.shape_cast %get3A_530 : vector<1x16xf32> to vector<16xf32>
        %add3A_532 = arith.addf %get3A_525, %get3A_531 : vector<16xf32>
        %add3A_533 = arith.addf %add3A_519, %add3A_532 : vector<16xf32>
        %swap3A_534 = arith.index_cast %scan3A_480 : i32 to index
        %swap3A_535 = arith.constant 16 : index
        %swap3A_536 = tpu.vector_load %arg6[%swap3A_534, %swap3A_535] {strides = array<i32>} : memref<256x128xf32, #tpu.memory_space<vmem>>, vector<1x16xf32>,
        %swap3A_537 = vector.shape_cast %swap3A_536 : vector<1x16xf32> to vector<16xf32>
        %swap3A_538 = vector.shape_cast %add3A_533 : vector<16xf32> to vector<1x16xf32>
        tpu.vector_store %arg6[%swap3A_534, %swap3A_535], %swap3A_538 {strides = array<i32>} : memref<256x128xf32, #tpu.memory_space<vmem>>, vector<1x16xf32>,
        %get3A_539 = arith.index_cast %scan3A_480 : i32 to index
        %get3A_540 = arith.constant 32 : index
        %get3A_541 = tpu.vector_load %arg6[%get3A_539, %get3A_540] {strides = array<i32>} : memref<256x128xf32, #tpu.memory_space<vmem>>, vector<1x16xf32>,
        %get3A_542 = vector.shape_cast %get3A_541 : vector<1x16xf32> to vector<16xf32>
        %add3A_543 = arith.constant 64 : i32
        %add3A_544 = arith.addi %add3A_543, %scan3A_480 : i32
        %get3A_545 = arith.index_cast %add3A_544 : i32 to index
        %get3A_546 = arith.constant 32 : index
        %get3A_547 = tpu.vector_load %arg6[%get3A_545, %get3A_546] {strides = array<i32>} : memref<256x128xf32, #tpu.memory_space<vmem>>, vector<1x16xf32>,
        %get3A_548 = vector.shape_cast %get3A_547 : vector<1x16xf32> to vector<16xf32>
        %add3A_549 = arith.addf %get3A_542, %get3A_548 : vector<16xf32>
        %add3A_550 = arith.constant 128 : i32
        %add3A_551 = arith.addi %add3A_550, %scan3A_480 : i32
        %get3A_552 = arith.index_cast %add3A_551 : i32 to index
        %get3A_553 = arith.constant 32 : index
        %get3A_554 = tpu.vector_load %arg6[%get3A_552, %get3A_553] {strides = array<i32>} : memref<256x128xf32, #tpu.memory_space<vmem>>, vector<1x16xf32>,
        %get3A_555 = vector.shape_cast %get3A_554 : vector<1x16xf32> to vector<16xf32>
        %add3A_556 = arith.constant 192 : i32
        %add3A_557 = arith.addi %add3A_556, %scan3A_480 : i32
        %get3A_558 = arith.index_cast %add3A_557 : i32 to index
        %get3A_559 = arith.constant 32 : index
        %get3A_560 = tpu.vector_load %arg6[%get3A_558, %get3A_559] {strides = array<i32>} : memref<256x128xf32, #tpu.memory_space<vmem>>, vector<1x16xf32>,
        %get3A_561 = vector.shape_cast %get3A_560 : vector<1x16xf32> to vector<16xf32>
        %add3A_562 = arith.addf %get3A_555, %get3A_561 : vector<16xf32>
        %add3A_563 = arith.addf %add3A_549, %add3A_562 : vector<16xf32>
        %swap3A_564 = arith.index_cast %scan3A_480 : i32 to index
        %swap3A_565 = arith.constant 32 : index
        %swap3A_566 = tpu.vector_load %arg6[%swap3A_564, %swap3A_565] {strides = array<i32>} : memref<256x128xf32, #tpu.memory_space<vmem>>, vector<1x16xf32>,
        %swap3A_567 = vector.shape_cast %swap3A_566 : vector<1x16xf32> to vector<16xf32>
        %swap3A_568 = vector.shape_cast %add3A_563 : vector<16xf32> to vector<1x16xf32>
        tpu.vector_store %arg6[%swap3A_564, %swap3A_565], %swap3A_568 {strides = array<i32>} : memref<256x128xf32, #tpu.memory_space<vmem>>, vector<1x16xf32>,
        %get3A_569 = arith.index_cast %scan3A_480 : i32 to index
        %get3A_570 = arith.constant 48 : index
        %get3A_571 = tpu.vector_load %arg6[%get3A_569, %get3A_570] {strides = array<i32>} : memref<256x128xf32, #tpu.memory_space<vmem>>, vector<1x16xf32>,
        %get3A_572 = vector.shape_cast %get3A_571 : vector<1x16xf32> to vector<16xf32>
        %add3A_573 = arith.constant 64 : i32
        %add3A_574 = arith.addi %add3A_573, %scan3A_480 : i32
        %get3A_575 = arith.index_cast %add3A_574 : i32 to index
        %get3A_576 = arith.constant 48 : index
        %get3A_577 = tpu.vector_load %arg6[%get3A_575, %get3A_576] {strides = array<i32>} : memref<256x128xf32, #tpu.memory_space<vmem>>, vector<1x16xf32>,
        %get3A_578 = vector.shape_cast %get3A_577 : vector<1x16xf32> to vector<16xf32>
        %add3A_579 = arith.addf %get3A_572, %get3A_578 : vector<16xf32>
        %add3A_580 = arith.constant 128 : i32
        %add3A_581 = arith.addi %add3A_580, %scan3A_480 : i32
        %get3A_582 = arith.index_cast %add3A_581 : i32 to index
        %get3A_583 = arith.constant 48 : index
        %get3A_584 = tpu.vector_load %arg6[%get3A_582, %get3A_583] {strides = array<i32>} : memref<256x128xf32, #tpu.memory_space<vmem>>, vector<1x16xf32>,
        %get3A_585 = vector.shape_cast %get3A_584 : vector<1x16xf32> to vector<16xf32>
        %add3A_586 = arith.constant 192 : i32
        %add3A_587 = arith.addi %add3A_586, %scan3A_480 : i32
        %get3A_588 = arith.index_cast %add3A_587 : i32 to index
        %get3A_589 = arith.constant 48 : index
        %get3A_590 = tpu.vector_load %arg6[%get3A_588, %get3A_589] {strides = array<i32>} : memref<256x128xf32, #tpu.memory_space<vmem>>, vector<1x16xf32>,
        %get3A_591 = vector.shape_cast %get3A_590 : vector<1x16xf32> to vector<16xf32>
        %add3A_592 = arith.addf %get3A_585, %get3A_591 : vector<16xf32>
        %add3A_593 = arith.addf %add3A_579, %add3A_592 : vector<16xf32>
        %swap3A_594 = arith.index_cast %scan3A_480 : i32 to index
        %swap3A_595 = arith.constant 48 : index
        %swap3A_596 = tpu.vector_load %arg6[%swap3A_594, %swap3A_595] {strides = array<i32>} : memref<256x128xf32, #tpu.memory_space<vmem>>, vector<1x16xf32>,
        %swap3A_597 = vector.shape_cast %swap3A_596 : vector<1x16xf32> to vector<16xf32>
        %swap3A_598 = vector.shape_cast %add3A_593 : vector<16xf32> to vector<1x16xf32>
        tpu.vector_store %arg6[%swap3A_594, %swap3A_595], %swap3A_598 {strides = array<i32>} : memref<256x128xf32, #tpu.memory_space<vmem>>, vector<1x16xf32>,
        %get3A_599 = arith.index_cast %scan3A_480 : i32 to index
        %get3A_600 = arith.constant 64 : index
        %get3A_601 = tpu.vector_load %arg6[%get3A_599, %get3A_600] {strides = array<i32>} : memref<256x128xf32, #tpu.memory_space<vmem>>, vector<1x16xf32>,
        %get3A_602 = vector.shape_cast %get3A_601 : vector<1x16xf32> to vector<16xf32>
        %add3A_603 = arith.constant 64 : i32
        %add3A_604 = arith.addi %add3A_603, %scan3A_480 : i32
        %get3A_605 = arith.index_cast %add3A_604 : i32 to index
        %get3A_606 = arith.constant 64 : index
        %get3A_607 = tpu.vector_load %arg6[%get3A_605, %get3A_606] {strides = array<i32>} : memref<256x128xf32, #tpu.memory_space<vmem>>, vector<1x16xf32>,
        %get3A_608 = vector.shape_cast %get3A_607 : vector<1x16xf32> to vector<16xf32>
        %add3A_609 = arith.addf %get3A_602, %get3A_608 : vector<16xf32>
        %add3A_610 = arith.constant 128 : i32
        %add3A_611 = arith.addi %add3A_610, %scan3A_480 : i32
        %get3A_612 = arith.index_cast %add3A_611 : i32 to index
        %get3A_613 = arith.constant 64 : index
        %get3A_614 = tpu.vector_load %arg6[%get3A_612, %get3A_613] {strides = array<i32>} : memref<256x128xf32, #tpu.memory_space<vmem>>, vector<1x16xf32>,
        %get3A_615 = vector.shape_cast %get3A_614 : vector<1x16xf32> to vector<16xf32>
        %add3A_616 = arith.constant 192 : i32
        %add3A_617 = arith.addi %add3A_616, %scan3A_480 : i32
        %get3A_618 = arith.index_cast %add3A_617 : i32 to index
        %get3A_619 = arith.constant 64 : index
        %get3A_620 = tpu.vector_load %arg6[%get3A_618, %get3A_619] {strides = array<i32>} : memref<256x128xf32, #tpu.memory_space<vmem>>, vector<1x16xf32>,
        %get3A_621 = vector.shape_cast %get3A_620 : vector<1x16xf32> to vector<16xf32>
        %add3A_622 = arith.addf %get3A_615, %get3A_621 : vector<16xf32>
        %add3A_623 = arith.addf %add3A_609, %add3A_622 : vector<16xf32>
        %swap3A_624 = arith.index_cast %scan3A_480 : i32 to index
        %swap3A_625 = arith.constant 64 : index
        %swap3A_626 = tpu.vector_load %arg6[%swap3A_624, %swap3A_625] {strides = array<i32>} : memref<256x128xf32, #tpu.memory_space<vmem>>, vector<1x16xf32>,
        %swap3A_627 = vector.shape_cast %swap3A_626 : vector<1x16xf32> to vector<16xf32>
        %swap3A_628 = vector.shape_cast %add3A_623 : vector<16xf32> to vector<1x16xf32>
        tpu.vector_store %arg6[%swap3A_624, %swap3A_625], %swap3A_628 {strides = array<i32>} : memref<256x128xf32, #tpu.memory_space<vmem>>, vector<1x16xf32>,
        %get3A_629 = arith.index_cast %scan3A_480 : i32 to index
        %get3A_630 = arith.constant 80 : index
        %get3A_631 = tpu.vector_load %arg6[%get3A_629, %get3A_630] {strides = array<i32>} : memref<256x128xf32, #tpu.memory_space<vmem>>, vector<1x16xf32>,
        %get3A_632 = vector.shape_cast %get3A_631 : vector<1x16xf32> to vector<16xf32>
        %add3A_633 = arith.constant 64 : i32
        %add3A_634 = arith.addi %add3A_633, %scan3A_480 : i32
        %get3A_635 = arith.index_cast %add3A_634 : i32 to index
        %get3A_636 = arith.constant 80 : index
        %get3A_637 = tpu.vector_load %arg6[%get3A_635, %get3A_636] {strides = array<i32>} : memref<256x128xf32, #tpu.memory_space<vmem>>, vector<1x16xf32>,
        %get3A_638 = vector.shape_cast %get3A_637 : vector<1x16xf32> to vector<16xf32>
        %add3A_639 = arith.addf %get3A_632, %get3A_638 : vector<16xf32>
        %add3A_640 = arith.constant 128 : i32
        %add3A_641 = arith.addi %add3A_640, %scan3A_480 : i32
        %get3A_642 = arith.index_cast %add3A_641 : i32 to index
        %get3A_643 = arith.constant 80 : index
        %get3A_644 = tpu.vector_load %arg6[%get3A_642, %get3A_643] {strides = array<i32>} : memref<256x128xf32, #tpu.memory_space<vmem>>, vector<1x16xf32>,
        %get3A_645 = vector.shape_cast %get3A_644 : vector<1x16xf32> to vector<16xf32>
        %add3A_646 = arith.constant 192 : i32
        %add3A_647 = arith.addi %add3A_646, %scan3A_480 : i32
        %get3A_648 = arith.index_cast %add3A_647 : i32 to index
        %get3A_649 = arith.constant 80 : index
        %get3A_650 = tpu.vector_load %arg6[%get3A_648, %get3A_649] {strides = array<i32>} : memref<256x128xf32, #tpu.memory_space<vmem>>, vector<1x16xf32>,
        %get3A_651 = vector.shape_cast %get3A_650 : vector<1x16xf32> to vector<16xf32>
        %add3A_652 = arith.addf %get3A_645, %get3A_651 : vector<16xf32>
        %add3A_653 = arith.addf %add3A_639, %add3A_652 : vector<16xf32>
        %swap3A_654 = arith.index_cast %scan3A_480 : i32 to index
        %swap3A_655 = arith.constant 80 : index
        %swap3A_656 = tpu.vector_load %arg6[%swap3A_654, %swap3A_655] {strides = array<i32>} : memref<256x128xf32, #tpu.memory_space<vmem>>, vector<1x16xf32>,
        %swap3A_657 = vector.shape_cast %swap3A_656 : vector<1x16xf32> to vector<16xf32>
        %swap3A_658 = vector.shape_cast %add3A_653 : vector<16xf32> to vector<1x16xf32>
        tpu.vector_store %arg6[%swap3A_654, %swap3A_655], %swap3A_658 {strides = array<i32>} : memref<256x128xf32, #tpu.memory_space<vmem>>, vector<1x16xf32>,
        %get3A_659 = arith.index_cast %scan3A_480 : i32 to index
        %get3A_660 = arith.constant 96 : index
        %get3A_661 = tpu.vector_load %arg6[%get3A_659, %get3A_660] {strides = array<i32>} : memref<256x128xf32, #tpu.memory_space<vmem>>, vector<1x16xf32>,
        %get3A_662 = vector.shape_cast %get3A_661 : vector<1x16xf32> to vector<16xf32>
        %add3A_663 = arith.constant 64 : i32
        %add3A_664 = arith.addi %add3A_663, %scan3A_480 : i32
        %get3A_665 = arith.index_cast %add3A_664 : i32 to index
        %get3A_666 = arith.constant 96 : index
        %get3A_667 = tpu.vector_load %arg6[%get3A_665, %get3A_666] {strides = array<i32>} : memref<256x128xf32, #tpu.memory_space<vmem>>, vector<1x16xf32>,
        %get3A_668 = vector.shape_cast %get3A_667 : vector<1x16xf32> to vector<16xf32>
        %add3A_669 = arith.addf %get3A_662, %get3A_668 : vector<16xf32>
        %add3A_670 = arith.constant 128 : i32
        %add3A_671 = arith.addi %add3A_670, %scan3A_480 : i32
        %get3A_672 = arith.index_cast %add3A_671 : i32 to index
        %get3A_673 = arith.constant 96 : index
        %get3A_674 = tpu.vector_load %arg6[%get3A_672, %get3A_673] {strides = array<i32>} : memref<256x128xf32, #tpu.memory_space<vmem>>, vector<1x16xf32>,
        %get3A_675 = vector.shape_cast %get3A_674 : vector<1x16xf32> to vector<16xf32>
        %add3A_676 = arith.constant 192 : i32
        %add3A_677 = arith.addi %add3A_676, %scan3A_480 : i32
        %get3A_678 = arith.index_cast %add3A_677 : i32 to index
        %get3A_679 = arith.constant 96 : index
        %get3A_680 = tpu.vector_load %arg6[%get3A_678, %get3A_679] {strides = array<i32>} : memref<256x128xf32, #tpu.memory_space<vmem>>, vector<1x16xf32>,
        %get3A_681 = vector.shape_cast %get3A_680 : vector<1x16xf32> to vector<16xf32>
        %add3A_682 = arith.addf %get3A_675, %get3A_681 : vector<16xf32>
        %add3A_683 = arith.addf %add3A_669, %add3A_682 : vector<16xf32>
        %swap3A_684 = arith.index_cast %scan3A_480 : i32 to index
        %swap3A_685 = arith.constant 96 : index
        %swap3A_686 = tpu.vector_load %arg6[%swap3A_684, %swap3A_685] {strides = array<i32>} : memref<256x128xf32, #tpu.memory_space<vmem>>, vector<1x16xf32>,
        %swap3A_687 = vector.shape_cast %swap3A_686 : vector<1x16xf32> to vector<16xf32>
        %swap3A_688 = vector.shape_cast %add3A_683 : vector<16xf32> to vector<1x16xf32>
        tpu.vector_store %arg6[%swap3A_684, %swap3A_685], %swap3A_688 {strides = array<i32>} : memref<256x128xf32, #tpu.memory_space<vmem>>, vector<1x16xf32>,
        %get3A_689 = arith.index_cast %scan3A_480 : i32 to index
        %get3A_690 = arith.constant 112 : index
        %get3A_691 = tpu.vector_load %arg6[%get3A_689, %get3A_690] {strides = array<i32>} : memref<256x128xf32, #tpu.memory_space<vmem>>, vector<1x16xf32>,
        %get3A_692 = vector.shape_cast %get3A_691 : vector<1x16xf32> to vector<16xf32>
        %add3A_693 = arith.constant 64 : i32
        %add3A_694 = arith.addi %add3A_693, %scan3A_480 : i32
        %get3A_695 = arith.index_cast %add3A_694 : i32 to index
        %get3A_696 = arith.constant 112 : index
        %get3A_697 = tpu.vector_load %arg6[%get3A_695, %get3A_696] {strides = array<i32>} : memref<256x128xf32, #tpu.memory_space<vmem>>, vector<1x16xf32>,
        %get3A_698 = vector.shape_cast %get3A_697 : vector<1x16xf32> to vector<16xf32>
        %add3A_699 = arith.addf %get3A_692, %get3A_698 : vector<16xf32>
        %add3A_700 = arith.constant 128 : i32
        %add3A_701 = arith.addi %add3A_700, %scan3A_480 : i32
        %get3A_702 = arith.index_cast %add3A_701 : i32 to index
        %get3A_703 = arith.constant 112 : index
        %get3A_704 = tpu.vector_load %arg6[%get3A_702, %get3A_703] {strides = array<i32>} : memref<256x128xf32, #tpu.memory_space<vmem>>, vector<1x16xf32>,
        %get3A_705 = vector.shape_cast %get3A_704 : vector<1x16xf32> to vector<16xf32>
        %add3A_706 = arith.constant 192 : i32
        %add3A_707 = arith.addi %add3A_706, %scan3A_480 : i32
        %get3A_708 = arith.index_cast %add3A_707 : i32 to index
        %get3A_709 = arith.constant 112 : index
        %get3A_710 = tpu.vector_load %arg6[%get3A_708, %get3A_709] {strides = array<i32>} : memref<256x128xf32, #tpu.memory_space<vmem>>, vector<1x16xf32>,
        %get3A_711 = vector.shape_cast %get3A_710 : vector<1x16xf32> to vector<16xf32>
        %add3A_712 = arith.addf %get3A_705, %get3A_711 : vector<16xf32>
        %add3A_713 = arith.addf %add3A_699, %add3A_712 : vector<16xf32>
        %swap3A_714 = arith.index_cast %scan3A_480 : i32 to index
        %swap3A_715 = arith.constant 112 : index
        %swap3A_716 = tpu.vector_load %arg6[%swap3A_714, %swap3A_715] {strides = array<i32>} : memref<256x128xf32, #tpu.memory_space<vmem>>, vector<1x16xf32>,
        %swap3A_717 = vector.shape_cast %swap3A_716 : vector<1x16xf32> to vector<16xf32>
        %swap3A_718 = vector.shape_cast %add3A_713 : vector<16xf32> to vector<1x16xf32>
        tpu.vector_store %arg6[%swap3A_714, %swap3A_715], %swap3A_718 {strides = array<i32>} : memref<256x128xf32, #tpu.memory_space<vmem>>, vector<1x16xf32>,
      }
      %scan3A_376 = arith.constant 64 : i32
      %mul3A_377 = arith.constant 64 : i32
      %mul3A_378 = arith.muli %mul3A_252, %mul3A_377 : i32
      %add3A_379 = arith.addi %mul3A_2, %mul3A_378 : i32
      %dma_start3A_380 = arith.constant 0 : i32
      %dma_start3A_381 = arith.constant 0 : i32
      %dma_start3A_382 = tpu.memref_slice %arg6[%dma_start3A_380, %dma_start3A_381] : memref<256x128xf32, #tpu.memory_space<vmem>> -> memref<64x128xf32, #tpu.memory_space<vmem>>
      %dma_start3A_383 = arith.constant 0 : i32
      %dma_start3A_384 = tpu.memref_slice %arg4[%add3A_379, %dma_start3A_383] : memref<204800x128xf32, #tpu.memory_space<hbm>> -> memref<64x128xf32, #tpu.memory_space<hbm>>
      %dma_start3A_385 = arith.constant 0 : i32
      %dma_start3A_386 = tpu.memref_slice %arg4[%add3A_379, %dma_start3A_385] : memref<204800x128xf32, #tpu.memory_space<hbm>> -> memref<64x128xf32, #tpu.memory_space<hbm>>
      %dma_start3A_387 = arith.constant 0 : i32
      %dma_start3A_388 = arith.constant 0 : i32
      %dma_start3A_389 = tpu.memref_slice %arg6[%dma_start3A_387, %dma_start3A_388] : memref<256x128xf32, #tpu.memory_space<vmem>> -> memref<64x128xf32, #tpu.memory_space<vmem>>
      tpu.enqueue_dma source(%dma_start3A_389 : memref<64x128xf32, #tpu.memory_space<vmem>>) target(%dma_start3A_386 : memref<64x128xf32, #tpu.memory_space<hbm>>) target_semaphore(%arg11 : memref<!tpu.dma_semaphore, #tpu.memory_space<semaphore_mem>>)
      %mul3A_390 = arith.constant 4 : i32
      %mul3A_391 = arith.muli %scan3A_248, %mul3A_390 : i32
      %add3A_392 = arith.constant 0 : i32
      %add3A_393 = arith.addi %mul3A_391, %add3A_392 : i32
      %dma_wait3A_394 = arith.constant 0 : i32
      %dma_wait3A_395 = arith.constant 0 : i32
      %dma_wait3A_396 = tpu.memref_slice %arg7[%dma_wait3A_394, %dma_wait3A_395] : memref<256x128xf32, #tpu.memory_space<vmem>> -> memref<64x128xf32, #tpu.memory_space<vmem>>
      %dma_wait3A_397 = arith.constant 64 : i32
      %dma_wait3A_398 = tpu.memref_slice %arg5[%add3A_393, %dma_wait3A_397] : memref<40x128xi32, #tpu.memory_space<vmem>> -> memref<1x64xi32, #tpu.memory_space<vmem>>
      %dma_wait3A_399 = tpu.memref_squeeze %dma_wait3A_398 : memref<1x64xi32, #tpu.memory_space<vmem>> -> memref<64xi32, #tpu.memory_space<vmem>>
      %dma_wait3A_400 = arith.constant 0 : i32
      %dma_wait3A_401 = arith.constant 0 : i32
      %dma_wait3A_402 = tpu.memref_slice %arg8[%dma_wait3A_400, %dma_wait3A_401] : memref<7391x128xf32, #tpu.memory_space<vmem_shared>> -> memref<7391x128xf32, #tpu.memory_space<vmem_shared>>
      tpu.wait_indirect_dma semaphore(%arg10 : memref<!tpu.dma_semaphore, #tpu.memory_space<semaphore_mem>>) src(%dma_wait3A_402 : memref<7391x128xf32, #tpu.memory_space<vmem_shared>>) dst(%dma_wait3A_396 : memref<64x128xf32, #tpu.memory_space<vmem>>)
      %mul3A_403 = arith.constant 4 : i32
      %mul3A_404 = arith.muli %scan3A_248, %mul3A_403 : i32
      %add3A_405 = arith.constant 1 : i32
      %add3A_406 = arith.addi %mul3A_404, %add3A_405 : i32
      %dma_wait3A_407 = arith.constant 64 : i32
      %dma_wait3A_408 = arith.constant 0 : i32
      %dma_wait3A_409 = tpu.memref_slice %arg7[%dma_wait3A_407, %dma_wait3A_408] : memref<256x128xf32, #tpu.memory_space<vmem>> -> memref<64x128xf32, #tpu.memory_space<vmem>>
      %dma_wait3A_410 = arith.constant 64 : i32
      %dma_wait3A_411 = tpu.memref_slice %arg5[%add3A_406, %dma_wait3A_410] : memref<40x128xi32, #tpu.memory_space<vmem>> -> memref<1x64xi32, #tpu.memory_space<vmem>>
      %dma_wait3A_412 = tpu.memref_squeeze %dma_wait3A_411 : memref<1x64xi32, #tpu.memory_space<vmem>> -> memref<64xi32, #tpu.memory_space<vmem>>
      %dma_wait3A_413 = arith.constant 0 : i32
      %dma_wait3A_414 = arith.constant 0 : i32
      %dma_wait3A_415 = tpu.memref_slice %arg8[%dma_wait3A_413, %dma_wait3A_414] : memref<7391x128xf32, #tpu.memory_space<vmem_shared>> -> memref<7391x128xf32, #tpu.memory_space<vmem_shared>>
      tpu.wait_indirect_dma semaphore(%arg10 : memref<!tpu.dma_semaphore, #tpu.memory_space<semaphore_mem>>) src(%dma_wait3A_415 : memref<7391x128xf32, #tpu.memory_space<vmem_shared>>) dst(%dma_wait3A_409 : memref<64x128xf32, #tpu.memory_space<vmem>>)
      %mul3A_416 = arith.constant 4 : i32
      %mul3A_417 = arith.muli %scan3A_248, %mul3A_416 : i32
      %add3A_418 = arith.constant 2 : i32
      %add3A_419 = arith.addi %mul3A_417, %add3A_418 : i32
      %dma_wait3A_420 = arith.constant 128 : i32
      %dma_wait3A_421 = arith.constant 0 : i32
      %dma_wait3A_422 = tpu.memref_slice %arg7[%dma_wait3A_420, %dma_wait3A_421] : memref<256x128xf32, #tpu.memory_space<vmem>> -> memref<64x128xf32, #tpu.memory_space<vmem>>
      %dma_wait3A_423 = arith.constant 64 : i32
      %dma_wait3A_424 = tpu.memref_slice %arg5[%add3A_419, %dma_wait3A_423] : memref<40x128xi32, #tpu.memory_space<vmem>> -> memref<1x64xi32, #tpu.memory_space<vmem>>
      %dma_wait3A_425 = tpu.memref_squeeze %dma_wait3A_424 : memref<1x64xi32, #tpu.memory_space<vmem>> -> memref<64xi32, #tpu.memory_space<vmem>>
      %dma_wait3A_426 = arith.constant 0 : i32
      %dma_wait3A_427 = arith.constant 0 : i32
      %dma_wait3A_428 = tpu.memref_slice %arg8[%dma_wait3A_426, %dma_wait3A_427] : memref<7391x128xf32, #tpu.memory_space<vmem_shared>> -> memref<7391x128xf32, #tpu.memory_space<vmem_shared>>
      tpu.wait_indirect_dma semaphore(%arg10 : memref<!tpu.dma_semaphore, #tpu.memory_space<semaphore_mem>>) src(%dma_wait3A_428 : memref<7391x128xf32, #tpu.memory_space<vmem_shared>>) dst(%dma_wait3A_422 : memref<64x128xf32, #tpu.memory_space<vmem>>)
      %mul3A_429 = arith.constant 4 : i32
      %mul3A_430 = arith.muli %scan3A_248, %mul3A_429 : i32
      %add3A_431 = arith.constant 3 : i32
      %add3A_432 = arith.addi %mul3A_430, %add3A_431 : i32
      %dma_wait3A_433 = arith.constant 192 : i32
      %dma_wait3A_434 = arith.constant 0 : i32
      %dma_wait3A_435 = tpu.memref_slice %arg7[%dma_wait3A_433, %dma_wait3A_434] : memref<256x128xf32, #tpu.memory_space<vmem>> -> memref<64x128xf32, #tpu.memory_space<vmem>>
      %dma_wait3A_436 = arith.constant 64 : i32
      %dma_wait3A_437 = tpu.memref_slice %arg5[%add3A_432, %dma_wait3A_436] : memref<40x128xi32, #tpu.memory_space<vmem>> -> memref<1x64xi32, #tpu.memory_space<vmem>>
      %dma_wait3A_438 = tpu.memref_squeeze %dma_wait3A_437 : memref<1x64xi32, #tpu.memory_space<vmem>> -> memref<64xi32, #tpu.memory_space<vmem>>
      %dma_wait3A_439 = arith.constant 0 : i32
      %dma_wait3A_440 = arith.constant 0 : i32
      %dma_wait3A_441 = tpu.memref_slice %arg8[%dma_wait3A_439, %dma_wait3A_440] : memref<7391x128xf32, #tpu.memory_space<vmem_shared>> -> memref<7391x128xf32, #tpu.memory_space<vmem_shared>>
      tpu.wait_indirect_dma semaphore(%arg10 : memref<!tpu.dma_semaphore, #tpu.memory_space<semaphore_mem>>) src(%dma_wait3A_441 : memref<7391x128xf32, #tpu.memory_space<vmem_shared>>) dst(%dma_wait3A_435 : memref<64x128xf32, #tpu.memory_space<vmem>>)
      %scan3A_442 = arith.constant 0 : i32
      %scan3A_443 = arith.constant 0 : i32
      %scan3A_444 = arith.constant 64 : i32
      %scan3A_445 = arith.addi %scan3A_443, %scan3A_444 : i32
      %scan3A_446 = arith.constant 1 : i32
      scf.for %scan3A_480 = %scan3A_443 to %scan3A_445 step %scan3A_446  : i32 {
        %get3A = arith.index_cast %scan3A_480 : i32 to index
        %get3A_481 = arith.constant 0 : index
        %get3A_482 = tpu.vector_load %arg7[%get3A, %get3A_481] {strides = array<i32>} : memref<256x128xf32, #tpu.memory_space<vmem>>, vector<1x16xf32>,
        %get3A_483 = vector.shape_cast %get3A_482 : vector<1x16xf32> to vector<16xf32>
        %add3A_484 = arith.constant 64 : i32
        %add3A_485 = arith.addi %add3A_484, %scan3A_480 : i32
        %get3A_486 = arith.index_cast %add3A_485 : i32 to index
        %get3A_487 = arith.constant 0 : index
        %get3A_488 = tpu.vector_load %arg7[%get3A_486, %get3A_487] {strides = array<i32>} : memref<256x128xf32, #tpu.memory_space<vmem>>, vector<1x16xf32>,
        %get3A_489 = vector.shape_cast %get3A_488 : vector<1x16xf32> to vector<16xf32>
        %add3A_490 = arith.addf %get3A_483, %get3A_489 : vector<16xf32>
        %add3A_491 = arith.constant 128 : i32
        %add3A_492 = arith.addi %add3A_491, %scan3A_480 : i32
        %get3A_493 = arith.index_cast %add3A_492 : i32 to index
        %get3A_494 = arith.constant 0 : index
        %get3A_495 = tpu.vector_load %arg7[%get3A_493, %get3A_494] {strides = array<i32>} : memref<256x128xf32, #tpu.memory_space<vmem>>, vector<1x16xf32>,
        %get3A_496 = vector.shape_cast %get3A_495 : vector<1x16xf32> to vector<16xf32>
        %add3A_497 = arith.constant 192 : i32
        %add3A_498 = arith.addi %add3A_497, %scan3A_480 : i32
        %get3A_499 = arith.index_cast %add3A_498 : i32 to index
        %get3A_500 = arith.constant 0 : index
        %get3A_501 = tpu.vector_load %arg7[%get3A_499, %get3A_500] {strides = array<i32>} : memref<256x128xf32, #tpu.memory_space<vmem>>, vector<1x16xf32>,
        %get3A_502 = vector.shape_cast %get3A_501 : vector<1x16xf32> to vector<16xf32>
        %add3A_503 = arith.addf %get3A_496, %get3A_502 : vector<16xf32>
        %add3A_504 = arith.addf %add3A_490, %add3A_503 : vector<16xf32>
        %swap3A = arith.index_cast %scan3A_480 : i32 to index
        %swap3A_505 = arith.constant 0 : index
        %swap3A_506 = tpu.vector_load %arg7[%swap3A, %swap3A_505] {strides = array<i32>} : memref<256x128xf32, #tpu.memory_space<vmem>>, vector<1x16xf32>,
        %swap3A_507 = vector.shape_cast %swap3A_506 : vector<1x16xf32> to vector<16xf32>
        %swap3A_508 = vector.shape_cast %add3A_504 : vector<16xf32> to vector<1x16xf32>
        tpu.vector_store %arg7[%swap3A, %swap3A_505], %swap3A_508 {strides = array<i32>} : memref<256x128xf32, #tpu.memory_space<vmem>>, vector<1x16xf32>,
        %get3A_509 = arith.index_cast %scan3A_480 : i32 to index
        %get3A_510 = arith.constant 16 : index
        %get3A_511 = tpu.vector_load %arg7[%get3A_509, %get3A_510] {strides = array<i32>} : memref<256x128xf32, #tpu.memory_space<vmem>>, vector<1x16xf32>,
        %get3A_512 = vector.shape_cast %get3A_511 : vector<1x16xf32> to vector<16xf32>
        %add3A_513 = arith.constant 64 : i32
        %add3A_514 = arith.addi %add3A_513, %scan3A_480 : i32
        %get3A_515 = arith.index_cast %add3A_514 : i32 to index
        %get3A_516 = arith.constant 16 : index
        %get3A_517 = tpu.vector_load %arg7[%get3A_515, %get3A_516] {strides = array<i32>} : memref<256x128xf32, #tpu.memory_space<vmem>>, vector<1x16xf32>,
        %get3A_518 = vector.shape_cast %get3A_517 : vector<1x16xf32> to vector<16xf32>
        %add3A_519 = arith.addf %get3A_512, %get3A_518 : vector<16xf32>
        %add3A_520 = arith.constant 128 : i32
        %add3A_521 = arith.addi %add3A_520, %scan3A_480 : i32
        %get3A_522 = arith.index_cast %add3A_521 : i32 to index
        %get3A_523 = arith.constant 16 : index
        %get3A_524 = tpu.vector_load %arg7[%get3A_522, %get3A_523] {strides = array<i32>} : memref<256x128xf32, #tpu.memory_space<vmem>>, vector<1x16xf32>,
        %get3A_525 = vector.shape_cast %get3A_524 : vector<1x16xf32> to vector<16xf32>
        %add3A_526 = arith.constant 192 : i32
        %add3A_527 = arith.addi %add3A_526, %scan3A_480 : i32
        %get3A_528 = arith.index_cast %add3A_527 : i32 to index
        %get3A_529 = arith.constant 16 : index
        %get3A_530 = tpu.vector_load %arg7[%get3A_528, %get3A_529] {strides = array<i32>} : memref<256x128xf32, #tpu.memory_space<vmem>>, vector<1x16xf32>,
        %get3A_531 = vector.shape_cast %get3A_530 : vector<1x16xf32> to vector<16xf32>
        %add3A_532 = arith.addf %get3A_525, %get3A_531 : vector<16xf32>
        %add3A_533 = arith.addf %add3A_519, %add3A_532 : vector<16xf32>
        %swap3A_534 = arith.index_cast %scan3A_480 : i32 to index
        %swap3A_535 = arith.constant 16 : index
        %swap3A_536 = tpu.vector_load %arg7[%swap3A_534, %swap3A_535] {strides = array<i32>} : memref<256x128xf32, #tpu.memory_space<vmem>>, vector<1x16xf32>,
        %swap3A_537 = vector.shape_cast %swap3A_536 : vector<1x16xf32> to vector<16xf32>
        %swap3A_538 = vector.shape_cast %add3A_533 : vector<16xf32> to vector<1x16xf32>
        tpu.vector_store %arg7[%swap3A_534, %swap3A_535], %swap3A_538 {strides = array<i32>} : memref<256x128xf32, #tpu.memory_space<vmem>>, vector<1x16xf32>,
        %get3A_539 = arith.index_cast %scan3A_480 : i32 to index
        %get3A_540 = arith.constant 32 : index
        %get3A_541 = tpu.vector_load %arg7[%get3A_539, %get3A_540] {strides = array<i32>} : memref<256x128xf32, #tpu.memory_space<vmem>>, vector<1x16xf32>,
        %get3A_542 = vector.shape_cast %get3A_541 : vector<1x16xf32> to vector<16xf32>
        %add3A_543 = arith.constant 64 : i32
        %add3A_544 = arith.addi %add3A_543, %scan3A_480 : i32
        %get3A_545 = arith.index_cast %add3A_544 : i32 to index
        %get3A_546 = arith.constant 32 : index
        %get3A_547 = tpu.vector_load %arg7[%get3A_545, %get3A_546] {strides = array<i32>} : memref<256x128xf32, #tpu.memory_space<vmem>>, vector<1x16xf32>,
        %get3A_548 = vector.shape_cast %get3A_547 : vector<1x16xf32> to vector<16xf32>
        %add3A_549 = arith.addf %get3A_542, %get3A_548 : vector<16xf32>
        %add3A_550 = arith.constant 128 : i32
        %add3A_551 = arith.addi %add3A_550, %scan3A_480 : i32
        %get3A_552 = arith.index_cast %add3A_551 : i32 to index
        %get3A_553 = arith.constant 32 : index
        %get3A_554 = tpu.vector_load %arg7[%get3A_552, %get3A_553] {strides = array<i32>} : memref<256x128xf32, #tpu.memory_space<vmem>>, vector<1x16xf32>,
        %get3A_555 = vector.shape_cast %get3A_554 : vector<1x16xf32> to vector<16xf32>
        %add3A_556 = arith.constant 192 : i32
        %add3A_557 = arith.addi %add3A_556, %scan3A_480 : i32
        %get3A_558 = arith.index_cast %add3A_557 : i32 to index
        %get3A_559 = arith.constant 32 : index
        %get3A_560 = tpu.vector_load %arg7[%get3A_558, %get3A_559] {strides = array<i32>} : memref<256x128xf32, #tpu.memory_space<vmem>>, vector<1x16xf32>,
        %get3A_561 = vector.shape_cast %get3A_560 : vector<1x16xf32> to vector<16xf32>
        %add3A_562 = arith.addf %get3A_555, %get3A_561 : vector<16xf32>
        %add3A_563 = arith.addf %add3A_549, %add3A_562 : vector<16xf32>
        %swap3A_564 = arith.index_cast %scan3A_480 : i32 to index
        %swap3A_565 = arith.constant 32 : index
        %swap3A_566 = tpu.vector_load %arg7[%swap3A_564, %swap3A_565] {strides = array<i32>} : memref<256x128xf32, #tpu.memory_space<vmem>>, vector<1x16xf32>,
        %swap3A_567 = vector.shape_cast %swap3A_566 : vector<1x16xf32> to vector<16xf32>
        %swap3A_568 = vector.shape_cast %add3A_563 : vector<16xf32> to vector<1x16xf32>
        tpu.vector_store %arg7[%swap3A_564, %swap3A_565], %swap3A_568 {strides = array<i32>} : memref<256x128xf32, #tpu.memory_space<vmem>>, vector<1x16xf32>,
        %get3A_569 = arith.index_cast %scan3A_480 : i32 to index
        %get3A_570 = arith.constant 48 : index
        %get3A_571 = tpu.vector_load %arg7[%get3A_569, %get3A_570] {strides = array<i32>} : memref<256x128xf32, #tpu.memory_space<vmem>>, vector<1x16xf32>,
        %get3A_572 = vector.shape_cast %get3A_571 : vector<1x16xf32> to vector<16xf32>
        %add3A_573 = arith.constant 64 : i32
        %add3A_574 = arith.addi %add3A_573, %scan3A_480 : i32
        %get3A_575 = arith.index_cast %add3A_574 : i32 to index
        %get3A_576 = arith.constant 48 : index
        %get3A_577 = tpu.vector_load %arg7[%get3A_575, %get3A_576] {strides = array<i32>} : memref<256x128xf32, #tpu.memory_space<vmem>>, vector<1x16xf32>,
        %get3A_578 = vector.shape_cast %get3A_577 : vector<1x16xf32> to vector<16xf32>
        %add3A_579 = arith.addf %get3A_572, %get3A_578 : vector<16xf32>
        %add3A_580 = arith.constant 128 : i32
        %add3A_581 = arith.addi %add3A_580, %scan3A_480 : i32
        %get3A_582 = arith.index_cast %add3A_581 : i32 to index
        %get3A_583 = arith.constant 48 : index
        %get3A_584 = tpu.vector_load %arg7[%get3A_582, %get3A_583] {strides = array<i32>} : memref<256x128xf32, #tpu.memory_space<vmem>>, vector<1x16xf32>,
        %get3A_585 = vector.shape_cast %get3A_584 : vector<1x16xf32> to vector<16xf32>
        %add3A_586 = arith.constant 192 : i32
        %add3A_587 = arith.addi %add3A_586, %scan3A_480 : i32
        %get3A_588 = arith.index_cast %add3A_587 : i32 to index
        %get3A_589 = arith.constant 48 : index
        %get3A_590 = tpu.vector_load %arg7[%get3A_588, %get3A_589] {strides = array<i32>} : memref<256x128xf32, #tpu.memory_space<vmem>>, vector<1x16xf32>,
        %get3A_591 = vector.shape_cast %get3A_590 : vector<1x16xf32> to vector<16xf32>
        %add3A_592 = arith.addf %get3A_585, %get3A_591 : vector<16xf32>
        %add3A_593 = arith.addf %add3A_579, %add3A_592 : vector<16xf32>
        %swap3A_594 = arith.index_cast %scan3A_480 : i32 to index
        %swap3A_595 = arith.constant 48 : index
        %swap3A_596 = tpu.vector_load %arg7[%swap3A_594, %swap3A_595] {strides = array<i32>} : memref<256x128xf32, #tpu.memory_space<vmem>>, vector<1x16xf32>,
        %swap3A_597 = vector.shape_cast %swap3A_596 : vector<1x16xf32> to vector<16xf32>
        %swap3A_598 = vector.shape_cast %add3A_593 : vector<16xf32> to vector<1x16xf32>
        tpu.vector_store %arg7[%swap3A_594, %swap3A_595], %swap3A_598 {strides = array<i32>} : memref<256x128xf32, #tpu.memory_space<vmem>>, vector<1x16xf32>,
        %get3A_599 = arith.index_cast %scan3A_480 : i32 to index
        %get3A_600 = arith.constant 64 : index
        %get3A_601 = tpu.vector_load %arg7[%get3A_599, %get3A_600] {strides = array<i32>} : memref<256x128xf32, #tpu.memory_space<vmem>>, vector<1x16xf32>,
        %get3A_602 = vector.shape_cast %get3A_601 : vector<1x16xf32> to vector<16xf32>
        %add3A_603 = arith.constant 64 : i32
        %add3A_604 = arith.addi %add3A_603, %scan3A_480 : i32
        %get3A_605 = arith.index_cast %add3A_604 : i32 to index
        %get3A_606 = arith.constant 64 : index
        %get3A_607 = tpu.vector_load %arg7[%get3A_605, %get3A_606] {strides = array<i32>} : memref<256x128xf32, #tpu.memory_space<vmem>>, vector<1x16xf32>,
        %get3A_608 = vector.shape_cast %get3A_607 : vector<1x16xf32> to vector<16xf32>
        %add3A_609 = arith.addf %get3A_602, %get3A_608 : vector<16xf32>
        %add3A_610 = arith.constant 128 : i32
        %add3A_611 = arith.addi %add3A_610, %scan3A_480 : i32
        %get3A_612 = arith.index_cast %add3A_611 : i32 to index
        %get3A_613 = arith.constant 64 : index
        %get3A_614 = tpu.vector_load %arg7[%get3A_612, %get3A_613] {strides = array<i32>} : memref<256x128xf32, #tpu.memory_space<vmem>>, vector<1x16xf32>,
        %get3A_615 = vector.shape_cast %get3A_614 : vector<1x16xf32> to vector<16xf32>
        %add3A_616 = arith.constant 192 : i32
        %add3A_617 = arith.addi %add3A_616, %scan3A_480 : i32
        %get3A_618 = arith.index_cast %add3A_617 : i32 to index
        %get3A_619 = arith.constant 64 : index
        %get3A_620 = tpu.vector_load %arg7[%get3A_618, %get3A_619] {strides = array<i32>} : memref<256x128xf32, #tpu.memory_space<vmem>>, vector<1x16xf32>,
        %get3A_621 = vector.shape_cast %get3A_620 : vector<1x16xf32> to vector<16xf32>
        %add3A_622 = arith.addf %get3A_615, %get3A_621 : vector<16xf32>
        %add3A_623 = arith.addf %add3A_609, %add3A_622 : vector<16xf32>
        %swap3A_624 = arith.index_cast %scan3A_480 : i32 to index
        %swap3A_625 = arith.constant 64 : index
        %swap3A_626 = tpu.vector_load %arg7[%swap3A_624, %swap3A_625] {strides = array<i32>} : memref<256x128xf32, #tpu.memory_space<vmem>>, vector<1x16xf32>,
        %swap3A_627 = vector.shape_cast %swap3A_626 : vector<1x16xf32> to vector<16xf32>
        %swap3A_628 = vector.shape_cast %add3A_623 : vector<16xf32> to vector<1x16xf32>
        tpu.vector_store %arg7[%swap3A_624, %swap3A_625], %swap3A_628 {strides = array<i32>} : memref<256x128xf32, #tpu.memory_space<vmem>>, vector<1x16xf32>,
        %get3A_629 = arith.index_cast %scan3A_480 : i32 to index
        %get3A_630 = arith.constant 80 : index
        %get3A_631 = tpu.vector_load %arg7[%get3A_629, %get3A_630] {strides = array<i32>} : memref<256x128xf32, #tpu.memory_space<vmem>>, vector<1x16xf32>,
        %get3A_632 = vector.shape_cast %get3A_631 : vector<1x16xf32> to vector<16xf32>
        %add3A_633 = arith.constant 64 : i32
        %add3A_634 = arith.addi %add3A_633, %scan3A_480 : i32
        %get3A_635 = arith.index_cast %add3A_634 : i32 to index
        %get3A_636 = arith.constant 80 : index
        %get3A_637 = tpu.vector_load %arg7[%get3A_635, %get3A_636] {strides = array<i32>} : memref<256x128xf32, #tpu.memory_space<vmem>>, vector<1x16xf32>,
        %get3A_638 = vector.shape_cast %get3A_637 : vector<1x16xf32> to vector<16xf32>
        %add3A_639 = arith.addf %get3A_632, %get3A_638 : vector<16xf32>
        %add3A_640 = arith.constant 128 : i32
        %add3A_641 = arith.addi %add3A_640, %scan3A_480 : i32
        %get3A_642 = arith.index_cast %add3A_641 : i32 to index
        %get3A_643 = arith.constant 80 : index
        %get3A_644 = tpu.vector_load %arg7[%get3A_642, %get3A_643] {strides = array<i32>} : memref<256x128xf32, #tpu.memory_space<vmem>>, vector<1x16xf32>,
        %get3A_645 = vector.shape_cast %get3A_644 : vector<1x16xf32> to vector<16xf32>
        %add3A_646 = arith.constant 192 : i32
        %add3A_647 = arith.addi %add3A_646, %scan3A_480 : i32
        %get3A_648 = arith.index_cast %add3A_647 : i32 to index
        %get3A_649 = arith.constant 80 : index
        %get3A_650 = tpu.vector_load %arg7[%get3A_648, %get3A_649] {strides = array<i32>} : memref<256x128xf32, #tpu.memory_space<vmem>>, vector<1x16xf32>,
        %get3A_651 = vector.shape_cast %get3A_650 : vector<1x16xf32> to vector<16xf32>
        %add3A_652 = arith.addf %get3A_645, %get3A_651 : vector<16xf32>
        %add3A_653 = arith.addf %add3A_639, %add3A_652 : vector<16xf32>
        %swap3A_654 = arith.index_cast %scan3A_480 : i32 to index
        %swap3A_655 = arith.constant 80 : index
        %swap3A_656 = tpu.vector_load %arg7[%swap3A_654, %swap3A_655] {strides = array<i32>} : memref<256x128xf32, #tpu.memory_space<vmem>>, vector<1x16xf32>,
        %swap3A_657 = vector.shape_cast %swap3A_656 : vector<1x16xf32> to vector<16xf32>
        %swap3A_658 = vector.shape_cast %add3A_653 : vector<16xf32> to vector<1x16xf32>
        tpu.vector_store %arg7[%swap3A_654, %swap3A_655], %swap3A_658 {strides = array<i32>} : memref<256x128xf32, #tpu.memory_space<vmem>>, vector<1x16xf32>,
        %get3A_659 = arith.index_cast %scan3A_480 : i32 to index
        %get3A_660 = arith.constant 96 : index
        %get3A_661 = tpu.vector_load %arg7[%get3A_659, %get3A_660] {strides = array<i32>} : memref<256x128xf32, #tpu.memory_space<vmem>>, vector<1x16xf32>,
        %get3A_662 = vector.shape_cast %get3A_661 : vector<1x16xf32> to vector<16xf32>
        %add3A_663 = arith.constant 64 : i32
        %add3A_664 = arith.addi %add3A_663, %scan3A_480 : i32
        %get3A_665 = arith.index_cast %add3A_664 : i32 to index
        %get3A_666 = arith.constant 96 : index
        %get3A_667 = tpu.vector_load %arg7[%get3A_665, %get3A_666] {strides = array<i32>} : memref<256x128xf32, #tpu.memory_space<vmem>>, vector<1x16xf32>,
        %get3A_668 = vector.shape_cast %get3A_667 : vector<1x16xf32> to vector<16xf32>
        %add3A_669 = arith.addf %get3A_662, %get3A_668 : vector<16xf32>
        %add3A_670 = arith.constant 128 : i32
        %add3A_671 = arith.addi %add3A_670, %scan3A_480 : i32
        %get3A_672 = arith.index_cast %add3A_671 : i32 to index
        %get3A_673 = arith.constant 96 : index
        %get3A_674 = tpu.vector_load %arg7[%get3A_672, %get3A_673] {strides = array<i32>} : memref<256x128xf32, #tpu.memory_space<vmem>>, vector<1x16xf32>,
        %get3A_675 = vector.shape_cast %get3A_674 : vector<1x16xf32> to vector<16xf32>
        %add3A_676 = arith.constant 192 : i32
        %add3A_677 = arith.addi %add3A_676, %scan3A_480 : i32
        %get3A_678 = arith.index_cast %add3A_677 : i32 to index
        %get3A_679 = arith.constant 96 : index
        %get3A_680 = tpu.vector_load %arg7[%get3A_678, %get3A_679] {strides = array<i32>} : memref<256x128xf32, #tpu.memory_space<vmem>>, vector<1x16xf32>,
        %get3A_681 = vector.shape_cast %get3A_680 : vector<1x16xf32> to vector<16xf32>
        %add3A_682 = arith.addf %get3A_675, %get3A_681 : vector<16xf32>
        %add3A_683 = arith.addf %add3A_669, %add3A_682 : vector<16xf32>
        %swap3A_684 = arith.index_cast %scan3A_480 : i32 to index
        %swap3A_685 = arith.constant 96 : index
        %swap3A_686 = tpu.vector_load %arg7[%swap3A_684, %swap3A_685] {strides = array<i32>} : memref<256x128xf32, #tpu.memory_space<vmem>>, vector<1x16xf32>,
        %swap3A_687 = vector.shape_cast %swap3A_686 : vector<1x16xf32> to vector<16xf32>
        %swap3A_688 = vector.shape_cast %add3A_683 : vector<16xf32> to vector<1x16xf32>
        tpu.vector_store %arg7[%swap3A_684, %swap3A_685], %swap3A_688 {strides = array<i32>} : memref<256x128xf32, #tpu.memory_space<vmem>>, vector<1x16xf32>,
        %get3A_689 = arith.index_cast %scan3A_480 : i32 to index
        %get3A_690 = arith.constant 112 : index
        %get3A_691 = tpu.vector_load %arg7[%get3A_689, %get3A_690] {strides = array<i32>} : memref<256x128xf32, #tpu.memory_space<vmem>>, vector<1x16xf32>,
        %get3A_692 = vector.shape_cast %get3A_691 : vector<1x16xf32> to vector<16xf32>
        %add3A_693 = arith.constant 64 : i32
        %add3A_694 = arith.addi %add3A_693, %scan3A_480 : i32
        %get3A_695 = arith.index_cast %add3A_694 : i32 to index
        %get3A_696 = arith.constant 112 : index
        %get3A_697 = tpu.vector_load %arg7[%get3A_695, %get3A_696] {strides = array<i32>} : memref<256x128xf32, #tpu.memory_space<vmem>>, vector<1x16xf32>,
        %get3A_698 = vector.shape_cast %get3A_697 : vector<1x16xf32> to vector<16xf32>
        %add3A_699 = arith.addf %get3A_692, %get3A_698 : vector<16xf32>
        %add3A_700 = arith.constant 128 : i32
        %add3A_701 = arith.addi %add3A_700, %scan3A_480 : i32
        %get3A_702 = arith.index_cast %add3A_701 : i32 to index
        %get3A_703 = arith.constant 112 : index
        %get3A_704 = tpu.vector_load %arg7[%get3A_702, %get3A_703] {strides = array<i32>} : memref<256x128xf32, #tpu.memory_space<vmem>>, vector<1x16xf32>,
        %get3A_705 = vector.shape_cast %get3A_704 : vector<1x16xf32> to vector<16xf32>
        %add3A_706 = arith.constant 192 : i32
        %add3A_707 = arith.addi %add3A_706, %scan3A_480 : i32
        %get3A_708 = arith.index_cast %add3A_707 : i32 to index
        %get3A_709 = arith.constant 112 : index
        %get3A_710 = tpu.vector_load %arg7[%get3A_708, %get3A_709] {strides = array<i32>} : memref<256x128xf32, #tpu.memory_space<vmem>>, vector<1x16xf32>,
        %get3A_711 = vector.shape_cast %get3A_710 : vector<1x16xf32> to vector<16xf32>
        %add3A_712 = arith.addf %get3A_705, %get3A_711 : vector<16xf32>
        %add3A_713 = arith.addf %add3A_699, %add3A_712 : vector<16xf32>
        %swap3A_714 = arith.index_cast %scan3A_480 : i32 to index
        %swap3A_715 = arith.constant 112 : index
        %swap3A_716 = tpu.vector_load %arg7[%swap3A_714, %swap3A_715] {strides = array<i32>} : memref<256x128xf32, #tpu.memory_space<vmem>>, vector<1x16xf32>,
        %swap3A_717 = vector.shape_cast %swap3A_716 : vector<1x16xf32> to vector<16xf32>
        %swap3A_718 = vector.shape_cast %add3A_713 : vector<16xf32> to vector<1x16xf32>
        tpu.vector_store %arg7[%swap3A_714, %swap3A_715], %swap3A_718 {strides = array<i32>} : memref<256x128xf32, #tpu.memory_space<vmem>>, vector<1x16xf32>,
      }
      %scan3A_447 = arith.constant 64 : i32
      %add3A_448 = arith.constant 1 : i32
      %add3A_449 = arith.addi %mul3A_252, %add3A_448 : i32
      %mul3A_450 = arith.constant 64 : i32
      %mul3A_451 = arith.muli %add3A_449, %mul3A_450 : i32
      %add3A_452 = arith.addi %mul3A_2, %mul3A_451 : i32
      %dma_start3A_453 = arith.constant 0 : i32
      %dma_start3A_454 = arith.constant 0 : i32
      %dma_start3A_455 = tpu.memref_slice %arg7[%dma_start3A_453, %dma_start3A_454] : memref<256x128xf32, #tpu.memory_space<vmem>> -> memref<64x128xf32, #tpu.memory_space<vmem>>
      %dma_start3A_456 = arith.constant 0 : i32
      %dma_start3A_457 = tpu.memref_slice %arg4[%add3A_452, %dma_start3A_456] : memref<204800x128xf32, #tpu.memory_space<hbm>> -> memref<64x128xf32, #tpu.memory_space<hbm>>
      %dma_start3A_458 = arith.constant 0 : i32
      %dma_start3A_459 = tpu.memref_slice %arg4[%add3A_452, %dma_start3A_458] : memref<204800x128xf32, #tpu.memory_space<hbm>> -> memref<64x128xf32, #tpu.memory_space<hbm>>
      %dma_start3A_460 = arith.constant 0 : i32
      %dma_start3A_461 = arith.constant 0 : i32
      %dma_start3A_462 = tpu.memref_slice %arg7[%dma_start3A_460, %dma_start3A_461] : memref<256x128xf32, #tpu.memory_space<vmem>> -> memref<64x128xf32, #tpu.memory_space<vmem>>
      tpu.enqueue_dma source(%dma_start3A_462 : memref<64x128xf32, #tpu.memory_space<vmem>>) target(%dma_start3A_459 : memref<64x128xf32, #tpu.memory_space<hbm>>) target_semaphore(%arg12 : memref<!tpu.dma_semaphore, #tpu.memory_space<semaphore_mem>>)
      %mul3A_463 = arith.constant 64 : i32
      %mul3A_464 = arith.muli %mul3A_252, %mul3A_463 : i32
      %add3A_465 = arith.addi %mul3A_2, %mul3A_464 : i32
      %dma_wait3A_466 = arith.constant 0 : i32
      %dma_wait3A_467 = arith.constant 0 : i32
      %dma_wait3A_468 = tpu.memref_slice %arg6[%dma_wait3A_466, %dma_wait3A_467] : memref<256x128xf32, #tpu.memory_space<vmem>> -> memref<64x128xf32, #tpu.memory_space<vmem>>
      %dma_wait3A_469 = arith.constant 0 : i32
      %dma_wait3A_470 = tpu.memref_slice %arg4[%add3A_465, %dma_wait3A_469] : memref<204800x128xf32, #tpu.memory_space<hbm>> -> memref<64x128xf32, #tpu.memory_space<hbm>>
      %dma_wait3A_471 = arith.constant 0 : i32
      %dma_wait3A_472 = tpu.memref_slice %arg4[%add3A_465, %dma_wait3A_471] : memref<204800x128xf32, #tpu.memory_space<hbm>> -> memref<64x128xf32, #tpu.memory_space<hbm>>
      %dma_wait3A_473 = arith.constant 0 : i32
      %dma_wait3A_474 = arith.constant 0 : i32
      %dma_wait3A_475 = tpu.memref_slice %arg6[%dma_wait3A_473, %dma_wait3A_474] : memref<256x128xf32, #tpu.memory_space<vmem>> -> memref<64x128xf32, #tpu.memory_space<vmem>>
      tpu.wait_dma2 semaphore(%arg11 : memref<!tpu.dma_semaphore, #tpu.memory_space<semaphore_mem>>) src(%dma_wait3A_475 : memref<64x128xf32, #tpu.memory_space<vmem>>) dst(%dma_wait3A_472 : memref<64x128xf32, #tpu.memory_space<hbm>>)
      %lt3A = arith.constant 9 : i32
      %lt3A_476 = arith.cmpi slt, %scan3A_248, %lt3A : i32
      %convert_element_type3A_477 = arith.extui %lt3A_476 : i1 to i32
      %cond3A_478 = arith.constant 0 : i32
      %cond3A_479 = arith.cmpi ne, %convert_element_type3A_477, %cond3A_478 : i32
      scf.if %cond3A_479 {
        %add3A_480 = arith.constant 1 : i32
        %add3A_481 = arith.addi %scan3A_248, %add3A_480 : i32
        %mul3A_482 = arith.constant 4 : i32
        %mul3A_483 = arith.muli %add3A_481, %mul3A_482 : i32
        %add3A_484 = arith.constant 0 : i32
        %add3A_485 = arith.addi %mul3A_483, %add3A_484 : i32
        %dma_start3A_486 = arith.constant 0 : i32
        %dma_start3A_487 = arith.constant 0 : i32
        %dma_start3A_488 = tpu.memref_slice %arg6[%dma_start3A_486, %dma_start3A_487] : memref<256x128xf32, #tpu.memory_space<vmem>> -> memref<64x128xf32, #tpu.memory_space<vmem>>
        %dma_start3A_489 = arith.constant 0 : i32
        %dma_start3A_490 = tpu.memref_slice %arg5[%add3A_485, %dma_start3A_489] : memref<40x128xi32, #tpu.memory_space<vmem>> -> memref<1x64xi32, #tpu.memory_space<vmem>>
        %dma_start3A_491 = tpu.memref_squeeze %dma_start3A_490 : memref<1x64xi32, #tpu.memory_space<vmem>> -> memref<64xi32, #tpu.memory_space<vmem>>
        %dma_start3A_492 = arith.constant 0 : i32
        %dma_start3A_493 = arith.constant 0 : i32
        %dma_start3A_494 = tpu.memref_slice %arg8[%dma_start3A_492, %dma_start3A_493] : memref<7391x128xf32, #tpu.memory_space<vmem_shared>> -> memref<7391x128xf32, #tpu.memory_space<vmem_shared>>
        tpu.enqueue_indirect_dma source(%dma_start3A_494 : memref<7391x128xf32, #tpu.memory_space<vmem_shared>>) target(%dma_start3A_488 : memref<64x128xf32, #tpu.memory_space<vmem>>) offsets(%dma_start3A_491 : memref<64xi32, #tpu.memory_space<vmem>>) semaphore(%arg9 : memref<!tpu.dma_semaphore, #tpu.memory_space<semaphore_mem>>)
        %mul3A_495 = arith.constant 4 : i32
        %mul3A_496 = arith.muli %add3A_481, %mul3A_495 : i32
        %add3A_497 = arith.constant 1 : i32
        %add3A_498 = arith.addi %mul3A_496, %add3A_497 : i32
        %dma_start3A_499 = arith.constant 64 : i32
        %dma_start3A_500 = arith.constant 0 : i32
        %dma_start3A_501 = tpu.memref_slice %arg6[%dma_start3A_499, %dma_start3A_500] : memref<256x128xf32, #tpu.memory_space<vmem>> -> memref<64x128xf32, #tpu.memory_space<vmem>>
        %dma_start3A_502 = arith.constant 0 : i32
        %dma_start3A_503 = tpu.memref_slice %arg5[%add3A_498, %dma_start3A_502] : memref<40x128xi32, #tpu.memory_space<vmem>> -> memref<1x64xi32, #tpu.memory_space<vmem>>
        %dma_start3A_504 = tpu.memref_squeeze %dma_start3A_503 : memref<1x64xi32, #tpu.memory_space<vmem>> -> memref<64xi32, #tpu.memory_space<vmem>>
        %dma_start3A_505 = arith.constant 0 : i32
        %dma_start3A_506 = arith.constant 0 : i32
        %dma_start3A_507 = tpu.memref_slice %arg8[%dma_start3A_505, %dma_start3A_506] : memref<7391x128xf32, #tpu.memory_space<vmem_shared>> -> memref<7391x128xf32, #tpu.memory_space<vmem_shared>>
        tpu.enqueue_indirect_dma source(%dma_start3A_507 : memref<7391x128xf32, #tpu.memory_space<vmem_shared>>) target(%dma_start3A_501 : memref<64x128xf32, #tpu.memory_space<vmem>>) offsets(%dma_start3A_504 : memref<64xi32, #tpu.memory_space<vmem>>) semaphore(%arg9 : memref<!tpu.dma_semaphore, #tpu.memory_space<semaphore_mem>>)
        %mul3A_508 = arith.constant 4 : i32
        %mul3A_509 = arith.muli %add3A_481, %mul3A_508 : i32
        %add3A_510 = arith.constant 2 : i32
        %add3A_511 = arith.addi %mul3A_509, %add3A_510 : i32
        %dma_start3A_512 = arith.constant 128 : i32
        %dma_start3A_513 = arith.constant 0 : i32
        %dma_start3A_514 = tpu.memref_slice %arg6[%dma_start3A_512, %dma_start3A_513] : memref<256x128xf32, #tpu.memory_space<vmem>> -> memref<64x128xf32, #tpu.memory_space<vmem>>
        %dma_start3A_515 = arith.constant 0 : i32
        %dma_start3A_516 = tpu.memref_slice %arg5[%add3A_511, %dma_start3A_515] : memref<40x128xi32, #tpu.memory_space<vmem>> -> memref<1x64xi32, #tpu.memory_space<vmem>>
        %dma_start3A_517 = tpu.memref_squeeze %dma_start3A_516 : memref<1x64xi32, #tpu.memory_space<vmem>> -> memref<64xi32, #tpu.memory_space<vmem>>
        %dma_start3A_518 = arith.constant 0 : i32
        %dma_start3A_519 = arith.constant 0 : i32
        %dma_start3A_520 = tpu.memref_slice %arg8[%dma_start3A_518, %dma_start3A_519] : memref<7391x128xf32, #tpu.memory_space<vmem_shared>> -> memref<7391x128xf32, #tpu.memory_space<vmem_shared>>
        tpu.enqueue_indirect_dma source(%dma_start3A_520 : memref<7391x128xf32, #tpu.memory_space<vmem_shared>>) target(%dma_start3A_514 : memref<64x128xf32, #tpu.memory_space<vmem>>) offsets(%dma_start3A_517 : memref<64xi32, #tpu.memory_space<vmem>>) semaphore(%arg9 : memref<!tpu.dma_semaphore, #tpu.memory_space<semaphore_mem>>)
        %mul3A_521 = arith.constant 4 : i32
        %mul3A_522 = arith.muli %add3A_481, %mul3A_521 : i32
        %add3A_523 = arith.constant 3 : i32
        %add3A_524 = arith.addi %mul3A_522, %add3A_523 : i32
        %dma_start3A_525 = arith.constant 192 : i32
        %dma_start3A_526 = arith.constant 0 : i32
        %dma_start3A_527 = tpu.memref_slice %arg6[%dma_start3A_525, %dma_start3A_526] : memref<256x128xf32, #tpu.memory_space<vmem>> -> memref<64x128xf32, #tpu.memory_space<vmem>>
        %dma_start3A_528 = arith.constant 0 : i32
        %dma_start3A_529 = tpu.memref_slice %arg5[%add3A_524, %dma_start3A_528] : memref<40x128xi32, #tpu.memory_space<vmem>> -> memref<1x64xi32, #tpu.memory_space<vmem>>
        %dma_start3A_530 = tpu.memref_squeeze %dma_start3A_529 : memref<1x64xi32, #tpu.memory_space<vmem>> -> memref<64xi32, #tpu.memory_space<vmem>>
        %dma_start3A_531 = arith.constant 0 : i32
        %dma_start3A_532 = arith.constant 0 : i32
        %dma_start3A_533 = tpu.memref_slice %arg8[%dma_start3A_531, %dma_start3A_532] : memref<7391x128xf32, #tpu.memory_space<vmem_shared>> -> memref<7391x128xf32, #tpu.memory_space<vmem_shared>>
        tpu.enqueue_indirect_dma source(%dma_start3A_533 : memref<7391x128xf32, #tpu.memory_space<vmem_shared>>) target(%dma_start3A_527 : memref<64x128xf32, #tpu.memory_space<vmem>>) offsets(%dma_start3A_530 : memref<64xi32, #tpu.memory_space<vmem>>) semaphore(%arg9 : memref<!tpu.dma_semaphore, #tpu.memory_space<semaphore_mem>>)
      } else {
      }
    }
    %scan3A_189 = arith.constant 10 : i32
    %run_scoped3A_190 = arith.constant 4 : i32
    "tpu.region"() ({
      %run_scoped3A_248 = tpu.sem_alloc : memref<!tpu.dma_semaphore, #tpu.memory_space<semaphore_mem>>
      %dma_start3A_249 = arith.constant 0 : i32
      %dma_start3A_250 = arith.constant 0 : i32
      %dma_start3A_251 = tpu.memref_slice %arg3[%add3A, %run_scoped3A_190, %dma_start3A_249, %dma_start3A_250] : memref<32x5x40x128xi32, #tpu.memory_space<hbm>> -> memref<1x1x40x128xi32, #tpu.memory_space<hbm>>
      %dma_start3A_252 = tpu.memref_squeeze %dma_start3A_251 : memref<1x1x40x128xi32, #tpu.memory_space<hbm>> -> memref<40x128xi32, #tpu.memory_space<hbm>>
      %dma_start3A_253 = arith.constant 0 : i32
      %dma_start3A_254 = arith.constant 0 : i32
      %dma_start3A_255 = tpu.memref_slice %arg3[%add3A, %run_scoped3A_190, %dma_start3A_253, %dma_start3A_254] : memref<32x5x40x128xi32, #tpu.memory_space<hbm>> -> memref<1x1x40x128xi32, #tpu.memory_space<hbm>>
      %dma_start3A_256 = tpu.memref_squeeze %dma_start3A_255 : memref<1x1x40x128xi32, #tpu.memory_space<hbm>> -> memref<40x128xi32, #tpu.memory_space<hbm>>
      tpu.enqueue_dma source(%dma_start3A_256 : memref<40x128xi32, #tpu.memory_space<hbm>>) target(%arg5 : memref<40x128xi32, #tpu.memory_space<vmem>>) target_semaphore(%run_scoped3A_248 : memref<!tpu.dma_semaphore, #tpu.memory_space<semaphore_mem>>)
      %dma_wait3A_257 = arith.constant 0 : i32
      %dma_wait3A_258 = arith.constant 0 : i32
      %dma_wait3A_259 = tpu.memref_slice %arg3[%add3A, %run_scoped3A_190, %dma_wait3A_257, %dma_wait3A_258] : memref<32x5x40x128xi32, #tpu.memory_space<hbm>> -> memref<1x1x40x128xi32, #tpu.memory_space<hbm>>
      %dma_wait3A_260 = tpu.memref_squeeze %dma_wait3A_259 : memref<1x1x40x128xi32, #tpu.memory_space<hbm>> -> memref<40x128xi32, #tpu.memory_space<hbm>>
      %dma_wait3A_261 = arith.constant 0 : i32
      %dma_wait3A_262 = arith.constant 0 : i32
      %dma_wait3A_263 = tpu.memref_slice %arg3[%add3A, %run_scoped3A_190, %dma_wait3A_261, %dma_wait3A_262] : memref<32x5x40x128xi32, #tpu.memory_space<hbm>> -> memref<1x1x40x128xi32, #tpu.memory_space<hbm>>
      %dma_wait3A_264 = tpu.memref_squeeze %dma_wait3A_263 : memref<1x1x40x128xi32, #tpu.memory_space<hbm>> -> memref<40x128xi32, #tpu.memory_space<hbm>>
      tpu.wait_dma2 semaphore(%run_scoped3A_248 : memref<!tpu.dma_semaphore, #tpu.memory_space<semaphore_mem>>) src(%dma_wait3A_264 : memref<40x128xi32, #tpu.memory_space<hbm>>) dst(%arg5 : memref<40x128xi32, #tpu.memory_space<vmem>>)
      tpu.yield
    }) : () -> ()
    %dma_start3A_191 = arith.constant 0 : i32
    %dma_start3A_192 = arith.constant 0 : i32
    %dma_start3A_193 = arith.constant 0 : i32
    %dma_start3A_194 = tpu.memref_slice %arg6[%dma_start3A_192, %dma_start3A_193] : memref<256x128xf32, #tpu.memory_space<vmem>> -> memref<64x128xf32, #tpu.memory_space<vmem>>
    %dma_start3A_195 = arith.constant 0 : i32
    %dma_start3A_196 = tpu.memref_slice %arg5[%dma_start3A_191, %dma_start3A_195] : memref<40x128xi32, #tpu.memory_space<vmem>> -> memref<1x64xi32, #tpu.memory_space<vmem>>
    %dma_start3A_197 = tpu.memref_squeeze %dma_start3A_196 : memref<1x64xi32, #tpu.memory_space<vmem>> -> memref<64xi32, #tpu.memory_space<vmem>>
    %dma_start3A_198 = arith.constant 0 : i32
    %dma_start3A_199 = arith.constant 0 : i32
    %dma_start3A_200 = tpu.memref_slice %arg8[%dma_start3A_198, %dma_start3A_199] : memref<7391x128xf32, #tpu.memory_space<vmem_shared>> -> memref<7391x128xf32, #tpu.memory_space<vmem_shared>>
    tpu.enqueue_indirect_dma source(%dma_start3A_200 : memref<7391x128xf32, #tpu.memory_space<vmem_shared>>) target(%dma_start3A_194 : memref<64x128xf32, #tpu.memory_space<vmem>>) offsets(%dma_start3A_197 : memref<64xi32, #tpu.memory_space<vmem>>) semaphore(%arg9 : memref<!tpu.dma_semaphore, #tpu.memory_space<semaphore_mem>>)
    %dma_start3A_201 = arith.constant 1 : i32
    %dma_start3A_202 = arith.constant 64 : i32
    %dma_start3A_203 = arith.constant 0 : i32
    %dma_start3A_204 = tpu.memref_slice %arg6[%dma_start3A_202, %dma_start3A_203] : memref<256x128xf32, #tpu.memory_space<vmem>> -> memref<64x128xf32, #tpu.memory_space<vmem>>
    %dma_start3A_205 = arith.constant 0 : i32
    %dma_start3A_206 = tpu.memref_slice %arg5[%dma_start3A_201, %dma_start3A_205] : memref<40x128xi32, #tpu.memory_space<vmem>> -> memref<1x64xi32, #tpu.memory_space<vmem>>
    %dma_start3A_207 = tpu.memref_squeeze %dma_start3A_206 : memref<1x64xi32, #tpu.memory_space<vmem>> -> memref<64xi32, #tpu.memory_space<vmem>>
    %dma_start3A_208 = arith.constant 0 : i32
    %dma_start3A_209 = arith.constant 0 : i32
    %dma_start3A_210 = tpu.memref_slice %arg8[%dma_start3A_208, %dma_start3A_209] : memref<7391x128xf32, #tpu.memory_space<vmem_shared>> -> memref<7391x128xf32, #tpu.memory_space<vmem_shared>>
    tpu.enqueue_indirect_dma source(%dma_start3A_210 : memref<7391x128xf32, #tpu.memory_space<vmem_shared>>) target(%dma_start3A_204 : memref<64x128xf32, #tpu.memory_space<vmem>>) offsets(%dma_start3A_207 : memref<64xi32, #tpu.memory_space<vmem>>) semaphore(%arg9 : memref<!tpu.dma_semaphore, #tpu.memory_space<semaphore_mem>>)
    %dma_start3A_211 = arith.constant 2 : i32
    %dma_start3A_212 = arith.constant 128 : i32
    %dma_start3A_213 = arith.constant 0 : i32
    %dma_start3A_214 = tpu.memref_slice %arg6[%dma_start3A_212, %dma_start3A_213] : memref<256x128xf32, #tpu.memory_space<vmem>> -> memref<64x128xf32, #tpu.memory_space<vmem>>
    %dma_start3A_215 = arith.constant 0 : i32
    %dma_start3A_216 = tpu.memref_slice %arg5[%dma_start3A_211, %dma_start3A_215] : memref<40x128xi32, #tpu.memory_space<vmem>> -> memref<1x64xi32, #tpu.memory_space<vmem>>
    %dma_start3A_217 = tpu.memref_squeeze %dma_start3A_216 : memref<1x64xi32, #tpu.memory_space<vmem>> -> memref<64xi32, #tpu.memory_space<vmem>>
    %dma_start3A_218 = arith.constant 0 : i32
    %dma_start3A_219 = arith.constant 0 : i32
    %dma_start3A_220 = tpu.memref_slice %arg8[%dma_start3A_218, %dma_start3A_219] : memref<7391x128xf32, #tpu.memory_space<vmem_shared>> -> memref<7391x128xf32, #tpu.memory_space<vmem_shared>>
    tpu.enqueue_indirect_dma source(%dma_start3A_220 : memref<7391x128xf32, #tpu.memory_space<vmem_shared>>) target(%dma_start3A_214 : memref<64x128xf32, #tpu.memory_space<vmem>>) offsets(%dma_start3A_217 : memref<64xi32, #tpu.memory_space<vmem>>) semaphore(%arg9 : memref<!tpu.dma_semaphore, #tpu.memory_space<semaphore_mem>>)
    %dma_start3A_221 = arith.constant 3 : i32
    %dma_start3A_222 = arith.constant 192 : i32
    %dma_start3A_223 = arith.constant 0 : i32
    %dma_start3A_224 = tpu.memref_slice %arg6[%dma_start3A_222, %dma_start3A_223] : memref<256x128xf32, #tpu.memory_space<vmem>> -> memref<64x128xf32, #tpu.memory_space<vmem>>
    %dma_start3A_225 = arith.constant 0 : i32
    %dma_start3A_226 = tpu.memref_slice %arg5[%dma_start3A_221, %dma_start3A_225] : memref<40x128xi32, #tpu.memory_space<vmem>> -> memref<1x64xi32, #tpu.memory_space<vmem>>
    %dma_start3A_227 = tpu.memref_squeeze %dma_start3A_226 : memref<1x64xi32, #tpu.memory_space<vmem>> -> memref<64xi32, #tpu.memory_space<vmem>>
    %dma_start3A_228 = arith.constant 0 : i32
    %dma_start3A_229 = arith.constant 0 : i32
    %dma_start3A_230 = tpu.memref_slice %arg8[%dma_start3A_228, %dma_start3A_229] : memref<7391x128xf32, #tpu.memory_space<vmem_shared>> -> memref<7391x128xf32, #tpu.memory_space<vmem_shared>>
    tpu.enqueue_indirect_dma source(%dma_start3A_230 : memref<7391x128xf32, #tpu.memory_space<vmem_shared>>) target(%dma_start3A_224 : memref<64x128xf32, #tpu.memory_space<vmem>>) offsets(%dma_start3A_227 : memref<64xi32, #tpu.memory_space<vmem>>) semaphore(%arg9 : memref<!tpu.dma_semaphore, #tpu.memory_space<semaphore_mem>>)
    %scan3A_231 = arith.constant 0 : i32
    %scan3A_232 = arith.constant 0 : i32
    %scan3A_233 = arith.constant 10 : i32
    %scan3A_234 = arith.addi %scan3A_232, %scan3A_233 : i32
    %scan3A_235 = arith.constant 1 : i32
    scf.for %scan3A_248 = %scan3A_232 to %scan3A_234 step %scan3A_235  : i32 {
      %add3A_249 = arith.constant 40 : i32
      %add3A_250 = arith.addi %add3A_249, %scan3A_248 : i32
      %mul3A_251 = arith.constant 2 : i32
      %mul3A_252 = arith.muli %mul3A_251, %add3A_250 : i32
      %sub3A = arith.constant 1 : i32
      %sub3A_253 = arith.subi %mul3A_252, %sub3A : i32
      %mul3A_254 = arith.constant 64 : i32
      %mul3A_255 = arith.muli %sub3A_253, %mul3A_254 : i32
      %add3A_256 = arith.addi %mul3A_2, %mul3A_255 : i32
      %dma_wait3A_257 = arith.constant 0 : i32
      %dma_wait3A_258 = arith.constant 0 : i32
      %dma_wait3A_259 = tpu.memref_slice %arg7[%dma_wait3A_257, %dma_wait3A_258] : memref<256x128xf32, #tpu.memory_space<vmem>> -> memref<64x128xf32, #tpu.memory_space<vmem>>
      %dma_wait3A_260 = arith.constant 0 : i32
      %dma_wait3A_261 = tpu.memref_slice %arg4[%add3A_256, %dma_wait3A_260] : memref<204800x128xf32, #tpu.memory_space<hbm>> -> memref<64x128xf32, #tpu.memory_space<hbm>>
      %dma_wait3A_262 = arith.constant 0 : i32
      %dma_wait3A_263 = tpu.memref_slice %arg4[%add3A_256, %dma_wait3A_262] : memref<204800x128xf32, #tpu.memory_space<hbm>> -> memref<64x128xf32, #tpu.memory_space<hbm>>
      %dma_wait3A_264 = arith.constant 0 : i32
      %dma_wait3A_265 = arith.constant 0 : i32
      %dma_wait3A_266 = tpu.memref_slice %arg7[%dma_wait3A_264, %dma_wait3A_265] : memref<256x128xf32, #tpu.memory_space<vmem>> -> memref<64x128xf32, #tpu.memory_space<vmem>>
      tpu.wait_dma2 semaphore(%arg12 : memref<!tpu.dma_semaphore, #tpu.memory_space<semaphore_mem>>) src(%dma_wait3A_266 : memref<64x128xf32, #tpu.memory_space<vmem>>) dst(%dma_wait3A_263 : memref<64x128xf32, #tpu.memory_space<hbm>>)
      %mul3A_267 = arith.constant 4 : i32
      %mul3A_268 = arith.muli %scan3A_248, %mul3A_267 : i32
      %add3A_269 = arith.constant 0 : i32
      %add3A_270 = arith.addi %mul3A_268, %add3A_269 : i32
      %dma_start3A_271 = arith.constant 0 : i32
      %dma_start3A_272 = arith.constant 0 : i32
      %dma_start3A_273 = tpu.memref_slice %arg7[%dma_start3A_271, %dma_start3A_272] : memref<256x128xf32, #tpu.memory_space<vmem>> -> memref<64x128xf32, #tpu.memory_space<vmem>>
      %dma_start3A_274 = arith.constant 64 : i32
      %dma_start3A_275 = tpu.memref_slice %arg5[%add3A_270, %dma_start3A_274] : memref<40x128xi32, #tpu.memory_space<vmem>> -> memref<1x64xi32, #tpu.memory_space<vmem>>
      %dma_start3A_276 = tpu.memref_squeeze %dma_start3A_275 : memref<1x64xi32, #tpu.memory_space<vmem>> -> memref<64xi32, #tpu.memory_space<vmem>>
      %dma_start3A_277 = arith.constant 0 : i32
      %dma_start3A_278 = arith.constant 0 : i32
      %dma_start3A_279 = tpu.memref_slice %arg8[%dma_start3A_277, %dma_start3A_278] : memref<7391x128xf32, #tpu.memory_space<vmem_shared>> -> memref<7391x128xf32, #tpu.memory_space<vmem_shared>>
      tpu.enqueue_indirect_dma source(%dma_start3A_279 : memref<7391x128xf32, #tpu.memory_space<vmem_shared>>) target(%dma_start3A_273 : memref<64x128xf32, #tpu.memory_space<vmem>>) offsets(%dma_start3A_276 : memref<64xi32, #tpu.memory_space<vmem>>) semaphore(%arg10 : memref<!tpu.dma_semaphore, #tpu.memory_space<semaphore_mem>>)
      %mul3A_280 = arith.constant 4 : i32
      %mul3A_281 = arith.muli %scan3A_248, %mul3A_280 : i32
      %add3A_282 = arith.constant 1 : i32
      %add3A_283 = arith.addi %mul3A_281, %add3A_282 : i32
      %dma_start3A_284 = arith.constant 64 : i32
      %dma_start3A_285 = arith.constant 0 : i32
      %dma_start3A_286 = tpu.memref_slice %arg7[%dma_start3A_284, %dma_start3A_285] : memref<256x128xf32, #tpu.memory_space<vmem>> -> memref<64x128xf32, #tpu.memory_space<vmem>>
      %dma_start3A_287 = arith.constant 64 : i32
      %dma_start3A_288 = tpu.memref_slice %arg5[%add3A_283, %dma_start3A_287] : memref<40x128xi32, #tpu.memory_space<vmem>> -> memref<1x64xi32, #tpu.memory_space<vmem>>
      %dma_start3A_289 = tpu.memref_squeeze %dma_start3A_288 : memref<1x64xi32, #tpu.memory_space<vmem>> -> memref<64xi32, #tpu.memory_space<vmem>>
      %dma_start3A_290 = arith.constant 0 : i32
      %dma_start3A_291 = arith.constant 0 : i32
      %dma_start3A_292 = tpu.memref_slice %arg8[%dma_start3A_290, %dma_start3A_291] : memref<7391x128xf32, #tpu.memory_space<vmem_shared>> -> memref<7391x128xf32, #tpu.memory_space<vmem_shared>>
      tpu.enqueue_indirect_dma source(%dma_start3A_292 : memref<7391x128xf32, #tpu.memory_space<vmem_shared>>) target(%dma_start3A_286 : memref<64x128xf32, #tpu.memory_space<vmem>>) offsets(%dma_start3A_289 : memref<64xi32, #tpu.memory_space<vmem>>) semaphore(%arg10 : memref<!tpu.dma_semaphore, #tpu.memory_space<semaphore_mem>>)
      %mul3A_293 = arith.constant 4 : i32
      %mul3A_294 = arith.muli %scan3A_248, %mul3A_293 : i32
      %add3A_295 = arith.constant 2 : i32
      %add3A_296 = arith.addi %mul3A_294, %add3A_295 : i32
      %dma_start3A_297 = arith.constant 128 : i32
      %dma_start3A_298 = arith.constant 0 : i32
      %dma_start3A_299 = tpu.memref_slice %arg7[%dma_start3A_297, %dma_start3A_298] : memref<256x128xf32, #tpu.memory_space<vmem>> -> memref<64x128xf32, #tpu.memory_space<vmem>>
      %dma_start3A_300 = arith.constant 64 : i32
      %dma_start3A_301 = tpu.memref_slice %arg5[%add3A_296, %dma_start3A_300] : memref<40x128xi32, #tpu.memory_space<vmem>> -> memref<1x64xi32, #tpu.memory_space<vmem>>
      %dma_start3A_302 = tpu.memref_squeeze %dma_start3A_301 : memref<1x64xi32, #tpu.memory_space<vmem>> -> memref<64xi32, #tpu.memory_space<vmem>>
      %dma_start3A_303 = arith.constant 0 : i32
      %dma_start3A_304 = arith.constant 0 : i32
      %dma_start3A_305 = tpu.memref_slice %arg8[%dma_start3A_303, %dma_start3A_304] : memref<7391x128xf32, #tpu.memory_space<vmem_shared>> -> memref<7391x128xf32, #tpu.memory_space<vmem_shared>>
      tpu.enqueue_indirect_dma source(%dma_start3A_305 : memref<7391x128xf32, #tpu.memory_space<vmem_shared>>) target(%dma_start3A_299 : memref<64x128xf32, #tpu.memory_space<vmem>>) offsets(%dma_start3A_302 : memref<64xi32, #tpu.memory_space<vmem>>) semaphore(%arg10 : memref<!tpu.dma_semaphore, #tpu.memory_space<semaphore_mem>>)
      %mul3A_306 = arith.constant 4 : i32
      %mul3A_307 = arith.muli %scan3A_248, %mul3A_306 : i32
      %add3A_308 = arith.constant 3 : i32
      %add3A_309 = arith.addi %mul3A_307, %add3A_308 : i32
      %dma_start3A_310 = arith.constant 192 : i32
      %dma_start3A_311 = arith.constant 0 : i32
      %dma_start3A_312 = tpu.memref_slice %arg7[%dma_start3A_310, %dma_start3A_311] : memref<256x128xf32, #tpu.memory_space<vmem>> -> memref<64x128xf32, #tpu.memory_space<vmem>>
      %dma_start3A_313 = arith.constant 64 : i32
      %dma_start3A_314 = tpu.memref_slice %arg5[%add3A_309, %dma_start3A_313] : memref<40x128xi32, #tpu.memory_space<vmem>> -> memref<1x64xi32, #tpu.memory_space<vmem>>
      %dma_start3A_315 = tpu.memref_squeeze %dma_start3A_314 : memref<1x64xi32, #tpu.memory_space<vmem>> -> memref<64xi32, #tpu.memory_space<vmem>>
      %dma_start3A_316 = arith.constant 0 : i32
      %dma_start3A_317 = arith.constant 0 : i32
      %dma_start3A_318 = tpu.memref_slice %arg8[%dma_start3A_316, %dma_start3A_317] : memref<7391x128xf32, #tpu.memory_space<vmem_shared>> -> memref<7391x128xf32, #tpu.memory_space<vmem_shared>>
      tpu.enqueue_indirect_dma source(%dma_start3A_318 : memref<7391x128xf32, #tpu.memory_space<vmem_shared>>) target(%dma_start3A_312 : memref<64x128xf32, #tpu.memory_space<vmem>>) offsets(%dma_start3A_315 : memref<64xi32, #tpu.memory_space<vmem>>) semaphore(%arg10 : memref<!tpu.dma_semaphore, #tpu.memory_space<semaphore_mem>>)
      %mul3A_319 = arith.constant 4 : i32
      %mul3A_320 = arith.muli %scan3A_248, %mul3A_319 : i32
      %add3A_321 = arith.constant 0 : i32
      %add3A_322 = arith.addi %mul3A_320, %add3A_321 : i32
      %dma_wait3A_323 = arith.constant 0 : i32
      %dma_wait3A_324 = arith.constant 0 : i32
      %dma_wait3A_325 = tpu.memref_slice %arg6[%dma_wait3A_323, %dma_wait3A_324] : memref<256x128xf32, #tpu.memory_space<vmem>> -> memref<64x128xf32, #tpu.memory_space<vmem>>
      %dma_wait3A_326 = arith.constant 0 : i32
      %dma_wait3A_327 = tpu.memref_slice %arg5[%add3A_322, %dma_wait3A_326] : memref<40x128xi32, #tpu.memory_space<vmem>> -> memref<1x64xi32, #tpu.memory_space<vmem>>
      %dma_wait3A_328 = tpu.memref_squeeze %dma_wait3A_327 : memref<1x64xi32, #tpu.memory_space<vmem>> -> memref<64xi32, #tpu.memory_space<vmem>>
      %dma_wait3A_329 = arith.constant 0 : i32
      %dma_wait3A_330 = arith.constant 0 : i32
      %dma_wait3A_331 = tpu.memref_slice %arg8[%dma_wait3A_329, %dma_wait3A_330] : memref<7391x128xf32, #tpu.memory_space<vmem_shared>> -> memref<7391x128xf32, #tpu.memory_space<vmem_shared>>
      tpu.wait_indirect_dma semaphore(%arg9 : memref<!tpu.dma_semaphore, #tpu.memory_space<semaphore_mem>>) src(%dma_wait3A_331 : memref<7391x128xf32, #tpu.memory_space<vmem_shared>>) dst(%dma_wait3A_325 : memref<64x128xf32, #tpu.memory_space<vmem>>)
      %mul3A_332 = arith.constant 4 : i32
      %mul3A_333 = arith.muli %scan3A_248, %mul3A_332 : i32
      %add3A_334 = arith.constant 1 : i32
      %add3A_335 = arith.addi %mul3A_333, %add3A_334 : i32
      %dma_wait3A_336 = arith.constant 64 : i32
      %dma_wait3A_337 = arith.constant 0 : i32
      %dma_wait3A_338 = tpu.memref_slice %arg6[%dma_wait3A_336, %dma_wait3A_337] : memref<256x128xf32, #tpu.memory_space<vmem>> -> memref<64x128xf32, #tpu.memory_space<vmem>>
      %dma_wait3A_339 = arith.constant 0 : i32
      %dma_wait3A_340 = tpu.memref_slice %arg5[%add3A_335, %dma_wait3A_339] : memref<40x128xi32, #tpu.memory_space<vmem>> -> memref<1x64xi32, #tpu.memory_space<vmem>>
      %dma_wait3A_341 = tpu.memref_squeeze %dma_wait3A_340 : memref<1x64xi32, #tpu.memory_space<vmem>> -> memref<64xi32, #tpu.memory_space<vmem>>
      %dma_wait3A_342 = arith.constant 0 : i32
      %dma_wait3A_343 = arith.constant 0 : i32
      %dma_wait3A_344 = tpu.memref_slice %arg8[%dma_wait3A_342, %dma_wait3A_343] : memref<7391x128xf32, #tpu.memory_space<vmem_shared>> -> memref<7391x128xf32, #tpu.memory_space<vmem_shared>>
      tpu.wait_indirect_dma semaphore(%arg9 : memref<!tpu.dma_semaphore, #tpu.memory_space<semaphore_mem>>) src(%dma_wait3A_344 : memref<7391x128xf32, #tpu.memory_space<vmem_shared>>) dst(%dma_wait3A_338 : memref<64x128xf32, #tpu.memory_space<vmem>>)
      %mul3A_345 = arith.constant 4 : i32
      %mul3A_346 = arith.muli %scan3A_248, %mul3A_345 : i32
      %add3A_347 = arith.constant 2 : i32
      %add3A_348 = arith.addi %mul3A_346, %add3A_347 : i32
      %dma_wait3A_349 = arith.constant 128 : i32
      %dma_wait3A_350 = arith.constant 0 : i32
      %dma_wait3A_351 = tpu.memref_slice %arg6[%dma_wait3A_349, %dma_wait3A_350] : memref<256x128xf32, #tpu.memory_space<vmem>> -> memref<64x128xf32, #tpu.memory_space<vmem>>
      %dma_wait3A_352 = arith.constant 0 : i32
      %dma_wait3A_353 = tpu.memref_slice %arg5[%add3A_348, %dma_wait3A_352] : memref<40x128xi32, #tpu.memory_space<vmem>> -> memref<1x64xi32, #tpu.memory_space<vmem>>
      %dma_wait3A_354 = tpu.memref_squeeze %dma_wait3A_353 : memref<1x64xi32, #tpu.memory_space<vmem>> -> memref<64xi32, #tpu.memory_space<vmem>>
      %dma_wait3A_355 = arith.constant 0 : i32
      %dma_wait3A_356 = arith.constant 0 : i32
      %dma_wait3A_357 = tpu.memref_slice %arg8[%dma_wait3A_355, %dma_wait3A_356] : memref<7391x128xf32, #tpu.memory_space<vmem_shared>> -> memref<7391x128xf32, #tpu.memory_space<vmem_shared>>
      tpu.wait_indirect_dma semaphore(%arg9 : memref<!tpu.dma_semaphore, #tpu.memory_space<semaphore_mem>>) src(%dma_wait3A_357 : memref<7391x128xf32, #tpu.memory_space<vmem_shared>>) dst(%dma_wait3A_351 : memref<64x128xf32, #tpu.memory_space<vmem>>)
      %mul3A_358 = arith.constant 4 : i32
      %mul3A_359 = arith.muli %scan3A_248, %mul3A_358 : i32
      %add3A_360 = arith.constant 3 : i32
      %add3A_361 = arith.addi %mul3A_359, %add3A_360 : i32
      %dma_wait3A_362 = arith.constant 192 : i32
      %dma_wait3A_363 = arith.constant 0 : i32
      %dma_wait3A_364 = tpu.memref_slice %arg6[%dma_wait3A_362, %dma_wait3A_363] : memref<256x128xf32, #tpu.memory_space<vmem>> -> memref<64x128xf32, #tpu.memory_space<vmem>>
      %dma_wait3A_365 = arith.constant 0 : i32
      %dma_wait3A_366 = tpu.memref_slice %arg5[%add3A_361, %dma_wait3A_365] : memref<40x128xi32, #tpu.memory_space<vmem>> -> memref<1x64xi32, #tpu.memory_space<vmem>>
      %dma_wait3A_367 = tpu.memref_squeeze %dma_wait3A_366 : memref<1x64xi32, #tpu.memory_space<vmem>> -> memref<64xi32, #tpu.memory_space<vmem>>
      %dma_wait3A_368 = arith.constant 0 : i32
      %dma_wait3A_369 = arith.constant 0 : i32
      %dma_wait3A_370 = tpu.memref_slice %arg8[%dma_wait3A_368, %dma_wait3A_369] : memref<7391x128xf32, #tpu.memory_space<vmem_shared>> -> memref<7391x128xf32, #tpu.memory_space<vmem_shared>>
      tpu.wait_indirect_dma semaphore(%arg9 : memref<!tpu.dma_semaphore, #tpu.memory_space<semaphore_mem>>) src(%dma_wait3A_370 : memref<7391x128xf32, #tpu.memory_space<vmem_shared>>) dst(%dma_wait3A_364 : memref<64x128xf32, #tpu.memory_space<vmem>>)
      %scan3A_371 = arith.constant 0 : i32
      %scan3A_372 = arith.constant 0 : i32
      %scan3A_373 = arith.constant 64 : i32
      %scan3A_374 = arith.addi %scan3A_372, %scan3A_373 : i32
      %scan3A_375 = arith.constant 1 : i32
      scf.for %scan3A_480 = %scan3A_372 to %scan3A_374 step %scan3A_375  : i32 {
        %get3A = arith.index_cast %scan3A_480 : i32 to index
        %get3A_481 = arith.constant 0 : index
        %get3A_482 = tpu.vector_load %arg6[%get3A, %get3A_481] {strides = array<i32>} : memref<256x128xf32, #tpu.memory_space<vmem>>, vector<1x16xf32>,
        %get3A_483 = vector.shape_cast %get3A_482 : vector<1x16xf32> to vector<16xf32>
        %add3A_484 = arith.constant 64 : i32
        %add3A_485 = arith.addi %add3A_484, %scan3A_480 : i32
        %get3A_486 = arith.index_cast %add3A_485 : i32 to index
        %get3A_487 = arith.constant 0 : index
        %get3A_488 = tpu.vector_load %arg6[%get3A_486, %get3A_487] {strides = array<i32>} : memref<256x128xf32, #tpu.memory_space<vmem>>, vector<1x16xf32>,
        %get3A_489 = vector.shape_cast %get3A_488 : vector<1x16xf32> to vector<16xf32>
        %add3A_490 = arith.addf %get3A_483, %get3A_489 : vector<16xf32>
        %add3A_491 = arith.constant 128 : i32
        %add3A_492 = arith.addi %add3A_491, %scan3A_480 : i32
        %get3A_493 = arith.index_cast %add3A_492 : i32 to index
        %get3A_494 = arith.constant 0 : index
        %get3A_495 = tpu.vector_load %arg6[%get3A_493, %get3A_494] {strides = array<i32>} : memref<256x128xf32, #tpu.memory_space<vmem>>, vector<1x16xf32>,
        %get3A_496 = vector.shape_cast %get3A_495 : vector<1x16xf32> to vector<16xf32>
        %add3A_497 = arith.constant 192 : i32
        %add3A_498 = arith.addi %add3A_497, %scan3A_480 : i32
        %get3A_499 = arith.index_cast %add3A_498 : i32 to index
        %get3A_500 = arith.constant 0 : index
        %get3A_501 = tpu.vector_load %arg6[%get3A_499, %get3A_500] {strides = array<i32>} : memref<256x128xf32, #tpu.memory_space<vmem>>, vector<1x16xf32>,
        %get3A_502 = vector.shape_cast %get3A_501 : vector<1x16xf32> to vector<16xf32>
        %add3A_503 = arith.addf %get3A_496, %get3A_502 : vector<16xf32>
        %add3A_504 = arith.addf %add3A_490, %add3A_503 : vector<16xf32>
        %swap3A = arith.index_cast %scan3A_480 : i32 to index
        %swap3A_505 = arith.constant 0 : index
        %swap3A_506 = tpu.vector_load %arg6[%swap3A, %swap3A_505] {strides = array<i32>} : memref<256x128xf32, #tpu.memory_space<vmem>>, vector<1x16xf32>,
        %swap3A_507 = vector.shape_cast %swap3A_506 : vector<1x16xf32> to vector<16xf32>
        %swap3A_508 = vector.shape_cast %add3A_504 : vector<16xf32> to vector<1x16xf32>
        tpu.vector_store %arg6[%swap3A, %swap3A_505], %swap3A_508 {strides = array<i32>} : memref<256x128xf32, #tpu.memory_space<vmem>>, vector<1x16xf32>,
        %get3A_509 = arith.index_cast %scan3A_480 : i32 to index
        %get3A_510 = arith.constant 16 : index
        %get3A_511 = tpu.vector_load %arg6[%get3A_509, %get3A_510] {strides = array<i32>} : memref<256x128xf32, #tpu.memory_space<vmem>>, vector<1x16xf32>,
        %get3A_512 = vector.shape_cast %get3A_511 : vector<1x16xf32> to vector<16xf32>
        %add3A_513 = arith.constant 64 : i32
        %add3A_514 = arith.addi %add3A_513, %scan3A_480 : i32
        %get3A_515 = arith.index_cast %add3A_514 : i32 to index
        %get3A_516 = arith.constant 16 : index
        %get3A_517 = tpu.vector_load %arg6[%get3A_515, %get3A_516] {strides = array<i32>} : memref<256x128xf32, #tpu.memory_space<vmem>>, vector<1x16xf32>,
        %get3A_518 = vector.shape_cast %get3A_517 : vector<1x16xf32> to vector<16xf32>
        %add3A_519 = arith.addf %get3A_512, %get3A_518 : vector<16xf32>
        %add3A_520 = arith.constant 128 : i32
        %add3A_521 = arith.addi %add3A_520, %scan3A_480 : i32
        %get3A_522 = arith.index_cast %add3A_521 : i32 to index
        %get3A_523 = arith.constant 16 : index
        %get3A_524 = tpu.vector_load %arg6[%get3A_522, %get3A_523] {strides = array<i32>} : memref<256x128xf32, #tpu.memory_space<vmem>>, vector<1x16xf32>,
        %get3A_525 = vector.shape_cast %get3A_524 : vector<1x16xf32> to vector<16xf32>
        %add3A_526 = arith.constant 192 : i32
        %add3A_527 = arith.addi %add3A_526, %scan3A_480 : i32
        %get3A_528 = arith.index_cast %add3A_527 : i32 to index
        %get3A_529 = arith.constant 16 : index
        %get3A_530 = tpu.vector_load %arg6[%get3A_528, %get3A_529] {strides = array<i32>} : memref<256x128xf32, #tpu.memory_space<vmem>>, vector<1x16xf32>,
        %get3A_531 = vector.shape_cast %get3A_530 : vector<1x16xf32> to vector<16xf32>
        %add3A_532 = arith.addf %get3A_525, %get3A_531 : vector<16xf32>
        %add3A_533 = arith.addf %add3A_519, %add3A_532 : vector<16xf32>
        %swap3A_534 = arith.index_cast %scan3A_480 : i32 to index
        %swap3A_535 = arith.constant 16 : index
        %swap3A_536 = tpu.vector_load %arg6[%swap3A_534, %swap3A_535] {strides = array<i32>} : memref<256x128xf32, #tpu.memory_space<vmem>>, vector<1x16xf32>,
        %swap3A_537 = vector.shape_cast %swap3A_536 : vector<1x16xf32> to vector<16xf32>
        %swap3A_538 = vector.shape_cast %add3A_533 : vector<16xf32> to vector<1x16xf32>
        tpu.vector_store %arg6[%swap3A_534, %swap3A_535], %swap3A_538 {strides = array<i32>} : memref<256x128xf32, #tpu.memory_space<vmem>>, vector<1x16xf32>,
        %get3A_539 = arith.index_cast %scan3A_480 : i32 to index
        %get3A_540 = arith.constant 32 : index
        %get3A_541 = tpu.vector_load %arg6[%get3A_539, %get3A_540] {strides = array<i32>} : memref<256x128xf32, #tpu.memory_space<vmem>>, vector<1x16xf32>,
        %get3A_542 = vector.shape_cast %get3A_541 : vector<1x16xf32> to vector<16xf32>
        %add3A_543 = arith.constant 64 : i32
        %add3A_544 = arith.addi %add3A_543, %scan3A_480 : i32
        %get3A_545 = arith.index_cast %add3A_544 : i32 to index
        %get3A_546 = arith.constant 32 : index
        %get3A_547 = tpu.vector_load %arg6[%get3A_545, %get3A_546] {strides = array<i32>} : memref<256x128xf32, #tpu.memory_space<vmem>>, vector<1x16xf32>,
        %get3A_548 = vector.shape_cast %get3A_547 : vector<1x16xf32> to vector<16xf32>
        %add3A_549 = arith.addf %get3A_542, %get3A_548 : vector<16xf32>
        %add3A_550 = arith.constant 128 : i32
        %add3A_551 = arith.addi %add3A_550, %scan3A_480 : i32
        %get3A_552 = arith.index_cast %add3A_551 : i32 to index
        %get3A_553 = arith.constant 32 : index
        %get3A_554 = tpu.vector_load %arg6[%get3A_552, %get3A_553] {strides = array<i32>} : memref<256x128xf32, #tpu.memory_space<vmem>>, vector<1x16xf32>,
        %get3A_555 = vector.shape_cast %get3A_554 : vector<1x16xf32> to vector<16xf32>
        %add3A_556 = arith.constant 192 : i32
        %add3A_557 = arith.addi %add3A_556, %scan3A_480 : i32
        %get3A_558 = arith.index_cast %add3A_557 : i32 to index
        %get3A_559 = arith.constant 32 : index
        %get3A_560 = tpu.vector_load %arg6[%get3A_558, %get3A_559] {strides = array<i32>} : memref<256x128xf32, #tpu.memory_space<vmem>>, vector<1x16xf32>,
        %get3A_561 = vector.shape_cast %get3A_560 : vector<1x16xf32> to vector<16xf32>
        %add3A_562 = arith.addf %get3A_555, %get3A_561 : vector<16xf32>
        %add3A_563 = arith.addf %add3A_549, %add3A_562 : vector<16xf32>
        %swap3A_564 = arith.index_cast %scan3A_480 : i32 to index
        %swap3A_565 = arith.constant 32 : index
        %swap3A_566 = tpu.vector_load %arg6[%swap3A_564, %swap3A_565] {strides = array<i32>} : memref<256x128xf32, #tpu.memory_space<vmem>>, vector<1x16xf32>,
        %swap3A_567 = vector.shape_cast %swap3A_566 : vector<1x16xf32> to vector<16xf32>
        %swap3A_568 = vector.shape_cast %add3A_563 : vector<16xf32> to vector<1x16xf32>
        tpu.vector_store %arg6[%swap3A_564, %swap3A_565], %swap3A_568 {strides = array<i32>} : memref<256x128xf32, #tpu.memory_space<vmem>>, vector<1x16xf32>,
        %get3A_569 = arith.index_cast %scan3A_480 : i32 to index
        %get3A_570 = arith.constant 48 : index
        %get3A_571 = tpu.vector_load %arg6[%get3A_569, %get3A_570] {strides = array<i32>} : memref<256x128xf32, #tpu.memory_space<vmem>>, vector<1x16xf32>,
        %get3A_572 = vector.shape_cast %get3A_571 : vector<1x16xf32> to vector<16xf32>
        %add3A_573 = arith.constant 64 : i32
        %add3A_574 = arith.addi %add3A_573, %scan3A_480 : i32
        %get3A_575 = arith.index_cast %add3A_574 : i32 to index
        %get3A_576 = arith.constant 48 : index
        %get3A_577 = tpu.vector_load %arg6[%get3A_575, %get3A_576] {strides = array<i32>} : memref<256x128xf32, #tpu.memory_space<vmem>>, vector<1x16xf32>,
        %get3A_578 = vector.shape_cast %get3A_577 : vector<1x16xf32> to vector<16xf32>
        %add3A_579 = arith.addf %get3A_572, %get3A_578 : vector<16xf32>
        %add3A_580 = arith.constant 128 : i32
        %add3A_581 = arith.addi %add3A_580, %scan3A_480 : i32
        %get3A_582 = arith.index_cast %add3A_581 : i32 to index
        %get3A_583 = arith.constant 48 : index
        %get3A_584 = tpu.vector_load %arg6[%get3A_582, %get3A_583] {strides = array<i32>} : memref<256x128xf32, #tpu.memory_space<vmem>>, vector<1x16xf32>,
        %get3A_585 = vector.shape_cast %get3A_584 : vector<1x16xf32> to vector<16xf32>
        %add3A_586 = arith.constant 192 : i32
        %add3A_587 = arith.addi %add3A_586, %scan3A_480 : i32
        %get3A_588 = arith.index_cast %add3A_587 : i32 to index
        %get3A_589 = arith.constant 48 : index
        %get3A_590 = tpu.vector_load %arg6[%get3A_588, %get3A_589] {strides = array<i32>} : memref<256x128xf32, #tpu.memory_space<vmem>>, vector<1x16xf32>,
        %get3A_591 = vector.shape_cast %get3A_590 : vector<1x16xf32> to vector<16xf32>
        %add3A_592 = arith.addf %get3A_585, %get3A_591 : vector<16xf32>
        %add3A_593 = arith.addf %add3A_579, %add3A_592 : vector<16xf32>
        %swap3A_594 = arith.index_cast %scan3A_480 : i32 to index
        %swap3A_595 = arith.constant 48 : index
        %swap3A_596 = tpu.vector_load %arg6[%swap3A_594, %swap3A_595] {strides = array<i32>} : memref<256x128xf32, #tpu.memory_space<vmem>>, vector<1x16xf32>,
        %swap3A_597 = vector.shape_cast %swap3A_596 : vector<1x16xf32> to vector<16xf32>
        %swap3A_598 = vector.shape_cast %add3A_593 : vector<16xf32> to vector<1x16xf32>
        tpu.vector_store %arg6[%swap3A_594, %swap3A_595], %swap3A_598 {strides = array<i32>} : memref<256x128xf32, #tpu.memory_space<vmem>>, vector<1x16xf32>,
        %get3A_599 = arith.index_cast %scan3A_480 : i32 to index
        %get3A_600 = arith.constant 64 : index
        %get3A_601 = tpu.vector_load %arg6[%get3A_599, %get3A_600] {strides = array<i32>} : memref<256x128xf32, #tpu.memory_space<vmem>>, vector<1x16xf32>,
        %get3A_602 = vector.shape_cast %get3A_601 : vector<1x16xf32> to vector<16xf32>
        %add3A_603 = arith.constant 64 : i32
        %add3A_604 = arith.addi %add3A_603, %scan3A_480 : i32
        %get3A_605 = arith.index_cast %add3A_604 : i32 to index
        %get3A_606 = arith.constant 64 : index
        %get3A_607 = tpu.vector_load %arg6[%get3A_605, %get3A_606] {strides = array<i32>} : memref<256x128xf32, #tpu.memory_space<vmem>>, vector<1x16xf32>,
        %get3A_608 = vector.shape_cast %get3A_607 : vector<1x16xf32> to vector<16xf32>
        %add3A_609 = arith.addf %get3A_602, %get3A_608 : vector<16xf32>
        %add3A_610 = arith.constant 128 : i32
        %add3A_611 = arith.addi %add3A_610, %scan3A_480 : i32
        %get3A_612 = arith.index_cast %add3A_611 : i32 to index
        %get3A_613 = arith.constant 64 : index
        %get3A_614 = tpu.vector_load %arg6[%get3A_612, %get3A_613] {strides = array<i32>} : memref<256x128xf32, #tpu.memory_space<vmem>>, vector<1x16xf32>,
        %get3A_615 = vector.shape_cast %get3A_614 : vector<1x16xf32> to vector<16xf32>
        %add3A_616 = arith.constant 192 : i32
        %add3A_617 = arith.addi %add3A_616, %scan3A_480 : i32
        %get3A_618 = arith.index_cast %add3A_617 : i32 to index
        %get3A_619 = arith.constant 64 : index
        %get3A_620 = tpu.vector_load %arg6[%get3A_618, %get3A_619] {strides = array<i32>} : memref<256x128xf32, #tpu.memory_space<vmem>>, vector<1x16xf32>,
        %get3A_621 = vector.shape_cast %get3A_620 : vector<1x16xf32> to vector<16xf32>
        %add3A_622 = arith.addf %get3A_615, %get3A_621 : vector<16xf32>
        %add3A_623 = arith.addf %add3A_609, %add3A_622 : vector<16xf32>
        %swap3A_624 = arith.index_cast %scan3A_480 : i32 to index
        %swap3A_625 = arith.constant 64 : index
        %swap3A_626 = tpu.vector_load %arg6[%swap3A_624, %swap3A_625] {strides = array<i32>} : memref<256x128xf32, #tpu.memory_space<vmem>>, vector<1x16xf32>,
        %swap3A_627 = vector.shape_cast %swap3A_626 : vector<1x16xf32> to vector<16xf32>
        %swap3A_628 = vector.shape_cast %add3A_623 : vector<16xf32> to vector<1x16xf32>
        tpu.vector_store %arg6[%swap3A_624, %swap3A_625], %swap3A_628 {strides = array<i32>} : memref<256x128xf32, #tpu.memory_space<vmem>>, vector<1x16xf32>,
        %get3A_629 = arith.index_cast %scan3A_480 : i32 to index
        %get3A_630 = arith.constant 80 : index
        %get3A_631 = tpu.vector_load %arg6[%get3A_629, %get3A_630] {strides = array<i32>} : memref<256x128xf32, #tpu.memory_space<vmem>>, vector<1x16xf32>,
        %get3A_632 = vector.shape_cast %get3A_631 : vector<1x16xf32> to vector<16xf32>
        %add3A_633 = arith.constant 64 : i32
        %add3A_634 = arith.addi %add3A_633, %scan3A_480 : i32
        %get3A_635 = arith.index_cast %add3A_634 : i32 to index
        %get3A_636 = arith.constant 80 : index
        %get3A_637 = tpu.vector_load %arg6[%get3A_635, %get3A_636] {strides = array<i32>} : memref<256x128xf32, #tpu.memory_space<vmem>>, vector<1x16xf32>,
        %get3A_638 = vector.shape_cast %get3A_637 : vector<1x16xf32> to vector<16xf32>
        %add3A_639 = arith.addf %get3A_632, %get3A_638 : vector<16xf32>
        %add3A_640 = arith.constant 128 : i32
        %add3A_641 = arith.addi %add3A_640, %scan3A_480 : i32
        %get3A_642 = arith.index_cast %add3A_641 : i32 to index
        %get3A_643 = arith.constant 80 : index
        %get3A_644 = tpu.vector_load %arg6[%get3A_642, %get3A_643] {strides = array<i32>} : memref<256x128xf32, #tpu.memory_space<vmem>>, vector<1x16xf32>,
        %get3A_645 = vector.shape_cast %get3A_644 : vector<1x16xf32> to vector<16xf32>
        %add3A_646 = arith.constant 192 : i32
        %add3A_647 = arith.addi %add3A_646, %scan3A_480 : i32
        %get3A_648 = arith.index_cast %add3A_647 : i32 to index
        %get3A_649 = arith.constant 80 : index
        %get3A_650 = tpu.vector_load %arg6[%get3A_648, %get3A_649] {strides = array<i32>} : memref<256x128xf32, #tpu.memory_space<vmem>>, vector<1x16xf32>,
        %get3A_651 = vector.shape_cast %get3A_650 : vector<1x16xf32> to vector<16xf32>
        %add3A_652 = arith.addf %get3A_645, %get3A_651 : vector<16xf32>
        %add3A_653 = arith.addf %add3A_639, %add3A_652 : vector<16xf32>
        %swap3A_654 = arith.index_cast %scan3A_480 : i32 to index
        %swap3A_655 = arith.constant 80 : index
        %swap3A_656 = tpu.vector_load %arg6[%swap3A_654, %swap3A_655] {strides = array<i32>} : memref<256x128xf32, #tpu.memory_space<vmem>>, vector<1x16xf32>,
        %swap3A_657 = vector.shape_cast %swap3A_656 : vector<1x16xf32> to vector<16xf32>
        %swap3A_658 = vector.shape_cast %add3A_653 : vector<16xf32> to vector<1x16xf32>
        tpu.vector_store %arg6[%swap3A_654, %swap3A_655], %swap3A_658 {strides = array<i32>} : memref<256x128xf32, #tpu.memory_space<vmem>>, vector<1x16xf32>,
        %get3A_659 = arith.index_cast %scan3A_480 : i32 to index
        %get3A_660 = arith.constant 96 : index
        %get3A_661 = tpu.vector_load %arg6[%get3A_659, %get3A_660] {strides = array<i32>} : memref<256x128xf32, #tpu.memory_space<vmem>>, vector<1x16xf32>,
        %get3A_662 = vector.shape_cast %get3A_661 : vector<1x16xf32> to vector<16xf32>
        %add3A_663 = arith.constant 64 : i32
        %add3A_664 = arith.addi %add3A_663, %scan3A_480 : i32
        %get3A_665 = arith.index_cast %add3A_664 : i32 to index
        %get3A_666 = arith.constant 96 : index
        %get3A_667 = tpu.vector_load %arg6[%get3A_665, %get3A_666] {strides = array<i32>} : memref<256x128xf32, #tpu.memory_space<vmem>>, vector<1x16xf32>,
        %get3A_668 = vector.shape_cast %get3A_667 : vector<1x16xf32> to vector<16xf32>
        %add3A_669 = arith.addf %get3A_662, %get3A_668 : vector<16xf32>
        %add3A_670 = arith.constant 128 : i32
        %add3A_671 = arith.addi %add3A_670, %scan3A_480 : i32
        %get3A_672 = arith.index_cast %add3A_671 : i32 to index
        %get3A_673 = arith.constant 96 : index
        %get3A_674 = tpu.vector_load %arg6[%get3A_672, %get3A_673] {strides = array<i32>} : memref<256x128xf32, #tpu.memory_space<vmem>>, vector<1x16xf32>,
        %get3A_675 = vector.shape_cast %get3A_674 : vector<1x16xf32> to vector<16xf32>
        %add3A_676 = arith.constant 192 : i32
        %add3A_677 = arith.addi %add3A_676, %scan3A_480 : i32
        %get3A_678 = arith.index_cast %add3A_677 : i32 to index
        %get3A_679 = arith.constant 96 : index
        %get3A_680 = tpu.vector_load %arg6[%get3A_678, %get3A_679] {strides = array<i32>} : memref<256x128xf32, #tpu.memory_space<vmem>>, vector<1x16xf32>,
        %get3A_681 = vector.shape_cast %get3A_680 : vector<1x16xf32> to vector<16xf32>
        %add3A_682 = arith.addf %get3A_675, %get3A_681 : vector<16xf32>
        %add3A_683 = arith.addf %add3A_669, %add3A_682 : vector<16xf32>
        %swap3A_684 = arith.index_cast %scan3A_480 : i32 to index
        %swap3A_685 = arith.constant 96 : index
        %swap3A_686 = tpu.vector_load %arg6[%swap3A_684, %swap3A_685] {strides = array<i32>} : memref<256x128xf32, #tpu.memory_space<vmem>>, vector<1x16xf32>,
        %swap3A_687 = vector.shape_cast %swap3A_686 : vector<1x16xf32> to vector<16xf32>
        %swap3A_688 = vector.shape_cast %add3A_683 : vector<16xf32> to vector<1x16xf32>
        tpu.vector_store %arg6[%swap3A_684, %swap3A_685], %swap3A_688 {strides = array<i32>} : memref<256x128xf32, #tpu.memory_space<vmem>>, vector<1x16xf32>,
        %get3A_689 = arith.index_cast %scan3A_480 : i32 to index
        %get3A_690 = arith.constant 112 : index
        %get3A_691 = tpu.vector_load %arg6[%get3A_689, %get3A_690] {strides = array<i32>} : memref<256x128xf32, #tpu.memory_space<vmem>>, vector<1x16xf32>,
        %get3A_692 = vector.shape_cast %get3A_691 : vector<1x16xf32> to vector<16xf32>
        %add3A_693 = arith.constant 64 : i32
        %add3A_694 = arith.addi %add3A_693, %scan3A_480 : i32
        %get3A_695 = arith.index_cast %add3A_694 : i32 to index
        %get3A_696 = arith.constant 112 : index
        %get3A_697 = tpu.vector_load %arg6[%get3A_695, %get3A_696] {strides = array<i32>} : memref<256x128xf32, #tpu.memory_space<vmem>>, vector<1x16xf32>,
        %get3A_698 = vector.shape_cast %get3A_697 : vector<1x16xf32> to vector<16xf32>
        %add3A_699 = arith.addf %get3A_692, %get3A_698 : vector<16xf32>
        %add3A_700 = arith.constant 128 : i32
        %add3A_701 = arith.addi %add3A_700, %scan3A_480 : i32
        %get3A_702 = arith.index_cast %add3A_701 : i32 to index
        %get3A_703 = arith.constant 112 : index
        %get3A_704 = tpu.vector_load %arg6[%get3A_702, %get3A_703] {strides = array<i32>} : memref<256x128xf32, #tpu.memory_space<vmem>>, vector<1x16xf32>,
        %get3A_705 = vector.shape_cast %get3A_704 : vector<1x16xf32> to vector<16xf32>
        %add3A_706 = arith.constant 192 : i32
        %add3A_707 = arith.addi %add3A_706, %scan3A_480 : i32
        %get3A_708 = arith.index_cast %add3A_707 : i32 to index
        %get3A_709 = arith.constant 112 : index
        %get3A_710 = tpu.vector_load %arg6[%get3A_708, %get3A_709] {strides = array<i32>} : memref<256x128xf32, #tpu.memory_space<vmem>>, vector<1x16xf32>,
        %get3A_711 = vector.shape_cast %get3A_710 : vector<1x16xf32> to vector<16xf32>
        %add3A_712 = arith.addf %get3A_705, %get3A_711 : vector<16xf32>
        %add3A_713 = arith.addf %add3A_699, %add3A_712 : vector<16xf32>
        %swap3A_714 = arith.index_cast %scan3A_480 : i32 to index
        %swap3A_715 = arith.constant 112 : index
        %swap3A_716 = tpu.vector_load %arg6[%swap3A_714, %swap3A_715] {strides = array<i32>} : memref<256x128xf32, #tpu.memory_space<vmem>>, vector<1x16xf32>,
        %swap3A_717 = vector.shape_cast %swap3A_716 : vector<1x16xf32> to vector<16xf32>
        %swap3A_718 = vector.shape_cast %add3A_713 : vector<16xf32> to vector<1x16xf32>
        tpu.vector_store %arg6[%swap3A_714, %swap3A_715], %swap3A_718 {strides = array<i32>} : memref<256x128xf32, #tpu.memory_space<vmem>>, vector<1x16xf32>,
      }
      %scan3A_376 = arith.constant 64 : i32
      %mul3A_377 = arith.constant 64 : i32
      %mul3A_378 = arith.muli %mul3A_252, %mul3A_377 : i32
      %add3A_379 = arith.addi %mul3A_2, %mul3A_378 : i32
      %dma_start3A_380 = arith.constant 0 : i32
      %dma_start3A_381 = arith.constant 0 : i32
      %dma_start3A_382 = tpu.memref_slice %arg6[%dma_start3A_380, %dma_start3A_381] : memref<256x128xf32, #tpu.memory_space<vmem>> -> memref<64x128xf32, #tpu.memory_space<vmem>>
      %dma_start3A_383 = arith.constant 0 : i32
      %dma_start3A_384 = tpu.memref_slice %arg4[%add3A_379, %dma_start3A_383] : memref<204800x128xf32, #tpu.memory_space<hbm>> -> memref<64x128xf32, #tpu.memory_space<hbm>>
      %dma_start3A_385 = arith.constant 0 : i32
      %dma_start3A_386 = tpu.memref_slice %arg4[%add3A_379, %dma_start3A_385] : memref<204800x128xf32, #tpu.memory_space<hbm>> -> memref<64x128xf32, #tpu.memory_space<hbm>>
      %dma_start3A_387 = arith.constant 0 : i32
      %dma_start3A_388 = arith.constant 0 : i32
      %dma_start3A_389 = tpu.memref_slice %arg6[%dma_start3A_387, %dma_start3A_388] : memref<256x128xf32, #tpu.memory_space<vmem>> -> memref<64x128xf32, #tpu.memory_space<vmem>>
      tpu.enqueue_dma source(%dma_start3A_389 : memref<64x128xf32, #tpu.memory_space<vmem>>) target(%dma_start3A_386 : memref<64x128xf32, #tpu.memory_space<hbm>>) target_semaphore(%arg11 : memref<!tpu.dma_semaphore, #tpu.memory_space<semaphore_mem>>)
      %mul3A_390 = arith.constant 4 : i32
      %mul3A_391 = arith.muli %scan3A_248, %mul3A_390 : i32
      %add3A_392 = arith.constant 0 : i32
      %add3A_393 = arith.addi %mul3A_391, %add3A_392 : i32
      %dma_wait3A_394 = arith.constant 0 : i32
      %dma_wait3A_395 = arith.constant 0 : i32
      %dma_wait3A_396 = tpu.memref_slice %arg7[%dma_wait3A_394, %dma_wait3A_395] : memref<256x128xf32, #tpu.memory_space<vmem>> -> memref<64x128xf32, #tpu.memory_space<vmem>>
      %dma_wait3A_397 = arith.constant 64 : i32
      %dma_wait3A_398 = tpu.memref_slice %arg5[%add3A_393, %dma_wait3A_397] : memref<40x128xi32, #tpu.memory_space<vmem>> -> memref<1x64xi32, #tpu.memory_space<vmem>>
      %dma_wait3A_399 = tpu.memref_squeeze %dma_wait3A_398 : memref<1x64xi32, #tpu.memory_space<vmem>> -> memref<64xi32, #tpu.memory_space<vmem>>
      %dma_wait3A_400 = arith.constant 0 : i32
      %dma_wait3A_401 = arith.constant 0 : i32
      %dma_wait3A_402 = tpu.memref_slice %arg8[%dma_wait3A_400, %dma_wait3A_401] : memref<7391x128xf32, #tpu.memory_space<vmem_shared>> -> memref<7391x128xf32, #tpu.memory_space<vmem_shared>>
      tpu.wait_indirect_dma semaphore(%arg10 : memref<!tpu.dma_semaphore, #tpu.memory_space<semaphore_mem>>) src(%dma_wait3A_402 : memref<7391x128xf32, #tpu.memory_space<vmem_shared>>) dst(%dma_wait3A_396 : memref<64x128xf32, #tpu.memory_space<vmem>>)
      %mul3A_403 = arith.constant 4 : i32
      %mul3A_404 = arith.muli %scan3A_248, %mul3A_403 : i32
      %add3A_405 = arith.constant 1 : i32
      %add3A_406 = arith.addi %mul3A_404, %add3A_405 : i32
      %dma_wait3A_407 = arith.constant 64 : i32
      %dma_wait3A_408 = arith.constant 0 : i32
      %dma_wait3A_409 = tpu.memref_slice %arg7[%dma_wait3A_407, %dma_wait3A_408] : memref<256x128xf32, #tpu.memory_space<vmem>> -> memref<64x128xf32, #tpu.memory_space<vmem>>
      %dma_wait3A_410 = arith.constant 64 : i32
      %dma_wait3A_411 = tpu.memref_slice %arg5[%add3A_406, %dma_wait3A_410] : memref<40x128xi32, #tpu.memory_space<vmem>> -> memref<1x64xi32, #tpu.memory_space<vmem>>
      %dma_wait3A_412 = tpu.memref_squeeze %dma_wait3A_411 : memref<1x64xi32, #tpu.memory_space<vmem>> -> memref<64xi32, #tpu.memory_space<vmem>>
      %dma_wait3A_413 = arith.constant 0 : i32
      %dma_wait3A_414 = arith.constant 0 : i32
      %dma_wait3A_415 = tpu.memref_slice %arg8[%dma_wait3A_413, %dma_wait3A_414] : memref<7391x128xf32, #tpu.memory_space<vmem_shared>> -> memref<7391x128xf32, #tpu.memory_space<vmem_shared>>
      tpu.wait_indirect_dma semaphore(%arg10 : memref<!tpu.dma_semaphore, #tpu.memory_space<semaphore_mem>>) src(%dma_wait3A_415 : memref<7391x128xf32, #tpu.memory_space<vmem_shared>>) dst(%dma_wait3A_409 : memref<64x128xf32, #tpu.memory_space<vmem>>)
      %mul3A_416 = arith.constant 4 : i32
      %mul3A_417 = arith.muli %scan3A_248, %mul3A_416 : i32
      %add3A_418 = arith.constant 2 : i32
      %add3A_419 = arith.addi %mul3A_417, %add3A_418 : i32
      %dma_wait3A_420 = arith.constant 128 : i32
      %dma_wait3A_421 = arith.constant 0 : i32
      %dma_wait3A_422 = tpu.memref_slice %arg7[%dma_wait3A_420, %dma_wait3A_421] : memref<256x128xf32, #tpu.memory_space<vmem>> -> memref<64x128xf32, #tpu.memory_space<vmem>>
      %dma_wait3A_423 = arith.constant 64 : i32
      %dma_wait3A_424 = tpu.memref_slice %arg5[%add3A_419, %dma_wait3A_423] : memref<40x128xi32, #tpu.memory_space<vmem>> -> memref<1x64xi32, #tpu.memory_space<vmem>>
      %dma_wait3A_425 = tpu.memref_squeeze %dma_wait3A_424 : memref<1x64xi32, #tpu.memory_space<vmem>> -> memref<64xi32, #tpu.memory_space<vmem>>
      %dma_wait3A_426 = arith.constant 0 : i32
      %dma_wait3A_427 = arith.constant 0 : i32
      %dma_wait3A_428 = tpu.memref_slice %arg8[%dma_wait3A_426, %dma_wait3A_427] : memref<7391x128xf32, #tpu.memory_space<vmem_shared>> -> memref<7391x128xf32, #tpu.memory_space<vmem_shared>>
      tpu.wait_indirect_dma semaphore(%arg10 : memref<!tpu.dma_semaphore, #tpu.memory_space<semaphore_mem>>) src(%dma_wait3A_428 : memref<7391x128xf32, #tpu.memory_space<vmem_shared>>) dst(%dma_wait3A_422 : memref<64x128xf32, #tpu.memory_space<vmem>>)
      %mul3A_429 = arith.constant 4 : i32
      %mul3A_430 = arith.muli %scan3A_248, %mul3A_429 : i32
      %add3A_431 = arith.constant 3 : i32
      %add3A_432 = arith.addi %mul3A_430, %add3A_431 : i32
      %dma_wait3A_433 = arith.constant 192 : i32
      %dma_wait3A_434 = arith.constant 0 : i32
      %dma_wait3A_435 = tpu.memref_slice %arg7[%dma_wait3A_433, %dma_wait3A_434] : memref<256x128xf32, #tpu.memory_space<vmem>> -> memref<64x128xf32, #tpu.memory_space<vmem>>
      %dma_wait3A_436 = arith.constant 64 : i32
      %dma_wait3A_437 = tpu.memref_slice %arg5[%add3A_432, %dma_wait3A_436] : memref<40x128xi32, #tpu.memory_space<vmem>> -> memref<1x64xi32, #tpu.memory_space<vmem>>
      %dma_wait3A_438 = tpu.memref_squeeze %dma_wait3A_437 : memref<1x64xi32, #tpu.memory_space<vmem>> -> memref<64xi32, #tpu.memory_space<vmem>>
      %dma_wait3A_439 = arith.constant 0 : i32
      %dma_wait3A_440 = arith.constant 0 : i32
      %dma_wait3A_441 = tpu.memref_slice %arg8[%dma_wait3A_439, %dma_wait3A_440] : memref<7391x128xf32, #tpu.memory_space<vmem_shared>> -> memref<7391x128xf32, #tpu.memory_space<vmem_shared>>
      tpu.wait_indirect_dma semaphore(%arg10 : memref<!tpu.dma_semaphore, #tpu.memory_space<semaphore_mem>>) src(%dma_wait3A_441 : memref<7391x128xf32, #tpu.memory_space<vmem_shared>>) dst(%dma_wait3A_435 : memref<64x128xf32, #tpu.memory_space<vmem>>)
      %scan3A_442 = arith.constant 0 : i32
      %scan3A_443 = arith.constant 0 : i32
      %scan3A_444 = arith.constant 64 : i32
      %scan3A_445 = arith.addi %scan3A_443, %scan3A_444 : i32
      %scan3A_446 = arith.constant 1 : i32
      scf.for %scan3A_480 = %scan3A_443 to %scan3A_445 step %scan3A_446  : i32 {
        %get3A = arith.index_cast %scan3A_480 : i32 to index
        %get3A_481 = arith.constant 0 : index
        %get3A_482 = tpu.vector_load %arg7[%get3A, %get3A_481] {strides = array<i32>} : memref<256x128xf32, #tpu.memory_space<vmem>>, vector<1x16xf32>,
        %get3A_483 = vector.shape_cast %get3A_482 : vector<1x16xf32> to vector<16xf32>
        %add3A_484 = arith.constant 64 : i32
        %add3A_485 = arith.addi %add3A_484, %scan3A_480 : i32
        %get3A_486 = arith.index_cast %add3A_485 : i32 to index
        %get3A_487 = arith.constant 0 : index
        %get3A_488 = tpu.vector_load %arg7[%get3A_486, %get3A_487] {strides = array<i32>} : memref<256x128xf32, #tpu.memory_space<vmem>>, vector<1x16xf32>,
        %get3A_489 = vector.shape_cast %get3A_488 : vector<1x16xf32> to vector<16xf32>
        %add3A_490 = arith.addf %get3A_483, %get3A_489 : vector<16xf32>
        %add3A_491 = arith.constant 128 : i32
        %add3A_492 = arith.addi %add3A_491, %scan3A_480 : i32
        %get3A_493 = arith.index_cast %add3A_492 : i32 to index
        %get3A_494 = arith.constant 0 : index
        %get3A_495 = tpu.vector_load %arg7[%get3A_493, %get3A_494] {strides = array<i32>} : memref<256x128xf32, #tpu.memory_space<vmem>>, vector<1x16xf32>,
        %get3A_496 = vector.shape_cast %get3A_495 : vector<1x16xf32> to vector<16xf32>
        %add3A_497 = arith.constant 192 : i32
        %add3A_498 = arith.addi %add3A_497, %scan3A_480 : i32
        %get3A_499 = arith.index_cast %add3A_498 : i32 to index
        %get3A_500 = arith.constant 0 : index
        %get3A_501 = tpu.vector_load %arg7[%get3A_499, %get3A_500] {strides = array<i32>} : memref<256x128xf32, #tpu.memory_space<vmem>>, vector<1x16xf32>,
        %get3A_502 = vector.shape_cast %get3A_501 : vector<1x16xf32> to vector<16xf32>
        %add3A_503 = arith.addf %get3A_496, %get3A_502 : vector<16xf32>
        %add3A_504 = arith.addf %add3A_490, %add3A_503 : vector<16xf32>
        %swap3A = arith.index_cast %scan3A_480 : i32 to index
        %swap3A_505 = arith.constant 0 : index
        %swap3A_506 = tpu.vector_load %arg7[%swap3A, %swap3A_505] {strides = array<i32>} : memref<256x128xf32, #tpu.memory_space<vmem>>, vector<1x16xf32>,
        %swap3A_507 = vector.shape_cast %swap3A_506 : vector<1x16xf32> to vector<16xf32>
        %swap3A_508 = vector.shape_cast %add3A_504 : vector<16xf32> to vector<1x16xf32>
        tpu.vector_store %arg7[%swap3A, %swap3A_505], %swap3A_508 {strides = array<i32>} : memref<256x128xf32, #tpu.memory_space<vmem>>, vector<1x16xf32>,
        %get3A_509 = arith.index_cast %scan3A_480 : i32 to index
        %get3A_510 = arith.constant 16 : index
        %get3A_511 = tpu.vector_load %arg7[%get3A_509, %get3A_510] {strides = array<i32>} : memref<256x128xf32, #tpu.memory_space<vmem>>, vector<1x16xf32>,
        %get3A_512 = vector.shape_cast %get3A_511 : vector<1x16xf32> to vector<16xf32>
        %add3A_513 = arith.constant 64 : i32
        %add3A_514 = arith.addi %add3A_513, %scan3A_480 : i32
        %get3A_515 = arith.index_cast %add3A_514 : i32 to index
        %get3A_516 = arith.constant 16 : index
        %get3A_517 = tpu.vector_load %arg7[%get3A_515, %get3A_516] {strides = array<i32>} : memref<256x128xf32, #tpu.memory_space<vmem>>, vector<1x16xf32>,
        %get3A_518 = vector.shape_cast %get3A_517 : vector<1x16xf32> to vector<16xf32>
        %add3A_519 = arith.addf %get3A_512, %get3A_518 : vector<16xf32>
        %add3A_520 = arith.constant 128 : i32
        %add3A_521 = arith.addi %add3A_520, %scan3A_480 : i32
        %get3A_522 = arith.index_cast %add3A_521 : i32 to index
        %get3A_523 = arith.constant 16 : index
        %get3A_524 = tpu.vector_load %arg7[%get3A_522, %get3A_523] {strides = array<i32>} : memref<256x128xf32, #tpu.memory_space<vmem>>, vector<1x16xf32>,
        %get3A_525 = vector.shape_cast %get3A_524 : vector<1x16xf32> to vector<16xf32>
        %add3A_526 = arith.constant 192 : i32
        %add3A_527 = arith.addi %add3A_526, %scan3A_480 : i32
        %get3A_528 = arith.index_cast %add3A_527 : i32 to index
        %get3A_529 = arith.constant 16 : index
        %get3A_530 = tpu.vector_load %arg7[%get3A_528, %get3A_529] {strides = array<i32>} : memref<256x128xf32, #tpu.memory_space<vmem>>, vector<1x16xf32>,
        %get3A_531 = vector.shape_cast %get3A_530 : vector<1x16xf32> to vector<16xf32>
        %add3A_532 = arith.addf %get3A_525, %get3A_531 : vector<16xf32>
        %add3A_533 = arith.addf %add3A_519, %add3A_532 : vector<16xf32>
        %swap3A_534 = arith.index_cast %scan3A_480 : i32 to index
        %swap3A_535 = arith.constant 16 : index
        %swap3A_536 = tpu.vector_load %arg7[%swap3A_534, %swap3A_535] {strides = array<i32>} : memref<256x128xf32, #tpu.memory_space<vmem>>, vector<1x16xf32>,
        %swap3A_537 = vector.shape_cast %swap3A_536 : vector<1x16xf32> to vector<16xf32>
        %swap3A_538 = vector.shape_cast %add3A_533 : vector<16xf32> to vector<1x16xf32>
        tpu.vector_store %arg7[%swap3A_534, %swap3A_535], %swap3A_538 {strides = array<i32>} : memref<256x128xf32, #tpu.memory_space<vmem>>, vector<1x16xf32>,
        %get3A_539 = arith.index_cast %scan3A_480 : i32 to index
        %get3A_540 = arith.constant 32 : index
        %get3A_541 = tpu.vector_load %arg7[%get3A_539, %get3A_540] {strides = array<i32>} : memref<256x128xf32, #tpu.memory_space<vmem>>, vector<1x16xf32>,
        %get3A_542 = vector.shape_cast %get3A_541 : vector<1x16xf32> to vector<16xf32>
        %add3A_543 = arith.constant 64 : i32
        %add3A_544 = arith.addi %add3A_543, %scan3A_480 : i32
        %get3A_545 = arith.index_cast %add3A_544 : i32 to index
        %get3A_546 = arith.constant 32 : index
        %get3A_547 = tpu.vector_load %arg7[%get3A_545, %get3A_546] {strides = array<i32>} : memref<256x128xf32, #tpu.memory_space<vmem>>, vector<1x16xf32>,
        %get3A_548 = vector.shape_cast %get3A_547 : vector<1x16xf32> to vector<16xf32>
        %add3A_549 = arith.addf %get3A_542, %get3A_548 : vector<16xf32>
        %add3A_550 = arith.constant 128 : i32
        %add3A_551 = arith.addi %add3A_550, %scan3A_480 : i32
        %get3A_552 = arith.index_cast %add3A_551 : i32 to index
        %get3A_553 = arith.constant 32 : index
        %get3A_554 = tpu.vector_load %arg7[%get3A_552, %get3A_553] {strides = array<i32>} : memref<256x128xf32, #tpu.memory_space<vmem>>, vector<1x16xf32>,
        %get3A_555 = vector.shape_cast %get3A_554 : vector<1x16xf32> to vector<16xf32>
        %add3A_556 = arith.constant 192 : i32
        %add3A_557 = arith.addi %add3A_556, %scan3A_480 : i32
        %get3A_558 = arith.index_cast %add3A_557 : i32 to index
        %get3A_559 = arith.constant 32 : index
        %get3A_560 = tpu.vector_load %arg7[%get3A_558, %get3A_559] {strides = array<i32>} : memref<256x128xf32, #tpu.memory_space<vmem>>, vector<1x16xf32>,
        %get3A_561 = vector.shape_cast %get3A_560 : vector<1x16xf32> to vector<16xf32>
        %add3A_562 = arith.addf %get3A_555, %get3A_561 : vector<16xf32>
        %add3A_563 = arith.addf %add3A_549, %add3A_562 : vector<16xf32>
        %swap3A_564 = arith.index_cast %scan3A_480 : i32 to index
        %swap3A_565 = arith.constant 32 : index
        %swap3A_566 = tpu.vector_load %arg7[%swap3A_564, %swap3A_565] {strides = array<i32>} : memref<256x128xf32, #tpu.memory_space<vmem>>, vector<1x16xf32>,
        %swap3A_567 = vector.shape_cast %swap3A_566 : vector<1x16xf32> to vector<16xf32>
        %swap3A_568 = vector.shape_cast %add3A_563 : vector<16xf32> to vector<1x16xf32>
        tpu.vector_store %arg7[%swap3A_564, %swap3A_565], %swap3A_568 {strides = array<i32>} : memref<256x128xf32, #tpu.memory_space<vmem>>, vector<1x16xf32>,
        %get3A_569 = arith.index_cast %scan3A_480 : i32 to index
        %get3A_570 = arith.constant 48 : index
        %get3A_571 = tpu.vector_load %arg7[%get3A_569, %get3A_570] {strides = array<i32>} : memref<256x128xf32, #tpu.memory_space<vmem>>, vector<1x16xf32>,
        %get3A_572 = vector.shape_cast %get3A_571 : vector<1x16xf32> to vector<16xf32>
        %add3A_573 = arith.constant 64 : i32
        %add3A_574 = arith.addi %add3A_573, %scan3A_480 : i32
        %get3A_575 = arith.index_cast %add3A_574 : i32 to index
        %get3A_576 = arith.constant 48 : index
        %get3A_577 = tpu.vector_load %arg7[%get3A_575, %get3A_576] {strides = array<i32>} : memref<256x128xf32, #tpu.memory_space<vmem>>, vector<1x16xf32>,
        %get3A_578 = vector.shape_cast %get3A_577 : vector<1x16xf32> to vector<16xf32>
        %add3A_579 = arith.addf %get3A_572, %get3A_578 : vector<16xf32>
        %add3A_580 = arith.constant 128 : i32
        %add3A_581 = arith.addi %add3A_580, %scan3A_480 : i32
        %get3A_582 = arith.index_cast %add3A_581 : i32 to index
        %get3A_583 = arith.constant 48 : index
        %get3A_584 = tpu.vector_load %arg7[%get3A_582, %get3A_583] {strides = array<i32>} : memref<256x128xf32, #tpu.memory_space<vmem>>, vector<1x16xf32>,
        %get3A_585 = vector.shape_cast %get3A_584 : vector<1x16xf32> to vector<16xf32>
        %add3A_586 = arith.constant 192 : i32
        %add3A_587 = arith.addi %add3A_586, %scan3A_480 : i32
        %get3A_588 = arith.index_cast %add3A_587 : i32 to index
        %get3A_589 = arith.constant 48 : index
        %get3A_590 = tpu.vector_load %arg7[%get3A_588, %get3A_589] {strides = array<i32>} : memref<256x128xf32, #tpu.memory_space<vmem>>, vector<1x16xf32>,
        %get3A_591 = vector.shape_cast %get3A_590 : vector<1x16xf32> to vector<16xf32>
        %add3A_592 = arith.addf %get3A_585, %get3A_591 : vector<16xf32>
        %add3A_593 = arith.addf %add3A_579, %add3A_592 : vector<16xf32>
        %swap3A_594 = arith.index_cast %scan3A_480 : i32 to index
        %swap3A_595 = arith.constant 48 : index
        %swap3A_596 = tpu.vector_load %arg7[%swap3A_594, %swap3A_595] {strides = array<i32>} : memref<256x128xf32, #tpu.memory_space<vmem>>, vector<1x16xf32>,
        %swap3A_597 = vector.shape_cast %swap3A_596 : vector<1x16xf32> to vector<16xf32>
        %swap3A_598 = vector.shape_cast %add3A_593 : vector<16xf32> to vector<1x16xf32>
        tpu.vector_store %arg7[%swap3A_594, %swap3A_595], %swap3A_598 {strides = array<i32>} : memref<256x128xf32, #tpu.memory_space<vmem>>, vector<1x16xf32>,
        %get3A_599 = arith.index_cast %scan3A_480 : i32 to index
        %get3A_600 = arith.constant 64 : index
        %get3A_601 = tpu.vector_load %arg7[%get3A_599, %get3A_600] {strides = array<i32>} : memref<256x128xf32, #tpu.memory_space<vmem>>, vector<1x16xf32>,
        %get3A_602 = vector.shape_cast %get3A_601 : vector<1x16xf32> to vector<16xf32>
        %add3A_603 = arith.constant 64 : i32
        %add3A_604 = arith.addi %add3A_603, %scan3A_480 : i32
        %get3A_605 = arith.index_cast %add3A_604 : i32 to index
        %get3A_606 = arith.constant 64 : index
        %get3A_607 = tpu.vector_load %arg7[%get3A_605, %get3A_606] {strides = array<i32>} : memref<256x128xf32, #tpu.memory_space<vmem>>, vector<1x16xf32>,
        %get3A_608 = vector.shape_cast %get3A_607 : vector<1x16xf32> to vector<16xf32>
        %add3A_609 = arith.addf %get3A_602, %get3A_608 : vector<16xf32>
        %add3A_610 = arith.constant 128 : i32
        %add3A_611 = arith.addi %add3A_610, %scan3A_480 : i32
        %get3A_612 = arith.index_cast %add3A_611 : i32 to index
        %get3A_613 = arith.constant 64 : index
        %get3A_614 = tpu.vector_load %arg7[%get3A_612, %get3A_613] {strides = array<i32>} : memref<256x128xf32, #tpu.memory_space<vmem>>, vector<1x16xf32>,
        %get3A_615 = vector.shape_cast %get3A_614 : vector<1x16xf32> to vector<16xf32>
        %add3A_616 = arith.constant 192 : i32
        %add3A_617 = arith.addi %add3A_616, %scan3A_480 : i32
        %get3A_618 = arith.index_cast %add3A_617 : i32 to index
        %get3A_619 = arith.constant 64 : index
        %get3A_620 = tpu.vector_load %arg7[%get3A_618, %get3A_619] {strides = array<i32>} : memref<256x128xf32, #tpu.memory_space<vmem>>, vector<1x16xf32>,
        %get3A_621 = vector.shape_cast %get3A_620 : vector<1x16xf32> to vector<16xf32>
        %add3A_622 = arith.addf %get3A_615, %get3A_621 : vector<16xf32>
        %add3A_623 = arith.addf %add3A_609, %add3A_622 : vector<16xf32>
        %swap3A_624 = arith.index_cast %scan3A_480 : i32 to index
        %swap3A_625 = arith.constant 64 : index
        %swap3A_626 = tpu.vector_load %arg7[%swap3A_624, %swap3A_625] {strides = array<i32>} : memref<256x128xf32, #tpu.memory_space<vmem>>, vector<1x16xf32>,
        %swap3A_627 = vector.shape_cast %swap3A_626 : vector<1x16xf32> to vector<16xf32>
        %swap3A_628 = vector.shape_cast %add3A_623 : vector<16xf32> to vector<1x16xf32>
        tpu.vector_store %arg7[%swap3A_624, %swap3A_625], %swap3A_628 {strides = array<i32>} : memref<256x128xf32, #tpu.memory_space<vmem>>, vector<1x16xf32>,
        %get3A_629 = arith.index_cast %scan3A_480 : i32 to index
        %get3A_630 = arith.constant 80 : index
        %get3A_631 = tpu.vector_load %arg7[%get3A_629, %get3A_630] {strides = array<i32>} : memref<256x128xf32, #tpu.memory_space<vmem>>, vector<1x16xf32>,
        %get3A_632 = vector.shape_cast %get3A_631 : vector<1x16xf32> to vector<16xf32>
        %add3A_633 = arith.constant 64 : i32
        %add3A_634 = arith.addi %add3A_633, %scan3A_480 : i32
        %get3A_635 = arith.index_cast %add3A_634 : i32 to index
        %get3A_636 = arith.constant 80 : index
        %get3A_637 = tpu.vector_load %arg7[%get3A_635, %get3A_636] {strides = array<i32>} : memref<256x128xf32, #tpu.memory_space<vmem>>, vector<1x16xf32>,
        %get3A_638 = vector.shape_cast %get3A_637 : vector<1x16xf32> to vector<16xf32>
        %add3A_639 = arith.addf %get3A_632, %get3A_638 : vector<16xf32>
        %add3A_640 = arith.constant 128 : i32
        %add3A_641 = arith.addi %add3A_640, %scan3A_480 : i32
        %get3A_642 = arith.index_cast %add3A_641 : i32 to index
        %get3A_643 = arith.constant 80 : index
        %get3A_644 = tpu.vector_load %arg7[%get3A_642, %get3A_643] {strides = array<i32>} : memref<256x128xf32, #tpu.memory_space<vmem>>, vector<1x16xf32>,
        %get3A_645 = vector.shape_cast %get3A_644 : vector<1x16xf32> to vector<16xf32>
        %add3A_646 = arith.constant 192 : i32
        %add3A_647 = arith.addi %add3A_646, %scan3A_480 : i32
        %get3A_648 = arith.index_cast %add3A_647 : i32 to index
        %get3A_649 = arith.constant 80 : index
        %get3A_650 = tpu.vector_load %arg7[%get3A_648, %get3A_649] {strides = array<i32>} : memref<256x128xf32, #tpu.memory_space<vmem>>, vector<1x16xf32>,
        %get3A_651 = vector.shape_cast %get3A_650 : vector<1x16xf32> to vector<16xf32>
        %add3A_652 = arith.addf %get3A_645, %get3A_651 : vector<16xf32>
        %add3A_653 = arith.addf %add3A_639, %add3A_652 : vector<16xf32>
        %swap3A_654 = arith.index_cast %scan3A_480 : i32 to index
        %swap3A_655 = arith.constant 80 : index
        %swap3A_656 = tpu.vector_load %arg7[%swap3A_654, %swap3A_655] {strides = array<i32>} : memref<256x128xf32, #tpu.memory_space<vmem>>, vector<1x16xf32>,
        %swap3A_657 = vector.shape_cast %swap3A_656 : vector<1x16xf32> to vector<16xf32>
        %swap3A_658 = vector.shape_cast %add3A_653 : vector<16xf32> to vector<1x16xf32>
        tpu.vector_store %arg7[%swap3A_654, %swap3A_655], %swap3A_658 {strides = array<i32>} : memref<256x128xf32, #tpu.memory_space<vmem>>, vector<1x16xf32>,
        %get3A_659 = arith.index_cast %scan3A_480 : i32 to index
        %get3A_660 = arith.constant 96 : index
        %get3A_661 = tpu.vector_load %arg7[%get3A_659, %get3A_660] {strides = array<i32>} : memref<256x128xf32, #tpu.memory_space<vmem>>, vector<1x16xf32>,
        %get3A_662 = vector.shape_cast %get3A_661 : vector<1x16xf32> to vector<16xf32>
        %add3A_663 = arith.constant 64 : i32
        %add3A_664 = arith.addi %add3A_663, %scan3A_480 : i32
        %get3A_665 = arith.index_cast %add3A_664 : i32 to index
        %get3A_666 = arith.constant 96 : index
        %get3A_667 = tpu.vector_load %arg7[%get3A_665, %get3A_666] {strides = array<i32>} : memref<256x128xf32, #tpu.memory_space<vmem>>, vector<1x16xf32>,
        %get3A_668 = vector.shape_cast %get3A_667 : vector<1x16xf32> to vector<16xf32>
        %add3A_669 = arith.addf %get3A_662, %get3A_668 : vector<16xf32>
        %add3A_670 = arith.constant 128 : i32
        %add3A_671 = arith.addi %add3A_670, %scan3A_480 : i32
        %get3A_672 = arith.index_cast %add3A_671 : i32 to index
        %get3A_673 = arith.constant 96 : index
        %get3A_674 = tpu.vector_load %arg7[%get3A_672, %get3A_673] {strides = array<i32>} : memref<256x128xf32, #tpu.memory_space<vmem>>, vector<1x16xf32>,
        %get3A_675 = vector.shape_cast %get3A_674 : vector<1x16xf32> to vector<16xf32>
        %add3A_676 = arith.constant 192 : i32
        %add3A_677 = arith.addi %add3A_676, %scan3A_480 : i32
        %get3A_678 = arith.index_cast %add3A_677 : i32 to index
        %get3A_679 = arith.constant 96 : index
        %get3A_680 = tpu.vector_load %arg7[%get3A_678, %get3A_679] {strides = array<i32>} : memref<256x128xf32, #tpu.memory_space<vmem>>, vector<1x16xf32>,
        %get3A_681 = vector.shape_cast %get3A_680 : vector<1x16xf32> to vector<16xf32>
        %add3A_682 = arith.addf %get3A_675, %get3A_681 : vector<16xf32>
        %add3A_683 = arith.addf %add3A_669, %add3A_682 : vector<16xf32>
        %swap3A_684 = arith.index_cast %scan3A_480 : i32 to index
        %swap3A_685 = arith.constant 96 : index
        %swap3A_686 = tpu.vector_load %arg7[%swap3A_684, %swap3A_685] {strides = array<i32>} : memref<256x128xf32, #tpu.memory_space<vmem>>, vector<1x16xf32>,
        %swap3A_687 = vector.shape_cast %swap3A_686 : vector<1x16xf32> to vector<16xf32>
        %swap3A_688 = vector.shape_cast %add3A_683 : vector<16xf32> to vector<1x16xf32>
        tpu.vector_store %arg7[%swap3A_684, %swap3A_685], %swap3A_688 {strides = array<i32>} : memref<256x128xf32, #tpu.memory_space<vmem>>, vector<1x16xf32>,
        %get3A_689 = arith.index_cast %scan3A_480 : i32 to index
        %get3A_690 = arith.constant 112 : index
        %get3A_691 = tpu.vector_load %arg7[%get3A_689, %get3A_690] {strides = array<i32>} : memref<256x128xf32, #tpu.memory_space<vmem>>, vector<1x16xf32>,
        %get3A_692 = vector.shape_cast %get3A_691 : vector<1x16xf32> to vector<16xf32>
        %add3A_693 = arith.constant 64 : i32
        %add3A_694 = arith.addi %add3A_693, %scan3A_480 : i32
        %get3A_695 = arith.index_cast %add3A_694 : i32 to index
        %get3A_696 = arith.constant 112 : index
        %get3A_697 = tpu.vector_load %arg7[%get3A_695, %get3A_696] {strides = array<i32>} : memref<256x128xf32, #tpu.memory_space<vmem>>, vector<1x16xf32>,
        %get3A_698 = vector.shape_cast %get3A_697 : vector<1x16xf32> to vector<16xf32>
        %add3A_699 = arith.addf %get3A_692, %get3A_698 : vector<16xf32>
        %add3A_700 = arith.constant 128 : i32
        %add3A_701 = arith.addi %add3A_700, %scan3A_480 : i32
        %get3A_702 = arith.index_cast %add3A_701 : i32 to index
        %get3A_703 = arith.constant 112 : index
        %get3A_704 = tpu.vector_load %arg7[%get3A_702, %get3A_703] {strides = array<i32>} : memref<256x128xf32, #tpu.memory_space<vmem>>, vector<1x16xf32>,
        %get3A_705 = vector.shape_cast %get3A_704 : vector<1x16xf32> to vector<16xf32>
        %add3A_706 = arith.constant 192 : i32
        %add3A_707 = arith.addi %add3A_706, %scan3A_480 : i32
        %get3A_708 = arith.index_cast %add3A_707 : i32 to index
        %get3A_709 = arith.constant 112 : index
        %get3A_710 = tpu.vector_load %arg7[%get3A_708, %get3A_709] {strides = array<i32>} : memref<256x128xf32, #tpu.memory_space<vmem>>, vector<1x16xf32>,
        %get3A_711 = vector.shape_cast %get3A_710 : vector<1x16xf32> to vector<16xf32>
        %add3A_712 = arith.addf %get3A_705, %get3A_711 : vector<16xf32>
        %add3A_713 = arith.addf %add3A_699, %add3A_712 : vector<16xf32>
        %swap3A_714 = arith.index_cast %scan3A_480 : i32 to index
        %swap3A_715 = arith.constant 112 : index
        %swap3A_716 = tpu.vector_load %arg7[%swap3A_714, %swap3A_715] {strides = array<i32>} : memref<256x128xf32, #tpu.memory_space<vmem>>, vector<1x16xf32>,
        %swap3A_717 = vector.shape_cast %swap3A_716 : vector<1x16xf32> to vector<16xf32>
        %swap3A_718 = vector.shape_cast %add3A_713 : vector<16xf32> to vector<1x16xf32>
        tpu.vector_store %arg7[%swap3A_714, %swap3A_715], %swap3A_718 {strides = array<i32>} : memref<256x128xf32, #tpu.memory_space<vmem>>, vector<1x16xf32>,
      }
      %scan3A_447 = arith.constant 64 : i32
      %add3A_448 = arith.constant 1 : i32
      %add3A_449 = arith.addi %mul3A_252, %add3A_448 : i32
      %mul3A_450 = arith.constant 64 : i32
      %mul3A_451 = arith.muli %add3A_449, %mul3A_450 : i32
      %add3A_452 = arith.addi %mul3A_2, %mul3A_451 : i32
      %dma_start3A_453 = arith.constant 0 : i32
      %dma_start3A_454 = arith.constant 0 : i32
      %dma_start3A_455 = tpu.memref_slice %arg7[%dma_start3A_453, %dma_start3A_454] : memref<256x128xf32, #tpu.memory_space<vmem>> -> memref<64x128xf32, #tpu.memory_space<vmem>>
      %dma_start3A_456 = arith.constant 0 : i32
      %dma_start3A_457 = tpu.memref_slice %arg4[%add3A_452, %dma_start3A_456] : memref<204800x128xf32, #tpu.memory_space<hbm>> -> memref<64x128xf32, #tpu.memory_space<hbm>>
      %dma_start3A_458 = arith.constant 0 : i32
      %dma_start3A_459 = tpu.memref_slice %arg4[%add3A_452, %dma_start3A_458] : memref<204800x128xf32, #tpu.memory_space<hbm>> -> memref<64x128xf32, #tpu.memory_space<hbm>>
      %dma_start3A_460 = arith.constant 0 : i32
      %dma_start3A_461 = arith.constant 0 : i32
      %dma_start3A_462 = tpu.memref_slice %arg7[%dma_start3A_460, %dma_start3A_461] : memref<256x128xf32, #tpu.memory_space<vmem>> -> memref<64x128xf32, #tpu.memory_space<vmem>>
      tpu.enqueue_dma source(%dma_start3A_462 : memref<64x128xf32, #tpu.memory_space<vmem>>) target(%dma_start3A_459 : memref<64x128xf32, #tpu.memory_space<hbm>>) target_semaphore(%arg12 : memref<!tpu.dma_semaphore, #tpu.memory_space<semaphore_mem>>)
      %mul3A_463 = arith.constant 64 : i32
      %mul3A_464 = arith.muli %mul3A_252, %mul3A_463 : i32
      %add3A_465 = arith.addi %mul3A_2, %mul3A_464 : i32
      %dma_wait3A_466 = arith.constant 0 : i32
      %dma_wait3A_467 = arith.constant 0 : i32
      %dma_wait3A_468 = tpu.memref_slice %arg6[%dma_wait3A_466, %dma_wait3A_467] : memref<256x128xf32, #tpu.memory_space<vmem>> -> memref<64x128xf32, #tpu.memory_space<vmem>>
      %dma_wait3A_469 = arith.constant 0 : i32
      %dma_wait3A_470 = tpu.memref_slice %arg4[%add3A_465, %dma_wait3A_469] : memref<204800x128xf32, #tpu.memory_space<hbm>> -> memref<64x128xf32, #tpu.memory_space<hbm>>
      %dma_wait3A_471 = arith.constant 0 : i32
      %dma_wait3A_472 = tpu.memref_slice %arg4[%add3A_465, %dma_wait3A_471] : memref<204800x128xf32, #tpu.memory_space<hbm>> -> memref<64x128xf32, #tpu.memory_space<hbm>>
      %dma_wait3A_473 = arith.constant 0 : i32
      %dma_wait3A_474 = arith.constant 0 : i32
      %dma_wait3A_475 = tpu.memref_slice %arg6[%dma_wait3A_473, %dma_wait3A_474] : memref<256x128xf32, #tpu.memory_space<vmem>> -> memref<64x128xf32, #tpu.memory_space<vmem>>
      tpu.wait_dma2 semaphore(%arg11 : memref<!tpu.dma_semaphore, #tpu.memory_space<semaphore_mem>>) src(%dma_wait3A_475 : memref<64x128xf32, #tpu.memory_space<vmem>>) dst(%dma_wait3A_472 : memref<64x128xf32, #tpu.memory_space<hbm>>)
      %lt3A = arith.constant 9 : i32
      %lt3A_476 = arith.cmpi slt, %scan3A_248, %lt3A : i32
      %convert_element_type3A_477 = arith.extui %lt3A_476 : i1 to i32
      %cond3A_478 = arith.constant 0 : i32
      %cond3A_479 = arith.cmpi ne, %convert_element_type3A_477, %cond3A_478 : i32
      scf.if %cond3A_479 {
        %add3A_480 = arith.constant 1 : i32
        %add3A_481 = arith.addi %scan3A_248, %add3A_480 : i32
        %mul3A_482 = arith.constant 4 : i32
        %mul3A_483 = arith.muli %add3A_481, %mul3A_482 : i32
        %add3A_484 = arith.constant 0 : i32
        %add3A_485 = arith.addi %mul3A_483, %add3A_484 : i32
        %dma_start3A_486 = arith.constant 0 : i32
        %dma_start3A_487 = arith.constant 0 : i32
        %dma_start3A_488 = tpu.memref_slice %arg6[%dma_start3A_486, %dma_start3A_487] : memref<256x128xf32, #tpu.memory_space<vmem>> -> memref<64x128xf32, #tpu.memory_space<vmem>>
        %dma_start3A_489 = arith.constant 0 : i32
        %dma_start3A_490 = tpu.memref_slice %arg5[%add3A_485, %dma_start3A_489] : memref<40x128xi32, #tpu.memory_space<vmem>> -> memref<1x64xi32, #tpu.memory_space<vmem>>
        %dma_start3A_491 = tpu.memref_squeeze %dma_start3A_490 : memref<1x64xi32, #tpu.memory_space<vmem>> -> memref<64xi32, #tpu.memory_space<vmem>>
        %dma_start3A_492 = arith.constant 0 : i32
        %dma_start3A_493 = arith.constant 0 : i32
        %dma_start3A_494 = tpu.memref_slice %arg8[%dma_start3A_492, %dma_start3A_493] : memref<7391x128xf32, #tpu.memory_space<vmem_shared>> -> memref<7391x128xf32, #tpu.memory_space<vmem_shared>>
        tpu.enqueue_indirect_dma source(%dma_start3A_494 : memref<7391x128xf32, #tpu.memory_space<vmem_shared>>) target(%dma_start3A_488 : memref<64x128xf32, #tpu.memory_space<vmem>>) offsets(%dma_start3A_491 : memref<64xi32, #tpu.memory_space<vmem>>) semaphore(%arg9 : memref<!tpu.dma_semaphore, #tpu.memory_space<semaphore_mem>>)
        %mul3A_495 = arith.constant 4 : i32
        %mul3A_496 = arith.muli %add3A_481, %mul3A_495 : i32
        %add3A_497 = arith.constant 1 : i32
        %add3A_498 = arith.addi %mul3A_496, %add3A_497 : i32
        %dma_start3A_499 = arith.constant 64 : i32
        %dma_start3A_500 = arith.constant 0 : i32
        %dma_start3A_501 = tpu.memref_slice %arg6[%dma_start3A_499, %dma_start3A_500] : memref<256x128xf32, #tpu.memory_space<vmem>> -> memref<64x128xf32, #tpu.memory_space<vmem>>
        %dma_start3A_502 = arith.constant 0 : i32
        %dma_start3A_503 = tpu.memref_slice %arg5[%add3A_498, %dma_start3A_502] : memref<40x128xi32, #tpu.memory_space<vmem>> -> memref<1x64xi32, #tpu.memory_space<vmem>>
        %dma_start3A_504 = tpu.memref_squeeze %dma_start3A_503 : memref<1x64xi32, #tpu.memory_space<vmem>> -> memref<64xi32, #tpu.memory_space<vmem>>
        %dma_start3A_505 = arith.constant 0 : i32
        %dma_start3A_506 = arith.constant 0 : i32
        %dma_start3A_507 = tpu.memref_slice %arg8[%dma_start3A_505, %dma_start3A_506] : memref<7391x128xf32, #tpu.memory_space<vmem_shared>> -> memref<7391x128xf32, #tpu.memory_space<vmem_shared>>
        tpu.enqueue_indirect_dma source(%dma_start3A_507 : memref<7391x128xf32, #tpu.memory_space<vmem_shared>>) target(%dma_start3A_501 : memref<64x128xf32, #tpu.memory_space<vmem>>) offsets(%dma_start3A_504 : memref<64xi32, #tpu.memory_space<vmem>>) semaphore(%arg9 : memref<!tpu.dma_semaphore, #tpu.memory_space<semaphore_mem>>)
        %mul3A_508 = arith.constant 4 : i32
        %mul3A_509 = arith.muli %add3A_481, %mul3A_508 : i32
        %add3A_510 = arith.constant 2 : i32
        %add3A_511 = arith.addi %mul3A_509, %add3A_510 : i32
        %dma_start3A_512 = arith.constant 128 : i32
        %dma_start3A_513 = arith.constant 0 : i32
        %dma_start3A_514 = tpu.memref_slice %arg6[%dma_start3A_512, %dma_start3A_513] : memref<256x128xf32, #tpu.memory_space<vmem>> -> memref<64x128xf32, #tpu.memory_space<vmem>>
        %dma_start3A_515 = arith.constant 0 : i32
        %dma_start3A_516 = tpu.memref_slice %arg5[%add3A_511, %dma_start3A_515] : memref<40x128xi32, #tpu.memory_space<vmem>> -> memref<1x64xi32, #tpu.memory_space<vmem>>
        %dma_start3A_517 = tpu.memref_squeeze %dma_start3A_516 : memref<1x64xi32, #tpu.memory_space<vmem>> -> memref<64xi32, #tpu.memory_space<vmem>>
        %dma_start3A_518 = arith.constant 0 : i32
        %dma_start3A_519 = arith.constant 0 : i32
        %dma_start3A_520 = tpu.memref_slice %arg8[%dma_start3A_518, %dma_start3A_519] : memref<7391x128xf32, #tpu.memory_space<vmem_shared>> -> memref<7391x128xf32, #tpu.memory_space<vmem_shared>>
        tpu.enqueue_indirect_dma source(%dma_start3A_520 : memref<7391x128xf32, #tpu.memory_space<vmem_shared>>) target(%dma_start3A_514 : memref<64x128xf32, #tpu.memory_space<vmem>>) offsets(%dma_start3A_517 : memref<64xi32, #tpu.memory_space<vmem>>) semaphore(%arg9 : memref<!tpu.dma_semaphore, #tpu.memory_space<semaphore_mem>>)
        %mul3A_521 = arith.constant 4 : i32
        %mul3A_522 = arith.muli %add3A_481, %mul3A_521 : i32
        %add3A_523 = arith.constant 3 : i32
        %add3A_524 = arith.addi %mul3A_522, %add3A_523 : i32
        %dma_start3A_525 = arith.constant 192 : i32
        %dma_start3A_526 = arith.constant 0 : i32
        %dma_start3A_527 = tpu.memref_slice %arg6[%dma_start3A_525, %dma_start3A_526] : memref<256x128xf32, #tpu.memory_space<vmem>> -> memref<64x128xf32, #tpu.memory_space<vmem>>
        %dma_start3A_528 = arith.constant 0 : i32
        %dma_start3A_529 = tpu.memref_slice %arg5[%add3A_524, %dma_start3A_528] : memref<40x128xi32, #tpu.memory_space<vmem>> -> memref<1x64xi32, #tpu.memory_space<vmem>>
        %dma_start3A_530 = tpu.memref_squeeze %dma_start3A_529 : memref<1x64xi32, #tpu.memory_space<vmem>> -> memref<64xi32, #tpu.memory_space<vmem>>
        %dma_start3A_531 = arith.constant 0 : i32
        %dma_start3A_532 = arith.constant 0 : i32
        %dma_start3A_533 = tpu.memref_slice %arg8[%dma_start3A_531, %dma_start3A_532] : memref<7391x128xf32, #tpu.memory_space<vmem_shared>> -> memref<7391x128xf32, #tpu.memory_space<vmem_shared>>
        tpu.enqueue_indirect_dma source(%dma_start3A_533 : memref<7391x128xf32, #tpu.memory_space<vmem_shared>>) target(%dma_start3A_527 : memref<64x128xf32, #tpu.memory_space<vmem>>) offsets(%dma_start3A_530 : memref<64xi32, #tpu.memory_space<vmem>>) semaphore(%arg9 : memref<!tpu.dma_semaphore, #tpu.memory_space<semaphore_mem>>)
      } else {
      }
    }
    %scan3A_236 = arith.constant 10 : i32
    %add3A_237 = arith.constant 6336 : i32
    %add3A_238 = arith.addi %mul3A_2, %add3A_237 : i32
    %dma_wait3A = arith.constant 0 : i32
    %dma_wait3A_239 = arith.constant 0 : i32
    %dma_wait3A_240 = tpu.memref_slice %arg7[%dma_wait3A, %dma_wait3A_239] : memref<256x128xf32, #tpu.memory_space<vmem>> -> memref<64x128xf32, #tpu.memory_space<vmem>>
    %dma_wait3A_241 = arith.constant 0 : i32
    %dma_wait3A_242 = tpu.memref_slice %arg4[%add3A_238, %dma_wait3A_241] : memref<204800x128xf32, #tpu.memory_space<hbm>> -> memref<64x128xf32, #tpu.memory_space<hbm>>
    %dma_wait3A_243 = arith.constant 0 : i32
    %dma_wait3A_244 = tpu.memref_slice %arg4[%add3A_238, %dma_wait3A_243] : memref<204800x128xf32, #tpu.memory_space<hbm>> -> memref<64x128xf32, #tpu.memory_space<hbm>>
    %dma_wait3A_245 = arith.constant 0 : i32
    %dma_wait3A_246 = arith.constant 0 : i32
    %dma_wait3A_247 = tpu.memref_slice %arg7[%dma_wait3A_245, %dma_wait3A_246] : memref<256x128xf32, #tpu.memory_space<vmem>> -> memref<64x128xf32, #tpu.memory_space<vmem>>
    tpu.wait_dma2 semaphore(%arg12 : memref<!tpu.dma_semaphore, #tpu.memory_space<semaphore_mem>>) src(%dma_wait3A_247 : memref<64x128xf32, #tpu.memory_space<vmem>>) dst(%dma_wait3A_244 : memref<64x128xf32, #tpu.memory_space<hbm>>)
    return
  }
}

</mosaic_0001>

<sc_bundles>
// kernel: kernel.3.cloned.1.call-start
scs
__scs_entry_jumppad:
0x0: {  	(pc) =	sbr.rel $0x88, $3  }
0x1: {  	(tag) =	ssettag $0x0;
	lr =	simm.s32 $0x1  }
0x2: {  	[smem:$0x3F9B] =	sst lr;
	_ =	strace $0xD0000000  }
0x3: {  	_ = 	snop  }
0x4: {  	_ = 	snop  }
0x5: {  	_ = 	snop  }
0x6: {  	_ = 	snop  }
0x7: {  	_ = 	snop  }
__scs_overlays_trampoline_lowered:
0x8: {  	[smem:$0x3FAA] =	sst s0  }
0x9: {  	[smem:$0x3FAB] =	sst s1  }
0xa: {  	[smem:$0x3FAC] =	sst s2  }
0xb: {  	[smem:$0x3FAD] =	sst s3  }
0xc: {  	[smem:$0x3FAE] =	sst s4  }
0xd: {  	[smem:$0x3FAF] =	sst s5  }
0xe: {  	[smem:$0x3FB0] =	sst s6  }
0xf: {  	[smem:$0x3FB1] =	sst s7  }
0x10: {  	[smem:$0x3FB2] =	sst s8  }
0x11: {  	[smem:$0x3FB3] =	sst s9;
	s0 =	simm.s32 @!p0 $0x0  }
0x12: {  	s1 =	sld [smem:$0x3F99];
	s0 =	simm.s32 @p0 $0x1  }
0x13: {  	[smem:$0x3FB4] =	sst s0;
	s0 =	simm.s32 @!p1 $0x0  }
0x14: {  	s2 =	sld [smem:$0x3F98];
	s0 =	simm.s32 @p1 $0x1  }
0x15: {  	[smem:$0x3FB5] =	sst s0;
	s0 =	simm.s32 @!p2 $0x0  }
0x16: {  	s3 =	sld [smem:$0x3FDB];
	s0 =	simm.s32 @p2 $0x1  }
0x17: {  	s4 =	simm.s32 $0x1BF5;
	[smem:$0x3FB7] =	sst s0  }
0x18: {  	s0 =	sld [smem:$0x3F9A];
	_ =	swait.ge [sflag:s4], $0x0  }
0x19: {  	s7 =	sld [smem:$0x3F9B]  }
0x1a: {  	s8 =	sadd.s32 $0xFFFFE003, lr  }
0x1b: {  	s9 =	sadd.s32 $0xFFFFFEF7, lr;
	s5 =	simm.s32 $0xFFFFFFFF;
	p2 =	slt.u32 s8, $0xFFFFF086  }
0x1c: {  	p1 =	slt.u32 s9, $0xF7A;
	s5 =	simm.s32 @!p2 $0x0  }
0x1d: {  	s5 =	simm.s32 @p1 $0x1;
	p0 =	seq.s32 s7, s2  }
0x1e: {  	s7 =	smul.u32 @!p0 $0xF7A, s2;
	p2 =	seq.s32 @!p0 s5, $0x0  }
0x1f: {  	s9 =	smul.u32 $0xF7A, s1;
	s8 =	simm.s32 @!p0 $0x1BF5;
	p2 =	por !p2, p0  }
0x20: {  	[sflag:s8] =	ssyncset.s32 @!p0 $0xFFFFF086;
	s6 =	sadd.s32 @!p0 s3, s7;
	s7 =	simm.s32 @!p0 $0x108  }
0x21: {  	s3 =	sadd.s32 s3, s9;
	s6 =	sadd.s32 @!p0 $0x88, s6;
	s7 =	simm.s32 @p2 $0x1082  }
0x22: {  	[simem:s7], [sflag:s8] =	dma.local @!p0 [hbm:s6], $0xF7A  }
0x23: {  	s9 =	sor.u32 $0xD0000000, s2;
	s6 =	simm.s32 $0x108;
	_ =	swait.ge @!p0 [sflag:s8], $0x0  }
0x24: {  	s3 =	sadd.s32 $0x88, s3;
	s6 =	simm.s32 @!p1 $0x1082;
	[sflag:s4] =	ssyncset.s32 $0xFFFFF086  }
0x25: {  	[simem:s6], [sflag:s4] =	dma.local [hbm:s3], $0xF7A  }
0x26: {  	[smem:$0x3F9B] =	sst s1;
	(tag) =	ssettag s2;
	_ =	strace s9  }
0x27: {  	s1 =	sld [smem:$0x3FAB]  }
0x28: {  	s2 =	sld [smem:$0x3FAC]  }
0x29: {  	s4 =	sld [smem:$0x3FAE]  }
0x2a: {  	p0 =	seq.s32 s5, $0x0;
	s5 =	sld [smem:$0x3FAF]  }
0x2b: {  	s6 =	sld [smem:$0x3FB0]  }
0x2c: {  	s7 =	sld [smem:$0x3FB1]  }
0x2d: {  	s3 =	simm.s32 $0x108;
	s8 =	sld [smem:$0x3FB2]  }
0x2e: {  	s3 =	simm.s32 @!p0 $0x1082;
	s9 =	sld [smem:$0x3FB3]  }
0x2f: {  	lr =	sadd.s32 s0, s3;
	s0 =	sld [smem:$0x3FAA]  }
0x30: {  	s3 =	sld [smem:$0x3FAD]  }
0x31: {  	[smem:$0x3FB6] =	sst s10  }
0x32: {  	s10 =	sld [smem:$0x3FB4];
	_ =	sdelay $0x3  }
0x33: {  	p0 =	seq.s32 s10, $0x1;
	s10 =	sld [smem:$0x3FB6];
	_ =	sdelay $0x3  }
0x34: {  	[smem:$0x3FB6] =	sst s10  }
0x35: {  	s10 =	sld [smem:$0x3FB5];
	_ =	sdelay $0x3  }
0x36: {  	p1 =	seq.s32 s10, $0x1;
	s10 =	sld [smem:$0x3FB6];
	_ =	sdelay $0x3  }
0x37: {  	[smem:$0x3FB6] =	sst s10  }
0x38: {  	s10 =	sld [smem:$0x3FB7]  }
0x39: {  	_ = 	snop;
	(pc) =	sbr.ind lr, $3  }
0x3a: {  	_ = 	snop  }
0x3b: {  	_ = 	snop  }
0x3c: {  	p2 =	seq.s32 s10, $0x1;
	s10 =	sld [smem:$0x3FB6]  }
0x3d: {  	_ =	shalt  }
0x3e: {  	_ =	shalt  }
0x3f: {  	_ =	shalt  }
0x40: {  	_ =	shalt  }
0x41: {  	_ =	shalt  }
0x42: {  	_ =	shalt  }
0x43: {  	_ =	shalt  }
0x44: {  	_ =	shalt  }
0x45: {  	_ =	shalt  }
0x46: {  	_ =	shalt  }
0x47: {  	_ =	shalt  }
0x48: {  	_ =	shalt  }
0x49: {  	_ =	shalt  }
0x4a: {  	_ =	shalt  }
0x4b: {  	_ =	shalt  }
0x4c: {  	_ =	shalt  }
0x4d: {  	_ =	shalt  }
0x4e: {  	_ =	shalt  }
0x4f: {  	_ =	shalt  }
0x50: {  	_ =	shalt  }
0x51: {  	_ =	shalt  }
0x52: {  	_ =	shalt  }
0x53: {  	_ =	shalt  }
0x54: {  	_ =	shalt  }
0x55: {  	_ =	shalt  }
0x56: {  	_ =	shalt  }
0x57: {  	_ =	shalt  }
0x58: {  	_ =	shalt  }
0x59: {  	_ =	shalt  }
0x5a: {  	_ =	shalt  }
0x5b: {  	_ =	shalt  }
0x5c: {  	_ =	shalt  }
0x5d: {  	_ =	shalt  }
0x5e: {  	_ =	shalt  }
0x5f: {  	_ =	shalt  }
0x60: {  	_ =	shalt  }
0x61: {  	_ =	shalt  }
0x62: {  	_ =	shalt  }
0x63: {  	_ =	shalt  }
0x64: {  	_ =	shalt  }
0x65: {  	_ =	shalt  }
0x66: {  	_ =	shalt  }
0x67: {  	_ =	shalt  }
0x68: {  	_ =	shalt  }
0x69: {  	_ =	shalt  }
0x6a: {  	_ =	shalt  }
0x6b: {  	_ =	shalt  }
0x6c: {  	_ =	shalt  }
0x6d: {  	_ =	shalt  }
0x6e: {  	_ =	shalt  }
0x6f: {  	_ =	shalt  }
0x70: {  	_ =	shalt  }
0x71: {  	_ =	shalt  }
0x72: {  	_ =	shalt  }
0x73: {  	_ =	shalt  }
0x74: {  	_ =	shalt  }
0x75: {  	_ =	shalt  }
0x76: {  	_ =	shalt  }
0x77: {  	_ =	shalt  }
0x78: {  	_ =	shalt  }
0x79: {  	_ =	shalt  }
0x7a: {  	_ =	shalt  }
0x7b: {  	_ =	shalt  }
0x7c: {  	_ =	shalt  }
0x7d: {  	_ =	shalt  }
0x7e: {  	_ =	shalt  }
0x7f: {  	_ =	shalt  }
0x80: {  	_ =	shalt  }
0x81: {  	_ =	shalt  }
0x82: {  	_ =	shalt  }
0x83: {  	_ =	shalt  }
0x84: {  	_ =	shalt  }
0x85: {  	_ =	shalt  }
0x86: {  	_ =	shalt  }
0x87: {  	_ =	shalt  }
.Lfunc_end0:
.L_simem_size_0:
called_computation_lowered:
.L_overlay_start_0:
0x88: {  	s2 =	sld [smem:$0x3FD9]  }
0x89: {  	s3 =	sld [smem:$0x3FFE];
	_ =	sdelay $0x1  }
0x8a: {  	s1 =	srdreg.scid  }
0x8b: {  	s0 =	sand.u32 $0x1, s1  }
0x8c: {  	s17 =	sshll.u32 s0, $0xA;
	s2 =	sadd.s32 s3, s2  }
0x8d: {  	s2 =	sadd.s32 s2, s17  }
0x8e: {  	[smem:$0x3FC2] =	sst s2  }
0x8f: {  	_ = 	snop  }
0x90: {  	s2 =	sld [smem:$0x3FD0];
	(tm) =	ssettm $0x1  }
0x91: {  	s18 =	sld [smem:$0x3FFB];
	_ =	sdelay $0x3  }
0x92: {  	_ =	strace s18  }
0x93: {  	s3 =	sld [smem:$0x3FFC];
	_ =	sdelay $0x3  }
0x94: {  	_ =	strace s3  }
0x95: {  	s3 =	sld [smem:$0x3FFD];
	_ =	sdelay $0x3  }
0x96: {  	_ =	strace s3  }
0x97: {  	_ =	strace $0x8FFFFFFF  }
0x98: {  	s19 =	sld [smem:$0x3FDB];
	_ =	sdelay $0x1  }
0x99: {  	s4 =	simm.s32 $_scs_section_size  }
0x9a: {  	s5 =	simm.s32 $_size__tile_overlayer_lowered;
	s6 =	simm.s32 $_tile_overlayer_lowered  }
0x9b: {  	s22 =	simm.s32 $0x1BFF;
	s21 =	sshll.u32 s6, $0x1;
	s3 =	sadd.s32 s4, s19  }
0x9c: {  	s7 =	simm.s32 $0x0;
	s20 =	sshll.u32 s5, $0x1;
	s5 =	sadd.s32 s21, s3  }
0x9d: {  	[timem:s7], [sflag:s22] =	dma.local [hbm:s5], s20  }
0x9e: {  	_ =	swait.ge [sflag:s22], s20  }
0x9f: {  	s4 =	ssub.s32 $0x0, s20;
	[sflag:s22] =	ssyncset.done $0x0  }
0xa0: {  	[sflag:s22] =	ssyncadd.s32 s4;
	_ =	sdelay $0x1  }
0xa1: {  	s23 =	simm.s32 $0x1B8B  }
0xa2: {  	_ =	swait.ge [sflag:s23], $0x1  }
0xa3: {  	[sflag:s23] =	ssyncset.done $0x0  }
0xa4: {  	s25 =	simm.s32 $0x1B8E;
	s24 =	sld [smem:$0x3FFE];
	[sflag:s23] =	ssyncadd.s32 $0xFFFFFFFF  }
0xa5: {  	s26 =	simm.s32 $execute0_lowered;
	[smem:$0x3FD2] =	sst s25  }
0xa6: {  	s5 =	sshll.u32 s26, $0x1;
	_ =	strace $0x80000046;
	[dreg:$0x1] =	wrdreg $0xFFFFFFFF  }
0xa7: {  	s28 =	simm.s32 $_size_execute0_lowered;
	s3 =	sadd.s32 s3, s5;
	[dreg:$0x0] =	wrdreg $0x0  }
0xa8: {  	s5 =	sshll.u32 s28, $0x1;
	[dreg:$0x2] =	wrdreg s3  }
0xa9: {  	[dreg:$0x3] =	wrdreg s5  }
0xaa: {  	[dreg:$0x4] =	wrdreg $0xC0  }
0xab: {  	_ =	task [dreg:s7], $0x5FFFF  }
0xac: {  	[dreg:$0x1] =	wrdreg $0xFFFFFFFF  }
0xad: {  	[dreg:$0x0] =	wrdreg $0x60  }
0xae: {  	[dreg:$0x2] =	wrdreg s24  }
0xaf: {  	[dreg:$0x3] =	wrdreg s2  }
0xb0: {  	[dreg:$0x4] =	wrdreg $0x114000  }
0xb1: {  	[dreg:$0x5] =	wrdreg $0x9  }
0xb2: {  	_ =	task.clear_ibuf [dreg:s7], $0x6FFFF;
	_ =	strace $0x90000046  }
0xb3: {  	s29 =	simm.s32 $0x9;
	_ =	strace $0x80000048  }
0xb4: {  	_ =	swait.ge [sflag:s29], $0x1  }
0xb5: {  	[sflag:s29] =	ssyncadd.s32 $0xFFFFFFFF  }
0xb6: {  	_ =	strace $0x90000048  }
0xb7: {  	_ =	sfence  }
0xb8: {  	s30 =	sld [smem:$0x0];
	_ =	sdelay $0x2  }
0xb9: {  	s31 =	sshll.u32 s1, $0xD;
	s1 =	sshrl.u32 s1, $0x2  }
0xba: {  	s3 =	sand.u32 $0x4000, s31;
	s1 =	sadd.s32 s1, s30  }
0xbb: {  	s0 =	sor.u32 s3, s0;
	s1 =	sshll.u32 s1, $0x11  }
0xbc: {  	s0 =	sor.u32 s1, s0  }
0xbd: {  	s0 =	sadd.s32 $0x8F2B, s0  }
0xbe: {  	[sflag:s0] =	ssyncadd.remote.s32 $0x1  }
0xbf: {  	_ =	sfence.sel $0xFFFF  }
0xc0: {  	[dreg:$0x0] =	wrdreg $0xFFFFFFFF;
	(pc) =	sbr.abs _section_cstart, $3  }
0xc1: {  	[dreg:$0x1] =	wrdreg $0xFFFFFFFF  }
0xc2: {  	_ =	task.clear_ibuf [dreg:s7], $0x2FFFF;
	_ =	strace $0x9FFFFFFF  }
0xc3: {  	(tm) =	ssettm $0x7FFFFFFF  }
tec
execute0_lowered:
.L_overlay_start_1:
0x0: {  	(tag) =	ssettag $0x1  }
0x1: {  	s1 =	rddreg [dreg:$0x0]  }
0x2: {  	s0 =	rddreg [dreg:$0x1]  }
0x3: {  	s3 =	srdreg.scid;
	s4 =	stileid.u32  }
0x4: {  	s2 =	rddreg [dreg:$0x2];
	s14 =	simm.s32 $0x5;
	s15 =	simm.s32 $0x40  }
0x5: {  	s16 =	simm.s32 $0x1400;
	s17 =	simm.s32 $0x80;
	s18 =	simm.s32 $0x3400  }
0x6: {  	s19 =	simm.s32 $0x100;
	s28 =	simm.s32 $0x1;
	s29 =	simm.s32 $0x2  }
0x7: {  	s30 =	simm.s32 $0x3;
	s5 =	sand.u32 $0x1, s3;
	s6 =	sshll.u32 s4, $0x1  }
0x8: {  	s31 =	simm.s32 $0x4;
	s3 =	simm.s32 $0x0;
	s6 =	sor.u32 s5, s6  }
0x9: {  	s8 =	sadd.s32 $0x19E00, s1;
	p0 =	sne.s32 s4, $0x0;
	s7 =	smul.u32 $0x6400, s6  }
0xa: {  	[smem:$0x7FF] =	sst s3;
	s20 =	ssub.s32 $0x2, s5;
	s5 =	smul.u32 $0xC8000, s6  }
0xb: {  	s13 =	sshrl.u32 @!p0 s2, $0x3;
	_ =	strace $0x80000047;
	s6 =	smul.u32 $0x19000, s6  }
0xc: {  	[dreg:$0x4] =	wrdreg s8;
	s21 =	sshrl.u32 s20, $0x1;
	s7 =	sshrl.u32 s7, $0x3  }
0xd: {  	s26 =	sadd.s32 s6, s0;
	s1 =	sadd.s32 s7, s1;
	s7 =	ssub.s32 s20, s21  }
0xe: {  	s12 =	sadd.s32 $0x400, s26;
	s20 =	simm.s32 $0x5400;
	s22 =	sadd.s32 $0xE00, s1  }
0xf: {  	s21 =	simm.s32 $0x180;
	s23 =	sadd.s32 $0x1080, s1;
	[dreg:$0x5] =	wrdreg s22  }
.Ltmp0:
0x10: {  	s24 =	sadd.s32 $0x1300, s1;
	[dreg:$0x6] =	wrdreg s23;
	(pc) =	sbr.rel .LBB2_1-.Ltmp0, $4  }
0x11: {  	s26 =	simm.s32 $0xF400;
	s25 =	sadd.s32 $0x1580, s1;
	[dreg:$0x7] =	wrdreg s24  }
0x12: {  	s1 =	sadd.s32 $0x1800, s1;
	s11 =	smax.u32 s7, $0x1;
	[dreg:$0x8] =	wrdreg s25  }
0x13: {  	[dreg:$0x9] =	wrdreg s1;
	s22 =	simm.s32 $0x7400;
	s23 =	simm.s32 $0x9400  }
0x14: {  	s24 =	simm.s32 $0xB400;
	s25 =	simm.s32 $0xD400;
	s1 =	simm.s32 $0x0  }
.LBB2_36:
0x15: {  	s1 =	sadd.s32 $0x1, s1  }
0x16: {  	p1 =	sne.s32 s1, s11  }
.Ltmp1:
0x17: {  	_ = 	snop;
	(pc) =	sbr.rel @!p1 .LBB2_37-.Ltmp1, $4  }
0x18: {  	_ = 	snop  }
0x19: {  	_ =	swait.ge [sflag:s31], $0x2000  }
0x1a: {  	[sflag:s31] =	ssyncset.done $0x0  }
0x1b: {  	[sflag:s31] =	ssyncadd.s32 $0xFFFFE000  }
.LBB2_1:
0x1c: {  	s4 =	simm.s32 @!p0 $0x1C05;
	s6 =	rddreg [dreg:$0x4]  }
0x1d: {  	[spmem:s13], [sflag:s4] =	dma.local @!p0 [hbm:s6], $0x1CDF0  }
0x1e: {  	s4 =	simm.s32 @!p0 $0x5  }
0x1f: {  	_ =	swait.ge @!p0 [sflag:s4], $0x1CDF0  }
0x20: {  	[sflag:s4] =	ssyncset.done @!p0 $0x0  }
0x21: {  	[sflag:s4] =	ssyncadd.s32 @!p0 $0xFFFE3210  }
0x22: {  	[bflag:$0x0] =	sbarrier.arrive $0xFFFF  }
0x23: {  	s10 =	rddreg [dreg:$0x5]  }
0x24: {  	[tilespmem:s3], [sflag:$0x5] =	stream.linear.gather [hbm4b:s10+s3], $0x1400, $0x38;
	[tilespmem:$0x1FAF8] =	vst v63  }
0x25: {  	_ =	swait.ge [sflag:s14], $0x1400  }
0x26: {  	[sflag:s14] =	ssyncset.done $0x0  }
0x27: {  	[sflag:s14] =	ssyncadd.s32 $0xFFFFEC00  }
0x28: {  	[tilespmem:s16], [sflag:$0x1] =	stream.indirect.gather [spmem:s2], $0x80, s3, s15, $0xb8;
	[tilespmem:$0x1FAF8] =	vst v63  }
0x29: {  	_ = 	snop  }
0x2a: {  	[tilespmem:s18], [sflag:$0x1] =	stream.indirect.gather [spmem:s2], $0x80, s17, s15, $0xb8;
	[tilespmem:$0x1FAF8] =	vst v63  }
0x2b: {  	_ = 	snop  }
0x2c: {  	[tilespmem:s20], [sflag:$0x1] =	stream.indirect.gather [spmem:s2], $0x80, s19, s15, $0xb8;
	[tilespmem:$0x1FAF8] =	vst v63  }
0x2d: {  	s4 =	simm.s32 $0x0  }
0x2e: {  	[tilespmem:s22], [sflag:$0x1] =	stream.indirect.gather [spmem:s2], $0x80, s21, s15, $0xb8;
	[tilespmem:$0x1FAF8] =	vst v63  }
.LBB2_2:
0x2f: {  	p1 =	seq.s32 s4, $0x0  }
0x30: {  	s8 =	simm.s32 @!p1 $0x4  }
0x31: {  	s7 =	sshll.u32 s4, $0xB;
	_ =	swait.ge @!p1 [sflag:s8], $0x2000  }
0x32: {  	s6 =	sshra.s32 s7, $0x2;
	[sflag:s8] =	ssyncset.done @!p1 $0x0  }
0x33: {  	s9 =	sor.u32 $0x40, s6;
	[sflag:s8] =	ssyncadd.s32 @!p1 $0xFFFFE000  }
0x34: {  	[tilespmem:s23], [sflag:$0x2] =	stream.indirect.gather [spmem:s2], $0x80, s9, s15, $0xb8;
	[tilespmem:$0x1FAF8] =	vst v63  }
0x35: {  	s10 =	sor.u32 $0xC0, s6  }
0x36: {  	[tilespmem:s24], [sflag:$0x2] =	stream.indirect.gather [spmem:s2], $0x80, s10, s15, $0xb8;
	[tilespmem:$0x1FAF8] =	vst v63  }
0x37: {  	s9 =	sor.u32 $0x140, s6  }
0x38: {  	[tilespmem:s25], [sflag:$0x2] =	stream.indirect.gather [spmem:s2], $0x80, s9, s15, $0xb8;
	[tilespmem:$0x1FAF8] =	vst v63  }
0x39: {  	s10 =	sor.u32 $0x1C0, s6  }
0x3a: {  	[tilespmem:s26], [sflag:$0x2] =	stream.indirect.gather [spmem:s2], $0x80, s10, s15, $0xb8;
	[tilespmem:$0x1FAF8] =	vst v63  }
0x3b: {  	_ =	swait.ge [sflag:s28], $0x2000  }
0x3c: {  	[sflag:s28] =	ssyncset.done $0x0  }
0x3d: {  	[sflag:s28] =	ssyncadd.s32 $0xFFFFE000  }
0x3e: {  	_ =	swait.ge [sflag:s28], $0x2000  }
0x3f: {  	[sflag:s28] =	ssyncset.done $0x0  }
0x40: {  	[sflag:s28] =	ssyncadd.s32 $0xFFFFE000  }
0x41: {  	_ =	swait.ge [sflag:s28], $0x2000  }
0x42: {  	[sflag:s28] =	ssyncset.done $0x0  }
0x43: {  	[sflag:s28] =	ssyncadd.s32 $0xFFFFE000  }
0x44: {  	_ =	swait.ge [sflag:s28], $0x2000  }
0x45: {  	[sflag:s28] =	ssyncset.done $0x0  }
0x46: {  	s8 =	simm.s32 $0x0;
	[sflag:s28] =	ssyncadd.s32 $0xFFFFE000  }
0x47: {  	v6 =	vld [tilespmem:s8+$0x3400]  }
0x48: {  	v7 =	vld [tilespmem:s8+$0x5400]  }
0x49: {  	v8 =	vld [tilespmem:s8+$0x7400]  }
0x4a: {  	v14 =	vld [tilespmem:s8+$0x3410]  }
0x4b: {  	v9 =	vld [tilespmem:s8+$0x5410]  }
0x4c: {  	v10 =	vld [tilespmem:s8+$0x7410]  }
0x4d: {  	v0 =	vld [tilespmem:s8+$0x3420]  }
0x4e: {  	v11 =	vld [tilespmem:s8+$0x5420]  }
0x4f: {  	v13 =	vld [tilespmem:s8+$0x7420]  }
0x50: {  	v1 =	vld [tilespmem:s8+$0x3430]  }
0x51: {  	v15 =	vld [tilespmem:s8+$0x5430]  }
0x52: {  	v19 =	vld [tilespmem:s8+$0x7430]  }
0x53: {  	v2 =	vld [tilespmem:s8+$0x3440]  }
0x54: {  	v20 =	vld [tilespmem:s8+$0x5440]  }
0x55: {  	v21 =	vld [tilespmem:s8+$0x7440]  }
0x56: {  	v3 =	vld [tilespmem:s8+$0x3450]  }
0x57: {  	v22 =	vld [tilespmem:s8+$0x5450]  }
0x58: {  	v23 =	vld [tilespmem:s8+$0x7450]  }
0x59: {  	v4 =	vld [tilespmem:s8+$0x3460]  }
0x5a: {  	v24 =	vld [tilespmem:s8+$0x5460]  }
0x5b: {  	v25 =	vld [tilespmem:s8+$0x7460]  }
0x5c: {  	v5 =	vld [tilespmem:s8+$0x3470]  }
0x5d: {  	v26 =	vld [tilespmem:s8+$0x5470]  }
0x5e: {  	v27 =	vld [tilespmem:s8+$0x7470]  }
0x5f: {  	v28 =	vld [tilespmem:s8+$0x1400]  }
0x60: {  	v29 =	vld [tilespmem:s8+$0x1410]  }
0x61: {  	v18 =	vld [tilespmem:s8+$0x1420];
	v17 =	vadd.f32 v8, v7;
	v12 =	vadd.f32 v10, v9  }
0x62: {  	v16 =	vld [tilespmem:s8+$0x1430];
	v11 =	vadd.f32 v13, v11;
	v10 =	vadd.f32 v19, v15  }
0x63: {  	v13 =	vld [tilespmem:s8+$0x1440];
	v9 =	vadd.f32 v21, v20;
	v8 =	vadd.f32 v23, v22  }
0x64: {  	v20 =	vadd.f32 v6, v28;
	v15 =	vld [tilespmem:s8+$0x1450];
	v6 =	vadd.f32 v25, v24  }
0x65: {  	s9 =	simm.s32 $0x200;
	v19 =	vadd.f32 v14, v29;
	v14 =	vld [tilespmem:s8+$0x1460];
	v7 =	vadd.f32 v27, v26  }
.LBB2_3:
0x66: {  	s10 =	sshra.s32 s9, $0x2;
	p1 =	sne.s32 s9, $0x7E00;
	v17 =	vadd.f32 v17, v20;
	v0 =	vadd.f32 v0, v18;
	v18 =	vld [tilespmem:s8+$0x1470]  }
0x67: {  	v20 =	vld [tilespmem:s10+$0x3400];
	v12 =	vadd.f32 v12, v19;
	v1 =	vadd.f32 v1, v16  }
0x68: {  	v16 =	vld [tilespmem:s10+$0x5400];
	[tilespmem:s8+$0x1400] =	vst v17;
	v0 =	vadd.f32 v11, v0;
	v2 =	vadd.f32 v2, v13  }
0x69: {  	v11 =	vld [tilespmem:s10+$0x7400];
	[tilespmem:s8+$0x1410] =	vst v12;
	v1 =	vadd.f32 v10, v1;
	v3 =	vadd.f32 v3, v15  }
0x6a: {  	v19 =	vld [tilespmem:s10+$0x3410];
	[tilespmem:s8+$0x1420] =	vst v0;
	v0 =	vadd.f32 v9, v2;
	v2 =	vadd.f32 v4, v14  }
0x6b: {  	v9 =	vld [tilespmem:s10+$0x5410];
	[tilespmem:s8+$0x1430] =	vst v1;
	v1 =	vadd.f32 v8, v3;
	v3 =	vadd.f32 v5, v18  }
0x6c: {  	v8 =	vld [tilespmem:s10+$0x7410];
	[tilespmem:s8+$0x1440] =	vst v0;
	v2 =	vadd.f32 v6, v2  }
0x6d: {  	v0 =	vld [tilespmem:s10+$0x3420];
	[tilespmem:s8+$0x1450] =	vst v1;
	v1 =	vadd.f32 v7, v3  }
0x6e: {  	v6 =	vld [tilespmem:s10+$0x5420];
	[tilespmem:s8+$0x1460] =	vst v2  }
0x6f: {  	v7 =	vld [tilespmem:s10+$0x7420];
	[tilespmem:s8+$0x1470] =	vst v1;
	s8 =	smov.u32 s10  }
0x70: {  	v1 =	vld [tilespmem:s8+$0x3430]  }
0x71: {  	v10 =	vld [tilespmem:s8+$0x5430]  }
0x72: {  	v13 =	vld [tilespmem:s8+$0x7430]  }
0x73: {  	v2 =	vld [tilespmem:s8+$0x3440]  }
0x74: {  	v14 =	vld [tilespmem:s8+$0x5440]  }
0x75: {  	v15 =	vld [tilespmem:s8+$0x7440]  }
0x76: {  	v3 =	vld [tilespmem:s8+$0x3450]  }
0x77: {  	v21 =	vld [tilespmem:s8+$0x5450]  }
0x78: {  	v22 =	vld [tilespmem:s8+$0x7450]  }
0x79: {  	v4 =	vld [tilespmem:s8+$0x3460]  }
0x7a: {  	v23 =	vld [tilespmem:s8+$0x5460]  }
0x7b: {  	v24 =	vld [tilespmem:s8+$0x7460]  }
0x7c: {  	v5 =	vld [tilespmem:s8+$0x3470]  }
0x7d: {  	v25 =	vld [tilespmem:s8+$0x5470]  }
0x7e: {  	v26 =	vld [tilespmem:s8+$0x7470]  }
0x7f: {  	v27 =	vld [tilespmem:s8+$0x1400]  }
0x80: {  	v28 =	vld [tilespmem:s8+$0x1410]  }
.Ltmp2:
0x81: {  	v17 =	vadd.f32 v11, v16;
	v12 =	vadd.f32 v8, v9;
	v18 =	vld [tilespmem:s8+$0x1420];
	(pc) =	sbr.rel @p1 .LBB2_3-.Ltmp2, $4  }
0x82: {  	v11 =	vadd.f32 v7, v6;
	v10 =	vadd.f32 v13, v10;
	v16 =	vld [tilespmem:s8+$0x1430]  }
0x83: {  	v9 =	vadd.f32 v15, v14;
	v8 =	vadd.f32 v22, v21;
	v13 =	vld [tilespmem:s8+$0x1440]  }
0x84: {  	v6 =	vadd.f32 v24, v23;
	v20 =	vadd.f32 v20, v27;
	v15 =	vld [tilespmem:s8+$0x1450]  }
0x85: {  	s9 =	sadd.s32 $0x200, s9;
	v7 =	vadd.f32 v26, v25;
	v19 =	vadd.f32 v19, v28;
	v14 =	vld [tilespmem:s8+$0x1460]  }
0x86: {  	v17 =	vadd.f32 v17, v20;
	v0 =	vadd.f32 v0, v18;
	v18 =	vld [tilespmem:s8+$0x1470]  }
0x87: {  	v12 =	vadd.f32 v12, v19;
	v1 =	vadd.f32 v1, v16  }
0x88: {  	[tilespmem:s8+$0x1400] =	vst v17;
	v0 =	vadd.f32 v11, v0;
	v2 =	vadd.f32 v2, v13  }
0x89: {  	[tilespmem:s8+$0x1410] =	vst v12;
	v1 =	vadd.f32 v10, v1;
	v3 =	vadd.f32 v3, v15  }
0x8a: {  	[tilespmem:s8+$0x1420] =	vst v0;
	v0 =	vadd.f32 v9, v2;
	v2 =	vadd.f32 v4, v14  }
0x8b: {  	[tilespmem:s8+$0x1430] =	vst v1;
	v1 =	vadd.f32 v8, v3;
	v3 =	vadd.f32 v5, v18  }
0x8c: {  	s9 =	sshll.u32 s4, $0xE;
	[tilespmem:s8+$0x1440] =	vst v0;
	v0 =	vadd.f32 v6, v2  }
0x8d: {  	s9 =	sadd.s32 s5, s9;
	[tilespmem:s8+$0x1450] =	vst v1;
	v1 =	vadd.f32 v7, v3  }
0x8e: {  	s9 =	sshrl.u32 s9, $0x3;
	[tilespmem:s8+$0x1460] =	vst v0  }
0x8f: {  	s10 =	simm.s32 $0x0;
	s9 =	sadd.s32 s0, s9;
	[tilespmem:s8+$0x1470] =	vst v1  }
0x90: {  	[hbm4b:s9+s10] =	stream.linear.scatter [tilespmem:s16], [sflag:$0x3], $0x2000, $0x38;
	[tilespmem:$0x1FAF8] =	vst v63  }
0x91: {  	_ =	swait.ge [sflag:s29], $0x2000  }
0x92: {  	[sflag:s29] =	ssyncset.done $0x0  }
0x93: {  	[sflag:s29] =	ssyncadd.s32 $0xFFFFE000  }
0x94: {  	_ =	swait.ge [sflag:s29], $0x2000  }
0x95: {  	[sflag:s29] =	ssyncset.done $0x0  }
0x96: {  	[sflag:s29] =	ssyncadd.s32 $0xFFFFE000  }
0x97: {  	_ =	swait.ge [sflag:s29], $0x2000  }
0x98: {  	[sflag:s29] =	ssyncset.done $0x0  }
0x99: {  	[sflag:s29] =	ssyncadd.s32 $0xFFFFE000  }
0x9a: {  	_ =	swait.ge [sflag:s29], $0x2000  }
0x9b: {  	[sflag:s29] =	ssyncset.done $0x0  }
0x9c: {  	s8 =	simm.s32 $0x0;
	[sflag:s29] =	ssyncadd.s32 $0xFFFFE000  }
0x9d: {  	v6 =	vld [tilespmem:s8+$0xB400]  }
0x9e: {  	v7 =	vld [tilespmem:s8+$0xD400]  }
0x9f: {  	v8 =	vld [tilespmem:s8+$0xF400]  }
0xa0: {  	v14 =	vld [tilespmem:s8+$0xB410]  }
0xa1: {  	v9 =	vld [tilespmem:s8+$0xD410]  }
0xa2: {  	v10 =	vld [tilespmem:s8+$0xF410]  }
0xa3: {  	v0 =	vld [tilespmem:s8+$0xB420]  }
0xa4: {  	v11 =	vld [tilespmem:s8+$0xD420]  }
0xa5: {  	v13 =	vld [tilespmem:s8+$0xF420]  }
0xa6: {  	v1 =	vld [tilespmem:s8+$0xB430]  }
0xa7: {  	v15 =	vld [tilespmem:s8+$0xD430]  }
0xa8: {  	v19 =	vld [tilespmem:s8+$0xF430]  }
0xa9: {  	v2 =	vld [tilespmem:s8+$0xB440]  }
0xaa: {  	v20 =	vld [tilespmem:s8+$0xD440]  }
0xab: {  	v21 =	vld [tilespmem:s8+$0xF440]  }
0xac: {  	v3 =	vld [tilespmem:s8+$0xB450]  }
0xad: {  	v22 =	vld [tilespmem:s8+$0xD450]  }
0xae: {  	v23 =	vld [tilespmem:s8+$0xF450]  }
0xaf: {  	v4 =	vld [tilespmem:s8+$0xB460]  }
0xb0: {  	v24 =	vld [tilespmem:s8+$0xD460]  }
0xb1: {  	v25 =	vld [tilespmem:s8+$0xF460]  }
0xb2: {  	v5 =	vld [tilespmem:s8+$0xB470]  }
0xb3: {  	v26 =	vld [tilespmem:s8+$0xD470]  }
0xb4: {  	v27 =	vld [tilespmem:s8+$0xF470]  }
0xb5: {  	v28 =	vld [tilespmem:s8+$0x9400]  }
0xb6: {  	v29 =	vld [tilespmem:s8+$0x9410]  }
0xb7: {  	v18 =	vld [tilespmem:s8+$0x9420];
	v17 =	vadd.f32 v8, v7;
	v12 =	vadd.f32 v10, v9  }
0xb8: {  	v16 =	vld [tilespmem:s8+$0x9430];
	v11 =	vadd.f32 v13, v11;
	v10 =	vadd.f32 v19, v15  }
0xb9: {  	v13 =	vld [tilespmem:s8+$0x9440];
	v9 =	vadd.f32 v21, v20;
	v7 =	vadd.f32 v23, v22  }
0xba: {  	v20 =	vadd.f32 v6, v28;
	v15 =	vld [tilespmem:s8+$0x9450];
	v6 =	vadd.f32 v25, v24  }
0xbb: {  	s9 =	simm.s32 $0x200;
	v19 =	vadd.f32 v14, v29;
	v14 =	vld [tilespmem:s8+$0x9460];
	v8 =	vadd.f32 v27, v26  }
.LBB2_5:
0xbc: {  	s10 =	sshra.s32 s9, $0x2;
	p1 =	sne.s32 s9, $0x7E00;
	v17 =	vadd.f32 v17, v20;
	v0 =	vadd.f32 v0, v18;
	v18 =	vld [tilespmem:s8+$0x9470]  }
0xbd: {  	v20 =	vld [tilespmem:s10+$0xB400];
	v12 =	vadd.f32 v12, v19;
	v1 =	vadd.f32 v1, v16  }
0xbe: {  	v16 =	vld [tilespmem:s10+$0xD400];
	[tilespmem:s8+$0x9400] =	vst v17;
	v0 =	vadd.f32 v11, v0;
	v2 =	vadd.f32 v2, v13  }
0xbf: {  	v11 =	vld [tilespmem:s10+$0xF400];
	[tilespmem:s8+$0x9410] =	vst v12;
	v1 =	vadd.f32 v10, v1;
	v3 =	vadd.f32 v3, v15  }
0xc0: {  	v19 =	vld [tilespmem:s10+$0xB410];
	[tilespmem:s8+$0x9420] =	vst v0;
	v0 =	vadd.f32 v9, v2;
	v2 =	vadd.f32 v4, v14  }
0xc1: {  	v9 =	vld [tilespmem:s10+$0xD410];
	[tilespmem:s8+$0x9430] =	vst v1;
	v1 =	vadd.f32 v7, v3;
	v3 =	vadd.f32 v5, v18  }
0xc2: {  	v7 =	vld [tilespmem:s10+$0xF410];
	[tilespmem:s8+$0x9440] =	vst v0;
	v2 =	vadd.f32 v6, v2  }
0xc3: {  	v0 =	vld [tilespmem:s10+$0xB420];
	[tilespmem:s8+$0x9450] =	vst v1;
	v1 =	vadd.f32 v8, v3  }
0xc4: {  	v6 =	vld [tilespmem:s10+$0xD420];
	[tilespmem:s8+$0x9460] =	vst v2  }
0xc5: {  	v8 =	vld [tilespmem:s10+$0xF420];
	[tilespmem:s8+$0x9470] =	vst v1;
	s8 =	smov.u32 s10  }
0xc6: {  	v1 =	vld [tilespmem:s8+$0xB430]  }
0xc7: {  	v10 =	vld [tilespmem:s8+$0xD430]  }
0xc8: {  	v13 =	vld [tilespmem:s8+$0xF430]  }
0xc9: {  	v2 =	vld [tilespmem:s8+$0xB440]  }
0xca: {  	v14 =	vld [tilespmem:s8+$0xD440]  }
0xcb: {  	v15 =	vld [tilespmem:s8+$0xF440]  }
0xcc: {  	v3 =	vld [tilespmem:s8+$0xB450]  }
0xcd: {  	v21 =	vld [tilespmem:s8+$0xD450]  }
0xce: {  	v22 =	vld [tilespmem:s8+$0xF450]  }
0xcf: {  	v4 =	vld [tilespmem:s8+$0xB460]  }
0xd0: {  	v23 =	vld [tilespmem:s8+$0xD460]  }
0xd1: {  	v24 =	vld [tilespmem:s8+$0xF460]  }
0xd2: {  	v5 =	vld [tilespmem:s8+$0xB470]  }
0xd3: {  	v25 =	vld [tilespmem:s8+$0xD470]  }
0xd4: {  	v26 =	vld [tilespmem:s8+$0xF470]  }
0xd5: {  	v27 =	vld [tilespmem:s8+$0x9400]  }
0xd6: {  	v28 =	vld [tilespmem:s8+$0x9410]  }
.Ltmp3:
0xd7: {  	v17 =	vadd.f32 v11, v16;
	v12 =	vadd.f32 v7, v9;
	v18 =	vld [tilespmem:s8+$0x9420];
	(pc) =	sbr.rel @p1 .LBB2_5-.Ltmp3, $4  }
0xd8: {  	v11 =	vadd.f32 v8, v6;
	v10 =	vadd.f32 v13, v10;
	v16 =	vld [tilespmem:s8+$0x9430]  }
0xd9: {  	v9 =	vadd.f32 v15, v14;
	v7 =	vadd.f32 v22, v21;
	v13 =	vld [tilespmem:s8+$0x9440]  }
0xda: {  	v6 =	vadd.f32 v24, v23;
	v20 =	vadd.f32 v20, v27;
	v15 =	vld [tilespmem:s8+$0x9450]  }
0xdb: {  	s9 =	sadd.s32 $0x200, s9;
	v8 =	vadd.f32 v26, v25;
	v19 =	vadd.f32 v19, v28;
	v14 =	vld [tilespmem:s8+$0x9460]  }
0xdc: {  	v17 =	vadd.f32 v17, v20;
	v0 =	vadd.f32 v0, v18;
	v57 =	vld [tilespmem:s8+$0x9470]  }
0xdd: {  	v12 =	vadd.f32 v12, v19;
	v1 =	vadd.f32 v1, v16  }
0xde: {  	[tilespmem:s8+$0x9400] =	vst v17;
	v0 =	vadd.f32 v11, v0;
	v2 =	vadd.f32 v2, v13  }
0xdf: {  	[tilespmem:s8+$0x9410] =	vst v12;
	v1 =	vadd.f32 v10, v1;
	v3 =	vadd.f32 v3, v15  }
0xe0: {  	[tilespmem:s8+$0x9420] =	vst v0;
	v58 =	vadd.f32 v9, v2;
	v59 =	vadd.f32 v4, v14  }
0xe1: {  	[tilespmem:s8+$0x9430] =	vst v1;
	v60 =	vadd.f32 v7, v3;
	v61 =	vadd.f32 v5, v57  }
0xe2: {  	[tilespmem:s8+$0x9440] =	vst v58;
	v62 =	vadd.f32 v6, v59  }
0xe3: {  	[tilespmem:s8+$0x9450] =	vst v60;
	v63 =	vadd.f32 v8, v61  }
0xe4: {  	p1 =	seq.s32 s4, $0x9;
	[tilespmem:s8+$0x9460] =	vst v62  }
.Ltmp4:
0xe5: {  	s7 =	sadd.s32 s12, s7;
	[tilespmem:s8+$0x9470] =	vst v63;
	(pc) =	sbr.rel @p1 .LBB2_8-.Ltmp4, $4  }
0xe6: {  	[hbm4b:s7+s3] =	stream.linear.scatter [tilespmem:s23], [sflag:$0x4], $0x2000, $0x38;
	[tilespmem:$0x1FAF8] =	vst v63  }
0xe7: {  	_ =	swait.ge [sflag:s30], $0x2000  }
0xe8: {  	[sflag:s30] =	ssyncset.done $0x0  }
0xe9: {  	[sflag:s30] =	ssyncadd.s32 $0xFFFFE000  }
0xea: {  	s7 =	sadd.s32 $0x200, s6  }
0xeb: {  	[tilespmem:s16], [sflag:$0x1] =	stream.indirect.gather [spmem:s2], $0x80, s7, s15, $0xb8;
	[tilespmem:$0x1FAF8] =	vst v63  }
0xec: {  	s8 =	sadd.s32 $0x280, s6  }
0xed: {  	[tilespmem:s18], [sflag:$0x1] =	stream.indirect.gather [spmem:s2], $0x80, s8, s15, $0xb8;
	[tilespmem:$0x1FAF8] =	vst v63  }
.Ltmp5:
0xee: {  	_ = 	snop;
	(pc) =	sbr.rel .LBB2_2-.Ltmp5, $4  }
0xef: {  	s9 =	sadd.s32 $0x300, s6  }
0xf0: {  	[tilespmem:s20], [sflag:$0x1] =	stream.indirect.gather [spmem:s2], $0x80, s9, s15, $0xb8;
	[tilespmem:$0x1FAF8] =	vst v63  }
0xf1: {  	s10 =	sadd.s32 $0x380, s6;
	s4 =	sadd.s32 $0x1, s4  }
0xf2: {  	[tilespmem:s22], [sflag:$0x1] =	stream.indirect.gather [spmem:s2], $0x80, s10, s15, $0xb8;
	[tilespmem:$0x1FAF8] =	vst v63  }
.LBB2_8:
0xf3: {  	s4 =	simm.s32 $0x0;
	s6 =	rddreg [dreg:$0x6]  }
0xf4: {  	[tilespmem:s4], [sflag:$0x5] =	stream.linear.gather [hbm4b:s6+s4], $0x1400, $0x38;
	[tilespmem:$0x1FAF8] =	vst v63  }
0xf5: {  	_ =	swait.ge [sflag:s14], $0x1400  }
0xf6: {  	[sflag:s14] =	ssyncset.done $0x0  }
0xf7: {  	[sflag:s14] =	ssyncadd.s32 $0xFFFFEC00  }
0xf8: {  	[tilespmem:s16], [sflag:$0x1] =	stream.indirect.gather [spmem:s2], $0x80, s4, s15, $0xb8;
	[tilespmem:$0x1FAF8] =	vst v63  }
0xf9: {  	_ = 	snop  }
0xfa: {  	[tilespmem:s18], [sflag:$0x1] =	stream.indirect.gather [spmem:s2], $0x80, s17, s15, $0xb8;
	[tilespmem:$0x1FAF8] =	vst v63  }
0xfb: {  	_ = 	snop  }
0xfc: {  	[tilespmem:s20], [sflag:$0x1] =	stream.indirect.gather [spmem:s2], $0x80, s19, s15, $0xb8;
	[tilespmem:$0x1FAF8] =	vst v63  }
0xfd: {  	_ = 	snop  }
0xfe: {  	[tilespmem:s22], [sflag:$0x1] =	stream.indirect.gather [spmem:s2], $0x80, s21, s15, $0xb8;
	[tilespmem:$0x1FAF8] =	vst v63  }
.LBB2_9:
0xff: {  	_ =	swait.ge [sflag:s31], $0x2000;
	s6 =	sshll.u32 s4, $0x9  }
0x100: {  	[sflag:s31] =	ssyncset.done $0x0;
	s6 =	sand.u32 $0x3FFFFE00, s6  }
0x101: {  	[sflag:s31] =	ssyncadd.s32 $0xFFFFE000;
	s7 =	sor.u32 $0x40, s6  }
0x102: {  	[tilespmem:s23], [sflag:$0x2] =	stream.indirect.gather [spmem:s2], $0x80, s7, s15, $0xb8;
	[tilespmem:$0x1FAF8] =	vst v63  }
0x103: {  	s8 =	sor.u32 $0xC0, s6  }
0x104: {  	[tilespmem:s24], [sflag:$0x2] =	stream.indirect.gather [spmem:s2], $0x80, s8, s15, $0xb8;
	[tilespmem:$0x1FAF8] =	vst v63  }
0x105: {  	s9 =	sor.u32 $0x140, s6  }
0x106: {  	[tilespmem:s25], [sflag:$0x2] =	stream.indirect.gather [spmem:s2], $0x80, s9, s15, $0xb8;
	[tilespmem:$0x1FAF8] =	vst v63  }
0x107: {  	s10 =	sor.u32 $0x1C0, s6  }
0x108: {  	[tilespmem:s26], [sflag:$0x2] =	stream.indirect.gather [spmem:s2], $0x80, s10, s15, $0xb8;
	[tilespmem:$0x1FAF8] =	vst v63  }
0x109: {  	_ =	swait.ge [sflag:s28], $0x2000  }
0x10a: {  	[sflag:s28] =	ssyncset.done $0x0  }
0x10b: {  	[sflag:s28] =	ssyncadd.s32 $0xFFFFE000  }
0x10c: {  	_ =	swait.ge [sflag:s28], $0x2000  }
0x10d: {  	[sflag:s28] =	ssyncset.done $0x0  }
0x10e: {  	[sflag:s28] =	ssyncadd.s32 $0xFFFFE000  }
0x10f: {  	_ =	swait.ge [sflag:s28], $0x2000  }
0x110: {  	[sflag:s28] =	ssyncset.done $0x0  }
0x111: {  	[sflag:s28] =	ssyncadd.s32 $0xFFFFE000  }
0x112: {  	_ =	swait.ge [sflag:s28], $0x2000  }
0x113: {  	[sflag:s28] =	ssyncset.done $0x0  }
0x114: {  	s8 =	simm.s32 $0x0;
	[sflag:s28] =	ssyncadd.s32 $0xFFFFE000  }
0x115: {  	v6 =	vld [tilespmem:s8+$0x3400]  }
0x116: {  	v7 =	vld [tilespmem:s8+$0x5400]  }
0x117: {  	v8 =	vld [tilespmem:s8+$0x7400]  }
0x118: {  	v14 =	vld [tilespmem:s8+$0x3410]  }
0x119: {  	v9 =	vld [tilespmem:s8+$0x5410]  }
0x11a: {  	v10 =	vld [tilespmem:s8+$0x7410]  }
0x11b: {  	v0 =	vld [tilespmem:s8+$0x3420]  }
0x11c: {  	v11 =	vld [tilespmem:s8+$0x5420]  }
0x11d: {  	v13 =	vld [tilespmem:s8+$0x7420]  }
0x11e: {  	v1 =	vld [tilespmem:s8+$0x3430]  }
0x11f: {  	v15 =	vld [tilespmem:s8+$0x5430]  }
0x120: {  	v19 =	vld [tilespmem:s8+$0x7430]  }
0x121: {  	v2 =	vld [tilespmem:s8+$0x3440]  }
0x122: {  	v20 =	vld [tilespmem:s8+$0x5440]  }
0x123: {  	v21 =	vld [tilespmem:s8+$0x7440]  }
0x124: {  	v3 =	vld [tilespmem:s8+$0x3450]  }
0x125: {  	v22 =	vld [tilespmem:s8+$0x5450]  }
0x126: {  	v23 =	vld [tilespmem:s8+$0x7450]  }
0x127: {  	v4 =	vld [tilespmem:s8+$0x3460]  }
0x128: {  	v24 =	vld [tilespmem:s8+$0x5460]  }
0x129: {  	v25 =	vld [tilespmem:s8+$0x7460]  }
0x12a: {  	v5 =	vld [tilespmem:s8+$0x3470]  }
0x12b: {  	v26 =	vld [tilespmem:s8+$0x5470]  }
0x12c: {  	v27 =	vld [tilespmem:s8+$0x7470]  }
0x12d: {  	v28 =	vld [tilespmem:s8+$0x1400]  }
0x12e: {  	v29 =	vld [tilespmem:s8+$0x1410]  }
0x12f: {  	v18 =	vld [tilespmem:s8+$0x1420];
	v17 =	vadd.f32 v8, v7;
	v12 =	vadd.f32 v10, v9  }
0x130: {  	v16 =	vld [tilespmem:s8+$0x1430];
	v11 =	vadd.f32 v13, v11;
	v10 =	vadd.f32 v19, v15  }
0x131: {  	v13 =	vld [tilespmem:s8+$0x1440];
	v9 =	vadd.f32 v21, v20;
	v8 =	vadd.f32 v23, v22  }
0x132: {  	v20 =	vadd.f32 v6, v28;
	v15 =	vld [tilespmem:s8+$0x1450];
	v6 =	vadd.f32 v25, v24  }
0x133: {  	s7 =	simm.s32 $0x200;
	v19 =	vadd.f32 v14, v29;
	v14 =	vld [tilespmem:s8+$0x1460];
	v7 =	vadd.f32 v27, v26  }
.LBB2_10:
0x134: {  	s9 =	sshra.s32 s7, $0x2;
	p1 =	sne.s32 s7, $0x7E00;
	v17 =	vadd.f32 v17, v20;
	v0 =	vadd.f32 v0, v18;
	v18 =	vld [tilespmem:s8+$0x1470]  }
0x135: {  	v20 =	vld [tilespmem:s9+$0x3400];
	v12 =	vadd.f32 v12, v19;
	v1 =	vadd.f32 v1, v16  }
0x136: {  	v16 =	vld [tilespmem:s9+$0x5400];
	[tilespmem:s8+$0x1400] =	vst v17;
	v0 =	vadd.f32 v11, v0;
	v2 =	vadd.f32 v2, v13  }
0x137: {  	v11 =	vld [tilespmem:s9+$0x7400];
	[tilespmem:s8+$0x1410] =	vst v12;
	v1 =	vadd.f32 v10, v1;
	v3 =	vadd.f32 v3, v15  }
0x138: {  	v19 =	vld [tilespmem:s9+$0x3410];
	[tilespmem:s8+$0x1420] =	vst v0;
	v0 =	vadd.f32 v9, v2;
	v2 =	vadd.f32 v4, v14  }
0x139: {  	v9 =	vld [tilespmem:s9+$0x5410];
	[tilespmem:s8+$0x1430] =	vst v1;
	v1 =	vadd.f32 v8, v3;
	v3 =	vadd.f32 v5, v18  }
0x13a: {  	v8 =	vld [tilespmem:s9+$0x7410];
	[tilespmem:s8+$0x1440] =	vst v0;
	v2 =	vadd.f32 v6, v2  }
0x13b: {  	v0 =	vld [tilespmem:s9+$0x3420];
	[tilespmem:s8+$0x1450] =	vst v1;
	v1 =	vadd.f32 v7, v3  }
0x13c: {  	v6 =	vld [tilespmem:s9+$0x5420];
	[tilespmem:s8+$0x1460] =	vst v2  }
0x13d: {  	v7 =	vld [tilespmem:s9+$0x7420];
	[tilespmem:s8+$0x1470] =	vst v1;
	s8 =	smov.u32 s9  }
0x13e: {  	v1 =	vld [tilespmem:s8+$0x3430]  }
0x13f: {  	v10 =	vld [tilespmem:s8+$0x5430]  }
0x140: {  	v13 =	vld [tilespmem:s8+$0x7430]  }
0x141: {  	v2 =	vld [tilespmem:s8+$0x3440]  }
0x142: {  	v14 =	vld [tilespmem:s8+$0x5440]  }
0x143: {  	v15 =	vld [tilespmem:s8+$0x7440]  }
0x144: {  	v3 =	vld [tilespmem:s8+$0x3450]  }
0x145: {  	v21 =	vld [tilespmem:s8+$0x5450]  }
0x146: {  	v22 =	vld [tilespmem:s8+$0x7450]  }
0x147: {  	v4 =	vld [tilespmem:s8+$0x3460]  }
0x148: {  	v23 =	vld [tilespmem:s8+$0x5460]  }
0x149: {  	v24 =	vld [tilespmem:s8+$0x7460]  }
0x14a: {  	v5 =	vld [tilespmem:s8+$0x3470]  }
0x14b: {  	v25 =	vld [tilespmem:s8+$0x5470]  }
0x14c: {  	v26 =	vld [tilespmem:s8+$0x7470]  }
0x14d: {  	v27 =	vld [tilespmem:s8+$0x1400]  }
0x14e: {  	v28 =	vld [tilespmem:s8+$0x1410]  }
.Ltmp6:
0x14f: {  	v17 =	vadd.f32 v11, v16;
	v12 =	vadd.f32 v8, v9;
	v18 =	vld [tilespmem:s8+$0x1420];
	(pc) =	sbr.rel @p1 .LBB2_10-.Ltmp6, $4  }
0x150: {  	v11 =	vadd.f32 v7, v6;
	v10 =	vadd.f32 v13, v10;
	v16 =	vld [tilespmem:s8+$0x1430]  }
0x151: {  	v9 =	vadd.f32 v15, v14;
	v8 =	vadd.f32 v22, v21;
	v13 =	vld [tilespmem:s8+$0x1440]  }
0x152: {  	v6 =	vadd.f32 v24, v23;
	v20 =	vadd.f32 v20, v27;
	v15 =	vld [tilespmem:s8+$0x1450]  }
0x153: {  	s7 =	sadd.s32 $0x200, s7;
	v7 =	vadd.f32 v26, v25;
	v19 =	vadd.f32 v19, v28;
	v14 =	vld [tilespmem:s8+$0x1460]  }
0x154: {  	v17 =	vadd.f32 v17, v20;
	v0 =	vadd.f32 v0, v18;
	v18 =	vld [tilespmem:s8+$0x1470]  }
0x155: {  	v12 =	vadd.f32 v12, v19;
	v1 =	vadd.f32 v1, v16  }
0x156: {  	[tilespmem:s8+$0x1400] =	vst v17;
	v0 =	vadd.f32 v11, v0;
	v2 =	vadd.f32 v2, v13  }
0x157: {  	[tilespmem:s8+$0x1410] =	vst v12;
	v1 =	vadd.f32 v10, v1;
	v3 =	vadd.f32 v3, v15  }
0x158: {  	[tilespmem:s8+$0x1420] =	vst v0;
	v0 =	vadd.f32 v9, v2;
	v2 =	vadd.f32 v4, v14  }
0x159: {  	s7 =	sadd.s32 $0xA, s4;
	[tilespmem:s8+$0x1430] =	vst v1;
	v1 =	vadd.f32 v8, v3;
	v3 =	vadd.f32 v5, v18  }
0x15a: {  	s9 =	sshll.u32 s7, $0xE;
	[tilespmem:s8+$0x1440] =	vst v0;
	v0 =	vadd.f32 v6, v2  }
0x15b: {  	s9 =	sadd.s32 s5, s9;
	[tilespmem:s8+$0x1450] =	vst v1;
	v1 =	vadd.f32 v7, v3  }
0x15c: {  	s9 =	sshrl.u32 s9, $0x3;
	[tilespmem:s8+$0x1460] =	vst v0  }
0x15d: {  	s10 =	simm.s32 $0x0;
	s9 =	sadd.s32 s0, s9;
	[tilespmem:s8+$0x1470] =	vst v1  }
0x15e: {  	[hbm4b:s9+s10] =	stream.linear.scatter [tilespmem:s16], [sflag:$0x3], $0x2000, $0x38;
	[tilespmem:$0x1FAF8] =	vst v63  }
0x15f: {  	_ =	swait.ge [sflag:s29], $0x2000  }
0x160: {  	[sflag:s29] =	ssyncset.done $0x0  }
0x161: {  	[sflag:s29] =	ssyncadd.s32 $0xFFFFE000  }
0x162: {  	_ =	swait.ge [sflag:s29], $0x2000  }
0x163: {  	[sflag:s29] =	ssyncset.done $0x0  }
0x164: {  	[sflag:s29] =	ssyncadd.s32 $0xFFFFE000  }
0x165: {  	_ =	swait.ge [sflag:s29], $0x2000  }
0x166: {  	[sflag:s29] =	ssyncset.done $0x0  }
0x167: {  	[sflag:s29] =	ssyncadd.s32 $0xFFFFE000  }
0x168: {  	_ =	swait.ge [sflag:s29], $0x2000  }
0x169: {  	[sflag:s29] =	ssyncset.done $0x0  }
0x16a: {  	s8 =	simm.s32 $0x0;
	[sflag:s29] =	ssyncadd.s32 $0xFFFFE000  }
0x16b: {  	v6 =	vld [tilespmem:s8+$0xB400]  }
0x16c: {  	v7 =	vld [tilespmem:s8+$0xD400]  }
0x16d: {  	v8 =	vld [tilespmem:s8+$0xF400]  }
0x16e: {  	v14 =	vld [tilespmem:s8+$0xB410]  }
0x16f: {  	v9 =	vld [tilespmem:s8+$0xD410]  }
0x170: {  	v10 =	vld [tilespmem:s8+$0xF410]  }
0x171: {  	v0 =	vld [tilespmem:s8+$0xB420]  }
0x172: {  	v11 =	vld [tilespmem:s8+$0xD420]  }
0x173: {  	v13 =	vld [tilespmem:s8+$0xF420]  }
0x174: {  	v1 =	vld [tilespmem:s8+$0xB430]  }
0x175: {  	v15 =	vld [tilespmem:s8+$0xD430]  }
0x176: {  	v19 =	vld [tilespmem:s8+$0xF430]  }
0x177: {  	v2 =	vld [tilespmem:s8+$0xB440]  }
0x178: {  	v20 =	vld [tilespmem:s8+$0xD440]  }
0x179: {  	v21 =	vld [tilespmem:s8+$0xF440]  }
0x17a: {  	v3 =	vld [tilespmem:s8+$0xB450]  }
0x17b: {  	v22 =	vld [tilespmem:s8+$0xD450]  }
0x17c: {  	v23 =	vld [tilespmem:s8+$0xF450]  }
0x17d: {  	v4 =	vld [tilespmem:s8+$0xB460]  }
0x17e: {  	v24 =	vld [tilespmem:s8+$0xD460]  }
0x17f: {  	v25 =	vld [tilespmem:s8+$0xF460]  }
0x180: {  	v5 =	vld [tilespmem:s8+$0xB470]  }
0x181: {  	v26 =	vld [tilespmem:s8+$0xD470]  }
0x182: {  	v27 =	vld [tilespmem:s8+$0xF470]  }
0x183: {  	v28 =	vld [tilespmem:s8+$0x9400]  }
0x184: {  	v29 =	vld [tilespmem:s8+$0x9410]  }
0x185: {  	v18 =	vld [tilespmem:s8+$0x9420];
	v17 =	vadd.f32 v8, v7;
	v12 =	vadd.f32 v10, v9  }
0x186: {  	v16 =	vld [tilespmem:s8+$0x9430];
	v11 =	vadd.f32 v13, v11;
	v10 =	vadd.f32 v19, v15  }
0x187: {  	v13 =	vld [tilespmem:s8+$0x9440];
	v9 =	vadd.f32 v21, v20;
	v7 =	vadd.f32 v23, v22  }
0x188: {  	v20 =	vadd.f32 v6, v28;
	v15 =	vld [tilespmem:s8+$0x9450];
	v6 =	vadd.f32 v25, v24  }
0x189: {  	s9 =	simm.s32 $0x200;
	v19 =	vadd.f32 v14, v29;
	v14 =	vld [tilespmem:s8+$0x9460];
	v8 =	vadd.f32 v27, v26  }
.LBB2_12:
0x18a: {  	s10 =	sshra.s32 s9, $0x2;
	p1 =	sne.s32 s9, $0x7E00;
	v17 =	vadd.f32 v17, v20;
	v0 =	vadd.f32 v0, v18;
	v18 =	vld [tilespmem:s8+$0x9470]  }
0x18b: {  	v20 =	vld [tilespmem:s10+$0xB400];
	v12 =	vadd.f32 v12, v19;
	v1 =	vadd.f32 v1, v16  }
0x18c: {  	v16 =	vld [tilespmem:s10+$0xD400];
	[tilespmem:s8+$0x9400] =	vst v17;
	v0 =	vadd.f32 v11, v0;
	v2 =	vadd.f32 v2, v13  }
0x18d: {  	v11 =	vld [tilespmem:s10+$0xF400];
	[tilespmem:s8+$0x9410] =	vst v12;
	v1 =	vadd.f32 v10, v1;
	v3 =	vadd.f32 v3, v15  }
0x18e: {  	v19 =	vld [tilespmem:s10+$0xB410];
	[tilespmem:s8+$0x9420] =	vst v0;
	v0 =	vadd.f32 v9, v2;
	v2 =	vadd.f32 v4, v14  }
0x18f: {  	v9 =	vld [tilespmem:s10+$0xD410];
	[tilespmem:s8+$0x9430] =	vst v1;
	v1 =	vadd.f32 v7, v3;
	v3 =	vadd.f32 v5, v18  }
0x190: {  	v7 =	vld [tilespmem:s10+$0xF410];
	[tilespmem:s8+$0x9440] =	vst v0;
	v2 =	vadd.f32 v6, v2  }
0x191: {  	v0 =	vld [tilespmem:s10+$0xB420];
	[tilespmem:s8+$0x9450] =	vst v1;
	v1 =	vadd.f32 v8, v3  }
0x192: {  	v6 =	vld [tilespmem:s10+$0xD420];
	[tilespmem:s8+$0x9460] =	vst v2  }
0x193: {  	v8 =	vld [tilespmem:s10+$0xF420];
	[tilespmem:s8+$0x9470] =	vst v1;
	s8 =	smov.u32 s10  }
0x194: {  	v1 =	vld [tilespmem:s8+$0xB430]  }
0x195: {  	v10 =	vld [tilespmem:s8+$0xD430]  }
0x196: {  	v13 =	vld [tilespmem:s8+$0xF430]  }
0x197: {  	v2 =	vld [tilespmem:s8+$0xB440]  }
0x198: {  	v14 =	vld [tilespmem:s8+$0xD440]  }
0x199: {  	v15 =	vld [tilespmem:s8+$0xF440]  }
0x19a: {  	v3 =	vld [tilespmem:s8+$0xB450]  }
0x19b: {  	v21 =	vld [tilespmem:s8+$0xD450]  }
0x19c: {  	v22 =	vld [tilespmem:s8+$0xF450]  }
0x19d: {  	v4 =	vld [tilespmem:s8+$0xB460]  }
0x19e: {  	v23 =	vld [tilespmem:s8+$0xD460]  }
0x19f: {  	v24 =	vld [tilespmem:s8+$0xF460]  }
0x1a0: {  	v5 =	vld [tilespmem:s8+$0xB470]  }
0x1a1: {  	v25 =	vld [tilespmem:s8+$0xD470]  }
0x1a2: {  	v26 =	vld [tilespmem:s8+$0xF470]  }
0x1a3: {  	v27 =	vld [tilespmem:s8+$0x9400]  }
0x1a4: {  	v28 =	vld [tilespmem:s8+$0x9410]  }
.Ltmp7:
0x1a5: {  	v17 =	vadd.f32 v11, v16;
	v12 =	vadd.f32 v7, v9;
	v18 =	vld [tilespmem:s8+$0x9420];
	(pc) =	sbr.rel @p1 .LBB2_12-.Ltmp7, $4  }
0x1a6: {  	v11 =	vadd.f32 v8, v6;
	v10 =	vadd.f32 v13, v10;
	v16 =	vld [tilespmem:s8+$0x9430]  }
0x1a7: {  	v9 =	vadd.f32 v15, v14;
	v7 =	vadd.f32 v22, v21;
	v13 =	vld [tilespmem:s8+$0x9440]  }
0x1a8: {  	v6 =	vadd.f32 v24, v23;
	v20 =	vadd.f32 v20, v27;
	v15 =	vld [tilespmem:s8+$0x9450]  }
0x1a9: {  	s9 =	sadd.s32 $0x200, s9;
	v8 =	vadd.f32 v26, v25;
	v19 =	vadd.f32 v19, v28;
	v14 =	vld [tilespmem:s8+$0x9460]  }
0x1aa: {  	v17 =	vadd.f32 v17, v20;
	v0 =	vadd.f32 v0, v18;
	v57 =	vld [tilespmem:s8+$0x9470]  }
0x1ab: {  	v12 =	vadd.f32 v12, v19;
	v1 =	vadd.f32 v1, v16  }
0x1ac: {  	[tilespmem:s8+$0x9400] =	vst v17;
	v0 =	vadd.f32 v11, v0;
	v2 =	vadd.f32 v2, v13  }
0x1ad: {  	[tilespmem:s8+$0x9410] =	vst v12;
	v1 =	vadd.f32 v10, v1;
	v3 =	vadd.f32 v3, v15  }
0x1ae: {  	[tilespmem:s8+$0x9420] =	vst v0;
	v58 =	vadd.f32 v9, v2;
	v59 =	vadd.f32 v4, v14  }
0x1af: {  	[tilespmem:s8+$0x9430] =	vst v1;
	v60 =	vadd.f32 v7, v3;
	v61 =	vadd.f32 v5, v57  }
0x1b0: {  	[tilespmem:s8+$0x9440] =	vst v58;
	v62 =	vadd.f32 v6, v59  }
0x1b1: {  	[tilespmem:s8+$0x9450] =	vst v60;
	v63 =	vadd.f32 v8, v61  }
0x1b2: {  	s7 =	sshll.u32 s7, $0xB;
	p1 =	seq.s32 s4, $0x9;
	[tilespmem:s8+$0x9460] =	vst v62  }
.Ltmp8:
0x1b3: {  	s7 =	sadd.s32 s12, s7;
	[tilespmem:s8+$0x9470] =	vst v63;
	(pc) =	sbr.rel @p1 .LBB2_15-.Ltmp8, $4  }
0x1b4: {  	[hbm4b:s7+s3] =	stream.linear.scatter [tilespmem:s23], [sflag:$0x4], $0x2000, $0x38;
	[tilespmem:$0x1FAF8] =	vst v63  }
0x1b5: {  	_ =	swait.ge [sflag:s30], $0x2000  }
0x1b6: {  	[sflag:s30] =	ssyncset.done $0x0  }
0x1b7: {  	[sflag:s30] =	ssyncadd.s32 $0xFFFFE000  }
0x1b8: {  	s7 =	sadd.s32 $0x200, s6  }
0x1b9: {  	[tilespmem:s16], [sflag:$0x1] =	stream.indirect.gather [spmem:s2], $0x80, s7, s15, $0xb8;
	[tilespmem:$0x1FAF8] =	vst v63  }
0x1ba: {  	s8 =	sadd.s32 $0x280, s6  }
0x1bb: {  	[tilespmem:s18], [sflag:$0x1] =	stream.indirect.gather [spmem:s2], $0x80, s8, s15, $0xb8;
	[tilespmem:$0x1FAF8] =	vst v63  }
.Ltmp9:
0x1bc: {  	_ = 	snop;
	(pc) =	sbr.rel .LBB2_9-.Ltmp9, $4  }
0x1bd: {  	s9 =	sadd.s32 $0x300, s6  }
0x1be: {  	[tilespmem:s20], [sflag:$0x1] =	stream.indirect.gather [spmem:s2], $0x80, s9, s15, $0xb8;
	[tilespmem:$0x1FAF8] =	vst v63  }
0x1bf: {  	s10 =	sadd.s32 $0x380, s6;
	s4 =	sadd.s32 $0x1, s4  }
0x1c0: {  	[tilespmem:s22], [sflag:$0x1] =	stream.indirect.gather [spmem:s2], $0x80, s10, s15, $0xb8;
	[tilespmem:$0x1FAF8] =	vst v63  }
.LBB2_15:
0x1c1: {  	s4 =	simm.s32 $0x0;
	s6 =	rddreg [dreg:$0x7]  }
0x1c2: {  	[tilespmem:s4], [sflag:$0x5] =	stream.linear.gather [hbm4b:s6+s4], $0x1400, $0x38;
	[tilespmem:$0x1FAF8] =	vst v63  }
0x1c3: {  	_ =	swait.ge [sflag:s14], $0x1400  }
0x1c4: {  	[sflag:s14] =	ssyncset.done $0x0  }
0x1c5: {  	[sflag:s14] =	ssyncadd.s32 $0xFFFFEC00  }
0x1c6: {  	[tilespmem:s16], [sflag:$0x1] =	stream.indirect.gather [spmem:s2], $0x80, s4, s15, $0xb8;
	[tilespmem:$0x1FAF8] =	vst v63  }
0x1c7: {  	_ = 	snop  }
0x1c8: {  	[tilespmem:s18], [sflag:$0x1] =	stream.indirect.gather [spmem:s2], $0x80, s17, s15, $0xb8;
	[tilespmem:$0x1FAF8] =	vst v63  }
0x1c9: {  	_ = 	snop  }
0x1ca: {  	[tilespmem:s20], [sflag:$0x1] =	stream.indirect.gather [spmem:s2], $0x80, s19, s15, $0xb8;
	[tilespmem:$0x1FAF8] =	vst v63  }
0x1cb: {  	_ = 	snop  }
0x1cc: {  	[tilespmem:s22], [sflag:$0x1] =	stream.indirect.gather [spmem:s2], $0x80, s21, s15, $0xb8;
	[tilespmem:$0x1FAF8] =	vst v63  }
.LBB2_16:
0x1cd: {  	_ =	swait.ge [sflag:s31], $0x2000;
	s6 =	sshll.u32 s4, $0x9  }
0x1ce: {  	[sflag:s31] =	ssyncset.done $0x0;
	s6 =	sand.u32 $0x3FFFFE00, s6  }
0x1cf: {  	[sflag:s31] =	ssyncadd.s32 $0xFFFFE000;
	s7 =	sor.u32 $0x40, s6  }
0x1d0: {  	[tilespmem:s23], [sflag:$0x2] =	stream.indirect.gather [spmem:s2], $0x80, s7, s15, $0xb8;
	[tilespmem:$0x1FAF8] =	vst v63  }
0x1d1: {  	s8 =	sor.u32 $0xC0, s6  }
0x1d2: {  	[tilespmem:s24], [sflag:$0x2] =	stream.indirect.gather [spmem:s2], $0x80, s8, s15, $0xb8;
	[tilespmem:$0x1FAF8] =	vst v63  }
0x1d3: {  	s9 =	sor.u32 $0x140, s6  }
0x1d4: {  	[tilespmem:s25], [sflag:$0x2] =	stream.indirect.gather [spmem:s2], $0x80, s9, s15, $0xb8;
	[tilespmem:$0x1FAF8] =	vst v63  }
0x1d5: {  	s10 =	sor.u32 $0x1C0, s6  }
0x1d6: {  	[tilespmem:s26], [sflag:$0x2] =	stream.indirect.gather [spmem:s2], $0x80, s10, s15, $0xb8;
	[tilespmem:$0x1FAF8] =	vst v63  }
0x1d7: {  	_ =	swait.ge [sflag:s28], $0x2000  }
0x1d8: {  	[sflag:s28] =	ssyncset.done $0x0  }
0x1d9: {  	[sflag:s28] =	ssyncadd.s32 $0xFFFFE000  }
0x1da: {  	_ =	swait.ge [sflag:s28], $0x2000  }
0x1db: {  	[sflag:s28] =	ssyncset.done $0x0  }
0x1dc: {  	[sflag:s28] =	ssyncadd.s32 $0xFFFFE000  }
0x1dd: {  	_ =	swait.ge [sflag:s28], $0x2000  }
0x1de: {  	[sflag:s28] =	ssyncset.done $0x0  }
0x1df: {  	[sflag:s28] =	ssyncadd.s32 $0xFFFFE000  }
0x1e0: {  	_ =	swait.ge [sflag:s28], $0x2000  }
0x1e1: {  	[sflag:s28] =	ssyncset.done $0x0  }
0x1e2: {  	s8 =	simm.s32 $0x0;
	[sflag:s28] =	ssyncadd.s32 $0xFFFFE000  }
0x1e3: {  	v6 =	vld [tilespmem:s8+$0x3400]  }
0x1e4: {  	v7 =	vld [tilespmem:s8+$0x5400]  }
0x1e5: {  	v8 =	vld [tilespmem:s8+$0x7400]  }
0x1e6: {  	v14 =	vld [tilespmem:s8+$0x3410]  }
0x1e7: {  	v9 =	vld [tilespmem:s8+$0x5410]  }
0x1e8: {  	v10 =	vld [tilespmem:s8+$0x7410]  }
0x1e9: {  	v0 =	vld [tilespmem:s8+$0x3420]  }
0x1ea: {  	v11 =	vld [tilespmem:s8+$0x5420]  }
0x1eb: {  	v13 =	vld [tilespmem:s8+$0x7420]  }
0x1ec: {  	v1 =	vld [tilespmem:s8+$0x3430]  }
0x1ed: {  	v15 =	vld [tilespmem:s8+$0x5430]  }
0x1ee: {  	v19 =	vld [tilespmem:s8+$0x7430]  }
0x1ef: {  	v2 =	vld [tilespmem:s8+$0x3440]  }
0x1f0: {  	v20 =	vld [tilespmem:s8+$0x5440]  }
0x1f1: {  	v21 =	vld [tilespmem:s8+$0x7440]  }
0x1f2: {  	v3 =	vld [tilespmem:s8+$0x3450]  }
0x1f3: {  	v22 =	vld [tilespmem:s8+$0x5450]  }
0x1f4: {  	v23 =	vld [tilespmem:s8+$0x7450]  }
0x1f5: {  	v4 =	vld [tilespmem:s8+$0x3460]  }
0x1f6: {  	v24 =	vld [tilespmem:s8+$0x5460]  }
0x1f7: {  	v25 =	vld [tilespmem:s8+$0x7460]  }
0x1f8: {  	v5 =	vld [tilespmem:s8+$0x3470]  }
0x1f9: {  	v26 =	vld [tilespmem:s8+$0x5470]  }
0x1fa: {  	v27 =	vld [tilespmem:s8+$0x7470]  }
0x1fb: {  	v28 =	vld [tilespmem:s8+$0x1400]  }
0x1fc: {  	v29 =	vld [tilespmem:s8+$0x1410]  }
0x1fd: {  	v18 =	vld [tilespmem:s8+$0x1420];
	v17 =	vadd.f32 v8, v7;
	v12 =	vadd.f32 v10, v9  }
0x1fe: {  	v16 =	vld [tilespmem:s8+$0x1430];
	v11 =	vadd.f32 v13, v11;
	v10 =	vadd.f32 v19, v15  }
0x1ff: {  	v13 =	vld [tilespmem:s8+$0x1440];
	v9 =	vadd.f32 v21, v20;
	v8 =	vadd.f32 v23, v22  }
0x200: {  	v20 =	vadd.f32 v6, v28;
	v15 =	vld [tilespmem:s8+$0x1450];
	v6 =	vadd.f32 v25, v24  }
0x201: {  	s7 =	simm.s32 $0x200;
	v19 =	vadd.f32 v14, v29;
	v14 =	vld [tilespmem:s8+$0x1460];
	v7 =	vadd.f32 v27, v26  }
.LBB2_17:
0x202: {  	s9 =	sshra.s32 s7, $0x2;
	p1 =	sne.s32 s7, $0x7E00;
	v17 =	vadd.f32 v17, v20;
	v0 =	vadd.f32 v0, v18;
	v18 =	vld [tilespmem:s8+$0x1470]  }
0x203: {  	v20 =	vld [tilespmem:s9+$0x3400];
	v12 =	vadd.f32 v12, v19;
	v1 =	vadd.f32 v1, v16  }
0x204: {  	v16 =	vld [tilespmem:s9+$0x5400];
	[tilespmem:s8+$0x1400] =	vst v17;
	v0 =	vadd.f32 v11, v0;
	v2 =	vadd.f32 v2, v13  }
0x205: {  	v11 =	vld [tilespmem:s9+$0x7400];
	[tilespmem:s8+$0x1410] =	vst v12;
	v1 =	vadd.f32 v10, v1;
	v3 =	vadd.f32 v3, v15  }
0x206: {  	v19 =	vld [tilespmem:s9+$0x3410];
	[tilespmem:s8+$0x1420] =	vst v0;
	v0 =	vadd.f32 v9, v2;
	v2 =	vadd.f32 v4, v14  }
0x207: {  	v9 =	vld [tilespmem:s9+$0x5410];
	[tilespmem:s8+$0x1430] =	vst v1;
	v1 =	vadd.f32 v8, v3;
	v3 =	vadd.f32 v5, v18  }
0x208: {  	v8 =	vld [tilespmem:s9+$0x7410];
	[tilespmem:s8+$0x1440] =	vst v0;
	v2 =	vadd.f32 v6, v2  }
0x209: {  	v0 =	vld [tilespmem:s9+$0x3420];
	[tilespmem:s8+$0x1450] =	vst v1;
	v1 =	vadd.f32 v7, v3  }
0x20a: {  	v6 =	vld [tilespmem:s9+$0x5420];
	[tilespmem:s8+$0x1460] =	vst v2  }
0x20b: {  	v7 =	vld [tilespmem:s9+$0x7420];
	[tilespmem:s8+$0x1470] =	vst v1;
	s8 =	smov.u32 s9  }
0x20c: {  	v1 =	vld [tilespmem:s8+$0x3430]  }
0x20d: {  	v10 =	vld [tilespmem:s8+$0x5430]  }
0x20e: {  	v13 =	vld [tilespmem:s8+$0x7430]  }
0x20f: {  	v2 =	vld [tilespmem:s8+$0x3440]  }
0x210: {  	v14 =	vld [tilespmem:s8+$0x5440]  }
0x211: {  	v15 =	vld [tilespmem:s8+$0x7440]  }
0x212: {  	v3 =	vld [tilespmem:s8+$0x3450]  }
0x213: {  	v21 =	vld [tilespmem:s8+$0x5450]  }
0x214: {  	v22 =	vld [tilespmem:s8+$0x7450]  }
0x215: {  	v4 =	vld [tilespmem:s8+$0x3460]  }
0x216: {  	v23 =	vld [tilespmem:s8+$0x5460]  }
0x217: {  	v24 =	vld [tilespmem:s8+$0x7460]  }
0x218: {  	v5 =	vld [tilespmem:s8+$0x3470]  }
0x219: {  	v25 =	vld [tilespmem:s8+$0x5470]  }
0x21a: {  	v26 =	vld [tilespmem:s8+$0x7470]  }
0x21b: {  	v27 =	vld [tilespmem:s8+$0x1400]  }
0x21c: {  	v28 =	vld [tilespmem:s8+$0x1410]  }
.Ltmp10:
0x21d: {  	v17 =	vadd.f32 v11, v16;
	v12 =	vadd.f32 v8, v9;
	v18 =	vld [tilespmem:s8+$0x1420];
	(pc) =	sbr.rel @p1 .LBB2_17-.Ltmp10, $4  }
0x21e: {  	v11 =	vadd.f32 v7, v6;
	v10 =	vadd.f32 v13, v10;
	v16 =	vld [tilespmem:s8+$0x1430]  }
0x21f: {  	v9 =	vadd.f32 v15, v14;
	v8 =	vadd.f32 v22, v21;
	v13 =	vld [tilespmem:s8+$0x1440]  }
0x220: {  	v6 =	vadd.f32 v24, v23;
	v20 =	vadd.f32 v20, v27;
	v15 =	vld [tilespmem:s8+$0x1450]  }
0x221: {  	s7 =	sadd.s32 $0x200, s7;
	v7 =	vadd.f32 v26, v25;
	v19 =	vadd.f32 v19, v28;
	v14 =	vld [tilespmem:s8+$0x1460]  }
0x222: {  	v17 =	vadd.f32 v17, v20;
	v0 =	vadd.f32 v0, v18;
	v18 =	vld [tilespmem:s8+$0x1470]  }
0x223: {  	v12 =	vadd.f32 v12, v19;
	v1 =	vadd.f32 v1, v16  }
0x224: {  	[tilespmem:s8+$0x1400] =	vst v17;
	v0 =	vadd.f32 v11, v0;
	v2 =	vadd.f32 v2, v13  }
0x225: {  	[tilespmem:s8+$0x1410] =	vst v12;
	v1 =	vadd.f32 v10, v1;
	v3 =	vadd.f32 v3, v15  }
0x226: {  	[tilespmem:s8+$0x1420] =	vst v0;
	v0 =	vadd.f32 v9, v2;
	v2 =	vadd.f32 v4, v14  }
0x227: {  	s7 =	sadd.s32 $0x14, s4;
	[tilespmem:s8+$0x1430] =	vst v1;
	v1 =	vadd.f32 v8, v3;
	v3 =	vadd.f32 v5, v18  }
0x228: {  	s9 =	sshll.u32 s7, $0xE;
	[tilespmem:s8+$0x1440] =	vst v0;
	v0 =	vadd.f32 v6, v2  }
0x229: {  	s9 =	sadd.s32 s5, s9;
	[tilespmem:s8+$0x1450] =	vst v1;
	v1 =	vadd.f32 v7, v3  }
0x22a: {  	s9 =	sshrl.u32 s9, $0x3;
	[tilespmem:s8+$0x1460] =	vst v0  }
0x22b: {  	s10 =	simm.s32 $0x0;
	s9 =	sadd.s32 s0, s9;
	[tilespmem:s8+$0x1470] =	vst v1  }
0x22c: {  	[hbm4b:s9+s10] =	stream.linear.scatter [tilespmem:s16], [sflag:$0x3], $0x2000, $0x38;
	[tilespmem:$0x1FAF8] =	vst v63  }
0x22d: {  	_ =	swait.ge [sflag:s29], $0x2000  }
0x22e: {  	[sflag:s29] =	ssyncset.done $0x0  }
0x22f: {  	[sflag:s29] =	ssyncadd.s32 $0xFFFFE000  }
0x230: {  	_ =	swait.ge [sflag:s29], $0x2000  }
0x231: {  	[sflag:s29] =	ssyncset.done $0x0  }
0x232: {  	[sflag:s29] =	ssyncadd.s32 $0xFFFFE000  }
0x233: {  	_ =	swait.ge [sflag:s29], $0x2000  }
0x234: {  	[sflag:s29] =	ssyncset.done $0x0  }
0x235: {  	[sflag:s29] =	ssyncadd.s32 $0xFFFFE000  }
0x236: {  	_ =	swait.ge [sflag:s29], $0x2000  }
0x237: {  	[sflag:s29] =	ssyncset.done $0x0  }
0x238: {  	s8 =	simm.s32 $0x0;
	[sflag:s29] =	ssyncadd.s32 $0xFFFFE000  }
0x239: {  	v6 =	vld [tilespmem:s8+$0xB400]  }
0x23a: {  	v7 =	vld [tilespmem:s8+$0xD400]  }
0x23b: {  	v8 =	vld [tilespmem:s8+$0xF400]  }
0x23c: {  	v14 =	vld [tilespmem:s8+$0xB410]  }
0x23d: {  	v9 =	vld [tilespmem:s8+$0xD410]  }
0x23e: {  	v10 =	vld [tilespmem:s8+$0xF410]  }
0x23f: {  	v0 =	vld [tilespmem:s8+$0xB420]  }
0x240: {  	v11 =	vld [tilespmem:s8+$0xD420]  }
0x241: {  	v13 =	vld [tilespmem:s8+$0xF420]  }
0x242: {  	v1 =	vld [tilespmem:s8+$0xB430]  }
0x243: {  	v15 =	vld [tilespmem:s8+$0xD430]  }
0x244: {  	v19 =	vld [tilespmem:s8+$0xF430]  }
0x245: {  	v2 =	vld [tilespmem:s8+$0xB440]  }
0x246: {  	v20 =	vld [tilespmem:s8+$0xD440]  }
0x247: {  	v21 =	vld [tilespmem:s8+$0xF440]  }
0x248: {  	v3 =	vld [tilespmem:s8+$0xB450]  }
0x249: {  	v22 =	vld [tilespmem:s8+$0xD450]  }
0x24a: {  	v23 =	vld [tilespmem:s8+$0xF450]  }
0x24b: {  	v4 =	vld [tilespmem:s8+$0xB460]  }
0x24c: {  	v24 =	vld [tilespmem:s8+$0xD460]  }
0x24d: {  	v25 =	vld [tilespmem:s8+$0xF460]  }
0x24e: {  	v5 =	vld [tilespmem:s8+$0xB470]  }
0x24f: {  	v26 =	vld [tilespmem:s8+$0xD470]  }
0x250: {  	v27 =	vld [tilespmem:s8+$0xF470]  }
0x251: {  	v28 =	vld [tilespmem:s8+$0x9400]  }
0x252: {  	v29 =	vld [tilespmem:s8+$0x9410]  }
0x253: {  	v18 =	vld [tilespmem:s8+$0x9420];
	v17 =	vadd.f32 v8, v7;
	v12 =	vadd.f32 v10, v9  }
0x254: {  	v16 =	vld [tilespmem:s8+$0x9430];
	v11 =	vadd.f32 v13, v11;
	v10 =	vadd.f32 v19, v15  }
0x255: {  	v13 =	vld [tilespmem:s8+$0x9440];
	v9 =	vadd.f32 v21, v20;
	v7 =	vadd.f32 v23, v22  }
0x256: {  	v20 =	vadd.f32 v6, v28;
	v15 =	vld [tilespmem:s8+$0x9450];
	v6 =	vadd.f32 v25, v24  }
0x257: {  	s9 =	simm.s32 $0x200;
	v19 =	vadd.f32 v14, v29;
	v14 =	vld [tilespmem:s8+$0x9460];
	v8 =	vadd.f32 v27, v26  }
.LBB2_19:
0x258: {  	s10 =	sshra.s32 s9, $0x2;
	p1 =	sne.s32 s9, $0x7E00;
	v17 =	vadd.f32 v17, v20;
	v0 =	vadd.f32 v0, v18;
	v18 =	vld [tilespmem:s8+$0x9470]  }
0x259: {  	v20 =	vld [tilespmem:s10+$0xB400];
	v12 =	vadd.f32 v12, v19;
	v1 =	vadd.f32 v1, v16  }
0x25a: {  	v16 =	vld [tilespmem:s10+$0xD400];
	[tilespmem:s8+$0x9400] =	vst v17;
	v0 =	vadd.f32 v11, v0;
	v2 =	vadd.f32 v2, v13  }
0x25b: {  	v11 =	vld [tilespmem:s10+$0xF400];
	[tilespmem:s8+$0x9410] =	vst v12;
	v1 =	vadd.f32 v10, v1;
	v3 =	vadd.f32 v3, v15  }
0x25c: {  	v19 =	vld [tilespmem:s10+$0xB410];
	[tilespmem:s8+$0x9420] =	vst v0;
	v0 =	vadd.f32 v9, v2;
	v2 =	vadd.f32 v4, v14  }
0x25d: {  	v9 =	vld [tilespmem:s10+$0xD410];
	[tilespmem:s8+$0x9430] =	vst v1;
	v1 =	vadd.f32 v7, v3;
	v3 =	vadd.f32 v5, v18  }
0x25e: {  	v7 =	vld [tilespmem:s10+$0xF410];
	[tilespmem:s8+$0x9440] =	vst v0;
	v2 =	vadd.f32 v6, v2  }
0x25f: {  	v0 =	vld [tilespmem:s10+$0xB420];
	[tilespmem:s8+$0x9450] =	vst v1;
	v1 =	vadd.f32 v8, v3  }
0x260: {  	v6 =	vld [tilespmem:s10+$0xD420];
	[tilespmem:s8+$0x9460] =	vst v2  }
0x261: {  	v8 =	vld [tilespmem:s10+$0xF420];
	[tilespmem:s8+$0x9470] =	vst v1;
	s8 =	smov.u32 s10  }
0x262: {  	v1 =	vld [tilespmem:s8+$0xB430]  }
0x263: {  	v10 =	vld [tilespmem:s8+$0xD430]  }
0x264: {  	v13 =	vld [tilespmem:s8+$0xF430]  }
0x265: {  	v2 =	vld [tilespmem:s8+$0xB440]  }
0x266: {  	v14 =	vld [tilespmem:s8+$0xD440]  }
0x267: {  	v15 =	vld [tilespmem:s8+$0xF440]  }
0x268: {  	v3 =	vld [tilespmem:s8+$0xB450]  }
0x269: {  	v21 =	vld [tilespmem:s8+$0xD450]  }
0x26a: {  	v22 =	vld [tilespmem:s8+$0xF450]  }
0x26b: {  	v4 =	vld [tilespmem:s8+$0xB460]  }
0x26c: {  	v23 =	vld [tilespmem:s8+$0xD460]  }
0x26d: {  	v24 =	vld [tilespmem:s8+$0xF460]  }
0x26e: {  	v5 =	vld [tilespmem:s8+$0xB470]  }
0x26f: {  	v25 =	vld [tilespmem:s8+$0xD470]  }
0x270: {  	v26 =	vld [tilespmem:s8+$0xF470]  }
0x271: {  	v27 =	vld [tilespmem:s8+$0x9400]  }
0x272: {  	v28 =	vld [tilespmem:s8+$0x9410]  }
.Ltmp11:
0x273: {  	v17 =	vadd.f32 v11, v16;
	v12 =	vadd.f32 v7, v9;
	v18 =	vld [tilespmem:s8+$0x9420];
	(pc) =	sbr.rel @p1 .LBB2_19-.Ltmp11, $4  }
0x274: {  	v11 =	vadd.f32 v8, v6;
	v10 =	vadd.f32 v13, v10;
	v16 =	vld [tilespmem:s8+$0x9430]  }
0x275: {  	v9 =	vadd.f32 v15, v14;
	v7 =	vadd.f32 v22, v21;
	v13 =	vld [tilespmem:s8+$0x9440]  }
0x276: {  	v6 =	vadd.f32 v24, v23;
	v20 =	vadd.f32 v20, v27;
	v15 =	vld [tilespmem:s8+$0x9450]  }
0x277: {  	s9 =	sadd.s32 $0x200, s9;
	v8 =	vadd.f32 v26, v25;
	v19 =	vadd.f32 v19, v28;
	v14 =	vld [tilespmem:s8+$0x9460]  }
0x278: {  	v17 =	vadd.f32 v17, v20;
	v0 =	vadd.f32 v0, v18;
	v57 =	vld [tilespmem:s8+$0x9470]  }
0x279: {  	v12 =	vadd.f32 v12, v19;
	v1 =	vadd.f32 v1, v16  }
0x27a: {  	[tilespmem:s8+$0x9400] =	vst v17;
	v0 =	vadd.f32 v11, v0;
	v2 =	vadd.f32 v2, v13  }
0x27b: {  	[tilespmem:s8+$0x9410] =	vst v12;
	v1 =	vadd.f32 v10, v1;
	v3 =	vadd.f32 v3, v15  }
0x27c: {  	[tilespmem:s8+$0x9420] =	vst v0;
	v58 =	vadd.f32 v9, v2;
	v59 =	vadd.f32 v4, v14  }
0x27d: {  	[tilespmem:s8+$0x9430] =	vst v1;
	v60 =	vadd.f32 v7, v3;
	v61 =	vadd.f32 v5, v57  }
0x27e: {  	[tilespmem:s8+$0x9440] =	vst v58;
	v62 =	vadd.f32 v6, v59  }
0x27f: {  	[tilespmem:s8+$0x9450] =	vst v60;
	v63 =	vadd.f32 v8, v61  }
0x280: {  	s7 =	sshll.u32 s7, $0xB;
	p1 =	seq.s32 s4, $0x9;
	[tilespmem:s8+$0x9460] =	vst v62  }
.Ltmp12:
0x281: {  	s7 =	sadd.s32 s12, s7;
	[tilespmem:s8+$0x9470] =	vst v63;
	(pc) =	sbr.rel @p1 .LBB2_22-.Ltmp12, $4  }
0x282: {  	[hbm4b:s7+s3] =	stream.linear.scatter [tilespmem:s23], [sflag:$0x4], $0x2000, $0x38;
	[tilespmem:$0x1FAF8] =	vst v63  }
0x283: {  	_ =	swait.ge [sflag:s30], $0x2000  }
0x284: {  	[sflag:s30] =	ssyncset.done $0x0  }
0x285: {  	[sflag:s30] =	ssyncadd.s32 $0xFFFFE000  }
0x286: {  	s7 =	sadd.s32 $0x200, s6  }
0x287: {  	[tilespmem:s16], [sflag:$0x1] =	stream.indirect.gather [spmem:s2], $0x80, s7, s15, $0xb8;
	[tilespmem:$0x1FAF8] =	vst v63  }
0x288: {  	s8 =	sadd.s32 $0x280, s6  }
0x289: {  	[tilespmem:s18], [sflag:$0x1] =	stream.indirect.gather [spmem:s2], $0x80, s8, s15, $0xb8;
	[tilespmem:$0x1FAF8] =	vst v63  }
.Ltmp13:
0x28a: {  	_ = 	snop;
	(pc) =	sbr.rel .LBB2_16-.Ltmp13, $4  }
0x28b: {  	s9 =	sadd.s32 $0x300, s6  }
0x28c: {  	[tilespmem:s20], [sflag:$0x1] =	stream.indirect.gather [spmem:s2], $0x80, s9, s15, $0xb8;
	[tilespmem:$0x1FAF8] =	vst v63  }
0x28d: {  	s10 =	sadd.s32 $0x380, s6;
	s4 =	sadd.s32 $0x1, s4  }
0x28e: {  	[tilespmem:s22], [sflag:$0x1] =	stream.indirect.gather [spmem:s2], $0x80, s10, s15, $0xb8;
	[tilespmem:$0x1FAF8] =	vst v63  }
.LBB2_22:
0x28f: {  	s4 =	simm.s32 $0x0;
	s6 =	rddreg [dreg:$0x8]  }
0x290: {  	[tilespmem:s4], [sflag:$0x5] =	stream.linear.gather [hbm4b:s6+s4], $0x1400, $0x38;
	[tilespmem:$0x1FAF8] =	vst v63  }
0x291: {  	_ =	swait.ge [sflag:s14], $0x1400  }
0x292: {  	[sflag:s14] =	ssyncset.done $0x0  }
0x293: {  	[sflag:s14] =	ssyncadd.s32 $0xFFFFEC00  }
0x294: {  	[tilespmem:s16], [sflag:$0x1] =	stream.indirect.gather [spmem:s2], $0x80, s4, s15, $0xb8;
	[tilespmem:$0x1FAF8] =	vst v63  }
0x295: {  	_ = 	snop  }
0x296: {  	[tilespmem:s18], [sflag:$0x1] =	stream.indirect.gather [spmem:s2], $0x80, s17, s15, $0xb8;
	[tilespmem:$0x1FAF8] =	vst v63  }
0x297: {  	_ = 	snop  }
0x298: {  	[tilespmem:s20], [sflag:$0x1] =	stream.indirect.gather [spmem:s2], $0x80, s19, s15, $0xb8;
	[tilespmem:$0x1FAF8] =	vst v63  }
0x299: {  	_ = 	snop  }
0x29a: {  	[tilespmem:s22], [sflag:$0x1] =	stream.indirect.gather [spmem:s2], $0x80, s21, s15, $0xb8;
	[tilespmem:$0x1FAF8] =	vst v63  }
.LBB2_23:
0x29b: {  	_ =	swait.ge [sflag:s31], $0x2000;
	s6 =	sshll.u32 s4, $0x9  }
0x29c: {  	[sflag:s31] =	ssyncset.done $0x0;
	s6 =	sand.u32 $0x3FFFFE00, s6  }
0x29d: {  	[sflag:s31] =	ssyncadd.s32 $0xFFFFE000;
	s7 =	sor.u32 $0x40, s6  }
0x29e: {  	[tilespmem:s23], [sflag:$0x2] =	stream.indirect.gather [spmem:s2], $0x80, s7, s15, $0xb8;
	[tilespmem:$0x1FAF8] =	vst v63  }
0x29f: {  	s8 =	sor.u32 $0xC0, s6  }
0x2a0: {  	[tilespmem:s24], [sflag:$0x2] =	stream.indirect.gather [spmem:s2], $0x80, s8, s15, $0xb8;
	[tilespmem:$0x1FAF8] =	vst v63  }
0x2a1: {  	s9 =	sor.u32 $0x140, s6  }
0x2a2: {  	[tilespmem:s25], [sflag:$0x2] =	stream.indirect.gather [spmem:s2], $0x80, s9, s15, $0xb8;
	[tilespmem:$0x1FAF8] =	vst v63  }
0x2a3: {  	s10 =	sor.u32 $0x1C0, s6  }
0x2a4: {  	[tilespmem:s26], [sflag:$0x2] =	stream.indirect.gather [spmem:s2], $0x80, s10, s15, $0xb8;
	[tilespmem:$0x1FAF8] =	vst v63  }
0x2a5: {  	_ =	swait.ge [sflag:s28], $0x2000  }
0x2a6: {  	[sflag:s28] =	ssyncset.done $0x0  }
0x2a7: {  	[sflag:s28] =	ssyncadd.s32 $0xFFFFE000  }
0x2a8: {  	_ =	swait.ge [sflag:s28], $0x2000  }
0x2a9: {  	[sflag:s28] =	ssyncset.done $0x0  }
0x2aa: {  	[sflag:s28] =	ssyncadd.s32 $0xFFFFE000  }
0x2ab: {  	_ =	swait.ge [sflag:s28], $0x2000  }
0x2ac: {  	[sflag:s28] =	ssyncset.done $0x0  }
0x2ad: {  	[sflag:s28] =	ssyncadd.s32 $0xFFFFE000  }
0x2ae: {  	_ =	swait.ge [sflag:s28], $0x2000  }
0x2af: {  	[sflag:s28] =	ssyncset.done $0x0  }
0x2b0: {  	s8 =	simm.s32 $0x0;
	[sflag:s28] =	ssyncadd.s32 $0xFFFFE000  }
0x2b1: {  	v6 =	vld [tilespmem:s8+$0x3400]  }
0x2b2: {  	v7 =	vld [tilespmem:s8+$0x5400]  }
0x2b3: {  	v8 =	vld [tilespmem:s8+$0x7400]  }
0x2b4: {  	v14 =	vld [tilespmem:s8+$0x3410]  }
0x2b5: {  	v9 =	vld [tilespmem:s8+$0x5410]  }
0x2b6: {  	v10 =	vld [tilespmem:s8+$0x7410]  }
0x2b7: {  	v0 =	vld [tilespmem:s8+$0x3420]  }
0x2b8: {  	v11 =	vld [tilespmem:s8+$0x5420]  }
0x2b9: {  	v13 =	vld [tilespmem:s8+$0x7420]  }
0x2ba: {  	v1 =	vld [tilespmem:s8+$0x3430]  }
0x2bb: {  	v15 =	vld [tilespmem:s8+$0x5430]  }
0x2bc: {  	v19 =	vld [tilespmem:s8+$0x7430]  }
0x2bd: {  	v2 =	vld [tilespmem:s8+$0x3440]  }
0x2be: {  	v20 =	vld [tilespmem:s8+$0x5440]  }
0x2bf: {  	v21 =	vld [tilespmem:s8+$0x7440]  }
0x2c0: {  	v3 =	vld [tilespmem:s8+$0x3450]  }
0x2c1: {  	v22 =	vld [tilespmem:s8+$0x5450]  }
0x2c2: {  	v23 =	vld [tilespmem:s8+$0x7450]  }
0x2c3: {  	v4 =	vld [tilespmem:s8+$0x3460]  }
0x2c4: {  	v24 =	vld [tilespmem:s8+$0x5460]  }
0x2c5: {  	v25 =	vld [tilespmem:s8+$0x7460]  }
0x2c6: {  	v5 =	vld [tilespmem:s8+$0x3470]  }
0x2c7: {  	v26 =	vld [tilespmem:s8+$0x5470]  }
0x2c8: {  	v27 =	vld [tilespmem:s8+$0x7470]  }
0x2c9: {  	v28 =	vld [tilespmem:s8+$0x1400]  }
0x2ca: {  	v29 =	vld [tilespmem:s8+$0x1410]  }
0x2cb: {  	v18 =	vld [tilespmem:s8+$0x1420];
	v17 =	vadd.f32 v8, v7;
	v12 =	vadd.f32 v10, v9  }
0x2cc: {  	v16 =	vld [tilespmem:s8+$0x1430];
	v11 =	vadd.f32 v13, v11;
	v10 =	vadd.f32 v19, v15  }
0x2cd: {  	v13 =	vld [tilespmem:s8+$0x1440];
	v9 =	vadd.f32 v21, v20;
	v8 =	vadd.f32 v23, v22  }
0x2ce: {  	v20 =	vadd.f32 v6, v28;
	v15 =	vld [tilespmem:s8+$0x1450];
	v6 =	vadd.f32 v25, v24  }
0x2cf: {  	s7 =	simm.s32 $0x200;
	v19 =	vadd.f32 v14, v29;
	v14 =	vld [tilespmem:s8+$0x1460];
	v7 =	vadd.f32 v27, v26  }
.LBB2_24:
0x2d0: {  	s9 =	sshra.s32 s7, $0x2;
	p1 =	sne.s32 s7, $0x7E00;
	v17 =	vadd.f32 v17, v20;
	v0 =	vadd.f32 v0, v18;
	v18 =	vld [tilespmem:s8+$0x1470]  }
0x2d1: {  	v20 =	vld [tilespmem:s9+$0x3400];
	v12 =	vadd.f32 v12, v19;
	v1 =	vadd.f32 v1, v16  }
0x2d2: {  	v16 =	vld [tilespmem:s9+$0x5400];
	[tilespmem:s8+$0x1400] =	vst v17;
	v0 =	vadd.f32 v11, v0;
	v2 =	vadd.f32 v2, v13  }
0x2d3: {  	v11 =	vld [tilespmem:s9+$0x7400];
	[tilespmem:s8+$0x1410] =	vst v12;
	v1 =	vadd.f32 v10, v1;
	v3 =	vadd.f32 v3, v15  }
0x2d4: {  	v19 =	vld [tilespmem:s9+$0x3410];
	[tilespmem:s8+$0x1420] =	vst v0;
	v0 =	vadd.f32 v9, v2;
	v2 =	vadd.f32 v4, v14  }
0x2d5: {  	v9 =	vld [tilespmem:s9+$0x5410];
	[tilespmem:s8+$0x1430] =	vst v1;
	v1 =	vadd.f32 v8, v3;
	v3 =	vadd.f32 v5, v18  }
0x2d6: {  	v8 =	vld [tilespmem:s9+$0x7410];
	[tilespmem:s8+$0x1440] =	vst v0;
	v2 =	vadd.f32 v6, v2  }
0x2d7: {  	v0 =	vld [tilespmem:s9+$0x3420];
	[tilespmem:s8+$0x1450] =	vst v1;
	v1 =	vadd.f32 v7, v3  }
0x2d8: {  	v6 =	vld [tilespmem:s9+$0x5420];
	[tilespmem:s8+$0x1460] =	vst v2  }
0x2d9: {  	v7 =	vld [tilespmem:s9+$0x7420];
	[tilespmem:s8+$0x1470] =	vst v1;
	s8 =	smov.u32 s9  }
0x2da: {  	v1 =	vld [tilespmem:s8+$0x3430]  }
0x2db: {  	v10 =	vld [tilespmem:s8+$0x5430]  }
0x2dc: {  	v13 =	vld [tilespmem:s8+$0x7430]  }
0x2dd: {  	v2 =	vld [tilespmem:s8+$0x3440]  }
0x2de: {  	v14 =	vld [tilespmem:s8+$0x5440]  }
0x2df: {  	v15 =	vld [tilespmem:s8+$0x7440]  }
0x2e0: {  	v3 =	vld [tilespmem:s8+$0x3450]  }
0x2e1: {  	v21 =	vld [tilespmem:s8+$0x5450]  }
0x2e2: {  	v22 =	vld [tilespmem:s8+$0x7450]  }
0x2e3: {  	v4 =	vld [tilespmem:s8+$0x3460]  }
0x2e4: {  	v23 =	vld [tilespmem:s8+$0x5460]  }
0x2e5: {  	v24 =	vld [tilespmem:s8+$0x7460]  }
0x2e6: {  	v5 =	vld [tilespmem:s8+$0x3470]  }
0x2e7: {  	v25 =	vld [tilespmem:s8+$0x5470]  }
0x2e8: {  	v26 =	vld [tilespmem:s8+$0x7470]  }
0x2e9: {  	v27 =	vld [tilespmem:s8+$0x1400]  }
0x2ea: {  	v28 =	vld [tilespmem:s8+$0x1410]  }
.Ltmp14:
0x2eb: {  	v17 =	vadd.f32 v11, v16;
	v12 =	vadd.f32 v8, v9;
	v18 =	vld [tilespmem:s8+$0x1420];
	(pc) =	sbr.rel @p1 .LBB2_24-.Ltmp14, $4  }
0x2ec: {  	v11 =	vadd.f32 v7, v6;
	v10 =	vadd.f32 v13, v10;
	v16 =	vld [tilespmem:s8+$0x1430]  }
0x2ed: {  	v9 =	vadd.f32 v15, v14;
	v8 =	vadd.f32 v22, v21;
	v13 =	vld [tilespmem:s8+$0x1440]  }
0x2ee: {  	v6 =	vadd.f32 v24, v23;
	v20 =	vadd.f32 v20, v27;
	v15 =	vld [tilespmem:s8+$0x1450]  }
0x2ef: {  	s7 =	sadd.s32 $0x200, s7;
	v7 =	vadd.f32 v26, v25;
	v19 =	vadd.f32 v19, v28;
	v14 =	vld [tilespmem:s8+$0x1460]  }
0x2f0: {  	v17 =	vadd.f32 v17, v20;
	v0 =	vadd.f32 v0, v18;
	v18 =	vld [tilespmem:s8+$0x1470]  }
0x2f1: {  	v12 =	vadd.f32 v12, v19;
	v1 =	vadd.f32 v1, v16  }
0x2f2: {  	[tilespmem:s8+$0x1400] =	vst v17;
	v0 =	vadd.f32 v11, v0;
	v2 =	vadd.f32 v2, v13  }
0x2f3: {  	[tilespmem:s8+$0x1410] =	vst v12;
	v1 =	vadd.f32 v10, v1;
	v3 =	vadd.f32 v3, v15  }
0x2f4: {  	[tilespmem:s8+$0x1420] =	vst v0;
	v0 =	vadd.f32 v9, v2;
	v2 =	vadd.f32 v4, v14  }
0x2f5: {  	s7 =	sadd.s32 $0x1E, s4;
	[tilespmem:s8+$0x1430] =	vst v1;
	v1 =	vadd.f32 v8, v3;
	v3 =	vadd.f32 v5, v18  }
0x2f6: {  	s9 =	sshll.u32 s7, $0xE;
	[tilespmem:s8+$0x1440] =	vst v0;
	v0 =	vadd.f32 v6, v2  }
0x2f7: {  	s9 =	sadd.s32 s5, s9;
	[tilespmem:s8+$0x1450] =	vst v1;
	v1 =	vadd.f32 v7, v3  }
0x2f8: {  	s9 =	sshrl.u32 s9, $0x3;
	[tilespmem:s8+$0x1460] =	vst v0  }
0x2f9: {  	s10 =	simm.s32 $0x0;
	s9 =	sadd.s32 s0, s9;
	[tilespmem:s8+$0x1470] =	vst v1  }
0x2fa: {  	[hbm4b:s9+s10] =	stream.linear.scatter [tilespmem:s16], [sflag:$0x3], $0x2000, $0x38;
	[tilespmem:$0x1FAF8] =	vst v63  }
0x2fb: {  	_ =	swait.ge [sflag:s29], $0x2000  }
0x2fc: {  	[sflag:s29] =	ssyncset.done $0x0  }
0x2fd: {  	[sflag:s29] =	ssyncadd.s32 $0xFFFFE000  }
0x2fe: {  	_ =	swait.ge [sflag:s29], $0x2000  }
0x2ff: {  	[sflag:s29] =	ssyncset.done $0x0  }
0x300: {  	[sflag:s29] =	ssyncadd.s32 $0xFFFFE000  }
0x301: {  	_ =	swait.ge [sflag:s29], $0x2000  }
0x302: {  	[sflag:s29] =	ssyncset.done $0x0  }
0x303: {  	[sflag:s29] =	ssyncadd.s32 $0xFFFFE000  }
0x304: {  	_ =	swait.ge [sflag:s29], $0x2000  }
0x305: {  	[sflag:s29] =	ssyncset.done $0x0  }
0x306: {  	s8 =	simm.s32 $0x0;
	[sflag:s29] =	ssyncadd.s32 $0xFFFFE000  }
0x307: {  	v6 =	vld [tilespmem:s8+$0xB400]  }
0x308: {  	v7 =	vld [tilespmem:s8+$0xD400]  }
0x309: {  	v8 =	vld [tilespmem:s8+$0xF400]  }
0x30a: {  	v14 =	vld [tilespmem:s8+$0xB410]  }
0x30b: {  	v9 =	vld [tilespmem:s8+$0xD410]  }
0x30c: {  	v10 =	vld [tilespmem:s8+$0xF410]  }
0x30d: {  	v0 =	vld [tilespmem:s8+$0xB420]  }
0x30e: {  	v11 =	vld [tilespmem:s8+$0xD420]  }
0x30f: {  	v13 =	vld [tilespmem:s8+$0xF420]  }
0x310: {  	v1 =	vld [tilespmem:s8+$0xB430]  }
0x311: {  	v15 =	vld [tilespmem:s8+$0xD430]  }
0x312: {  	v19 =	vld [tilespmem:s8+$0xF430]  }
0x313: {  	v2 =	vld [tilespmem:s8+$0xB440]  }
0x314: {  	v20 =	vld [tilespmem:s8+$0xD440]  }
0x315: {  	v21 =	vld [tilespmem:s8+$0xF440]  }
0x316: {  	v3 =	vld [tilespmem:s8+$0xB450]  }
0x317: {  	v22 =	vld [tilespmem:s8+$0xD450]  }
0x318: {  	v23 =	vld [tilespmem:s8+$0xF450]  }
0x319: {  	v4 =	vld [tilespmem:s8+$0xB460]  }
0x31a: {  	v24 =	vld [tilespmem:s8+$0xD460]  }
0x31b: {  	v25 =	vld [tilespmem:s8+$0xF460]  }
0x31c: {  	v5 =	vld [tilespmem:s8+$0xB470]  }
0x31d: {  	v26 =	vld [tilespmem:s8+$0xD470]  }
0x31e: {  	v27 =	vld [tilespmem:s8+$0xF470]  }
0x31f: {  	v28 =	vld [tilespmem:s8+$0x9400]  }
0x320: {  	v29 =	vld [tilespmem:s8+$0x9410]  }
0x321: {  	v18 =	vld [tilespmem:s8+$0x9420];
	v17 =	vadd.f32 v8, v7;
	v12 =	vadd.f32 v10, v9  }
0x322: {  	v16 =	vld [tilespmem:s8+$0x9430];
	v11 =	vadd.f32 v13, v11;
	v10 =	vadd.f32 v19, v15  }
0x323: {  	v13 =	vld [tilespmem:s8+$0x9440];
	v9 =	vadd.f32 v21, v20;
	v7 =	vadd.f32 v23, v22  }
0x324: {  	v20 =	vadd.f32 v6, v28;
	v15 =	vld [tilespmem:s8+$0x9450];
	v6 =	vadd.f32 v25, v24  }
0x325: {  	s9 =	simm.s32 $0x200;
	v19 =	vadd.f32 v14, v29;
	v14 =	vld [tilespmem:s8+$0x9460];
	v8 =	vadd.f32 v27, v26  }
.LBB2_26:
0x326: {  	s10 =	sshra.s32 s9, $0x2;
	p1 =	sne.s32 s9, $0x7E00;
	v17 =	vadd.f32 v17, v20;
	v0 =	vadd.f32 v0, v18;
	v18 =	vld [tilespmem:s8+$0x9470]  }
0x327: {  	v20 =	vld [tilespmem:s10+$0xB400];
	v12 =	vadd.f32 v12, v19;
	v1 =	vadd.f32 v1, v16  }
0x328: {  	v16 =	vld [tilespmem:s10+$0xD400];
	[tilespmem:s8+$0x9400] =	vst v17;
	v0 =	vadd.f32 v11, v0;
	v2 =	vadd.f32 v2, v13  }
0x329: {  	v11 =	vld [tilespmem:s10+$0xF400];
	[tilespmem:s8+$0x9410] =	vst v12;
	v1 =	vadd.f32 v10, v1;
	v3 =	vadd.f32 v3, v15  }
0x32a: {  	v19 =	vld [tilespmem:s10+$0xB410];
	[tilespmem:s8+$0x9420] =	vst v0;
	v0 =	vadd.f32 v9, v2;
	v2 =	vadd.f32 v4, v14  }
0x32b: {  	v9 =	vld [tilespmem:s10+$0xD410];
	[tilespmem:s8+$0x9430] =	vst v1;
	v1 =	vadd.f32 v7, v3;
	v3 =	vadd.f32 v5, v18  }
0x32c: {  	v7 =	vld [tilespmem:s10+$0xF410];
	[tilespmem:s8+$0x9440] =	vst v0;
	v2 =	vadd.f32 v6, v2  }
0x32d: {  	v0 =	vld [tilespmem:s10+$0xB420];
	[tilespmem:s8+$0x9450] =	vst v1;
	v1 =	vadd.f32 v8, v3  }
0x32e: {  	v6 =	vld [tilespmem:s10+$0xD420];
	[tilespmem:s8+$0x9460] =	vst v2  }
0x32f: {  	v8 =	vld [tilespmem:s10+$0xF420];
	[tilespmem:s8+$0x9470] =	vst v1;
	s8 =	smov.u32 s10  }
0x330: {  	v1 =	vld [tilespmem:s8+$0xB430]  }
0x331: {  	v10 =	vld [tilespmem:s8+$0xD430]  }
0x332: {  	v13 =	vld [tilespmem:s8+$0xF430]  }
0x333: {  	v2 =	vld [tilespmem:s8+$0xB440]  }
0x334: {  	v14 =	vld [tilespmem:s8+$0xD440]  }
0x335: {  	v15 =	vld [tilespmem:s8+$0xF440]  }
0x336: {  	v3 =	vld [tilespmem:s8+$0xB450]  }
0x337: {  	v21 =	vld [tilespmem:s8+$0xD450]  }
0x338: {  	v22 =	vld [tilespmem:s8+$0xF450]  }
0x339: {  	v4 =	vld [tilespmem:s8+$0xB460]  }
0x33a: {  	v23 =	vld [tilespmem:s8+$0xD460]  }
0x33b: {  	v24 =	vld [tilespmem:s8+$0xF460]  }
0x33c: {  	v5 =	vld [tilespmem:s8+$0xB470]  }
0x33d: {  	v25 =	vld [tilespmem:s8+$0xD470]  }
0x33e: {  	v26 =	vld [tilespmem:s8+$0xF470]  }
0x33f: {  	v27 =	vld [tilespmem:s8+$0x9400]  }
0x340: {  	v28 =	vld [tilespmem:s8+$0x9410]  }
.Ltmp15:
0x341: {  	v17 =	vadd.f32 v11, v16;
	v12 =	vadd.f32 v7, v9;
	v18 =	vld [tilespmem:s8+$0x9420];
	(pc) =	sbr.rel @p1 .LBB2_26-.Ltmp15, $4  }
0x342: {  	v11 =	vadd.f32 v8, v6;
	v10 =	vadd.f32 v13, v10;
	v16 =	vld [tilespmem:s8+$0x9430]  }
0x343: {  	v9 =	vadd.f32 v15, v14;
	v7 =	vadd.f32 v22, v21;
	v13 =	vld [tilespmem:s8+$0x9440]  }
0x344: {  	v6 =	vadd.f32 v24, v23;
	v20 =	vadd.f32 v20, v27;
	v15 =	vld [tilespmem:s8+$0x9450]  }
0x345: {  	s9 =	sadd.s32 $0x200, s9;
	v8 =	vadd.f32 v26, v25;
	v19 =	vadd.f32 v19, v28;
	v14 =	vld [tilespmem:s8+$0x9460]  }
0x346: {  	v17 =	vadd.f32 v17, v20;
	v0 =	vadd.f32 v0, v18;
	v57 =	vld [tilespmem:s8+$0x9470]  }
0x347: {  	v12 =	vadd.f32 v12, v19;
	v1 =	vadd.f32 v1, v16  }
0x348: {  	[tilespmem:s8+$0x9400] =	vst v17;
	v0 =	vadd.f32 v11, v0;
	v2 =	vadd.f32 v2, v13  }
0x349: {  	[tilespmem:s8+$0x9410] =	vst v12;
	v1 =	vadd.f32 v10, v1;
	v3 =	vadd.f32 v3, v15  }
0x34a: {  	[tilespmem:s8+$0x9420] =	vst v0;
	v58 =	vadd.f32 v9, v2;
	v59 =	vadd.f32 v4, v14  }
0x34b: {  	[tilespmem:s8+$0x9430] =	vst v1;
	v60 =	vadd.f32 v7, v3;
	v61 =	vadd.f32 v5, v57  }
0x34c: {  	[tilespmem:s8+$0x9440] =	vst v58;
	v62 =	vadd.f32 v6, v59  }
0x34d: {  	[tilespmem:s8+$0x9450] =	vst v60;
	v63 =	vadd.f32 v8, v61  }
0x34e: {  	s7 =	sshll.u32 s7, $0xB;
	p1 =	seq.s32 s4, $0x9;
	[tilespmem:s8+$0x9460] =	vst v62  }
.Ltmp16:
0x34f: {  	s7 =	sadd.s32 s12, s7;
	[tilespmem:s8+$0x9470] =	vst v63;
	(pc) =	sbr.rel @p1 .LBB2_29-.Ltmp16, $4  }
0x350: {  	[hbm4b:s7+s3] =	stream.linear.scatter [tilespmem:s23], [sflag:$0x4], $0x2000, $0x38;
	[tilespmem:$0x1FAF8] =	vst v63  }
0x351: {  	_ =	swait.ge [sflag:s30], $0x2000  }
0x352: {  	[sflag:s30] =	ssyncset.done $0x0  }
0x353: {  	[sflag:s30] =	ssyncadd.s32 $0xFFFFE000  }
0x354: {  	s7 =	sadd.s32 $0x200, s6  }
0x355: {  	[tilespmem:s16], [sflag:$0x1] =	stream.indirect.gather [spmem:s2], $0x80, s7, s15, $0xb8;
	[tilespmem:$0x1FAF8] =	vst v63  }
0x356: {  	s8 =	sadd.s32 $0x280, s6  }
0x357: {  	[tilespmem:s18], [sflag:$0x1] =	stream.indirect.gather [spmem:s2], $0x80, s8, s15, $0xb8;
	[tilespmem:$0x1FAF8] =	vst v63  }
.Ltmp17:
0x358: {  	_ = 	snop;
	(pc) =	sbr.rel .LBB2_23-.Ltmp17, $4  }
0x359: {  	s9 =	sadd.s32 $0x300, s6  }
0x35a: {  	[tilespmem:s20], [sflag:$0x1] =	stream.indirect.gather [spmem:s2], $0x80, s9, s15, $0xb8;
	[tilespmem:$0x1FAF8] =	vst v63  }
0x35b: {  	s10 =	sadd.s32 $0x380, s6;
	s4 =	sadd.s32 $0x1, s4  }
0x35c: {  	[tilespmem:s22], [sflag:$0x1] =	stream.indirect.gather [spmem:s2], $0x80, s10, s15, $0xb8;
	[tilespmem:$0x1FAF8] =	vst v63  }
.LBB2_29:
0x35d: {  	s4 =	simm.s32 $0x0;
	s6 =	rddreg [dreg:$0x9]  }
0x35e: {  	[tilespmem:s4], [sflag:$0x5] =	stream.linear.gather [hbm4b:s6+s4], $0x1400, $0x38;
	[tilespmem:$0x1FAF8] =	vst v63  }
0x35f: {  	_ =	swait.ge [sflag:s14], $0x1400  }
0x360: {  	[sflag:s14] =	ssyncset.done $0x0  }
0x361: {  	[sflag:s14] =	ssyncadd.s32 $0xFFFFEC00  }
0x362: {  	[tilespmem:s16], [sflag:$0x1] =	stream.indirect.gather [spmem:s2], $0x80, s4, s15, $0xb8;
	[tilespmem:$0x1FAF8] =	vst v63  }
0x363: {  	_ = 	snop  }
0x364: {  	[tilespmem:s18], [sflag:$0x1] =	stream.indirect.gather [spmem:s2], $0x80, s17, s15, $0xb8;
	[tilespmem:$0x1FAF8] =	vst v63  }
0x365: {  	_ = 	snop  }
0x366: {  	[tilespmem:s20], [sflag:$0x1] =	stream.indirect.gather [spmem:s2], $0x80, s19, s15, $0xb8;
	[tilespmem:$0x1FAF8] =	vst v63  }
0x367: {  	_ = 	snop  }
0x368: {  	[tilespmem:s22], [sflag:$0x1] =	stream.indirect.gather [spmem:s2], $0x80, s21, s15, $0xb8;
	[tilespmem:$0x1FAF8] =	vst v63  }
.LBB2_30:
0x369: {  	_ =	swait.ge [sflag:s31], $0x2000;
	s6 =	sshll.u32 s4, $0x9  }
0x36a: {  	[sflag:s31] =	ssyncset.done $0x0;
	s6 =	sand.u32 $0x3FFFFE00, s6  }
0x36b: {  	[sflag:s31] =	ssyncadd.s32 $0xFFFFE000;
	s7 =	sor.u32 $0x40, s6  }
0x36c: {  	[tilespmem:s23], [sflag:$0x2] =	stream.indirect.gather [spmem:s2], $0x80, s7, s15, $0xb8;
	[tilespmem:$0x1FAF8] =	vst v63  }
0x36d: {  	s8 =	sor.u32 $0xC0, s6  }
0x36e: {  	[tilespmem:s24], [sflag:$0x2] =	stream.indirect.gather [spmem:s2], $0x80, s8, s15, $0xb8;
	[tilespmem:$0x1FAF8] =	vst v63  }
0x36f: {  	s9 =	sor.u32 $0x140, s6  }
0x370: {  	[tilespmem:s25], [sflag:$0x2] =	stream.indirect.gather [spmem:s2], $0x80, s9, s15, $0xb8;
	[tilespmem:$0x1FAF8] =	vst v63  }
0x371: {  	s10 =	sor.u32 $0x1C0, s6  }
0x372: {  	[tilespmem:s26], [sflag:$0x2] =	stream.indirect.gather [spmem:s2], $0x80, s10, s15, $0xb8;
	[tilespmem:$0x1FAF8] =	vst v63  }
0x373: {  	_ =	swait.ge [sflag:s28], $0x2000  }
0x374: {  	[sflag:s28] =	ssyncset.done $0x0  }
0x375: {  	[sflag:s28] =	ssyncadd.s32 $0xFFFFE000  }
0x376: {  	_ =	swait.ge [sflag:s28], $0x2000  }
0x377: {  	[sflag:s28] =	ssyncset.done $0x0  }
0x378: {  	[sflag:s28] =	ssyncadd.s32 $0xFFFFE000  }
0x379: {  	_ =	swait.ge [sflag:s28], $0x2000  }
0x37a: {  	[sflag:s28] =	ssyncset.done $0x0  }
0x37b: {  	[sflag:s28] =	ssyncadd.s32 $0xFFFFE000  }
0x37c: {  	_ =	swait.ge [sflag:s28], $0x2000  }
0x37d: {  	[sflag:s28] =	ssyncset.done $0x0  }
0x37e: {  	s8 =	simm.s32 $0x0;
	[sflag:s28] =	ssyncadd.s32 $0xFFFFE000  }
0x37f: {  	v6 =	vld [tilespmem:s8+$0x3400]  }
0x380: {  	v7 =	vld [tilespmem:s8+$0x5400]  }
0x381: {  	v8 =	vld [tilespmem:s8+$0x7400]  }
0x382: {  	v14 =	vld [tilespmem:s8+$0x3410]  }
0x383: {  	v9 =	vld [tilespmem:s8+$0x5410]  }
0x384: {  	v10 =	vld [tilespmem:s8+$0x7410]  }
0x385: {  	v0 =	vld [tilespmem:s8+$0x3420]  }
0x386: {  	v11 =	vld [tilespmem:s8+$0x5420]  }
0x387: {  	v13 =	vld [tilespmem:s8+$0x7420]  }
0x388: {  	v1 =	vld [tilespmem:s8+$0x3430]  }
0x389: {  	v15 =	vld [tilespmem:s8+$0x5430]  }
0x38a: {  	v19 =	vld [tilespmem:s8+$0x7430]  }
0x38b: {  	v2 =	vld [tilespmem:s8+$0x3440]  }
0x38c: {  	v20 =	vld [tilespmem:s8+$0x5440]  }
0x38d: {  	v21 =	vld [tilespmem:s8+$0x7440]  }
0x38e: {  	v3 =	vld [tilespmem:s8+$0x3450]  }
0x38f: {  	v22 =	vld [tilespmem:s8+$0x5450]  }
0x390: {  	v23 =	vld [tilespmem:s8+$0x7450]  }
0x391: {  	v4 =	vld [tilespmem:s8+$0x3460]  }
0x392: {  	v24 =	vld [tilespmem:s8+$0x5460]  }
0x393: {  	v25 =	vld [tilespmem:s8+$0x7460]  }
0x394: {  	v5 =	vld [tilespmem:s8+$0x3470]  }
0x395: {  	v26 =	vld [tilespmem:s8+$0x5470]  }
0x396: {  	v27 =	vld [tilespmem:s8+$0x7470]  }
0x397: {  	v28 =	vld [tilespmem:s8+$0x1400]  }
0x398: {  	v29 =	vld [tilespmem:s8+$0x1410]  }
0x399: {  	v18 =	vld [tilespmem:s8+$0x1420];
	v17 =	vadd.f32 v8, v7;
	v12 =	vadd.f32 v10, v9  }
0x39a: {  	v16 =	vld [tilespmem:s8+$0x1430];
	v11 =	vadd.f32 v13, v11;
	v10 =	vadd.f32 v19, v15  }
0x39b: {  	v13 =	vld [tilespmem:s8+$0x1440];
	v9 =	vadd.f32 v21, v20;
	v8 =	vadd.f32 v23, v22  }
0x39c: {  	v20 =	vadd.f32 v6, v28;
	v15 =	vld [tilespmem:s8+$0x1450];
	v6 =	vadd.f32 v25, v24  }
0x39d: {  	s7 =	simm.s32 $0x200;
	v19 =	vadd.f32 v14, v29;
	v14 =	vld [tilespmem:s8+$0x1460];
	v7 =	vadd.f32 v27, v26  }
.LBB2_31:
0x39e: {  	s9 =	sshra.s32 s7, $0x2;
	p1 =	sne.s32 s7, $0x7E00;
	v17 =	vadd.f32 v17, v20;
	v0 =	vadd.f32 v0, v18;
	v18 =	vld [tilespmem:s8+$0x1470]  }
0x39f: {  	v20 =	vld [tilespmem:s9+$0x3400];
	v12 =	vadd.f32 v12, v19;
	v1 =	vadd.f32 v1, v16  }
0x3a0: {  	v16 =	vld [tilespmem:s9+$0x5400];
	[tilespmem:s8+$0x1400] =	vst v17;
	v0 =	vadd.f32 v11, v0;
	v2 =	vadd.f32 v2, v13  }
0x3a1: {  	v11 =	vld [tilespmem:s9+$0x7400];
	[tilespmem:s8+$0x1410] =	vst v12;
	v1 =	vadd.f32 v10, v1;
	v3 =	vadd.f32 v3, v15  }
0x3a2: {  	v19 =	vld [tilespmem:s9+$0x3410];
	[tilespmem:s8+$0x1420] =	vst v0;
	v0 =	vadd.f32 v9, v2;
	v2 =	vadd.f32 v4, v14  }
0x3a3: {  	v9 =	vld [tilespmem:s9+$0x5410];
	[tilespmem:s8+$0x1430] =	vst v1;
	v1 =	vadd.f32 v8, v3;
	v3 =	vadd.f32 v5, v18  }
0x3a4: {  	v8 =	vld [tilespmem:s9+$0x7410];
	[tilespmem:s8+$0x1440] =	vst v0;
	v2 =	vadd.f32 v6, v2  }
0x3a5: {  	v0 =	vld [tilespmem:s9+$0x3420];
	[tilespmem:s8+$0x1450] =	vst v1;
	v1 =	vadd.f32 v7, v3  }
0x3a6: {  	v6 =	vld [tilespmem:s9+$0x5420];
	[tilespmem:s8+$0x1460] =	vst v2  }
0x3a7: {  	v7 =	vld [tilespmem:s9+$0x7420];
	[tilespmem:s8+$0x1470] =	vst v1;
	s8 =	smov.u32 s9  }
0x3a8: {  	v1 =	vld [tilespmem:s8+$0x3430]  }
0x3a9: {  	v10 =	vld [tilespmem:s8+$0x5430]  }
0x3aa: {  	v13 =	vld [tilespmem:s8+$0x7430]  }
0x3ab: {  	v2 =	vld [tilespmem:s8+$0x3440]  }
0x3ac: {  	v14 =	vld [tilespmem:s8+$0x5440]  }
0x3ad: {  	v15 =	vld [tilespmem:s8+$0x7440]  }
0x3ae: {  	v3 =	vld [tilespmem:s8+$0x3450]  }
0x3af: {  	v21 =	vld [tilespmem:s8+$0x5450]  }
0x3b0: {  	v22 =	vld [tilespmem:s8+$0x7450]  }
0x3b1: {  	v4 =	vld [tilespmem:s8+$0x3460]  }
0x3b2: {  	v23 =	vld [tilespmem:s8+$0x5460]  }
0x3b3: {  	v24 =	vld [tilespmem:s8+$0x7460]  }
0x3b4: {  	v5 =	vld [tilespmem:s8+$0x3470]  }
0x3b5: {  	v25 =	vld [tilespmem:s8+$0x5470]  }
0x3b6: {  	v26 =	vld [tilespmem:s8+$0x7470]  }
0x3b7: {  	v27 =	vld [tilespmem:s8+$0x1400]  }
0x3b8: {  	v28 =	vld [tilespmem:s8+$0x1410]  }
.Ltmp18:
0x3b9: {  	v17 =	vadd.f32 v11, v16;
	v12 =	vadd.f32 v8, v9;
	v18 =	vld [tilespmem:s8+$0x1420];
	(pc) =	sbr.rel @p1 .LBB2_31-.Ltmp18, $4  }
0x3ba: {  	v11 =	vadd.f32 v7, v6;
	v10 =	vadd.f32 v13, v10;
	v16 =	vld [tilespmem:s8+$0x1430]  }
0x3bb: {  	v9 =	vadd.f32 v15, v14;
	v8 =	vadd.f32 v22, v21;
	v13 =	vld [tilespmem:s8+$0x1440]  }
0x3bc: {  	v6 =	vadd.f32 v24, v23;
	v20 =	vadd.f32 v20, v27;
	v15 =	vld [tilespmem:s8+$0x1450]  }
0x3bd: {  	s7 =	sadd.s32 $0x200, s7;
	v7 =	vadd.f32 v26, v25;
	v19 =	vadd.f32 v19, v28;
	v14 =	vld [tilespmem:s8+$0x1460]  }
0x3be: {  	v17 =	vadd.f32 v17, v20;
	v0 =	vadd.f32 v0, v18;
	v18 =	vld [tilespmem:s8+$0x1470]  }
0x3bf: {  	v12 =	vadd.f32 v12, v19;
	v1 =	vadd.f32 v1, v16  }
0x3c0: {  	[tilespmem:s8+$0x1400] =	vst v17;
	v0 =	vadd.f32 v11, v0;
	v2 =	vadd.f32 v2, v13  }
0x3c1: {  	[tilespmem:s8+$0x1410] =	vst v12;
	v1 =	vadd.f32 v10, v1;
	v3 =	vadd.f32 v3, v15  }
0x3c2: {  	[tilespmem:s8+$0x1420] =	vst v0;
	v0 =	vadd.f32 v9, v2;
	v2 =	vadd.f32 v4, v14  }
0x3c3: {  	s7 =	sadd.s32 $0x28, s4;
	[tilespmem:s8+$0x1430] =	vst v1;
	v1 =	vadd.f32 v8, v3;
	v3 =	vadd.f32 v5, v18  }
0x3c4: {  	s9 =	sshll.u32 s7, $0xE;
	[tilespmem:s8+$0x1440] =	vst v0;
	v0 =	vadd.f32 v6, v2  }
0x3c5: {  	s9 =	sadd.s32 s5, s9;
	[tilespmem:s8+$0x1450] =	vst v1;
	v1 =	vadd.f32 v7, v3  }
0x3c6: {  	s9 =	sshrl.u32 s9, $0x3;
	[tilespmem:s8+$0x1460] =	vst v0  }
0x3c7: {  	s10 =	simm.s32 $0x0;
	s9 =	sadd.s32 s0, s9;
	[tilespmem:s8+$0x1470] =	vst v1  }
0x3c8: {  	[hbm4b:s9+s10] =	stream.linear.scatter [tilespmem:s16], [sflag:$0x3], $0x2000, $0x38;
	[tilespmem:$0x1FAF8] =	vst v63  }
0x3c9: {  	_ =	swait.ge [sflag:s29], $0x2000  }
0x3ca: {  	[sflag:s29] =	ssyncset.done $0x0  }
0x3cb: {  	[sflag:s29] =	ssyncadd.s32 $0xFFFFE000  }
0x3cc: {  	_ =	swait.ge [sflag:s29], $0x2000  }
0x3cd: {  	[sflag:s29] =	ssyncset.done $0x0  }
0x3ce: {  	[sflag:s29] =	ssyncadd.s32 $0xFFFFE000  }
0x3cf: {  	_ =	swait.ge [sflag:s29], $0x2000  }
0x3d0: {  	[sflag:s29] =	ssyncset.done $0x0  }
0x3d1: {  	[sflag:s29] =	ssyncadd.s32 $0xFFFFE000  }
0x3d2: {  	_ =	swait.ge [sflag:s29], $0x2000  }
0x3d3: {  	[sflag:s29] =	ssyncset.done $0x0  }
0x3d4: {  	s8 =	simm.s32 $0x0;
	[sflag:s29] =	ssyncadd.s32 $0xFFFFE000  }
0x3d5: {  	v6 =	vld [tilespmem:s8+$0xB400]  }
0x3d6: {  	v7 =	vld [tilespmem:s8+$0xD400]  }
0x3d7: {  	v8 =	vld [tilespmem:s8+$0xF400]  }
0x3d8: {  	v14 =	vld [tilespmem:s8+$0xB410]  }
0x3d9: {  	v9 =	vld [tilespmem:s8+$0xD410]  }
0x3da: {  	v10 =	vld [tilespmem:s8+$0xF410]  }
0x3db: {  	v0 =	vld [tilespmem:s8+$0xB420]  }
0x3dc: {  	v11 =	vld [tilespmem:s8+$0xD420]  }
0x3dd: {  	v13 =	vld [tilespmem:s8+$0xF420]  }
0x3de: {  	v1 =	vld [tilespmem:s8+$0xB430]  }
0x3df: {  	v15 =	vld [tilespmem:s8+$0xD430]  }
0x3e0: {  	v19 =	vld [tilespmem:s8+$0xF430]  }
0x3e1: {  	v2 =	vld [tilespmem:s8+$0xB440]  }
0x3e2: {  	v20 =	vld [tilespmem:s8+$0xD440]  }
0x3e3: {  	v21 =	vld [tilespmem:s8+$0xF440]  }
0x3e4: {  	v3 =	vld [tilespmem:s8+$0xB450]  }
0x3e5: {  	v22 =	vld [tilespmem:s8+$0xD450]  }
0x3e6: {  	v23 =	vld [tilespmem:s8+$0xF450]  }
0x3e7: {  	v4 =	vld [tilespmem:s8+$0xB460]  }
0x3e8: {  	v24 =	vld [tilespmem:s8+$0xD460]  }
0x3e9: {  	v25 =	vld [tilespmem:s8+$0xF460]  }
0x3ea: {  	v5 =	vld [tilespmem:s8+$0xB470]  }
0x3eb: {  	v26 =	vld [tilespmem:s8+$0xD470]  }
0x3ec: {  	v27 =	vld [tilespmem:s8+$0xF470]  }
0x3ed: {  	v28 =	vld [tilespmem:s8+$0x9400]  }
0x3ee: {  	v29 =	vld [tilespmem:s8+$0x9410]  }
0x3ef: {  	v18 =	vld [tilespmem:s8+$0x9420];
	v17 =	vadd.f32 v8, v7;
	v12 =	vadd.f32 v10, v9  }
0x3f0: {  	v16 =	vld [tilespmem:s8+$0x9430];
	v11 =	vadd.f32 v13, v11;
	v10 =	vadd.f32 v19, v15  }
0x3f1: {  	v13 =	vld [tilespmem:s8+$0x9440];
	v9 =	vadd.f32 v21, v20;
	v7 =	vadd.f32 v23, v22  }
0x3f2: {  	v20 =	vadd.f32 v6, v28;
	v15 =	vld [tilespmem:s8+$0x9450];
	v6 =	vadd.f32 v25, v24  }
0x3f3: {  	s9 =	simm.s32 $0x200;
	v19 =	vadd.f32 v14, v29;
	v14 =	vld [tilespmem:s8+$0x9460];
	v8 =	vadd.f32 v27, v26  }
.LBB2_33:
0x3f4: {  	s10 =	sshra.s32 s9, $0x2;
	p1 =	sne.s32 s9, $0x7E00;
	v17 =	vadd.f32 v17, v20;
	v0 =	vadd.f32 v0, v18;
	v18 =	vld [tilespmem:s8+$0x9470]  }
0x3f5: {  	v20 =	vld [tilespmem:s10+$0xB400];
	v12 =	vadd.f32 v12, v19;
	v1 =	vadd.f32 v1, v16  }
0x3f6: {  	v16 =	vld [tilespmem:s10+$0xD400];
	[tilespmem:s8+$0x9400] =	vst v17;
	v0 =	vadd.f32 v11, v0;
	v2 =	vadd.f32 v2, v13  }
0x3f7: {  	v11 =	vld [tilespmem:s10+$0xF400];
	[tilespmem:s8+$0x9410] =	vst v12;
	v1 =	vadd.f32 v10, v1;
	v3 =	vadd.f32 v3, v15  }
0x3f8: {  	v19 =	vld [tilespmem:s10+$0xB410];
	[tilespmem:s8+$0x9420] =	vst v0;
	v0 =	vadd.f32 v9, v2;
	v2 =	vadd.f32 v4, v14  }
0x3f9: {  	v9 =	vld [tilespmem:s10+$0xD410];
	[tilespmem:s8+$0x9430] =	vst v1;
	v1 =	vadd.f32 v7, v3;
	v3 =	vadd.f32 v5, v18  }
0x3fa: {  	v7 =	vld [tilespmem:s10+$0xF410];
	[tilespmem:s8+$0x9440] =	vst v0;
	v2 =	vadd.f32 v6, v2  }
0x3fb: {  	v0 =	vld [tilespmem:s10+$0xB420];
	[tilespmem:s8+$0x9450] =	vst v1;
	v1 =	vadd.f32 v8, v3  }
0x3fc: {  	v6 =	vld [tilespmem:s10+$0xD420];
	[tilespmem:s8+$0x9460] =	vst v2  }
0x3fd: {  	v8 =	vld [tilespmem:s10+$0xF420];
	[tilespmem:s8+$0x9470] =	vst v1;
	s8 =	smov.u32 s10  }
0x3fe: {  	v1 =	vld [tilespmem:s8+$0xB430]  }
0x3ff: {  	v10 =	vld [tilespmem:s8+$0xD430]  }
0x400: {  	v13 =	vld [tilespmem:s8+$0xF430]  }
0x401: {  	v2 =	vld [tilespmem:s8+$0xB440]  }
0x402: {  	v14 =	vld [tilespmem:s8+$0xD440]  }
0x403: {  	v15 =	vld [tilespmem:s8+$0xF440]  }
0x404: {  	v3 =	vld [tilespmem:s8+$0xB450]  }
0x405: {  	v21 =	vld [tilespmem:s8+$0xD450]  }
0x406: {  	v22 =	vld [tilespmem:s8+$0xF450]  }
0x407: {  	v4 =	vld [tilespmem:s8+$0xB460]  }
0x408: {  	v23 =	vld [tilespmem:s8+$0xD460]  }
0x409: {  	v24 =	vld [tilespmem:s8+$0xF460]  }
0x40a: {  	v5 =	vld [tilespmem:s8+$0xB470]  }
0x40b: {  	v25 =	vld [tilespmem:s8+$0xD470]  }
0x40c: {  	v26 =	vld [tilespmem:s8+$0xF470]  }
0x40d: {  	v27 =	vld [tilespmem:s8+$0x9400]  }
0x40e: {  	v28 =	vld [tilespmem:s8+$0x9410]  }
.Ltmp19:
0x40f: {  	v17 =	vadd.f32 v11, v16;
	v12 =	vadd.f32 v7, v9;
	v18 =	vld [tilespmem:s8+$0x9420];
	(pc) =	sbr.rel @p1 .LBB2_33-.Ltmp19, $4  }
0x410: {  	v11 =	vadd.f32 v8, v6;
	v10 =	vadd.f32 v13, v10;
	v16 =	vld [tilespmem:s8+$0x9430]  }
0x411: {  	v9 =	vadd.f32 v15, v14;
	v7 =	vadd.f32 v22, v21;
	v13 =	vld [tilespmem:s8+$0x9440]  }
0x412: {  	v6 =	vadd.f32 v24, v23;
	v20 =	vadd.f32 v20, v27;
	v15 =	vld [tilespmem:s8+$0x9450]  }
0x413: {  	s9 =	sadd.s32 $0x200, s9;
	v8 =	vadd.f32 v26, v25;
	v19 =	vadd.f32 v19, v28;
	v14 =	vld [tilespmem:s8+$0x9460]  }
0x414: {  	v17 =	vadd.f32 v17, v20;
	v0 =	vadd.f32 v0, v18;
	v57 =	vld [tilespmem:s8+$0x9470]  }
0x415: {  	v12 =	vadd.f32 v12, v19;
	v1 =	vadd.f32 v1, v16  }
0x416: {  	[tilespmem:s8+$0x9400] =	vst v17;
	v0 =	vadd.f32 v11, v0;
	v2 =	vadd.f32 v2, v13  }
0x417: {  	[tilespmem:s8+$0x9410] =	vst v12;
	v1 =	vadd.f32 v10, v1;
	v3 =	vadd.f32 v3, v15  }
0x418: {  	[tilespmem:s8+$0x9420] =	vst v0;
	v58 =	vadd.f32 v9, v2;
	v59 =	vadd.f32 v4, v14  }
0x419: {  	[tilespmem:s8+$0x9430] =	vst v1;
	v60 =	vadd.f32 v7, v3;
	v61 =	vadd.f32 v5, v57  }
0x41a: {  	[tilespmem:s8+$0x9440] =	vst v58;
	v62 =	vadd.f32 v6, v59  }
0x41b: {  	[tilespmem:s8+$0x9450] =	vst v60;
	v63 =	vadd.f32 v8, v61  }
0x41c: {  	s7 =	sshll.u32 s7, $0xB;
	p1 =	seq.s32 s4, $0x9;
	[tilespmem:s8+$0x9460] =	vst v62  }
.Ltmp20:
0x41d: {  	s7 =	sadd.s32 s12, s7;
	[tilespmem:s8+$0x9470] =	vst v63;
	(pc) =	sbr.rel @p1 .LBB2_36-.Ltmp20, $4  }
0x41e: {  	[hbm4b:s7+s3] =	stream.linear.scatter [tilespmem:s23], [sflag:$0x4], $0x2000, $0x38;
	[tilespmem:$0x1FAF8] =	vst v63  }
0x41f: {  	_ =	swait.ge [sflag:s30], $0x2000  }
0x420: {  	[sflag:s30] =	ssyncset.done $0x0  }
0x421: {  	[sflag:s30] =	ssyncadd.s32 $0xFFFFE000  }
0x422: {  	s7 =	sadd.s32 $0x200, s6  }
0x423: {  	[tilespmem:s16], [sflag:$0x1] =	stream.indirect.gather [spmem:s2], $0x80, s7, s15, $0xb8;
	[tilespmem:$0x1FAF8] =	vst v63  }
0x424: {  	s8 =	sadd.s32 $0x280, s6  }
0x425: {  	[tilespmem:s18], [sflag:$0x1] =	stream.indirect.gather [spmem:s2], $0x80, s8, s15, $0xb8;
	[tilespmem:$0x1FAF8] =	vst v63  }
.Ltmp21:
0x426: {  	_ = 	snop;
	(pc) =	sbr.rel .LBB2_30-.Ltmp21, $4  }
0x427: {  	s9 =	sadd.s32 $0x300, s6  }
0x428: {  	[tilespmem:s20], [sflag:$0x1] =	stream.indirect.gather [spmem:s2], $0x80, s9, s15, $0xb8;
	[tilespmem:$0x1FAF8] =	vst v63  }
0x429: {  	s10 =	sadd.s32 $0x380, s6;
	s4 =	sadd.s32 $0x1, s4  }
0x42a: {  	[tilespmem:s22], [sflag:$0x1] =	stream.indirect.gather [spmem:s2], $0x80, s10, s15, $0xb8;
	[tilespmem:$0x1FAF8] =	vst v63  }
.LBB2_37:
0x42b: {  	_ =	sfence.sel $0x180000  }
0x42c: {  	[bflag:$0x0] =	sbarrier.arrive $0xFFFF  }
0x42d: {  	_ =	strace $0x90000047  }
0x42e: {  	[bflag:$0x2] =	sbarrier.arrive $0xFFFF  }
0x42f: {  	s0 =	rddreg [dreg:$0x3]  }
0x430: {  	s0 =	sadd.s32 @!p0 $0x100000, s0  }
0x431: {  	[sflag:s0] =	ssyncadd.tile.s32 @!p0 $0x1;
	_ =	shalt  }
.Lfunc_end2:
_tile_overlayer_lowered:
.L_overlay_start_2:
0x432: {  	(tag) =	ssettag $0x2  }
0x433: {  	s0 =	rddreg [dreg:$0x0];
	s2 =	stileid.u32  }
0x434: {  	s1 =	rddreg [dreg:$0x1];
	p0 =	sne.s32 s2, $0x0  }
0x435: {  	s3 =	rddreg [dreg:$0x2];
	[bflag:$0x3] =	sbarrier.arrive $0xFFFF;
	s2 =	simm.s32 @!p0 $0x1C05  }
0x436: {  	[timem:s3], [sflag:s2] =	dma.local @!p0 [hbm:s0], s1  }
0x437: {  	s0 =	simm.s32 @!p0 $0x5  }
0x438: {  	_ =	swait.ge @!p0 [sflag:s0], s1  }
0x439: {  	s1 =	ssub.s32 @!p0 $0x0, s1;
	[sflag:s0] =	ssyncset.done @!p0 $0x0  }
0x43a: {  	[sflag:s0] =	ssyncadd.s32 @!p0 s1  }
0x43b: {  	[bflag:$0x3] =	sbarrier.arrive $0xFFFF  }
0x43c: {  	_ =	shalt  }

</sc_bundles>
